<compile_context>
chip_gen: v7x
topology: tpu7x:2x2x1
jax: 0.10.2.dev20260603
libtpu: 0.0.44.dev20260713+nightly
codegen_flags: <defaults>
</compile_context>

<pallas_src>
import functools

import jax
import jax.numpy as jnp
from jax import lax
from jax.experimental import pallas as pl
from jax.experimental.pallas import tpu as pltpu
from jax.experimental.pallas import tpu_sc as plsc

NC = 2
NS = 16
NW = NC * NS
KD = 128
SCH = 16
RB = 2


def _pad_rows(n):
  return ((n + NS) // NS + KD - 1) // KD * KD




def _make_deg_kernel(n_pad, rpt, cpt):
  mesh = plsc.VectorSubcoreMesh(core_axis_name="c", subcore_axis_name="s")

  @functools.partial(
      pl.kernel,
      out_type=jax.ShapeDtypeStruct((NC * n_pad,), jnp.float32),
      mesh=mesh,
      scratch_types=[
          pltpu.VMEM((SCH, KD), jnp.int32),
          pltpu.VMEM((KD,), jnp.float32),
          pltpu.VMEM((rpt,), jnp.float32),
          pltpu.VMEM_SHARED((n_pad,), jnp.float32),
      ],
  )
  def deg_kernel(dst_hbm, ones_hbm, zeros_hbm, out_hbm, didx, ones_v, stg, acc):
    c = lax.axis_index("c")
    s = lax.axis_index("s")
    wid = c * NS + s
    pltpu.sync_copy(zeros_hbm, stg)
    pltpu.sync_copy(stg, acc.at[pl.ds(s * rpt, rpt)])
    pltpu.sync_copy(ones_hbm, ones_v)
    plsc.subcore_barrier()

    def body(sp, carry):
      pltpu.sync_copy(dst_hbm.at[pl.ds(wid * cpt + sp * SCH, SCH)], didx)
      for j in range(SCH):
        pltpu.sync_copy(ones_v, acc.at[didx.at[j]], add=True)
      return carry

    lax.fori_loop(0, cpt // SCH, body, 0)
    plsc.subcore_barrier()
    pltpu.sync_copy(acc.at[pl.ds(s * rpt, rpt)], stg)
    pltpu.sync_copy(stg, out_hbm.at[pl.ds(c * n_pad + s * rpt, rpt)])

  return deg_kernel


def _make_agg_kernel(d, n_pad, rpt, cpt):
  mesh = plsc.VectorSubcoreMesh(core_axis_name="c", subcore_axis_name="s")

  @functools.partial(
      pl.kernel,
      out_type=jax.ShapeDtypeStruct((NC, n_pad, d), jnp.float32),
      mesh=mesh,
      scratch_types=[
          pltpu.VMEM((SCH, KD), jnp.int32),
          pltpu.VMEM((SCH, KD), jnp.int32),
          pltpu.VMEM((RB, KD, d), jnp.float32),
          pltpu.VMEM_SHARED((n_pad, d), jnp.float32),
          [pltpu.SemaphoreType.DMA] * RB,
      ],
  )
  def agg_kernel(g_hbm, src_hbm, dst_hbm, zeros_hbm, out_hbm,
                 sidx, didx, rows, acc, sems):
    c = lax.axis_index("c")
    s = lax.axis_index("s")
    wid = (1 - c) * NS + s
    pltpu.sync_copy(zeros_hbm, rows.at[0])
    for k in range(rpt // KD):
      pltpu.sync_copy(rows.at[0], acc.at[pl.ds(s * rpt + k * KD, KD)])
    plsc.subcore_barrier()

    def super_body(sp, carry):
      base = wid * cpt + sp * SCH
      pltpu.sync_copy(src_hbm.at[pl.ds(base, SCH)], sidx)
      pltpu.sync_copy(dst_hbm.at[pl.ds(base, SCH)], didx)
      for r in range(RB):
        pltpu.async_copy(g_hbm.at[sidx.at[r]], rows.at[r], sems[r])
      for g in range(SCH // RB):
        for r in range(RB):
          j = g * RB + r
          pltpu.make_async_copy(g_hbm.at[sidx.at[j]], rows.at[r],
                                sems[r]).wait()
          pltpu.sync_copy(rows.at[r], acc.at[didx.at[j]], add=True)
          if j + RB < SCH:
            pltpu.async_copy(g_hbm.at[sidx.at[j + RB]], rows.at[r], sems[r])
      return carry

    lax.fori_loop(0, cpt // SCH, super_body, 0)
    plsc.subcore_barrier()
    for k in range(rpt // KD):
      pltpu.sync_copy(acc.at[pl.ds(s * rpt + k * KD, KD)], rows.at[0])
      pltpu.sync_copy(rows.at[0], out_hbm.at[c, pl.ds(s * rpt + k * KD, KD)])

  return agg_kernel




def _dis(da_ref, db_ref):
  return lax.rsqrt(da_ref[...] + db_ref[...] + 1.0)


def _lin_body(x_ref, w_ref, da_ref, db_ref, o_ref):
  h = jnp.dot(x_ref[...], w_ref[...], preferred_element_type=jnp.float32)
  o_ref[...] = h * _dis(da_ref, db_ref)


def _mid_body(s_ref, g_ref, da_ref, db_ref, b_ref, w_ref, o_ref):
  dis = _dis(da_ref, db_ref)
  agg = s_ref[0] + s_ref[1] + g_ref[...]
  h1 = jnp.maximum(agg * dis + b_ref[...], 0.0)
  o_ref[...] = jnp.dot(h1, w_ref[...], preferred_element_type=jnp.float32) * dis


def _out_body(c, s_ref, g_ref, da_ref, db_ref, b_ref, o_ref):
  dis = _dis(da_ref, db_ref)
  z = (s_ref[0, :, :c] + s_ref[1, :, :c] + g_ref[:, :c]) * dis + b_ref[...]
  m = jnp.max(z, axis=1, keepdims=True)
  e = jnp.exp(z - m)
  o_ref[...] = (z - m) - jnp.log(jnp.sum(e, axis=1, keepdims=True))


def _row_block(n):
  for r in (2000, 1000, 500, 200, 100):
    if n % r == 0:
      return r
  return n


def _tc_lin(x, w, da, db):
  n, d = x.shape
  h = w.shape[1]
  r = _row_block(n)
  row = pl.BlockSpec((r, 1), lambda i: (i, 0))
  return pl.pallas_call(
      _lin_body,
      grid=(n // r,),
      in_specs=[pl.BlockSpec((r, d), lambda i: (i, 0)),
                pl.BlockSpec((d, h), lambda i: (0, 0)), row, row],
      out_specs=pl.BlockSpec((r, h), lambda i: (i, 0)),
      out_shape=jax.ShapeDtypeStruct((n, h), jnp.float32),
  )(x, w, da, db)


def _tc_mid(s, g, da, db, b, w):
  n, d = g.shape
  h = w.shape[1]
  r = _row_block(n)
  sblk = pl.BlockSpec((2, r, d), lambda i: (0, i, 0))
  blk = pl.BlockSpec((r, d), lambda i: (i, 0))
  row = pl.BlockSpec((r, 1), lambda i: (i, 0))
  return pl.pallas_call(
      _mid_body,
      grid=(n // r,),
      in_specs=[sblk, blk, row, row,
                pl.BlockSpec((1, d), lambda i: (0, 0)),
                pl.BlockSpec((d, h), lambda i: (0, 0))],
      out_specs=pl.BlockSpec((r, h), lambda i: (i, 0)),
      out_shape=jax.ShapeDtypeStruct((n, h), jnp.float32),
  )(s, g, da, db, b, w)


def _tc_out(c, s, g, da, db, b):
  n, d = g.shape
  r = _row_block(n)
  sblk = pl.BlockSpec((2, r, d), lambda i: (0, i, 0))
  blk = pl.BlockSpec((r, d), lambda i: (i, 0))
  row = pl.BlockSpec((r, 1), lambda i: (i, 0))
  return pl.pallas_call(
      functools.partial(_out_body, c),
      grid=(n // r,),
      in_specs=[sblk, blk, row, row,
                pl.BlockSpec((1, c), lambda i: (0, 0))],
      out_specs=pl.BlockSpec((r, c), lambda i: (i, 0)),
      out_shape=jax.ShapeDtypeStruct((n, c), jnp.float32),
  )(s, g, da, db, b)




def kernel(x, edge_index, W0, b0, W1, b1):
  n, d_in = x.shape
  e = edge_index.shape[1]
  rpt = _pad_rows(n)
  n_pad = rpt * NS

  src = edge_index[0].astype(jnp.int32)
  dst = edge_index[1].astype(jnp.int32)
  e_pad = -(-e // (NW * KD * SCH)) * (NW * KD * SCH)
  if e_pad != e:
    pad = e_pad - e
    src = jnp.concatenate([src, jnp.arange(pad, dtype=jnp.int32) % n])
    spare = n + jnp.arange(pad, dtype=jnp.int32) % (n_pad - n)
    dst = jnp.concatenate([dst, spare])
  cpt = e_pad // (NW * KD)
  src2 = src.reshape(NW * cpt, KD)
  dst2 = dst.reshape(NW * cpt, KD)

  ones_k = jnp.ones((KD,), jnp.float32)
  zeros1 = jnp.zeros((rpt,), jnp.float32)

  deg_p = _make_deg_kernel(n_pad, rpt, cpt)(dst2, ones_k, zeros1)
  deg_p = deg_p.reshape(NC, n_pad)
  da = deg_p[0, :n].reshape(n, 1)
  db = deg_p[1, :n].reshape(n, 1)

  g0 = _tc_lin(x, W0, da, db)
  s0 = _make_agg_kernel(W0.shape[1], n_pad, rpt, cpt)(
      g0, src2, dst2, jnp.zeros((KD, W0.shape[1]), jnp.float32))
  d_out = W1.shape[1]
  d_pad = -(-d_out // 128) * 128
  w1p = jnp.pad(W1, ((0, 0), (0, d_pad - d_out)))
  g1 = _tc_mid(s0, g0, da, db, b0.reshape(1, -1), w1p)
  s1 = _make_agg_kernel(d_pad, n_pad, rpt, cpt)(
      g1, src2, dst2, jnp.zeros((KD, d_pad), jnp.float32))
  return _tc_out(d_out, s1, g1, da, db, b1.reshape(1, -1))

# --- scband reference (transcript-rebuilt; emitter-appended) ---
"""Pipeline reference for scband-gcn-net-87110526697562 (READ-ONLY COPY).

The authoritative reference and input builder live on the scoring server;
editing this copy changes nothing except your own understanding.
"""

import jax, jax.numpy as jnp
import numpy as np

N_NODES = 10000
N_EDGES = 320000
D_FEAT = 128
HIDDEN = 128
N_CLASSES = 40


def _glorot(key, shape):
    fan_in, fan_out = shape[0], shape[1]
    limit = jnp.sqrt(6.0 / (fan_in + fan_out))
    return jax.random.uniform(key, shape, dtype=jnp.float32, minval=-limit, maxval=limit)


def setup_inputs(seed: int = 0) -> dict:
    key = jax.random.key(seed)
    k_x, k_ei, k_w0, k_w1 = jax.random.split(key, 4)
    x = jax.random.normal(k_x, (N_NODES, D_FEAT), dtype=jnp.float32)
    edge_index = jax.random.randint(k_ei, (2, N_EDGES), 0, N_NODES, dtype=jnp.int64)
    W0 = _glorot(k_w0, (D_FEAT, HIDDEN))
    b0 = jnp.zeros((HIDDEN,), dtype=jnp.float32)
    W1 = _glorot(k_w1, (HIDDEN, N_CLASSES))
    b1 = jnp.zeros((N_CLASSES,), dtype=jnp.float32)
    return {"x": x, "edge_index": edge_index, "W0": W0, "b0": b0, "W1": W1, "b1": b1}


def _gcn_conv(x, src, dst, deg_inv_sqrt, W, b):
    # linear transform then normalized scatter-add aggregation (GCNConv semantics)
    h = x @ W
    norm = deg_inv_sqrt[src] * deg_inv_sqrt[dst]
    msg = jnp.take(h, src, axis=0) * norm[:, None]
    out = jax.ops.segment_sum(msg, dst, num_segments=x.shape[0])
    return out + b


def reference(x, edge_index, W0, b0, W1, b1):
    # eval mode: dropout is identity
    N = x.shape[0]
    loops = jnp.arange(N, dtype=edge_index.dtype)
    src = jnp.concatenate([edge_index[0], loops])
    dst = jnp.concatenate([edge_index[1], loops])
    # symmetric normalization D^{-1/2} (A + I) D^{-1/2}
    deg = jax.ops.segment_sum(jnp.ones_like(src, dtype=x.dtype), dst, num_segments=N)
    deg_inv_sqrt = jnp.where(deg > 0, 1.0 / jnp.sqrt(deg), 0.0)
    h = _gcn_conv(x, src, dst, deg_inv_sqrt, W0, b0)
    h = jax.nn.relu(h)
    h = _gcn_conv(h, src, dst, deg_inv_sqrt, W1, b1)
    return jax.nn.log_softmax(h, axis=1)

if __name__ == "__main__":
    import jax
    _d = setup_inputs()
    print(jax.jit(kernel)(*tuple(_d.values())))

</pallas_src>

<mosaic_0001>
#map = affine_map<(d0, d1) -> (0, 0)>
#map1 = affine_map<(d0, d1) -> (0)>
module attributes {stable_mosaic.version = 14 : i64} {
  func.func @deg_kernel(%arg0: i32, %arg1: i32, %arg2: memref<2560x128xi32, #tpu.memory_space<hbm>>, %arg3: memref<128xf32, #tpu.memory_space<hbm>>, %arg4: memref<640xf32, #tpu.memory_space<hbm>>, %arg5: memref<20480xf32, #tpu.memory_space<hbm>>, %arg6: memref<16x128xi32, #tpu.memory_space<vmem>>, %arg7: memref<128xf32, #tpu.memory_space<vmem>>, %arg8: memref<640xf32, #tpu.memory_space<vmem>>, %arg9: memref<10240xf32, #tpu.memory_space<vmem_shared>>) attributes {dimension_semantics = [#tpu.dimension_semantics<core_parallel>, #tpu.dimension_semantics<subcore_parallel>], iteration_bounds = array<i64: 2, 16>, scalar_prefetch = 0 : i64, scratch_operands = 4 : i64, tpu.core_type = #tpu.core_type<sc_vector_subcore>, window_params = [{transform_indices = #map}, {transform_indices = #map1}, {transform_indices = #map1}, {transform_indices = #map1}]} {
    %mul3A = arith.constant 16 : i32
    %mul3A_0 = arith.muli %arg0, %mul3A : i32
    %add3A = arith.addi %mul3A_0, %arg1 : i32
    "tpu.region"() ({
      %run_scoped3A = tpu.sem_alloc : memref<!tpu.dma_semaphore, #tpu.memory_space<semaphore_mem>>
      tpu.enqueue_dma source(%arg4 : memref<640xf32, #tpu.memory_space<hbm>>) target(%arg8 : memref<640xf32, #tpu.memory_space<vmem>>) target_semaphore(%run_scoped3A : memref<!tpu.dma_semaphore, #tpu.memory_space<semaphore_mem>>)
      tpu.wait_dma2 semaphore(%run_scoped3A : memref<!tpu.dma_semaphore, #tpu.memory_space<semaphore_mem>>) src(%arg4 : memref<640xf32, #tpu.memory_space<hbm>>) dst(%arg8 : memref<640xf32, #tpu.memory_space<vmem>>)
      tpu.yield
    }) : () -> ()
    %mul3A_1 = arith.constant 640 : i32
    %mul3A_2 = arith.muli %arg1, %mul3A_1 : i32
    "tpu.region"() ({
      %run_scoped3A = tpu.sem_alloc : memref<!tpu.dma_semaphore, #tpu.memory_space<semaphore_mem>>
      %dma_start3A = tpu.memref_slice %arg9[%mul3A_2] : memref<10240xf32, #tpu.memory_space<vmem_shared>> -> memref<640xf32, #tpu.memory_space<vmem_shared>>
      %dma_start3A_16 = tpu.memref_slice %arg9[%mul3A_2] : memref<10240xf32, #tpu.memory_space<vmem_shared>> -> memref<640xf32, #tpu.memory_space<vmem_shared>>
      tpu.enqueue_dma source(%arg8 : memref<640xf32, #tpu.memory_space<vmem>>) target(%dma_start3A_16 : memref<640xf32, #tpu.memory_space<vmem_shared>>) target_semaphore(%run_scoped3A : memref<!tpu.dma_semaphore, #tpu.memory_space<semaphore_mem>>)
      %dma_wait3A = tpu.memref_slice %arg9[%mul3A_2] : memref<10240xf32, #tpu.memory_space<vmem_shared>> -> memref<640xf32, #tpu.memory_space<vmem_shared>>
      %dma_wait3A_17 = tpu.memref_slice %arg9[%mul3A_2] : memref<10240xf32, #tpu.memory_space<vmem_shared>> -> memref<640xf32, #tpu.memory_space<vmem_shared>>
      tpu.wait_dma2 semaphore(%run_scoped3A : memref<!tpu.dma_semaphore, #tpu.memory_space<semaphore_mem>>) src(%arg8 : memref<640xf32, #tpu.memory_space<vmem>>) dst(%dma_wait3A_17 : memref<640xf32, #tpu.memory_space<vmem_shared>>)
      tpu.yield
    }) : () -> ()
    "tpu.region"() ({
      %run_scoped3A = tpu.sem_alloc : memref<!tpu.dma_semaphore, #tpu.memory_space<semaphore_mem>>
      tpu.enqueue_dma source(%arg3 : memref<128xf32, #tpu.memory_space<hbm>>) target(%arg7 : memref<128xf32, #tpu.memory_space<vmem>>) target_semaphore(%run_scoped3A : memref<!tpu.dma_semaphore, #tpu.memory_space<semaphore_mem>>)
      tpu.wait_dma2 semaphore(%run_scoped3A : memref<!tpu.dma_semaphore, #tpu.memory_space<semaphore_mem>>) src(%arg3 : memref<128xf32, #tpu.memory_space<hbm>>) dst(%arg7 : memref<128xf32, #tpu.memory_space<vmem>>)
      tpu.yield
    }) : () -> ()
    %barrier3A = arith.constant 0 : index
    tpu.barrier barrier_id(%barrier3A)
    %scan3A = arith.constant 0 : i32
    %scan3A_3 = arith.constant 0 : i32
    %scan3A_4 = arith.constant 5 : i32
    %scan3A_5 = arith.addi %scan3A_3, %scan3A_4 : i32
    %scan3A_6 = arith.constant 1 : i32
    scf.for %scan3A_16 = %scan3A_3 to %scan3A_5 step %scan3A_6  : i32 {
      %mul3A_17 = arith.constant 80 : i32
      %mul3A_18 = arith.muli %add3A, %mul3A_17 : i32
      %mul3A_19 = arith.constant 16 : i32
      %mul3A_20 = arith.muli %scan3A_16, %mul3A_19 : i32
      %add3A_21 = arith.addi %mul3A_18, %mul3A_20 : i32
      "tpu.region"() ({
        %run_scoped3A_37 = tpu.sem_alloc : memref<!tpu.dma_semaphore, #tpu.memory_space<semaphore_mem>>
        %dma_start3A = arith.constant 0 : i32
        %dma_start3A_38 = tpu.memref_slice %arg2[%add3A_21, %dma_start3A] : memref<2560x128xi32, #tpu.memory_space<hbm>> -> memref<16x128xi32, #tpu.memory_space<hbm>>
        %dma_start3A_39 = arith.constant 0 : i32
        %dma_start3A_40 = tpu.memref_slice %arg2[%add3A_21, %dma_start3A_39] : memref<2560x128xi32, #tpu.memory_space<hbm>> -> memref<16x128xi32, #tpu.memory_space<hbm>>
        tpu.enqueue_dma source(%dma_start3A_40 : memref<16x128xi32, #tpu.memory_space<hbm>>) target(%arg6 : memref<16x128xi32, #tpu.memory_space<vmem>>) target_semaphore(%run_scoped3A_37 : memref<!tpu.dma_semaphore, #tpu.memory_space<semaphore_mem>>)
        %dma_wait3A = arith.constant 0 : i32
        %dma_wait3A_41 = tpu.memref_slice %arg2[%add3A_21, %dma_wait3A] : memref<2560x128xi32, #tpu.memory_space<hbm>> -> memref<16x128xi32, #tpu.memory_space<hbm>>
        %dma_wait3A_42 = arith.constant 0 : i32
        %dma_wait3A_43 = tpu.memref_slice %arg2[%add3A_21, %dma_wait3A_42] : memref<2560x128xi32, #tpu.memory_space<hbm>> -> memref<16x128xi32, #tpu.memory_space<hbm>>
        tpu.wait_dma2 semaphore(%run_scoped3A_37 : memref<!tpu.dma_semaphore, #tpu.memory_space<semaphore_mem>>) src(%dma_wait3A_43 : memref<16x128xi32, #tpu.memory_space<hbm>>) dst(%arg6 : memref<16x128xi32, #tpu.memory_space<vmem>>)
        tpu.yield
      }) : () -> ()
      %run_scoped3A = arith.constant 0 : i32
      "tpu.region"() ({
        %run_scoped3A_37 = tpu.sem_alloc : memref<!tpu.dma_semaphore, #tpu.memory_space<semaphore_mem>>
        %dma_start3A = arith.constant 0 : i32
        %dma_start3A_38 = tpu.memref_slice %arg6[%run_scoped3A, %dma_start3A] : memref<16x128xi32, #tpu.memory_space<vmem>> -> memref<1x128xi32, #tpu.memory_space<vmem>>
        %dma_start3A_39 = tpu.memref_squeeze %dma_start3A_38 : memref<1x128xi32, #tpu.memory_space<vmem>> -> memref<128xi32, #tpu.memory_space<vmem>>
        %dma_start3A_40 = arith.constant 0 : i32
        %dma_start3A_41 = tpu.memref_slice %arg9[%dma_start3A_40] : memref<10240xf32, #tpu.memory_space<vmem_shared>> -> memref<10240xf32, #tpu.memory_space<vmem_shared>>
        tpu.enqueue_indirect_dma source(%arg7 : memref<128xf32, #tpu.memory_space<vmem>>) target(%dma_start3A_41 : memref<10240xf32, #tpu.memory_space<vmem_shared>>) offsets(%dma_start3A_39 : memref<128xi32, #tpu.memory_space<vmem>>) semaphore(%run_scoped3A_37 : memref<!tpu.dma_semaphore, #tpu.memory_space<semaphore_mem>>) {add = true}
        %dma_wait3A = arith.constant 0 : i32
        %dma_wait3A_42 = tpu.memref_slice %arg6[%run_scoped3A, %dma_wait3A] : memref<16x128xi32, #tpu.memory_space<vmem>> -> memref<1x128xi32, #tpu.memory_space<vmem>>
        %dma_wait3A_43 = tpu.memref_squeeze %dma_wait3A_42 : memref<1x128xi32, #tpu.memory_space<vmem>> -> memref<128xi32, #tpu.memory_space<vmem>>
        %dma_wait3A_44 = arith.constant 0 : i32
        %dma_wait3A_45 = tpu.memref_slice %arg9[%dma_wait3A_44] : memref<10240xf32, #tpu.memory_space<vmem_shared>> -> memref<10240xf32, #tpu.memory_space<vmem_shared>>
        tpu.wait_indirect_dma semaphore(%run_scoped3A_37 : memref<!tpu.dma_semaphore, #tpu.memory_space<semaphore_mem>>) src(%arg7 : memref<128xf32, #tpu.memory_space<vmem>>) dst(%dma_wait3A_45 : memref<10240xf32, #tpu.memory_space<vmem_shared>>)
        tpu.yield
      }) : () -> ()
      %run_scoped3A_22 = arith.constant 1 : i32
      "tpu.region"() ({
        %run_scoped3A_37 = tpu.sem_alloc : memref<!tpu.dma_semaphore, #tpu.memory_space<semaphore_mem>>
        %dma_start3A = arith.constant 0 : i32
        %dma_start3A_38 = tpu.memref_slice %arg6[%run_scoped3A_22, %dma_start3A] : memref<16x128xi32, #tpu.memory_space<vmem>> -> memref<1x128xi32, #tpu.memory_space<vmem>>
        %dma_start3A_39 = tpu.memref_squeeze %dma_start3A_38 : memref<1x128xi32, #tpu.memory_space<vmem>> -> memref<128xi32, #tpu.memory_space<vmem>>
        %dma_start3A_40 = arith.constant 0 : i32
        %dma_start3A_41 = tpu.memref_slice %arg9[%dma_start3A_40] : memref<10240xf32, #tpu.memory_space<vmem_shared>> -> memref<10240xf32, #tpu.memory_space<vmem_shared>>
        tpu.enqueue_indirect_dma source(%arg7 : memref<128xf32, #tpu.memory_space<vmem>>) target(%dma_start3A_41 : memref<10240xf32, #tpu.memory_space<vmem_shared>>) offsets(%dma_start3A_39 : memref<128xi32, #tpu.memory_space<vmem>>) semaphore(%run_scoped3A_37 : memref<!tpu.dma_semaphore, #tpu.memory_space<semaphore_mem>>) {add = true}
        %dma_wait3A = arith.constant 0 : i32
        %dma_wait3A_42 = tpu.memref_slice %arg6[%run_scoped3A_22, %dma_wait3A] : memref<16x128xi32, #tpu.memory_space<vmem>> -> memref<1x128xi32, #tpu.memory_space<vmem>>
        %dma_wait3A_43 = tpu.memref_squeeze %dma_wait3A_42 : memref<1x128xi32, #tpu.memory_space<vmem>> -> memref<128xi32, #tpu.memory_space<vmem>>
        %dma_wait3A_44 = arith.constant 0 : i32
        %dma_wait3A_45 = tpu.memref_slice %arg9[%dma_wait3A_44] : memref<10240xf32, #tpu.memory_space<vmem_shared>> -> memref<10240xf32, #tpu.memory_space<vmem_shared>>
        tpu.wait_indirect_dma semaphore(%run_scoped3A_37 : memref<!tpu.dma_semaphore, #tpu.memory_space<semaphore_mem>>) src(%arg7 : memref<128xf32, #tpu.memory_space<vmem>>) dst(%dma_wait3A_45 : memref<10240xf32, #tpu.memory_space<vmem_shared>>)
        tpu.yield
      }) : () -> ()
      %run_scoped3A_23 = arith.constant 2 : i32
      "tpu.region"() ({
        %run_scoped3A_37 = tpu.sem_alloc : memref<!tpu.dma_semaphore, #tpu.memory_space<semaphore_mem>>
        %dma_start3A = arith.constant 0 : i32
        %dma_start3A_38 = tpu.memref_slice %arg6[%run_scoped3A_23, %dma_start3A] : memref<16x128xi32, #tpu.memory_space<vmem>> -> memref<1x128xi32, #tpu.memory_space<vmem>>
        %dma_start3A_39 = tpu.memref_squeeze %dma_start3A_38 : memref<1x128xi32, #tpu.memory_space<vmem>> -> memref<128xi32, #tpu.memory_space<vmem>>
        %dma_start3A_40 = arith.constant 0 : i32
        %dma_start3A_41 = tpu.memref_slice %arg9[%dma_start3A_40] : memref<10240xf32, #tpu.memory_space<vmem_shared>> -> memref<10240xf32, #tpu.memory_space<vmem_shared>>
        tpu.enqueue_indirect_dma source(%arg7 : memref<128xf32, #tpu.memory_space<vmem>>) target(%dma_start3A_41 : memref<10240xf32, #tpu.memory_space<vmem_shared>>) offsets(%dma_start3A_39 : memref<128xi32, #tpu.memory_space<vmem>>) semaphore(%run_scoped3A_37 : memref<!tpu.dma_semaphore, #tpu.memory_space<semaphore_mem>>) {add = true}
        %dma_wait3A = arith.constant 0 : i32
        %dma_wait3A_42 = tpu.memref_slice %arg6[%run_scoped3A_23, %dma_wait3A] : memref<16x128xi32, #tpu.memory_space<vmem>> -> memref<1x128xi32, #tpu.memory_space<vmem>>
        %dma_wait3A_43 = tpu.memref_squeeze %dma_wait3A_42 : memref<1x128xi32, #tpu.memory_space<vmem>> -> memref<128xi32, #tpu.memory_space<vmem>>
        %dma_wait3A_44 = arith.constant 0 : i32
        %dma_wait3A_45 = tpu.memref_slice %arg9[%dma_wait3A_44] : memref<10240xf32, #tpu.memory_space<vmem_shared>> -> memref<10240xf32, #tpu.memory_space<vmem_shared>>
        tpu.wait_indirect_dma semaphore(%run_scoped3A_37 : memref<!tpu.dma_semaphore, #tpu.memory_space<semaphore_mem>>) src(%arg7 : memref<128xf32, #tpu.memory_space<vmem>>) dst(%dma_wait3A_45 : memref<10240xf32, #tpu.memory_space<vmem_shared>>)
        tpu.yield
      }) : () -> ()
      %run_scoped3A_24 = arith.constant 3 : i32
      "tpu.region"() ({
        %run_scoped3A_37 = tpu.sem_alloc : memref<!tpu.dma_semaphore, #tpu.memory_space<semaphore_mem>>
        %dma_start3A = arith.constant 0 : i32
        %dma_start3A_38 = tpu.memref_slice %arg6[%run_scoped3A_24, %dma_start3A] : memref<16x128xi32, #tpu.memory_space<vmem>> -> memref<1x128xi32, #tpu.memory_space<vmem>>
        %dma_start3A_39 = tpu.memref_squeeze %dma_start3A_38 : memref<1x128xi32, #tpu.memory_space<vmem>> -> memref<128xi32, #tpu.memory_space<vmem>>
        %dma_start3A_40 = arith.constant 0 : i32
        %dma_start3A_41 = tpu.memref_slice %arg9[%dma_start3A_40] : memref<10240xf32, #tpu.memory_space<vmem_shared>> -> memref<10240xf32, #tpu.memory_space<vmem_shared>>
        tpu.enqueue_indirect_dma source(%arg7 : memref<128xf32, #tpu.memory_space<vmem>>) target(%dma_start3A_41 : memref<10240xf32, #tpu.memory_space<vmem_shared>>) offsets(%dma_start3A_39 : memref<128xi32, #tpu.memory_space<vmem>>) semaphore(%run_scoped3A_37 : memref<!tpu.dma_semaphore, #tpu.memory_space<semaphore_mem>>) {add = true}
        %dma_wait3A = arith.constant 0 : i32
        %dma_wait3A_42 = tpu.memref_slice %arg6[%run_scoped3A_24, %dma_wait3A] : memref<16x128xi32, #tpu.memory_space<vmem>> -> memref<1x128xi32, #tpu.memory_space<vmem>>
        %dma_wait3A_43 = tpu.memref_squeeze %dma_wait3A_42 : memref<1x128xi32, #tpu.memory_space<vmem>> -> memref<128xi32, #tpu.memory_space<vmem>>
        %dma_wait3A_44 = arith.constant 0 : i32
        %dma_wait3A_45 = tpu.memref_slice %arg9[%dma_wait3A_44] : memref<10240xf32, #tpu.memory_space<vmem_shared>> -> memref<10240xf32, #tpu.memory_space<vmem_shared>>
        tpu.wait_indirect_dma semaphore(%run_scoped3A_37 : memref<!tpu.dma_semaphore, #tpu.memory_space<semaphore_mem>>) src(%arg7 : memref<128xf32, #tpu.memory_space<vmem>>) dst(%dma_wait3A_45 : memref<10240xf32, #tpu.memory_space<vmem_shared>>)
        tpu.yield
      }) : () -> ()
      %run_scoped3A_25 = arith.constant 4 : i32
      "tpu.region"() ({
        %run_scoped3A_37 = tpu.sem_alloc : memref<!tpu.dma_semaphore, #tpu.memory_space<semaphore_mem>>
        %dma_start3A = arith.constant 0 : i32
        %dma_start3A_38 = tpu.memref_slice %arg6[%run_scoped3A_25, %dma_start3A] : memref<16x128xi32, #tpu.memory_space<vmem>> -> memref<1x128xi32, #tpu.memory_space<vmem>>
        %dma_start3A_39 = tpu.memref_squeeze %dma_start3A_38 : memref<1x128xi32, #tpu.memory_space<vmem>> -> memref<128xi32, #tpu.memory_space<vmem>>
        %dma_start3A_40 = arith.constant 0 : i32
        %dma_start3A_41 = tpu.memref_slice %arg9[%dma_start3A_40] : memref<10240xf32, #tpu.memory_space<vmem_shared>> -> memref<10240xf32, #tpu.memory_space<vmem_shared>>
        tpu.enqueue_indirect_dma source(%arg7 : memref<128xf32, #tpu.memory_space<vmem>>) target(%dma_start3A_41 : memref<10240xf32, #tpu.memory_space<vmem_shared>>) offsets(%dma_start3A_39 : memref<128xi32, #tpu.memory_space<vmem>>) semaphore(%run_scoped3A_37 : memref<!tpu.dma_semaphore, #tpu.memory_space<semaphore_mem>>) {add = true}
        %dma_wait3A = arith.constant 0 : i32
        %dma_wait3A_42 = tpu.memref_slice %arg6[%run_scoped3A_25, %dma_wait3A] : memref<16x128xi32, #tpu.memory_space<vmem>> -> memref<1x128xi32, #tpu.memory_space<vmem>>
        %dma_wait3A_43 = tpu.memref_squeeze %dma_wait3A_42 : memref<1x128xi32, #tpu.memory_space<vmem>> -> memref<128xi32, #tpu.memory_space<vmem>>
        %dma_wait3A_44 = arith.constant 0 : i32
        %dma_wait3A_45 = tpu.memref_slice %arg9[%dma_wait3A_44] : memref<10240xf32, #tpu.memory_space<vmem_shared>> -> memref<10240xf32, #tpu.memory_space<vmem_shared>>
        tpu.wait_indirect_dma semaphore(%run_scoped3A_37 : memref<!tpu.dma_semaphore, #tpu.memory_space<semaphore_mem>>) src(%arg7 : memref<128xf32, #tpu.memory_space<vmem>>) dst(%dma_wait3A_45 : memref<10240xf32, #tpu.memory_space<vmem_shared>>)
        tpu.yield
      }) : () -> ()
      %run_scoped3A_26 = arith.constant 5 : i32
      "tpu.region"() ({
        %run_scoped3A_37 = tpu.sem_alloc : memref<!tpu.dma_semaphore, #tpu.memory_space<semaphore_mem>>
        %dma_start3A = arith.constant 0 : i32
        %dma_start3A_38 = tpu.memref_slice %arg6[%run_scoped3A_26, %dma_start3A] : memref<16x128xi32, #tpu.memory_space<vmem>> -> memref<1x128xi32, #tpu.memory_space<vmem>>
        %dma_start3A_39 = tpu.memref_squeeze %dma_start3A_38 : memref<1x128xi32, #tpu.memory_space<vmem>> -> memref<128xi32, #tpu.memory_space<vmem>>
        %dma_start3A_40 = arith.constant 0 : i32
        %dma_start3A_41 = tpu.memref_slice %arg9[%dma_start3A_40] : memref<10240xf32, #tpu.memory_space<vmem_shared>> -> memref<10240xf32, #tpu.memory_space<vmem_shared>>
        tpu.enqueue_indirect_dma source(%arg7 : memref<128xf32, #tpu.memory_space<vmem>>) target(%dma_start3A_41 : memref<10240xf32, #tpu.memory_space<vmem_shared>>) offsets(%dma_start3A_39 : memref<128xi32, #tpu.memory_space<vmem>>) semaphore(%run_scoped3A_37 : memref<!tpu.dma_semaphore, #tpu.memory_space<semaphore_mem>>) {add = true}
        %dma_wait3A = arith.constant 0 : i32
        %dma_wait3A_42 = tpu.memref_slice %arg6[%run_scoped3A_26, %dma_wait3A] : memref<16x128xi32, #tpu.memory_space<vmem>> -> memref<1x128xi32, #tpu.memory_space<vmem>>
        %dma_wait3A_43 = tpu.memref_squeeze %dma_wait3A_42 : memref<1x128xi32, #tpu.memory_space<vmem>> -> memref<128xi32, #tpu.memory_space<vmem>>
        %dma_wait3A_44 = arith.constant 0 : i32
        %dma_wait3A_45 = tpu.memref_slice %arg9[%dma_wait3A_44] : memref<10240xf32, #tpu.memory_space<vmem_shared>> -> memref<10240xf32, #tpu.memory_space<vmem_shared>>
        tpu.wait_indirect_dma semaphore(%run_scoped3A_37 : memref<!tpu.dma_semaphore, #tpu.memory_space<semaphore_mem>>) src(%arg7 : memref<128xf32, #tpu.memory_space<vmem>>) dst(%dma_wait3A_45 : memref<10240xf32, #tpu.memory_space<vmem_shared>>)
        tpu.yield
      }) : () -> ()
      %run_scoped3A_27 = arith.constant 6 : i32
      "tpu.region"() ({
        %run_scoped3A_37 = tpu.sem_alloc : memref<!tpu.dma_semaphore, #tpu.memory_space<semaphore_mem>>
        %dma_start3A = arith.constant 0 : i32
        %dma_start3A_38 = tpu.memref_slice %arg6[%run_scoped3A_27, %dma_start3A] : memref<16x128xi32, #tpu.memory_space<vmem>> -> memref<1x128xi32, #tpu.memory_space<vmem>>
        %dma_start3A_39 = tpu.memref_squeeze %dma_start3A_38 : memref<1x128xi32, #tpu.memory_space<vmem>> -> memref<128xi32, #tpu.memory_space<vmem>>
        %dma_start3A_40 = arith.constant 0 : i32
        %dma_start3A_41 = tpu.memref_slice %arg9[%dma_start3A_40] : memref<10240xf32, #tpu.memory_space<vmem_shared>> -> memref<10240xf32, #tpu.memory_space<vmem_shared>>
        tpu.enqueue_indirect_dma source(%arg7 : memref<128xf32, #tpu.memory_space<vmem>>) target(%dma_start3A_41 : memref<10240xf32, #tpu.memory_space<vmem_shared>>) offsets(%dma_start3A_39 : memref<128xi32, #tpu.memory_space<vmem>>) semaphore(%run_scoped3A_37 : memref<!tpu.dma_semaphore, #tpu.memory_space<semaphore_mem>>) {add = true}
        %dma_wait3A = arith.constant 0 : i32
        %dma_wait3A_42 = tpu.memref_slice %arg6[%run_scoped3A_27, %dma_wait3A] : memref<16x128xi32, #tpu.memory_space<vmem>> -> memref<1x128xi32, #tpu.memory_space<vmem>>
        %dma_wait3A_43 = tpu.memref_squeeze %dma_wait3A_42 : memref<1x128xi32, #tpu.memory_space<vmem>> -> memref<128xi32, #tpu.memory_space<vmem>>
        %dma_wait3A_44 = arith.constant 0 : i32
        %dma_wait3A_45 = tpu.memref_slice %arg9[%dma_wait3A_44] : memref<10240xf32, #tpu.memory_space<vmem_shared>> -> memref<10240xf32, #tpu.memory_space<vmem_shared>>
        tpu.wait_indirect_dma semaphore(%run_scoped3A_37 : memref<!tpu.dma_semaphore, #tpu.memory_space<semaphore_mem>>) src(%arg7 : memref<128xf32, #tpu.memory_space<vmem>>) dst(%dma_wait3A_45 : memref<10240xf32, #tpu.memory_space<vmem_shared>>)
        tpu.yield
      }) : () -> ()
      %run_scoped3A_28 = arith.constant 7 : i32
      "tpu.region"() ({
        %run_scoped3A_37 = tpu.sem_alloc : memref<!tpu.dma_semaphore, #tpu.memory_space<semaphore_mem>>
        %dma_start3A = arith.constant 0 : i32
        %dma_start3A_38 = tpu.memref_slice %arg6[%run_scoped3A_28, %dma_start3A] : memref<16x128xi32, #tpu.memory_space<vmem>> -> memref<1x128xi32, #tpu.memory_space<vmem>>
        %dma_start3A_39 = tpu.memref_squeeze %dma_start3A_38 : memref<1x128xi32, #tpu.memory_space<vmem>> -> memref<128xi32, #tpu.memory_space<vmem>>
        %dma_start3A_40 = arith.constant 0 : i32
        %dma_start3A_41 = tpu.memref_slice %arg9[%dma_start3A_40] : memref<10240xf32, #tpu.memory_space<vmem_shared>> -> memref<10240xf32, #tpu.memory_space<vmem_shared>>
        tpu.enqueue_indirect_dma source(%arg7 : memref<128xf32, #tpu.memory_space<vmem>>) target(%dma_start3A_41 : memref<10240xf32, #tpu.memory_space<vmem_shared>>) offsets(%dma_start3A_39 : memref<128xi32, #tpu.memory_space<vmem>>) semaphore(%run_scoped3A_37 : memref<!tpu.dma_semaphore, #tpu.memory_space<semaphore_mem>>) {add = true}
        %dma_wait3A = arith.constant 0 : i32
        %dma_wait3A_42 = tpu.memref_slice %arg6[%run_scoped3A_28, %dma_wait3A] : memref<16x128xi32, #tpu.memory_space<vmem>> -> memref<1x128xi32, #tpu.memory_space<vmem>>
        %dma_wait3A_43 = tpu.memref_squeeze %dma_wait3A_42 : memref<1x128xi32, #tpu.memory_space<vmem>> -> memref<128xi32, #tpu.memory_space<vmem>>
        %dma_wait3A_44 = arith.constant 0 : i32
        %dma_wait3A_45 = tpu.memref_slice %arg9[%dma_wait3A_44] : memref<10240xf32, #tpu.memory_space<vmem_shared>> -> memref<10240xf32, #tpu.memory_space<vmem_shared>>
        tpu.wait_indirect_dma semaphore(%run_scoped3A_37 : memref<!tpu.dma_semaphore, #tpu.memory_space<semaphore_mem>>) src(%arg7 : memref<128xf32, #tpu.memory_space<vmem>>) dst(%dma_wait3A_45 : memref<10240xf32, #tpu.memory_space<vmem_shared>>)
        tpu.yield
      }) : () -> ()
      %run_scoped3A_29 = arith.constant 8 : i32
      "tpu.region"() ({
        %run_scoped3A_37 = tpu.sem_alloc : memref<!tpu.dma_semaphore, #tpu.memory_space<semaphore_mem>>
        %dma_start3A = arith.constant 0 : i32
        %dma_start3A_38 = tpu.memref_slice %arg6[%run_scoped3A_29, %dma_start3A] : memref<16x128xi32, #tpu.memory_space<vmem>> -> memref<1x128xi32, #tpu.memory_space<vmem>>
        %dma_start3A_39 = tpu.memref_squeeze %dma_start3A_38 : memref<1x128xi32, #tpu.memory_space<vmem>> -> memref<128xi32, #tpu.memory_space<vmem>>
        %dma_start3A_40 = arith.constant 0 : i32
        %dma_start3A_41 = tpu.memref_slice %arg9[%dma_start3A_40] : memref<10240xf32, #tpu.memory_space<vmem_shared>> -> memref<10240xf32, #tpu.memory_space<vmem_shared>>
        tpu.enqueue_indirect_dma source(%arg7 : memref<128xf32, #tpu.memory_space<vmem>>) target(%dma_start3A_41 : memref<10240xf32, #tpu.memory_space<vmem_shared>>) offsets(%dma_start3A_39 : memref<128xi32, #tpu.memory_space<vmem>>) semaphore(%run_scoped3A_37 : memref<!tpu.dma_semaphore, #tpu.memory_space<semaphore_mem>>) {add = true}
        %dma_wait3A = arith.constant 0 : i32
        %dma_wait3A_42 = tpu.memref_slice %arg6[%run_scoped3A_29, %dma_wait3A] : memref<16x128xi32, #tpu.memory_space<vmem>> -> memref<1x128xi32, #tpu.memory_space<vmem>>
        %dma_wait3A_43 = tpu.memref_squeeze %dma_wait3A_42 : memref<1x128xi32, #tpu.memory_space<vmem>> -> memref<128xi32, #tpu.memory_space<vmem>>
        %dma_wait3A_44 = arith.constant 0 : i32
        %dma_wait3A_45 = tpu.memref_slice %arg9[%dma_wait3A_44] : memref<10240xf32, #tpu.memory_space<vmem_shared>> -> memref<10240xf32, #tpu.memory_space<vmem_shared>>
        tpu.wait_indirect_dma semaphore(%run_scoped3A_37 : memref<!tpu.dma_semaphore, #tpu.memory_space<semaphore_mem>>) src(%arg7 : memref<128xf32, #tpu.memory_space<vmem>>) dst(%dma_wait3A_45 : memref<10240xf32, #tpu.memory_space<vmem_shared>>)
        tpu.yield
      }) : () -> ()
      %run_scoped3A_30 = arith.constant 9 : i32
      "tpu.region"() ({
        %run_scoped3A_37 = tpu.sem_alloc : memref<!tpu.dma_semaphore, #tpu.memory_space<semaphore_mem>>
        %dma_start3A = arith.constant 0 : i32
        %dma_start3A_38 = tpu.memref_slice %arg6[%run_scoped3A_30, %dma_start3A] : memref<16x128xi32, #tpu.memory_space<vmem>> -> memref<1x128xi32, #tpu.memory_space<vmem>>
        %dma_start3A_39 = tpu.memref_squeeze %dma_start3A_38 : memref<1x128xi32, #tpu.memory_space<vmem>> -> memref<128xi32, #tpu.memory_space<vmem>>
        %dma_start3A_40 = arith.constant 0 : i32
        %dma_start3A_41 = tpu.memref_slice %arg9[%dma_start3A_40] : memref<10240xf32, #tpu.memory_space<vmem_shared>> -> memref<10240xf32, #tpu.memory_space<vmem_shared>>
        tpu.enqueue_indirect_dma source(%arg7 : memref<128xf32, #tpu.memory_space<vmem>>) target(%dma_start3A_41 : memref<10240xf32, #tpu.memory_space<vmem_shared>>) offsets(%dma_start3A_39 : memref<128xi32, #tpu.memory_space<vmem>>) semaphore(%run_scoped3A_37 : memref<!tpu.dma_semaphore, #tpu.memory_space<semaphore_mem>>) {add = true}
        %dma_wait3A = arith.constant 0 : i32
        %dma_wait3A_42 = tpu.memref_slice %arg6[%run_scoped3A_30, %dma_wait3A] : memref<16x128xi32, #tpu.memory_space<vmem>> -> memref<1x128xi32, #tpu.memory_space<vmem>>
        %dma_wait3A_43 = tpu.memref_squeeze %dma_wait3A_42 : memref<1x128xi32, #tpu.memory_space<vmem>> -> memref<128xi32, #tpu.memory_space<vmem>>
        %dma_wait3A_44 = arith.constant 0 : i32
        %dma_wait3A_45 = tpu.memref_slice %arg9[%dma_wait3A_44] : memref<10240xf32, #tpu.memory_space<vmem_shared>> -> memref<10240xf32, #tpu.memory_space<vmem_shared>>
        tpu.wait_indirect_dma semaphore(%run_scoped3A_37 : memref<!tpu.dma_semaphore, #tpu.memory_space<semaphore_mem>>) src(%arg7 : memref<128xf32, #tpu.memory_space<vmem>>) dst(%dma_wait3A_45 : memref<10240xf32, #tpu.memory_space<vmem_shared>>)
        tpu.yield
      }) : () -> ()
      %run_scoped3A_31 = arith.constant 10 : i32
      "tpu.region"() ({
        %run_scoped3A_37 = tpu.sem_alloc : memref<!tpu.dma_semaphore, #tpu.memory_space<semaphore_mem>>
        %dma_start3A = arith.constant 0 : i32
        %dma_start3A_38 = tpu.memref_slice %arg6[%run_scoped3A_31, %dma_start3A] : memref<16x128xi32, #tpu.memory_space<vmem>> -> memref<1x128xi32, #tpu.memory_space<vmem>>
        %dma_start3A_39 = tpu.memref_squeeze %dma_start3A_38 : memref<1x128xi32, #tpu.memory_space<vmem>> -> memref<128xi32, #tpu.memory_space<vmem>>
        %dma_start3A_40 = arith.constant 0 : i32
        %dma_start3A_41 = tpu.memref_slice %arg9[%dma_start3A_40] : memref<10240xf32, #tpu.memory_space<vmem_shared>> -> memref<10240xf32, #tpu.memory_space<vmem_shared>>
        tpu.enqueue_indirect_dma source(%arg7 : memref<128xf32, #tpu.memory_space<vmem>>) target(%dma_start3A_41 : memref<10240xf32, #tpu.memory_space<vmem_shared>>) offsets(%dma_start3A_39 : memref<128xi32, #tpu.memory_space<vmem>>) semaphore(%run_scoped3A_37 : memref<!tpu.dma_semaphore, #tpu.memory_space<semaphore_mem>>) {add = true}
        %dma_wait3A = arith.constant 0 : i32
        %dma_wait3A_42 = tpu.memref_slice %arg6[%run_scoped3A_31, %dma_wait3A] : memref<16x128xi32, #tpu.memory_space<vmem>> -> memref<1x128xi32, #tpu.memory_space<vmem>>
        %dma_wait3A_43 = tpu.memref_squeeze %dma_wait3A_42 : memref<1x128xi32, #tpu.memory_space<vmem>> -> memref<128xi32, #tpu.memory_space<vmem>>
        %dma_wait3A_44 = arith.constant 0 : i32
        %dma_wait3A_45 = tpu.memref_slice %arg9[%dma_wait3A_44] : memref<10240xf32, #tpu.memory_space<vmem_shared>> -> memref<10240xf32, #tpu.memory_space<vmem_shared>>
        tpu.wait_indirect_dma semaphore(%run_scoped3A_37 : memref<!tpu.dma_semaphore, #tpu.memory_space<semaphore_mem>>) src(%arg7 : memref<128xf32, #tpu.memory_space<vmem>>) dst(%dma_wait3A_45 : memref<10240xf32, #tpu.memory_space<vmem_shared>>)
        tpu.yield
      }) : () -> ()
      %run_scoped3A_32 = arith.constant 11 : i32
      "tpu.region"() ({
        %run_scoped3A_37 = tpu.sem_alloc : memref<!tpu.dma_semaphore, #tpu.memory_space<semaphore_mem>>
        %dma_start3A = arith.constant 0 : i32
        %dma_start3A_38 = tpu.memref_slice %arg6[%run_scoped3A_32, %dma_start3A] : memref<16x128xi32, #tpu.memory_space<vmem>> -> memref<1x128xi32, #tpu.memory_space<vmem>>
        %dma_start3A_39 = tpu.memref_squeeze %dma_start3A_38 : memref<1x128xi32, #tpu.memory_space<vmem>> -> memref<128xi32, #tpu.memory_space<vmem>>
        %dma_start3A_40 = arith.constant 0 : i32
        %dma_start3A_41 = tpu.memref_slice %arg9[%dma_start3A_40] : memref<10240xf32, #tpu.memory_space<vmem_shared>> -> memref<10240xf32, #tpu.memory_space<vmem_shared>>
        tpu.enqueue_indirect_dma source(%arg7 : memref<128xf32, #tpu.memory_space<vmem>>) target(%dma_start3A_41 : memref<10240xf32, #tpu.memory_space<vmem_shared>>) offsets(%dma_start3A_39 : memref<128xi32, #tpu.memory_space<vmem>>) semaphore(%run_scoped3A_37 : memref<!tpu.dma_semaphore, #tpu.memory_space<semaphore_mem>>) {add = true}
        %dma_wait3A = arith.constant 0 : i32
        %dma_wait3A_42 = tpu.memref_slice %arg6[%run_scoped3A_32, %dma_wait3A] : memref<16x128xi32, #tpu.memory_space<vmem>> -> memref<1x128xi32, #tpu.memory_space<vmem>>
        %dma_wait3A_43 = tpu.memref_squeeze %dma_wait3A_42 : memref<1x128xi32, #tpu.memory_space<vmem>> -> memref<128xi32, #tpu.memory_space<vmem>>
        %dma_wait3A_44 = arith.constant 0 : i32
        %dma_wait3A_45 = tpu.memref_slice %arg9[%dma_wait3A_44] : memref<10240xf32, #tpu.memory_space<vmem_shared>> -> memref<10240xf32, #tpu.memory_space<vmem_shared>>
        tpu.wait_indirect_dma semaphore(%run_scoped3A_37 : memref<!tpu.dma_semaphore, #tpu.memory_space<semaphore_mem>>) src(%arg7 : memref<128xf32, #tpu.memory_space<vmem>>) dst(%dma_wait3A_45 : memref<10240xf32, #tpu.memory_space<vmem_shared>>)
        tpu.yield
      }) : () -> ()
      %run_scoped3A_33 = arith.constant 12 : i32
      "tpu.region"() ({
        %run_scoped3A_37 = tpu.sem_alloc : memref<!tpu.dma_semaphore, #tpu.memory_space<semaphore_mem>>
        %dma_start3A = arith.constant 0 : i32
        %dma_start3A_38 = tpu.memref_slice %arg6[%run_scoped3A_33, %dma_start3A] : memref<16x128xi32, #tpu.memory_space<vmem>> -> memref<1x128xi32, #tpu.memory_space<vmem>>
        %dma_start3A_39 = tpu.memref_squeeze %dma_start3A_38 : memref<1x128xi32, #tpu.memory_space<vmem>> -> memref<128xi32, #tpu.memory_space<vmem>>
        %dma_start3A_40 = arith.constant 0 : i32
        %dma_start3A_41 = tpu.memref_slice %arg9[%dma_start3A_40] : memref<10240xf32, #tpu.memory_space<vmem_shared>> -> memref<10240xf32, #tpu.memory_space<vmem_shared>>
        tpu.enqueue_indirect_dma source(%arg7 : memref<128xf32, #tpu.memory_space<vmem>>) target(%dma_start3A_41 : memref<10240xf32, #tpu.memory_space<vmem_shared>>) offsets(%dma_start3A_39 : memref<128xi32, #tpu.memory_space<vmem>>) semaphore(%run_scoped3A_37 : memref<!tpu.dma_semaphore, #tpu.memory_space<semaphore_mem>>) {add = true}
        %dma_wait3A = arith.constant 0 : i32
        %dma_wait3A_42 = tpu.memref_slice %arg6[%run_scoped3A_33, %dma_wait3A] : memref<16x128xi32, #tpu.memory_space<vmem>> -> memref<1x128xi32, #tpu.memory_space<vmem>>
        %dma_wait3A_43 = tpu.memref_squeeze %dma_wait3A_42 : memref<1x128xi32, #tpu.memory_space<vmem>> -> memref<128xi32, #tpu.memory_space<vmem>>
        %dma_wait3A_44 = arith.constant 0 : i32
        %dma_wait3A_45 = tpu.memref_slice %arg9[%dma_wait3A_44] : memref<10240xf32, #tpu.memory_space<vmem_shared>> -> memref<10240xf32, #tpu.memory_space<vmem_shared>>
        tpu.wait_indirect_dma semaphore(%run_scoped3A_37 : memref<!tpu.dma_semaphore, #tpu.memory_space<semaphore_mem>>) src(%arg7 : memref<128xf32, #tpu.memory_space<vmem>>) dst(%dma_wait3A_45 : memref<10240xf32, #tpu.memory_space<vmem_shared>>)
        tpu.yield
      }) : () -> ()
      %run_scoped3A_34 = arith.constant 13 : i32
      "tpu.region"() ({
        %run_scoped3A_37 = tpu.sem_alloc : memref<!tpu.dma_semaphore, #tpu.memory_space<semaphore_mem>>
        %dma_start3A = arith.constant 0 : i32
        %dma_start3A_38 = tpu.memref_slice %arg6[%run_scoped3A_34, %dma_start3A] : memref<16x128xi32, #tpu.memory_space<vmem>> -> memref<1x128xi32, #tpu.memory_space<vmem>>
        %dma_start3A_39 = tpu.memref_squeeze %dma_start3A_38 : memref<1x128xi32, #tpu.memory_space<vmem>> -> memref<128xi32, #tpu.memory_space<vmem>>
        %dma_start3A_40 = arith.constant 0 : i32
        %dma_start3A_41 = tpu.memref_slice %arg9[%dma_start3A_40] : memref<10240xf32, #tpu.memory_space<vmem_shared>> -> memref<10240xf32, #tpu.memory_space<vmem_shared>>
        tpu.enqueue_indirect_dma source(%arg7 : memref<128xf32, #tpu.memory_space<vmem>>) target(%dma_start3A_41 : memref<10240xf32, #tpu.memory_space<vmem_shared>>) offsets(%dma_start3A_39 : memref<128xi32, #tpu.memory_space<vmem>>) semaphore(%run_scoped3A_37 : memref<!tpu.dma_semaphore, #tpu.memory_space<semaphore_mem>>) {add = true}
        %dma_wait3A = arith.constant 0 : i32
        %dma_wait3A_42 = tpu.memref_slice %arg6[%run_scoped3A_34, %dma_wait3A] : memref<16x128xi32, #tpu.memory_space<vmem>> -> memref<1x128xi32, #tpu.memory_space<vmem>>
        %dma_wait3A_43 = tpu.memref_squeeze %dma_wait3A_42 : memref<1x128xi32, #tpu.memory_space<vmem>> -> memref<128xi32, #tpu.memory_space<vmem>>
        %dma_wait3A_44 = arith.constant 0 : i32
        %dma_wait3A_45 = tpu.memref_slice %arg9[%dma_wait3A_44] : memref<10240xf32, #tpu.memory_space<vmem_shared>> -> memref<10240xf32, #tpu.memory_space<vmem_shared>>
        tpu.wait_indirect_dma semaphore(%run_scoped3A_37 : memref<!tpu.dma_semaphore, #tpu.memory_space<semaphore_mem>>) src(%arg7 : memref<128xf32, #tpu.memory_space<vmem>>) dst(%dma_wait3A_45 : memref<10240xf32, #tpu.memory_space<vmem_shared>>)
        tpu.yield
      }) : () -> ()
      %run_scoped3A_35 = arith.constant 14 : i32
      "tpu.region"() ({
        %run_scoped3A_37 = tpu.sem_alloc : memref<!tpu.dma_semaphore, #tpu.memory_space<semaphore_mem>>
        %dma_start3A = arith.constant 0 : i32
        %dma_start3A_38 = tpu.memref_slice %arg6[%run_scoped3A_35, %dma_start3A] : memref<16x128xi32, #tpu.memory_space<vmem>> -> memref<1x128xi32, #tpu.memory_space<vmem>>
        %dma_start3A_39 = tpu.memref_squeeze %dma_start3A_38 : memref<1x128xi32, #tpu.memory_space<vmem>> -> memref<128xi32, #tpu.memory_space<vmem>>
        %dma_start3A_40 = arith.constant 0 : i32
        %dma_start3A_41 = tpu.memref_slice %arg9[%dma_start3A_40] : memref<10240xf32, #tpu.memory_space<vmem_shared>> -> memref<10240xf32, #tpu.memory_space<vmem_shared>>
        tpu.enqueue_indirect_dma source(%arg7 : memref<128xf32, #tpu.memory_space<vmem>>) target(%dma_start3A_41 : memref<10240xf32, #tpu.memory_space<vmem_shared>>) offsets(%dma_start3A_39 : memref<128xi32, #tpu.memory_space<vmem>>) semaphore(%run_scoped3A_37 : memref<!tpu.dma_semaphore, #tpu.memory_space<semaphore_mem>>) {add = true}
        %dma_wait3A = arith.constant 0 : i32
        %dma_wait3A_42 = tpu.memref_slice %arg6[%run_scoped3A_35, %dma_wait3A] : memref<16x128xi32, #tpu.memory_space<vmem>> -> memref<1x128xi32, #tpu.memory_space<vmem>>
        %dma_wait3A_43 = tpu.memref_squeeze %dma_wait3A_42 : memref<1x128xi32, #tpu.memory_space<vmem>> -> memref<128xi32, #tpu.memory_space<vmem>>
        %dma_wait3A_44 = arith.constant 0 : i32
        %dma_wait3A_45 = tpu.memref_slice %arg9[%dma_wait3A_44] : memref<10240xf32, #tpu.memory_space<vmem_shared>> -> memref<10240xf32, #tpu.memory_space<vmem_shared>>
        tpu.wait_indirect_dma semaphore(%run_scoped3A_37 : memref<!tpu.dma_semaphore, #tpu.memory_space<semaphore_mem>>) src(%arg7 : memref<128xf32, #tpu.memory_space<vmem>>) dst(%dma_wait3A_45 : memref<10240xf32, #tpu.memory_space<vmem_shared>>)
        tpu.yield
      }) : () -> ()
      %run_scoped3A_36 = arith.constant 15 : i32
      "tpu.region"() ({
        %run_scoped3A_37 = tpu.sem_alloc : memref<!tpu.dma_semaphore, #tpu.memory_space<semaphore_mem>>
        %dma_start3A = arith.constant 0 : i32
        %dma_start3A_38 = tpu.memref_slice %arg6[%run_scoped3A_36, %dma_start3A] : memref<16x128xi32, #tpu.memory_space<vmem>> -> memref<1x128xi32, #tpu.memory_space<vmem>>
        %dma_start3A_39 = tpu.memref_squeeze %dma_start3A_38 : memref<1x128xi32, #tpu.memory_space<vmem>> -> memref<128xi32, #tpu.memory_space<vmem>>
        %dma_start3A_40 = arith.constant 0 : i32
        %dma_start3A_41 = tpu.memref_slice %arg9[%dma_start3A_40] : memref<10240xf32, #tpu.memory_space<vmem_shared>> -> memref<10240xf32, #tpu.memory_space<vmem_shared>>
        tpu.enqueue_indirect_dma source(%arg7 : memref<128xf32, #tpu.memory_space<vmem>>) target(%dma_start3A_41 : memref<10240xf32, #tpu.memory_space<vmem_shared>>) offsets(%dma_start3A_39 : memref<128xi32, #tpu.memory_space<vmem>>) semaphore(%run_scoped3A_37 : memref<!tpu.dma_semaphore, #tpu.memory_space<semaphore_mem>>) {add = true}
        %dma_wait3A = arith.constant 0 : i32
        %dma_wait3A_42 = tpu.memref_slice %arg6[%run_scoped3A_36, %dma_wait3A] : memref<16x128xi32, #tpu.memory_space<vmem>> -> memref<1x128xi32, #tpu.memory_space<vmem>>
        %dma_wait3A_43 = tpu.memref_squeeze %dma_wait3A_42 : memref<1x128xi32, #tpu.memory_space<vmem>> -> memref<128xi32, #tpu.memory_space<vmem>>
        %dma_wait3A_44 = arith.constant 0 : i32
        %dma_wait3A_45 = tpu.memref_slice %arg9[%dma_wait3A_44] : memref<10240xf32, #tpu.memory_space<vmem_shared>> -> memref<10240xf32, #tpu.memory_space<vmem_shared>>
        tpu.wait_indirect_dma semaphore(%run_scoped3A_37 : memref<!tpu.dma_semaphore, #tpu.memory_space<semaphore_mem>>) src(%arg7 : memref<128xf32, #tpu.memory_space<vmem>>) dst(%dma_wait3A_45 : memref<10240xf32, #tpu.memory_space<vmem_shared>>)
        tpu.yield
      }) : () -> ()
    }
    %scan3A_7 = arith.constant 5 : i32
    %barrier3A_8 = arith.constant 0 : index
    tpu.barrier barrier_id(%barrier3A_8)
    %mul3A_9 = arith.constant 640 : i32
    %mul3A_10 = arith.muli %arg1, %mul3A_9 : i32
    "tpu.region"() ({
      %run_scoped3A = tpu.sem_alloc : memref<!tpu.dma_semaphore, #tpu.memory_space<semaphore_mem>>
      %dma_start3A = tpu.memref_slice %arg9[%mul3A_10] : memref<10240xf32, #tpu.memory_space<vmem_shared>> -> memref<640xf32, #tpu.memory_space<vmem_shared>>
      %dma_start3A_16 = tpu.memref_slice %arg9[%mul3A_10] : memref<10240xf32, #tpu.memory_space<vmem_shared>> -> memref<640xf32, #tpu.memory_space<vmem_shared>>
      tpu.enqueue_dma source(%dma_start3A_16 : memref<640xf32, #tpu.memory_space<vmem_shared>>) target(%arg8 : memref<640xf32, #tpu.memory_space<vmem>>) target_semaphore(%run_scoped3A : memref<!tpu.dma_semaphore, #tpu.memory_space<semaphore_mem>>)
      %dma_wait3A = tpu.memref_slice %arg9[%mul3A_10] : memref<10240xf32, #tpu.memory_space<vmem_shared>> -> memref<640xf32, #tpu.memory_space<vmem_shared>>
      %dma_wait3A_17 = tpu.memref_slice %arg9[%mul3A_10] : memref<10240xf32, #tpu.memory_space<vmem_shared>> -> memref<640xf32, #tpu.memory_space<vmem_shared>>
      tpu.wait_dma2 semaphore(%run_scoped3A : memref<!tpu.dma_semaphore, #tpu.memory_space<semaphore_mem>>) src(%dma_wait3A_17 : memref<640xf32, #tpu.memory_space<vmem_shared>>) dst(%arg8 : memref<640xf32, #tpu.memory_space<vmem>>)
      tpu.yield
    }) : () -> ()
    %mul3A_11 = arith.constant 10240 : i32
    %mul3A_12 = arith.muli %arg0, %mul3A_11 : i32
    %mul3A_13 = arith.constant 640 : i32
    %mul3A_14 = arith.muli %arg1, %mul3A_13 : i32
    %add3A_15 = arith.addi %mul3A_12, %mul3A_14 : i32
    "tpu.region"() ({
      %run_scoped3A = tpu.sem_alloc : memref<!tpu.dma_semaphore, #tpu.memory_space<semaphore_mem>>
      %dma_start3A = tpu.memref_slice %arg5[%add3A_15] : memref<20480xf32, #tpu.memory_space<hbm>> -> memref<640xf32, #tpu.memory_space<hbm>>
      %dma_start3A_16 = tpu.memref_slice %arg5[%add3A_15] : memref<20480xf32, #tpu.memory_space<hbm>> -> memref<640xf32, #tpu.memory_space<hbm>>
      tpu.enqueue_dma source(%arg8 : memref<640xf32, #tpu.memory_space<vmem>>) target(%dma_start3A_16 : memref<640xf32, #tpu.memory_space<hbm>>) target_semaphore(%run_scoped3A : memref<!tpu.dma_semaphore, #tpu.memory_space<semaphore_mem>>)
      %dma_wait3A = tpu.memref_slice %arg5[%add3A_15] : memref<20480xf32, #tpu.memory_space<hbm>> -> memref<640xf32, #tpu.memory_space<hbm>>
      %dma_wait3A_17 = tpu.memref_slice %arg5[%add3A_15] : memref<20480xf32, #tpu.memory_space<hbm>> -> memref<640xf32, #tpu.memory_space<hbm>>
      tpu.wait_dma2 semaphore(%run_scoped3A : memref<!tpu.dma_semaphore, #tpu.memory_space<semaphore_mem>>) src(%arg8 : memref<640xf32, #tpu.memory_space<vmem>>) dst(%dma_wait3A_17 : memref<640xf32, #tpu.memory_space<hbm>>)
      tpu.yield
    }) : () -> ()
    return
  }
}

#map = affine_map<(d0, d1) -> (0, 0)>
#map1 = affine_map<(d0, d1) -> (0, 0, 0)>
module attributes {stable_mosaic.version = 14 : i64} {
  func.func @agg_kernel(%arg0: i32, %arg1: i32, %arg2: memref<10000x128xf32, #tpu.memory_space<hbm>>, %arg3: memref<2560x128xi32, #tpu.memory_space<hbm>>, %arg4: memref<2560x128xi32, #tpu.memory_space<hbm>>, %arg5: memref<128x128xf32, #tpu.memory_space<hbm>>, %arg6: memref<2x10240x128xf32, #tpu.memory_space<hbm>>, %arg7: memref<16x128xi32, #tpu.memory_space<vmem>>, %arg8: memref<16x128xi32, #tpu.memory_space<vmem>>, %arg9: memref<2x128x128xf32, #tpu.memory_space<vmem>>, %arg10: memref<10240x128xf32, #tpu.memory_space<vmem_shared>>, %arg11: memref<!tpu.dma_semaphore, #tpu.memory_space<semaphore_mem>>, %arg12: memref<!tpu.dma_semaphore, #tpu.memory_space<semaphore_mem>>) attributes {dimension_semantics = [#tpu.dimension_semantics<core_parallel>, #tpu.dimension_semantics<subcore_parallel>], iteration_bounds = array<i64: 2, 16>, scalar_prefetch = 0 : i64, scratch_operands = 6 : i64, tpu.core_type = #tpu.core_type<sc_vector_subcore>, window_params = [{transform_indices = #map}, {transform_indices = #map}, {transform_indices = #map}, {transform_indices = #map}, {transform_indices = #map1}]} {
    %sub3A = arith.constant 1 : i32
    %sub3A_0 = arith.subi %sub3A, %arg0 : i32
    %mul3A = arith.constant 16 : i32
    %mul3A_1 = arith.muli %sub3A_0, %mul3A : i32
    %add3A = arith.addi %mul3A_1, %arg1 : i32
    %run_scoped3A = arith.constant 0 : i32
    "tpu.region"() ({
      %run_scoped3A_83 = tpu.sem_alloc : memref<!tpu.dma_semaphore, #tpu.memory_space<semaphore_mem>>
      %dma_start3A = arith.constant 0 : i32
      %dma_start3A_84 = arith.constant 0 : i32
      %dma_start3A_85 = tpu.memref_slice %arg9[%run_scoped3A, %dma_start3A, %dma_start3A_84] : memref<2x128x128xf32, #tpu.memory_space<vmem>> -> memref<1x128x128xf32, #tpu.memory_space<vmem>>
      %dma_start3A_86 = tpu.memref_squeeze %dma_start3A_85 : memref<1x128x128xf32, #tpu.memory_space<vmem>> -> memref<128x128xf32, #tpu.memory_space<vmem>>
      %dma_start3A_87 = arith.constant 0 : i32
      %dma_start3A_88 = arith.constant 0 : i32
      %dma_start3A_89 = tpu.memref_slice %arg9[%run_scoped3A, %dma_start3A_87, %dma_start3A_88] : memref<2x128x128xf32, #tpu.memory_space<vmem>> -> memref<1x128x128xf32, #tpu.memory_space<vmem>>
      %dma_start3A_90 = tpu.memref_squeeze %dma_start3A_89 : memref<1x128x128xf32, #tpu.memory_space<vmem>> -> memref<128x128xf32, #tpu.memory_space<vmem>>
      tpu.enqueue_dma source(%arg5 : memref<128x128xf32, #tpu.memory_space<hbm>>) target(%dma_start3A_90 : memref<128x128xf32, #tpu.memory_space<vmem>>) target_semaphore(%run_scoped3A_83 : memref<!tpu.dma_semaphore, #tpu.memory_space<semaphore_mem>>)
      %dma_wait3A = arith.constant 0 : i32
      %dma_wait3A_91 = arith.constant 0 : i32
      %dma_wait3A_92 = tpu.memref_slice %arg9[%run_scoped3A, %dma_wait3A, %dma_wait3A_91] : memref<2x128x128xf32, #tpu.memory_space<vmem>> -> memref<1x128x128xf32, #tpu.memory_space<vmem>>
      %dma_wait3A_93 = tpu.memref_squeeze %dma_wait3A_92 : memref<1x128x128xf32, #tpu.memory_space<vmem>> -> memref<128x128xf32, #tpu.memory_space<vmem>>
      %dma_wait3A_94 = arith.constant 0 : i32
      %dma_wait3A_95 = arith.constant 0 : i32
      %dma_wait3A_96 = tpu.memref_slice %arg9[%run_scoped3A, %dma_wait3A_94, %dma_wait3A_95] : memref<2x128x128xf32, #tpu.memory_space<vmem>> -> memref<1x128x128xf32, #tpu.memory_space<vmem>>
      %dma_wait3A_97 = tpu.memref_squeeze %dma_wait3A_96 : memref<1x128x128xf32, #tpu.memory_space<vmem>> -> memref<128x128xf32, #tpu.memory_space<vmem>>
      tpu.wait_dma2 semaphore(%run_scoped3A_83 : memref<!tpu.dma_semaphore, #tpu.memory_space<semaphore_mem>>) src(%arg5 : memref<128x128xf32, #tpu.memory_space<hbm>>) dst(%dma_wait3A_97 : memref<128x128xf32, #tpu.memory_space<vmem>>)
      tpu.yield
    }) : () -> ()
    %mul3A_2 = arith.constant 640 : i32
    %mul3A_3 = arith.muli %arg1, %mul3A_2 : i32
    %add3A_4 = arith.constant 0 : i32
    %add3A_5 = arith.addi %mul3A_3, %add3A_4 : i32
    %run_scoped3A_6 = arith.constant 0 : i32
    "tpu.region"() ({
      %run_scoped3A_83 = tpu.sem_alloc : memref<!tpu.dma_semaphore, #tpu.memory_space<semaphore_mem>>
      %dma_start3A = arith.constant 0 : i32
      %dma_start3A_84 = arith.constant 0 : i32
      %dma_start3A_85 = tpu.memref_slice %arg9[%run_scoped3A_6, %dma_start3A, %dma_start3A_84] : memref<2x128x128xf32, #tpu.memory_space<vmem>> -> memref<1x128x128xf32, #tpu.memory_space<vmem>>
      %dma_start3A_86 = tpu.memref_squeeze %dma_start3A_85 : memref<1x128x128xf32, #tpu.memory_space<vmem>> -> memref<128x128xf32, #tpu.memory_space<vmem>>
      %dma_start3A_87 = arith.constant 0 : i32
      %dma_start3A_88 = tpu.memref_slice %arg10[%add3A_5, %dma_start3A_87] : memref<10240x128xf32, #tpu.memory_space<vmem_shared>> -> memref<128x128xf32, #tpu.memory_space<vmem_shared>>
      %dma_start3A_89 = arith.constant 0 : i32
      %dma_start3A_90 = tpu.memref_slice %arg10[%add3A_5, %dma_start3A_89] : memref<10240x128xf32, #tpu.memory_space<vmem_shared>> -> memref<128x128xf32, #tpu.memory_space<vmem_shared>>
      %dma_start3A_91 = arith.constant 0 : i32
      %dma_start3A_92 = arith.constant 0 : i32
      %dma_start3A_93 = tpu.memref_slice %arg9[%run_scoped3A_6, %dma_start3A_91, %dma_start3A_92] : memref<2x128x128xf32, #tpu.memory_space<vmem>> -> memref<1x128x128xf32, #tpu.memory_space<vmem>>
      %dma_start3A_94 = tpu.memref_squeeze %dma_start3A_93 : memref<1x128x128xf32, #tpu.memory_space<vmem>> -> memref<128x128xf32, #tpu.memory_space<vmem>>
      tpu.enqueue_dma source(%dma_start3A_94 : memref<128x128xf32, #tpu.memory_space<vmem>>) target(%dma_start3A_90 : memref<128x128xf32, #tpu.memory_space<vmem_shared>>) target_semaphore(%run_scoped3A_83 : memref<!tpu.dma_semaphore, #tpu.memory_space<semaphore_mem>>)
      %dma_wait3A = arith.constant 0 : i32
      %dma_wait3A_95 = arith.constant 0 : i32
      %dma_wait3A_96 = tpu.memref_slice %arg9[%run_scoped3A_6, %dma_wait3A, %dma_wait3A_95] : memref<2x128x128xf32, #tpu.memory_space<vmem>> -> memref<1x128x128xf32, #tpu.memory_space<vmem>>
      %dma_wait3A_97 = tpu.memref_squeeze %dma_wait3A_96 : memref<1x128x128xf32, #tpu.memory_space<vmem>> -> memref<128x128xf32, #tpu.memory_space<vmem>>
      %dma_wait3A_98 = arith.constant 0 : i32
      %dma_wait3A_99 = tpu.memref_slice %arg10[%add3A_5, %dma_wait3A_98] : memref<10240x128xf32, #tpu.memory_space<vmem_shared>> -> memref<128x128xf32, #tpu.memory_space<vmem_shared>>
      %dma_wait3A_100 = arith.constant 0 : i32
      %dma_wait3A_101 = tpu.memref_slice %arg10[%add3A_5, %dma_wait3A_100] : memref<10240x128xf32, #tpu.memory_space<vmem_shared>> -> memref<128x128xf32, #tpu.memory_space<vmem_shared>>
      %dma_wait3A_102 = arith.constant 0 : i32
      %dma_wait3A_103 = arith.constant 0 : i32
      %dma_wait3A_104 = tpu.memref_slice %arg9[%run_scoped3A_6, %dma_wait3A_102, %dma_wait3A_103] : memref<2x128x128xf32, #tpu.memory_space<vmem>> -> memref<1x128x128xf32, #tpu.memory_space<vmem>>
      %dma_wait3A_105 = tpu.memref_squeeze %dma_wait3A_104 : memref<1x128x128xf32, #tpu.memory_space<vmem>> -> memref<128x128xf32, #tpu.memory_space<vmem>>
      tpu.wait_dma2 semaphore(%run_scoped3A_83 : memref<!tpu.dma_semaphore, #tpu.memory_space<semaphore_mem>>) src(%dma_wait3A_105 : memref<128x128xf32, #tpu.memory_space<vmem>>) dst(%dma_wait3A_101 : memref<128x128xf32, #tpu.memory_space<vmem_shared>>)
      tpu.yield
    }) : () -> ()
    %mul3A_7 = arith.constant 640 : i32
    %mul3A_8 = arith.muli %arg1, %mul3A_7 : i32
    %add3A_9 = arith.constant 128 : i32
    %add3A_10 = arith.addi %mul3A_8, %add3A_9 : i32
    %run_scoped3A_11 = arith.constant 0 : i32
    "tpu.region"() ({
      %run_scoped3A_83 = tpu.sem_alloc : memref<!tpu.dma_semaphore, #tpu.memory_space<semaphore_mem>>
      %dma_start3A = arith.constant 0 : i32
      %dma_start3A_84 = arith.constant 0 : i32
      %dma_start3A_85 = tpu.memref_slice %arg9[%run_scoped3A_11, %dma_start3A, %dma_start3A_84] : memref<2x128x128xf32, #tpu.memory_space<vmem>> -> memref<1x128x128xf32, #tpu.memory_space<vmem>>
      %dma_start3A_86 = tpu.memref_squeeze %dma_start3A_85 : memref<1x128x128xf32, #tpu.memory_space<vmem>> -> memref<128x128xf32, #tpu.memory_space<vmem>>
      %dma_start3A_87 = arith.constant 0 : i32
      %dma_start3A_88 = tpu.memref_slice %arg10[%add3A_10, %dma_start3A_87] : memref<10240x128xf32, #tpu.memory_space<vmem_shared>> -> memref<128x128xf32, #tpu.memory_space<vmem_shared>>
      %dma_start3A_89 = arith.constant 0 : i32
      %dma_start3A_90 = tpu.memref_slice %arg10[%add3A_10, %dma_start3A_89] : memref<10240x128xf32, #tpu.memory_space<vmem_shared>> -> memref<128x128xf32, #tpu.memory_space<vmem_shared>>
      %dma_start3A_91 = arith.constant 0 : i32
      %dma_start3A_92 = arith.constant 0 : i32
      %dma_start3A_93 = tpu.memref_slice %arg9[%run_scoped3A_11, %dma_start3A_91, %dma_start3A_92] : memref<2x128x128xf32, #tpu.memory_space<vmem>> -> memref<1x128x128xf32, #tpu.memory_space<vmem>>
      %dma_start3A_94 = tpu.memref_squeeze %dma_start3A_93 : memref<1x128x128xf32, #tpu.memory_space<vmem>> -> memref<128x128xf32, #tpu.memory_space<vmem>>
      tpu.enqueue_dma source(%dma_start3A_94 : memref<128x128xf32, #tpu.memory_space<vmem>>) target(%dma_start3A_90 : memref<128x128xf32, #tpu.memory_space<vmem_shared>>) target_semaphore(%run_scoped3A_83 : memref<!tpu.dma_semaphore, #tpu.memory_space<semaphore_mem>>)
      %dma_wait3A = arith.constant 0 : i32
      %dma_wait3A_95 = arith.constant 0 : i32
      %dma_wait3A_96 = tpu.memref_slice %arg9[%run_scoped3A_11, %dma_wait3A, %dma_wait3A_95] : memref<2x128x128xf32, #tpu.memory_space<vmem>> -> memref<1x128x128xf32, #tpu.memory_space<vmem>>
      %dma_wait3A_97 = tpu.memref_squeeze %dma_wait3A_96 : memref<1x128x128xf32, #tpu.memory_space<vmem>> -> memref<128x128xf32, #tpu.memory_space<vmem>>
      %dma_wait3A_98 = arith.constant 0 : i32
      %dma_wait3A_99 = tpu.memref_slice %arg10[%add3A_10, %dma_wait3A_98] : memref<10240x128xf32, #tpu.memory_space<vmem_shared>> -> memref<128x128xf32, #tpu.memory_space<vmem_shared>>
      %dma_wait3A_100 = arith.constant 0 : i32
      %dma_wait3A_101 = tpu.memref_slice %arg10[%add3A_10, %dma_wait3A_100] : memref<10240x128xf32, #tpu.memory_space<vmem_shared>> -> memref<128x128xf32, #tpu.memory_space<vmem_shared>>
      %dma_wait3A_102 = arith.constant 0 : i32
      %dma_wait3A_103 = arith.constant 0 : i32
      %dma_wait3A_104 = tpu.memref_slice %arg9[%run_scoped3A_11, %dma_wait3A_102, %dma_wait3A_103] : memref<2x128x128xf32, #tpu.memory_space<vmem>> -> memref<1x128x128xf32, #tpu.memory_space<vmem>>
      %dma_wait3A_105 = tpu.memref_squeeze %dma_wait3A_104 : memref<1x128x128xf32, #tpu.memory_space<vmem>> -> memref<128x128xf32, #tpu.memory_space<vmem>>
      tpu.wait_dma2 semaphore(%run_scoped3A_83 : memref<!tpu.dma_semaphore, #tpu.memory_space<semaphore_mem>>) src(%dma_wait3A_105 : memref<128x128xf32, #tpu.memory_space<vmem>>) dst(%dma_wait3A_101 : memref<128x128xf32, #tpu.memory_space<vmem_shared>>)
      tpu.yield
    }) : () -> ()
    %mul3A_12 = arith.constant 640 : i32
    %mul3A_13 = arith.muli %arg1, %mul3A_12 : i32
    %add3A_14 = arith.constant 256 : i32
    %add3A_15 = arith.addi %mul3A_13, %add3A_14 : i32
    %run_scoped3A_16 = arith.constant 0 : i32
    "tpu.region"() ({
      %run_scoped3A_83 = tpu.sem_alloc : memref<!tpu.dma_semaphore, #tpu.memory_space<semaphore_mem>>
      %dma_start3A = arith.constant 0 : i32
      %dma_start3A_84 = arith.constant 0 : i32
      %dma_start3A_85 = tpu.memref_slice %arg9[%run_scoped3A_16, %dma_start3A, %dma_start3A_84] : memref<2x128x128xf32, #tpu.memory_space<vmem>> -> memref<1x128x128xf32, #tpu.memory_space<vmem>>
      %dma_start3A_86 = tpu.memref_squeeze %dma_start3A_85 : memref<1x128x128xf32, #tpu.memory_space<vmem>> -> memref<128x128xf32, #tpu.memory_space<vmem>>
      %dma_start3A_87 = arith.constant 0 : i32
      %dma_start3A_88 = tpu.memref_slice %arg10[%add3A_15, %dma_start3A_87] : memref<10240x128xf32, #tpu.memory_space<vmem_shared>> -> memref<128x128xf32, #tpu.memory_space<vmem_shared>>
      %dma_start3A_89 = arith.constant 0 : i32
      %dma_start3A_90 = tpu.memref_slice %arg10[%add3A_15, %dma_start3A_89] : memref<10240x128xf32, #tpu.memory_space<vmem_shared>> -> memref<128x128xf32, #tpu.memory_space<vmem_shared>>
      %dma_start3A_91 = arith.constant 0 : i32
      %dma_start3A_92 = arith.constant 0 : i32
      %dma_start3A_93 = tpu.memref_slice %arg9[%run_scoped3A_16, %dma_start3A_91, %dma_start3A_92] : memref<2x128x128xf32, #tpu.memory_space<vmem>> -> memref<1x128x128xf32, #tpu.memory_space<vmem>>
      %dma_start3A_94 = tpu.memref_squeeze %dma_start3A_93 : memref<1x128x128xf32, #tpu.memory_space<vmem>> -> memref<128x128xf32, #tpu.memory_space<vmem>>
      tpu.enqueue_dma source(%dma_start3A_94 : memref<128x128xf32, #tpu.memory_space<vmem>>) target(%dma_start3A_90 : memref<128x128xf32, #tpu.memory_space<vmem_shared>>) target_semaphore(%run_scoped3A_83 : memref<!tpu.dma_semaphore, #tpu.memory_space<semaphore_mem>>)
      %dma_wait3A = arith.constant 0 : i32
      %dma_wait3A_95 = arith.constant 0 : i32
      %dma_wait3A_96 = tpu.memref_slice %arg9[%run_scoped3A_16, %dma_wait3A, %dma_wait3A_95] : memref<2x128x128xf32, #tpu.memory_space<vmem>> -> memref<1x128x128xf32, #tpu.memory_space<vmem>>
      %dma_wait3A_97 = tpu.memref_squeeze %dma_wait3A_96 : memref<1x128x128xf32, #tpu.memory_space<vmem>> -> memref<128x128xf32, #tpu.memory_space<vmem>>
      %dma_wait3A_98 = arith.constant 0 : i32
      %dma_wait3A_99 = tpu.memref_slice %arg10[%add3A_15, %dma_wait3A_98] : memref<10240x128xf32, #tpu.memory_space<vmem_shared>> -> memref<128x128xf32, #tpu.memory_space<vmem_shared>>
      %dma_wait3A_100 = arith.constant 0 : i32
      %dma_wait3A_101 = tpu.memref_slice %arg10[%add3A_15, %dma_wait3A_100] : memref<10240x128xf32, #tpu.memory_space<vmem_shared>> -> memref<128x128xf32, #tpu.memory_space<vmem_shared>>
      %dma_wait3A_102 = arith.constant 0 : i32
      %dma_wait3A_103 = arith.constant 0 : i32
      %dma_wait3A_104 = tpu.memref_slice %arg9[%run_scoped3A_16, %dma_wait3A_102, %dma_wait3A_103] : memref<2x128x128xf32, #tpu.memory_space<vmem>> -> memref<1x128x128xf32, #tpu.memory_space<vmem>>
      %dma_wait3A_105 = tpu.memref_squeeze %dma_wait3A_104 : memref<1x128x128xf32, #tpu.memory_space<vmem>> -> memref<128x128xf32, #tpu.memory_space<vmem>>
      tpu.wait_dma2 semaphore(%run_scoped3A_83 : memref<!tpu.dma_semaphore, #tpu.memory_space<semaphore_mem>>) src(%dma_wait3A_105 : memref<128x128xf32, #tpu.memory_space<vmem>>) dst(%dma_wait3A_101 : memref<128x128xf32, #tpu.memory_space<vmem_shared>>)
      tpu.yield
    }) : () -> ()
    %mul3A_17 = arith.constant 640 : i32
    %mul3A_18 = arith.muli %arg1, %mul3A_17 : i32
    %add3A_19 = arith.constant 384 : i32
    %add3A_20 = arith.addi %mul3A_18, %add3A_19 : i32
    %run_scoped3A_21 = arith.constant 0 : i32
    "tpu.region"() ({
      %run_scoped3A_83 = tpu.sem_alloc : memref<!tpu.dma_semaphore, #tpu.memory_space<semaphore_mem>>
      %dma_start3A = arith.constant 0 : i32
      %dma_start3A_84 = arith.constant 0 : i32
      %dma_start3A_85 = tpu.memref_slice %arg9[%run_scoped3A_21, %dma_start3A, %dma_start3A_84] : memref<2x128x128xf32, #tpu.memory_space<vmem>> -> memref<1x128x128xf32, #tpu.memory_space<vmem>>
      %dma_start3A_86 = tpu.memref_squeeze %dma_start3A_85 : memref<1x128x128xf32, #tpu.memory_space<vmem>> -> memref<128x128xf32, #tpu.memory_space<vmem>>
      %dma_start3A_87 = arith.constant 0 : i32
      %dma_start3A_88 = tpu.memref_slice %arg10[%add3A_20, %dma_start3A_87] : memref<10240x128xf32, #tpu.memory_space<vmem_shared>> -> memref<128x128xf32, #tpu.memory_space<vmem_shared>>
      %dma_start3A_89 = arith.constant 0 : i32
      %dma_start3A_90 = tpu.memref_slice %arg10[%add3A_20, %dma_start3A_89] : memref<10240x128xf32, #tpu.memory_space<vmem_shared>> -> memref<128x128xf32, #tpu.memory_space<vmem_shared>>
      %dma_start3A_91 = arith.constant 0 : i32
      %dma_start3A_92 = arith.constant 0 : i32
      %dma_start3A_93 = tpu.memref_slice %arg9[%run_scoped3A_21, %dma_start3A_91, %dma_start3A_92] : memref<2x128x128xf32, #tpu.memory_space<vmem>> -> memref<1x128x128xf32, #tpu.memory_space<vmem>>
      %dma_start3A_94 = tpu.memref_squeeze %dma_start3A_93 : memref<1x128x128xf32, #tpu.memory_space<vmem>> -> memref<128x128xf32, #tpu.memory_space<vmem>>
      tpu.enqueue_dma source(%dma_start3A_94 : memref<128x128xf32, #tpu.memory_space<vmem>>) target(%dma_start3A_90 : memref<128x128xf32, #tpu.memory_space<vmem_shared>>) target_semaphore(%run_scoped3A_83 : memref<!tpu.dma_semaphore, #tpu.memory_space<semaphore_mem>>)
      %dma_wait3A = arith.constant 0 : i32
      %dma_wait3A_95 = arith.constant 0 : i32
      %dma_wait3A_96 = tpu.memref_slice %arg9[%run_scoped3A_21, %dma_wait3A, %dma_wait3A_95] : memref<2x128x128xf32, #tpu.memory_space<vmem>> -> memref<1x128x128xf32, #tpu.memory_space<vmem>>
      %dma_wait3A_97 = tpu.memref_squeeze %dma_wait3A_96 : memref<1x128x128xf32, #tpu.memory_space<vmem>> -> memref<128x128xf32, #tpu.memory_space<vmem>>
      %dma_wait3A_98 = arith.constant 0 : i32
      %dma_wait3A_99 = tpu.memref_slice %arg10[%add3A_20, %dma_wait3A_98] : memref<10240x128xf32, #tpu.memory_space<vmem_shared>> -> memref<128x128xf32, #tpu.memory_space<vmem_shared>>
      %dma_wait3A_100 = arith.constant 0 : i32
      %dma_wait3A_101 = tpu.memref_slice %arg10[%add3A_20, %dma_wait3A_100] : memref<10240x128xf32, #tpu.memory_space<vmem_shared>> -> memref<128x128xf32, #tpu.memory_space<vmem_shared>>
      %dma_wait3A_102 = arith.constant 0 : i32
      %dma_wait3A_103 = arith.constant 0 : i32
      %dma_wait3A_104 = tpu.memref_slice %arg9[%run_scoped3A_21, %dma_wait3A_102, %dma_wait3A_103] : memref<2x128x128xf32, #tpu.memory_space<vmem>> -> memref<1x128x128xf32, #tpu.memory_space<vmem>>
      %dma_wait3A_105 = tpu.memref_squeeze %dma_wait3A_104 : memref<1x128x128xf32, #tpu.memory_space<vmem>> -> memref<128x128xf32, #tpu.memory_space<vmem>>
      tpu.wait_dma2 semaphore(%run_scoped3A_83 : memref<!tpu.dma_semaphore, #tpu.memory_space<semaphore_mem>>) src(%dma_wait3A_105 : memref<128x128xf32, #tpu.memory_space<vmem>>) dst(%dma_wait3A_101 : memref<128x128xf32, #tpu.memory_space<vmem_shared>>)
      tpu.yield
    }) : () -> ()
    %mul3A_22 = arith.constant 640 : i32
    %mul3A_23 = arith.muli %arg1, %mul3A_22 : i32
    %add3A_24 = arith.constant 512 : i32
    %add3A_25 = arith.addi %mul3A_23, %add3A_24 : i32
    %run_scoped3A_26 = arith.constant 0 : i32
    "tpu.region"() ({
      %run_scoped3A_83 = tpu.sem_alloc : memref<!tpu.dma_semaphore, #tpu.memory_space<semaphore_mem>>
      %dma_start3A = arith.constant 0 : i32
      %dma_start3A_84 = arith.constant 0 : i32
      %dma_start3A_85 = tpu.memref_slice %arg9[%run_scoped3A_26, %dma_start3A, %dma_start3A_84] : memref<2x128x128xf32, #tpu.memory_space<vmem>> -> memref<1x128x128xf32, #tpu.memory_space<vmem>>
      %dma_start3A_86 = tpu.memref_squeeze %dma_start3A_85 : memref<1x128x128xf32, #tpu.memory_space<vmem>> -> memref<128x128xf32, #tpu.memory_space<vmem>>
      %dma_start3A_87 = arith.constant 0 : i32
      %dma_start3A_88 = tpu.memref_slice %arg10[%add3A_25, %dma_start3A_87] : memref<10240x128xf32, #tpu.memory_space<vmem_shared>> -> memref<128x128xf32, #tpu.memory_space<vmem_shared>>
      %dma_start3A_89 = arith.constant 0 : i32
      %dma_start3A_90 = tpu.memref_slice %arg10[%add3A_25, %dma_start3A_89] : memref<10240x128xf32, #tpu.memory_space<vmem_shared>> -> memref<128x128xf32, #tpu.memory_space<vmem_shared>>
      %dma_start3A_91 = arith.constant 0 : i32
      %dma_start3A_92 = arith.constant 0 : i32
      %dma_start3A_93 = tpu.memref_slice %arg9[%run_scoped3A_26, %dma_start3A_91, %dma_start3A_92] : memref<2x128x128xf32, #tpu.memory_space<vmem>> -> memref<1x128x128xf32, #tpu.memory_space<vmem>>
      %dma_start3A_94 = tpu.memref_squeeze %dma_start3A_93 : memref<1x128x128xf32, #tpu.memory_space<vmem>> -> memref<128x128xf32, #tpu.memory_space<vmem>>
      tpu.enqueue_dma source(%dma_start3A_94 : memref<128x128xf32, #tpu.memory_space<vmem>>) target(%dma_start3A_90 : memref<128x128xf32, #tpu.memory_space<vmem_shared>>) target_semaphore(%run_scoped3A_83 : memref<!tpu.dma_semaphore, #tpu.memory_space<semaphore_mem>>)
      %dma_wait3A = arith.constant 0 : i32
      %dma_wait3A_95 = arith.constant 0 : i32
      %dma_wait3A_96 = tpu.memref_slice %arg9[%run_scoped3A_26, %dma_wait3A, %dma_wait3A_95] : memref<2x128x128xf32, #tpu.memory_space<vmem>> -> memref<1x128x128xf32, #tpu.memory_space<vmem>>
      %dma_wait3A_97 = tpu.memref_squeeze %dma_wait3A_96 : memref<1x128x128xf32, #tpu.memory_space<vmem>> -> memref<128x128xf32, #tpu.memory_space<vmem>>
      %dma_wait3A_98 = arith.constant 0 : i32
      %dma_wait3A_99 = tpu.memref_slice %arg10[%add3A_25, %dma_wait3A_98] : memref<10240x128xf32, #tpu.memory_space<vmem_shared>> -> memref<128x128xf32, #tpu.memory_space<vmem_shared>>
      %dma_wait3A_100 = arith.constant 0 : i32
      %dma_wait3A_101 = tpu.memref_slice %arg10[%add3A_25, %dma_wait3A_100] : memref<10240x128xf32, #tpu.memory_space<vmem_shared>> -> memref<128x128xf32, #tpu.memory_space<vmem_shared>>
      %dma_wait3A_102 = arith.constant 0 : i32
      %dma_wait3A_103 = arith.constant 0 : i32
      %dma_wait3A_104 = tpu.memref_slice %arg9[%run_scoped3A_26, %dma_wait3A_102, %dma_wait3A_103] : memref<2x128x128xf32, #tpu.memory_space<vmem>> -> memref<1x128x128xf32, #tpu.memory_space<vmem>>
      %dma_wait3A_105 = tpu.memref_squeeze %dma_wait3A_104 : memref<1x128x128xf32, #tpu.memory_space<vmem>> -> memref<128x128xf32, #tpu.memory_space<vmem>>
      tpu.wait_dma2 semaphore(%run_scoped3A_83 : memref<!tpu.dma_semaphore, #tpu.memory_space<semaphore_mem>>) src(%dma_wait3A_105 : memref<128x128xf32, #tpu.memory_space<vmem>>) dst(%dma_wait3A_101 : memref<128x128xf32, #tpu.memory_space<vmem_shared>>)
      tpu.yield
    }) : () -> ()
    %barrier3A = arith.constant 0 : index
    tpu.barrier barrier_id(%barrier3A)
    %scan3A = arith.constant 0 : i32
    %scan3A_27 = arith.constant 0 : i32
    %scan3A_28 = arith.constant 5 : i32
    %scan3A_29 = arith.addi %scan3A_27, %scan3A_28 : i32
    %scan3A_30 = arith.constant 1 : i32
    scf.for %scan3A_83 = %scan3A_27 to %scan3A_29 step %scan3A_30  : i32 {
      %mul3A_84 = arith.constant 80 : i32
      %mul3A_85 = arith.muli %add3A, %mul3A_84 : i32
      %mul3A_86 = arith.constant 16 : i32
      %mul3A_87 = arith.muli %scan3A_83, %mul3A_86 : i32
      %add3A_88 = arith.addi %mul3A_85, %mul3A_87 : i32
      "tpu.region"() ({
        %run_scoped3A_503 = tpu.sem_alloc : memref<!tpu.dma_semaphore, #tpu.memory_space<semaphore_mem>>
        %dma_start3A_504 = arith.constant 0 : i32
        %dma_start3A_505 = tpu.memref_slice %arg3[%add3A_88, %dma_start3A_504] : memref<2560x128xi32, #tpu.memory_space<hbm>> -> memref<16x128xi32, #tpu.memory_space<hbm>>
        %dma_start3A_506 = arith.constant 0 : i32
        %dma_start3A_507 = tpu.memref_slice %arg3[%add3A_88, %dma_start3A_506] : memref<2560x128xi32, #tpu.memory_space<hbm>> -> memref<16x128xi32, #tpu.memory_space<hbm>>
        tpu.enqueue_dma source(%dma_start3A_507 : memref<16x128xi32, #tpu.memory_space<hbm>>) target(%arg7 : memref<16x128xi32, #tpu.memory_space<vmem>>) target_semaphore(%run_scoped3A_503 : memref<!tpu.dma_semaphore, #tpu.memory_space<semaphore_mem>>)
        %dma_wait3A_508 = arith.constant 0 : i32
        %dma_wait3A_509 = tpu.memref_slice %arg3[%add3A_88, %dma_wait3A_508] : memref<2560x128xi32, #tpu.memory_space<hbm>> -> memref<16x128xi32, #tpu.memory_space<hbm>>
        %dma_wait3A_510 = arith.constant 0 : i32
        %dma_wait3A_511 = tpu.memref_slice %arg3[%add3A_88, %dma_wait3A_510] : memref<2560x128xi32, #tpu.memory_space<hbm>> -> memref<16x128xi32, #tpu.memory_space<hbm>>
        tpu.wait_dma2 semaphore(%run_scoped3A_503 : memref<!tpu.dma_semaphore, #tpu.memory_space<semaphore_mem>>) src(%dma_wait3A_511 : memref<16x128xi32, #tpu.memory_space<hbm>>) dst(%arg7 : memref<16x128xi32, #tpu.memory_space<vmem>>)
        tpu.yield
      }) : () -> ()
      "tpu.region"() ({
        %run_scoped3A_503 = tpu.sem_alloc : memref<!tpu.dma_semaphore, #tpu.memory_space<semaphore_mem>>
        %dma_start3A_504 = arith.constant 0 : i32
        %dma_start3A_505 = tpu.memref_slice %arg4[%add3A_88, %dma_start3A_504] : memref<2560x128xi32, #tpu.memory_space<hbm>> -> memref<16x128xi32, #tpu.memory_space<hbm>>
        %dma_start3A_506 = arith.constant 0 : i32
        %dma_start3A_507 = tpu.memref_slice %arg4[%add3A_88, %dma_start3A_506] : memref<2560x128xi32, #tpu.memory_space<hbm>> -> memref<16x128xi32, #tpu.memory_space<hbm>>
        tpu.enqueue_dma source(%dma_start3A_507 : memref<16x128xi32, #tpu.memory_space<hbm>>) target(%arg8 : memref<16x128xi32, #tpu.memory_space<vmem>>) target_semaphore(%run_scoped3A_503 : memref<!tpu.dma_semaphore, #tpu.memory_space<semaphore_mem>>)
        %dma_wait3A_508 = arith.constant 0 : i32
        %dma_wait3A_509 = tpu.memref_slice %arg4[%add3A_88, %dma_wait3A_508] : memref<2560x128xi32, #tpu.memory_space<hbm>> -> memref<16x128xi32, #tpu.memory_space<hbm>>
        %dma_wait3A_510 = arith.constant 0 : i32
        %dma_wait3A_511 = tpu.memref_slice %arg4[%add3A_88, %dma_wait3A_510] : memref<2560x128xi32, #tpu.memory_space<hbm>> -> memref<16x128xi32, #tpu.memory_space<hbm>>
        tpu.wait_dma2 semaphore(%run_scoped3A_503 : memref<!tpu.dma_semaphore, #tpu.memory_space<semaphore_mem>>) src(%dma_wait3A_511 : memref<16x128xi32, #tpu.memory_space<hbm>>) dst(%arg8 : memref<16x128xi32, #tpu.memory_space<vmem>>)
        tpu.yield
      }) : () -> ()
      %dma_start3A = arith.constant 0 : i32
      %dma_start3A_89 = arith.constant 0 : i32
      %dma_start3A_90 = arith.constant 0 : i32
      %dma_start3A_91 = arith.constant 0 : i32
      %dma_start3A_92 = tpu.memref_slice %arg9[%dma_start3A_89, %dma_start3A_90, %dma_start3A_91] : memref<2x128x128xf32, #tpu.memory_space<vmem>> -> memref<1x128x128xf32, #tpu.memory_space<vmem>>
      %dma_start3A_93 = tpu.memref_squeeze %dma_start3A_92 : memref<1x128x128xf32, #tpu.memory_space<vmem>> -> memref<128x128xf32, #tpu.memory_space<vmem>>
      %dma_start3A_94 = arith.constant 0 : i32
      %dma_start3A_95 = tpu.memref_slice %arg7[%dma_start3A, %dma_start3A_94] : memref<16x128xi32, #tpu.memory_space<vmem>> -> memref<1x128xi32, #tpu.memory_space<vmem>>
      %dma_start3A_96 = tpu.memref_squeeze %dma_start3A_95 : memref<1x128xi32, #tpu.memory_space<vmem>> -> memref<128xi32, #tpu.memory_space<vmem>>
      %dma_start3A_97 = arith.constant 0 : i32
      %dma_start3A_98 = arith.constant 0 : i32
      %dma_start3A_99 = tpu.memref_slice %arg2[%dma_start3A_97, %dma_start3A_98] : memref<10000x128xf32, #tpu.memory_space<hbm>> -> memref<10000x128xf32, #tpu.memory_space<hbm>>
      tpu.enqueue_indirect_dma source(%dma_start3A_99 : memref<10000x128xf32, #tpu.memory_space<hbm>>) target(%dma_start3A_93 : memref<128x128xf32, #tpu.memory_space<vmem>>) offsets(%dma_start3A_96 : memref<128xi32, #tpu.memory_space<vmem>>) semaphore(%arg11 : memref<!tpu.dma_semaphore, #tpu.memory_space<semaphore_mem>>)
      %dma_start3A_100 = arith.constant 1 : i32
      %dma_start3A_101 = arith.constant 1 : i32
      %dma_start3A_102 = arith.constant 0 : i32
      %dma_start3A_103 = arith.constant 0 : i32
      %dma_start3A_104 = tpu.memref_slice %arg9[%dma_start3A_101, %dma_start3A_102, %dma_start3A_103] : memref<2x128x128xf32, #tpu.memory_space<vmem>> -> memref<1x128x128xf32, #tpu.memory_space<vmem>>
      %dma_start3A_105 = tpu.memref_squeeze %dma_start3A_104 : memref<1x128x128xf32, #tpu.memory_space<vmem>> -> memref<128x128xf32, #tpu.memory_space<vmem>>
      %dma_start3A_106 = arith.constant 0 : i32
      %dma_start3A_107 = tpu.memref_slice %arg7[%dma_start3A_100, %dma_start3A_106] : memref<16x128xi32, #tpu.memory_space<vmem>> -> memref<1x128xi32, #tpu.memory_space<vmem>>
      %dma_start3A_108 = tpu.memref_squeeze %dma_start3A_107 : memref<1x128xi32, #tpu.memory_space<vmem>> -> memref<128xi32, #tpu.memory_space<vmem>>
      %dma_start3A_109 = arith.constant 0 : i32
      %dma_start3A_110 = arith.constant 0 : i32
      %dma_start3A_111 = tpu.memref_slice %arg2[%dma_start3A_109, %dma_start3A_110] : memref<10000x128xf32, #tpu.memory_space<hbm>> -> memref<10000x128xf32, #tpu.memory_space<hbm>>
      tpu.enqueue_indirect_dma source(%dma_start3A_111 : memref<10000x128xf32, #tpu.memory_space<hbm>>) target(%dma_start3A_105 : memref<128x128xf32, #tpu.memory_space<vmem>>) offsets(%dma_start3A_108 : memref<128xi32, #tpu.memory_space<vmem>>) semaphore(%arg12 : memref<!tpu.dma_semaphore, #tpu.memory_space<semaphore_mem>>)
      %dma_wait3A = arith.constant 0 : i32
      %dma_wait3A_112 = arith.constant 0 : i32
      %dma_wait3A_113 = arith.constant 0 : i32
      %dma_wait3A_114 = arith.constant 0 : i32
      %dma_wait3A_115 = tpu.memref_slice %arg9[%dma_wait3A_112, %dma_wait3A_113, %dma_wait3A_114] : memref<2x128x128xf32, #tpu.memory_space<vmem>> -> memref<1x128x128xf32, #tpu.memory_space<vmem>>
      %dma_wait3A_116 = tpu.memref_squeeze %dma_wait3A_115 : memref<1x128x128xf32, #tpu.memory_space<vmem>> -> memref<128x128xf32, #tpu.memory_space<vmem>>
      %dma_wait3A_117 = arith.constant 0 : i32
      %dma_wait3A_118 = tpu.memref_slice %arg7[%dma_wait3A, %dma_wait3A_117] : memref<16x128xi32, #tpu.memory_space<vmem>> -> memref<1x128xi32, #tpu.memory_space<vmem>>
      %dma_wait3A_119 = tpu.memref_squeeze %dma_wait3A_118 : memref<1x128xi32, #tpu.memory_space<vmem>> -> memref<128xi32, #tpu.memory_space<vmem>>
      %dma_wait3A_120 = arith.constant 0 : i32
      %dma_wait3A_121 = arith.constant 0 : i32
      %dma_wait3A_122 = tpu.memref_slice %arg2[%dma_wait3A_120, %dma_wait3A_121] : memref<10000x128xf32, #tpu.memory_space<hbm>> -> memref<10000x128xf32, #tpu.memory_space<hbm>>
      tpu.wait_indirect_dma semaphore(%arg11 : memref<!tpu.dma_semaphore, #tpu.memory_space<semaphore_mem>>) src(%dma_wait3A_122 : memref<10000x128xf32, #tpu.memory_space<hbm>>) dst(%dma_wait3A_116 : memref<128x128xf32, #tpu.memory_space<vmem>>)
      %run_scoped3A_123 = arith.constant 0 : i32
      %run_scoped3A_124 = arith.constant 0 : i32
      "tpu.region"() ({
        %run_scoped3A_503 = tpu.sem_alloc : memref<!tpu.dma_semaphore, #tpu.memory_space<semaphore_mem>>
        %dma_start3A_504 = arith.constant 0 : i32
        %dma_start3A_505 = arith.constant 0 : i32
        %dma_start3A_506 = tpu.memref_slice %arg9[%run_scoped3A_123, %dma_start3A_504, %dma_start3A_505] : memref<2x128x128xf32, #tpu.memory_space<vmem>> -> memref<1x128x128xf32, #tpu.memory_space<vmem>>
        %dma_start3A_507 = tpu.memref_squeeze %dma_start3A_506 : memref<1x128x128xf32, #tpu.memory_space<vmem>> -> memref<128x128xf32, #tpu.memory_space<vmem>>
        %dma_start3A_508 = arith.constant 0 : i32
        %dma_start3A_509 = tpu.memref_slice %arg8[%run_scoped3A_124, %dma_start3A_508] : memref<16x128xi32, #tpu.memory_space<vmem>> -> memref<1x128xi32, #tpu.memory_space<vmem>>
        %dma_start3A_510 = tpu.memref_squeeze %dma_start3A_509 : memref<1x128xi32, #tpu.memory_space<vmem>> -> memref<128xi32, #tpu.memory_space<vmem>>
        %dma_start3A_511 = arith.constant 0 : i32
        %dma_start3A_512 = arith.constant 0 : i32
        %dma_start3A_513 = tpu.memref_slice %arg10[%dma_start3A_511, %dma_start3A_512] : memref<10240x128xf32, #tpu.memory_space<vmem_shared>> -> memref<10240x128xf32, #tpu.memory_space<vmem_shared>>
        tpu.enqueue_indirect_dma source(%dma_start3A_507 : memref<128x128xf32, #tpu.memory_space<vmem>>) target(%dma_start3A_513 : memref<10240x128xf32, #tpu.memory_space<vmem_shared>>) offsets(%dma_start3A_510 : memref<128xi32, #tpu.memory_space<vmem>>) semaphore(%run_scoped3A_503 : memref<!tpu.dma_semaphore, #tpu.memory_space<semaphore_mem>>) {add = true}
        %dma_wait3A_514 = arith.constant 0 : i32
        %dma_wait3A_515 = arith.constant 0 : i32
        %dma_wait3A_516 = tpu.memref_slice %arg9[%run_scoped3A_123, %dma_wait3A_514, %dma_wait3A_515] : memref<2x128x128xf32, #tpu.memory_space<vmem>> -> memref<1x128x128xf32, #tpu.memory_space<vmem>>
        %dma_wait3A_517 = tpu.memref_squeeze %dma_wait3A_516 : memref<1x128x128xf32, #tpu.memory_space<vmem>> -> memref<128x128xf32, #tpu.memory_space<vmem>>
        %dma_wait3A_518 = arith.constant 0 : i32
        %dma_wait3A_519 = tpu.memref_slice %arg8[%run_scoped3A_124, %dma_wait3A_518] : memref<16x128xi32, #tpu.memory_space<vmem>> -> memref<1x128xi32, #tpu.memory_space<vmem>>
        %dma_wait3A_520 = tpu.memref_squeeze %dma_wait3A_519 : memref<1x128xi32, #tpu.memory_space<vmem>> -> memref<128xi32, #tpu.memory_space<vmem>>
        %dma_wait3A_521 = arith.constant 0 : i32
        %dma_wait3A_522 = arith.constant 0 : i32
        %dma_wait3A_523 = tpu.memref_slice %arg10[%dma_wait3A_521, %dma_wait3A_522] : memref<10240x128xf32, #tpu.memory_space<vmem_shared>> -> memref<10240x128xf32, #tpu.memory_space<vmem_shared>>
        tpu.wait_indirect_dma semaphore(%run_scoped3A_503 : memref<!tpu.dma_semaphore, #tpu.memory_space<semaphore_mem>>) src(%dma_wait3A_517 : memref<128x128xf32, #tpu.memory_space<vmem>>) dst(%dma_wait3A_523 : memref<10240x128xf32, #tpu.memory_space<vmem_shared>>)
        tpu.yield
      }) : () -> ()
      %dma_start3A_125 = arith.constant 2 : i32
      %dma_start3A_126 = arith.constant 0 : i32
      %dma_start3A_127 = arith.constant 0 : i32
      %dma_start3A_128 = arith.constant 0 : i32
      %dma_start3A_129 = tpu.memref_slice %arg9[%dma_start3A_126, %dma_start3A_127, %dma_start3A_128] : memref<2x128x128xf32, #tpu.memory_space<vmem>> -> memref<1x128x128xf32, #tpu.memory_space<vmem>>
      %dma_start3A_130 = tpu.memref_squeeze %dma_start3A_129 : memref<1x128x128xf32, #tpu.memory_space<vmem>> -> memref<128x128xf32, #tpu.memory_space<vmem>>
      %dma_start3A_131 = arith.constant 0 : i32
      %dma_start3A_132 = tpu.memref_slice %arg7[%dma_start3A_125, %dma_start3A_131] : memref<16x128xi32, #tpu.memory_space<vmem>> -> memref<1x128xi32, #tpu.memory_space<vmem>>
      %dma_start3A_133 = tpu.memref_squeeze %dma_start3A_132 : memref<1x128xi32, #tpu.memory_space<vmem>> -> memref<128xi32, #tpu.memory_space<vmem>>
      %dma_start3A_134 = arith.constant 0 : i32
      %dma_start3A_135 = arith.constant 0 : i32
      %dma_start3A_136 = tpu.memref_slice %arg2[%dma_start3A_134, %dma_start3A_135] : memref<10000x128xf32, #tpu.memory_space<hbm>> -> memref<10000x128xf32, #tpu.memory_space<hbm>>
      tpu.enqueue_indirect_dma source(%dma_start3A_136 : memref<10000x128xf32, #tpu.memory_space<hbm>>) target(%dma_start3A_130 : memref<128x128xf32, #tpu.memory_space<vmem>>) offsets(%dma_start3A_133 : memref<128xi32, #tpu.memory_space<vmem>>) semaphore(%arg11 : memref<!tpu.dma_semaphore, #tpu.memory_space<semaphore_mem>>)
      %dma_wait3A_137 = arith.constant 1 : i32
      %dma_wait3A_138 = arith.constant 1 : i32
      %dma_wait3A_139 = arith.constant 0 : i32
      %dma_wait3A_140 = arith.constant 0 : i32
      %dma_wait3A_141 = tpu.memref_slice %arg9[%dma_wait3A_138, %dma_wait3A_139, %dma_wait3A_140] : memref<2x128x128xf32, #tpu.memory_space<vmem>> -> memref<1x128x128xf32, #tpu.memory_space<vmem>>
      %dma_wait3A_142 = tpu.memref_squeeze %dma_wait3A_141 : memref<1x128x128xf32, #tpu.memory_space<vmem>> -> memref<128x128xf32, #tpu.memory_space<vmem>>
      %dma_wait3A_143 = arith.constant 0 : i32
      %dma_wait3A_144 = tpu.memref_slice %arg7[%dma_wait3A_137, %dma_wait3A_143] : memref<16x128xi32, #tpu.memory_space<vmem>> -> memref<1x128xi32, #tpu.memory_space<vmem>>
      %dma_wait3A_145 = tpu.memref_squeeze %dma_wait3A_144 : memref<1x128xi32, #tpu.memory_space<vmem>> -> memref<128xi32, #tpu.memory_space<vmem>>
      %dma_wait3A_146 = arith.constant 0 : i32
      %dma_wait3A_147 = arith.constant 0 : i32
      %dma_wait3A_148 = tpu.memref_slice %arg2[%dma_wait3A_146, %dma_wait3A_147] : memref<10000x128xf32, #tpu.memory_space<hbm>> -> memref<10000x128xf32, #tpu.memory_space<hbm>>
      tpu.wait_indirect_dma semaphore(%arg12 : memref<!tpu.dma_semaphore, #tpu.memory_space<semaphore_mem>>) src(%dma_wait3A_148 : memref<10000x128xf32, #tpu.memory_space<hbm>>) dst(%dma_wait3A_142 : memref<128x128xf32, #tpu.memory_space<vmem>>)
      %run_scoped3A_149 = arith.constant 1 : i32
      %run_scoped3A_150 = arith.constant 1 : i32
      "tpu.region"() ({
        %run_scoped3A_503 = tpu.sem_alloc : memref<!tpu.dma_semaphore, #tpu.memory_space<semaphore_mem>>
        %dma_start3A_504 = arith.constant 0 : i32
        %dma_start3A_505 = arith.constant 0 : i32
        %dma_start3A_506 = tpu.memref_slice %arg9[%run_scoped3A_149, %dma_start3A_504, %dma_start3A_505] : memref<2x128x128xf32, #tpu.memory_space<vmem>> -> memref<1x128x128xf32, #tpu.memory_space<vmem>>
        %dma_start3A_507 = tpu.memref_squeeze %dma_start3A_506 : memref<1x128x128xf32, #tpu.memory_space<vmem>> -> memref<128x128xf32, #tpu.memory_space<vmem>>
        %dma_start3A_508 = arith.constant 0 : i32
        %dma_start3A_509 = tpu.memref_slice %arg8[%run_scoped3A_150, %dma_start3A_508] : memref<16x128xi32, #tpu.memory_space<vmem>> -> memref<1x128xi32, #tpu.memory_space<vmem>>
        %dma_start3A_510 = tpu.memref_squeeze %dma_start3A_509 : memref<1x128xi32, #tpu.memory_space<vmem>> -> memref<128xi32, #tpu.memory_space<vmem>>
        %dma_start3A_511 = arith.constant 0 : i32
        %dma_start3A_512 = arith.constant 0 : i32
        %dma_start3A_513 = tpu.memref_slice %arg10[%dma_start3A_511, %dma_start3A_512] : memref<10240x128xf32, #tpu.memory_space<vmem_shared>> -> memref<10240x128xf32, #tpu.memory_space<vmem_shared>>
        tpu.enqueue_indirect_dma source(%dma_start3A_507 : memref<128x128xf32, #tpu.memory_space<vmem>>) target(%dma_start3A_513 : memref<10240x128xf32, #tpu.memory_space<vmem_shared>>) offsets(%dma_start3A_510 : memref<128xi32, #tpu.memory_space<vmem>>) semaphore(%run_scoped3A_503 : memref<!tpu.dma_semaphore, #tpu.memory_space<semaphore_mem>>) {add = true}
        %dma_wait3A_514 = arith.constant 0 : i32
        %dma_wait3A_515 = arith.constant 0 : i32
        %dma_wait3A_516 = tpu.memref_slice %arg9[%run_scoped3A_149, %dma_wait3A_514, %dma_wait3A_515] : memref<2x128x128xf32, #tpu.memory_space<vmem>> -> memref<1x128x128xf32, #tpu.memory_space<vmem>>
        %dma_wait3A_517 = tpu.memref_squeeze %dma_wait3A_516 : memref<1x128x128xf32, #tpu.memory_space<vmem>> -> memref<128x128xf32, #tpu.memory_space<vmem>>
        %dma_wait3A_518 = arith.constant 0 : i32
        %dma_wait3A_519 = tpu.memref_slice %arg8[%run_scoped3A_150, %dma_wait3A_518] : memref<16x128xi32, #tpu.memory_space<vmem>> -> memref<1x128xi32, #tpu.memory_space<vmem>>
        %dma_wait3A_520 = tpu.memref_squeeze %dma_wait3A_519 : memref<1x128xi32, #tpu.memory_space<vmem>> -> memref<128xi32, #tpu.memory_space<vmem>>
        %dma_wait3A_521 = arith.constant 0 : i32
        %dma_wait3A_522 = arith.constant 0 : i32
        %dma_wait3A_523 = tpu.memref_slice %arg10[%dma_wait3A_521, %dma_wait3A_522] : memref<10240x128xf32, #tpu.memory_space<vmem_shared>> -> memref<10240x128xf32, #tpu.memory_space<vmem_shared>>
        tpu.wait_indirect_dma semaphore(%run_scoped3A_503 : memref<!tpu.dma_semaphore, #tpu.memory_space<semaphore_mem>>) src(%dma_wait3A_517 : memref<128x128xf32, #tpu.memory_space<vmem>>) dst(%dma_wait3A_523 : memref<10240x128xf32, #tpu.memory_space<vmem_shared>>)
        tpu.yield
      }) : () -> ()
      %dma_start3A_151 = arith.constant 3 : i32
      %dma_start3A_152 = arith.constant 1 : i32
      %dma_start3A_153 = arith.constant 0 : i32
      %dma_start3A_154 = arith.constant 0 : i32
      %dma_start3A_155 = tpu.memref_slice %arg9[%dma_start3A_152, %dma_start3A_153, %dma_start3A_154] : memref<2x128x128xf32, #tpu.memory_space<vmem>> -> memref<1x128x128xf32, #tpu.memory_space<vmem>>
      %dma_start3A_156 = tpu.memref_squeeze %dma_start3A_155 : memref<1x128x128xf32, #tpu.memory_space<vmem>> -> memref<128x128xf32, #tpu.memory_space<vmem>>
      %dma_start3A_157 = arith.constant 0 : i32
      %dma_start3A_158 = tpu.memref_slice %arg7[%dma_start3A_151, %dma_start3A_157] : memref<16x128xi32, #tpu.memory_space<vmem>> -> memref<1x128xi32, #tpu.memory_space<vmem>>
      %dma_start3A_159 = tpu.memref_squeeze %dma_start3A_158 : memref<1x128xi32, #tpu.memory_space<vmem>> -> memref<128xi32, #tpu.memory_space<vmem>>
      %dma_start3A_160 = arith.constant 0 : i32
      %dma_start3A_161 = arith.constant 0 : i32
      %dma_start3A_162 = tpu.memref_slice %arg2[%dma_start3A_160, %dma_start3A_161] : memref<10000x128xf32, #tpu.memory_space<hbm>> -> memref<10000x128xf32, #tpu.memory_space<hbm>>
      tpu.enqueue_indirect_dma source(%dma_start3A_162 : memref<10000x128xf32, #tpu.memory_space<hbm>>) target(%dma_start3A_156 : memref<128x128xf32, #tpu.memory_space<vmem>>) offsets(%dma_start3A_159 : memref<128xi32, #tpu.memory_space<vmem>>) semaphore(%arg12 : memref<!tpu.dma_semaphore, #tpu.memory_space<semaphore_mem>>)
      %dma_wait3A_163 = arith.constant 2 : i32
      %dma_wait3A_164 = arith.constant 0 : i32
      %dma_wait3A_165 = arith.constant 0 : i32
      %dma_wait3A_166 = arith.constant 0 : i32
      %dma_wait3A_167 = tpu.memref_slice %arg9[%dma_wait3A_164, %dma_wait3A_165, %dma_wait3A_166] : memref<2x128x128xf32, #tpu.memory_space<vmem>> -> memref<1x128x128xf32, #tpu.memory_space<vmem>>
      %dma_wait3A_168 = tpu.memref_squeeze %dma_wait3A_167 : memref<1x128x128xf32, #tpu.memory_space<vmem>> -> memref<128x128xf32, #tpu.memory_space<vmem>>
      %dma_wait3A_169 = arith.constant 0 : i32
      %dma_wait3A_170 = tpu.memref_slice %arg7[%dma_wait3A_163, %dma_wait3A_169] : memref<16x128xi32, #tpu.memory_space<vmem>> -> memref<1x128xi32, #tpu.memory_space<vmem>>
      %dma_wait3A_171 = tpu.memref_squeeze %dma_wait3A_170 : memref<1x128xi32, #tpu.memory_space<vmem>> -> memref<128xi32, #tpu.memory_space<vmem>>
      %dma_wait3A_172 = arith.constant 0 : i32
      %dma_wait3A_173 = arith.constant 0 : i32
      %dma_wait3A_174 = tpu.memref_slice %arg2[%dma_wait3A_172, %dma_wait3A_173] : memref<10000x128xf32, #tpu.memory_space<hbm>> -> memref<10000x128xf32, #tpu.memory_space<hbm>>
      tpu.wait_indirect_dma semaphore(%arg11 : memref<!tpu.dma_semaphore, #tpu.memory_space<semaphore_mem>>) src(%dma_wait3A_174 : memref<10000x128xf32, #tpu.memory_space<hbm>>) dst(%dma_wait3A_168 : memref<128x128xf32, #tpu.memory_space<vmem>>)
      %run_scoped3A_175 = arith.constant 0 : i32
      %run_scoped3A_176 = arith.constant 2 : i32
      "tpu.region"() ({
        %run_scoped3A_503 = tpu.sem_alloc : memref<!tpu.dma_semaphore, #tpu.memory_space<semaphore_mem>>
        %dma_start3A_504 = arith.constant 0 : i32
        %dma_start3A_505 = arith.constant 0 : i32
        %dma_start3A_506 = tpu.memref_slice %arg9[%run_scoped3A_175, %dma_start3A_504, %dma_start3A_505] : memref<2x128x128xf32, #tpu.memory_space<vmem>> -> memref<1x128x128xf32, #tpu.memory_space<vmem>>
        %dma_start3A_507 = tpu.memref_squeeze %dma_start3A_506 : memref<1x128x128xf32, #tpu.memory_space<vmem>> -> memref<128x128xf32, #tpu.memory_space<vmem>>
        %dma_start3A_508 = arith.constant 0 : i32
        %dma_start3A_509 = tpu.memref_slice %arg8[%run_scoped3A_176, %dma_start3A_508] : memref<16x128xi32, #tpu.memory_space<vmem>> -> memref<1x128xi32, #tpu.memory_space<vmem>>
        %dma_start3A_510 = tpu.memref_squeeze %dma_start3A_509 : memref<1x128xi32, #tpu.memory_space<vmem>> -> memref<128xi32, #tpu.memory_space<vmem>>
        %dma_start3A_511 = arith.constant 0 : i32
        %dma_start3A_512 = arith.constant 0 : i32
        %dma_start3A_513 = tpu.memref_slice %arg10[%dma_start3A_511, %dma_start3A_512] : memref<10240x128xf32, #tpu.memory_space<vmem_shared>> -> memref<10240x128xf32, #tpu.memory_space<vmem_shared>>
        tpu.enqueue_indirect_dma source(%dma_start3A_507 : memref<128x128xf32, #tpu.memory_space<vmem>>) target(%dma_start3A_513 : memref<10240x128xf32, #tpu.memory_space<vmem_shared>>) offsets(%dma_start3A_510 : memref<128xi32, #tpu.memory_space<vmem>>) semaphore(%run_scoped3A_503 : memref<!tpu.dma_semaphore, #tpu.memory_space<semaphore_mem>>) {add = true}
        %dma_wait3A_514 = arith.constant 0 : i32
        %dma_wait3A_515 = arith.constant 0 : i32
        %dma_wait3A_516 = tpu.memref_slice %arg9[%run_scoped3A_175, %dma_wait3A_514, %dma_wait3A_515] : memref<2x128x128xf32, #tpu.memory_space<vmem>> -> memref<1x128x128xf32, #tpu.memory_space<vmem>>
        %dma_wait3A_517 = tpu.memref_squeeze %dma_wait3A_516 : memref<1x128x128xf32, #tpu.memory_space<vmem>> -> memref<128x128xf32, #tpu.memory_space<vmem>>
        %dma_wait3A_518 = arith.constant 0 : i32
        %dma_wait3A_519 = tpu.memref_slice %arg8[%run_scoped3A_176, %dma_wait3A_518] : memref<16x128xi32, #tpu.memory_space<vmem>> -> memref<1x128xi32, #tpu.memory_space<vmem>>
        %dma_wait3A_520 = tpu.memref_squeeze %dma_wait3A_519 : memref<1x128xi32, #tpu.memory_space<vmem>> -> memref<128xi32, #tpu.memory_space<vmem>>
        %dma_wait3A_521 = arith.constant 0 : i32
        %dma_wait3A_522 = arith.constant 0 : i32
        %dma_wait3A_523 = tpu.memref_slice %arg10[%dma_wait3A_521, %dma_wait3A_522] : memref<10240x128xf32, #tpu.memory_space<vmem_shared>> -> memref<10240x128xf32, #tpu.memory_space<vmem_shared>>
        tpu.wait_indirect_dma semaphore(%run_scoped3A_503 : memref<!tpu.dma_semaphore, #tpu.memory_space<semaphore_mem>>) src(%dma_wait3A_517 : memref<128x128xf32, #tpu.memory_space<vmem>>) dst(%dma_wait3A_523 : memref<10240x128xf32, #tpu.memory_space<vmem_shared>>)
        tpu.yield
      }) : () -> ()
      %dma_start3A_177 = arith.constant 4 : i32
      %dma_start3A_178 = arith.constant 0 : i32
      %dma_start3A_179 = arith.constant 0 : i32
      %dma_start3A_180 = arith.constant 0 : i32
      %dma_start3A_181 = tpu.memref_slice %arg9[%dma_start3A_178, %dma_start3A_179, %dma_start3A_180] : memref<2x128x128xf32, #tpu.memory_space<vmem>> -> memref<1x128x128xf32, #tpu.memory_space<vmem>>
      %dma_start3A_182 = tpu.memref_squeeze %dma_start3A_181 : memref<1x128x128xf32, #tpu.memory_space<vmem>> -> memref<128x128xf32, #tpu.memory_space<vmem>>
      %dma_start3A_183 = arith.constant 0 : i32
      %dma_start3A_184 = tpu.memref_slice %arg7[%dma_start3A_177, %dma_start3A_183] : memref<16x128xi32, #tpu.memory_space<vmem>> -> memref<1x128xi32, #tpu.memory_space<vmem>>
      %dma_start3A_185 = tpu.memref_squeeze %dma_start3A_184 : memref<1x128xi32, #tpu.memory_space<vmem>> -> memref<128xi32, #tpu.memory_space<vmem>>
      %dma_start3A_186 = arith.constant 0 : i32
      %dma_start3A_187 = arith.constant 0 : i32
      %dma_start3A_188 = tpu.memref_slice %arg2[%dma_start3A_186, %dma_start3A_187] : memref<10000x128xf32, #tpu.memory_space<hbm>> -> memref<10000x128xf32, #tpu.memory_space<hbm>>
      tpu.enqueue_indirect_dma source(%dma_start3A_188 : memref<10000x128xf32, #tpu.memory_space<hbm>>) target(%dma_start3A_182 : memref<128x128xf32, #tpu.memory_space<vmem>>) offsets(%dma_start3A_185 : memref<128xi32, #tpu.memory_space<vmem>>) semaphore(%arg11 : memref<!tpu.dma_semaphore, #tpu.memory_space<semaphore_mem>>)
      %dma_wait3A_189 = arith.constant 3 : i32
      %dma_wait3A_190 = arith.constant 1 : i32
      %dma_wait3A_191 = arith.constant 0 : i32
      %dma_wait3A_192 = arith.constant 0 : i32
      %dma_wait3A_193 = tpu.memref_slice %arg9[%dma_wait3A_190, %dma_wait3A_191, %dma_wait3A_192] : memref<2x128x128xf32, #tpu.memory_space<vmem>> -> memref<1x128x128xf32, #tpu.memory_space<vmem>>
      %dma_wait3A_194 = tpu.memref_squeeze %dma_wait3A_193 : memref<1x128x128xf32, #tpu.memory_space<vmem>> -> memref<128x128xf32, #tpu.memory_space<vmem>>
      %dma_wait3A_195 = arith.constant 0 : i32
      %dma_wait3A_196 = tpu.memref_slice %arg7[%dma_wait3A_189, %dma_wait3A_195] : memref<16x128xi32, #tpu.memory_space<vmem>> -> memref<1x128xi32, #tpu.memory_space<vmem>>
      %dma_wait3A_197 = tpu.memref_squeeze %dma_wait3A_196 : memref<1x128xi32, #tpu.memory_space<vmem>> -> memref<128xi32, #tpu.memory_space<vmem>>
      %dma_wait3A_198 = arith.constant 0 : i32
      %dma_wait3A_199 = arith.constant 0 : i32
      %dma_wait3A_200 = tpu.memref_slice %arg2[%dma_wait3A_198, %dma_wait3A_199] : memref<10000x128xf32, #tpu.memory_space<hbm>> -> memref<10000x128xf32, #tpu.memory_space<hbm>>
      tpu.wait_indirect_dma semaphore(%arg12 : memref<!tpu.dma_semaphore, #tpu.memory_space<semaphore_mem>>) src(%dma_wait3A_200 : memref<10000x128xf32, #tpu.memory_space<hbm>>) dst(%dma_wait3A_194 : memref<128x128xf32, #tpu.memory_space<vmem>>)
      %run_scoped3A_201 = arith.constant 1 : i32
      %run_scoped3A_202 = arith.constant 3 : i32
      "tpu.region"() ({
        %run_scoped3A_503 = tpu.sem_alloc : memref<!tpu.dma_semaphore, #tpu.memory_space<semaphore_mem>>
        %dma_start3A_504 = arith.constant 0 : i32
        %dma_start3A_505 = arith.constant 0 : i32
        %dma_start3A_506 = tpu.memref_slice %arg9[%run_scoped3A_201, %dma_start3A_504, %dma_start3A_505] : memref<2x128x128xf32, #tpu.memory_space<vmem>> -> memref<1x128x128xf32, #tpu.memory_space<vmem>>
        %dma_start3A_507 = tpu.memref_squeeze %dma_start3A_506 : memref<1x128x128xf32, #tpu.memory_space<vmem>> -> memref<128x128xf32, #tpu.memory_space<vmem>>
        %dma_start3A_508 = arith.constant 0 : i32
        %dma_start3A_509 = tpu.memref_slice %arg8[%run_scoped3A_202, %dma_start3A_508] : memref<16x128xi32, #tpu.memory_space<vmem>> -> memref<1x128xi32, #tpu.memory_space<vmem>>
        %dma_start3A_510 = tpu.memref_squeeze %dma_start3A_509 : memref<1x128xi32, #tpu.memory_space<vmem>> -> memref<128xi32, #tpu.memory_space<vmem>>
        %dma_start3A_511 = arith.constant 0 : i32
        %dma_start3A_512 = arith.constant 0 : i32
        %dma_start3A_513 = tpu.memref_slice %arg10[%dma_start3A_511, %dma_start3A_512] : memref<10240x128xf32, #tpu.memory_space<vmem_shared>> -> memref<10240x128xf32, #tpu.memory_space<vmem_shared>>
        tpu.enqueue_indirect_dma source(%dma_start3A_507 : memref<128x128xf32, #tpu.memory_space<vmem>>) target(%dma_start3A_513 : memref<10240x128xf32, #tpu.memory_space<vmem_shared>>) offsets(%dma_start3A_510 : memref<128xi32, #tpu.memory_space<vmem>>) semaphore(%run_scoped3A_503 : memref<!tpu.dma_semaphore, #tpu.memory_space<semaphore_mem>>) {add = true}
        %dma_wait3A_514 = arith.constant 0 : i32
        %dma_wait3A_515 = arith.constant 0 : i32
        %dma_wait3A_516 = tpu.memref_slice %arg9[%run_scoped3A_201, %dma_wait3A_514, %dma_wait3A_515] : memref<2x128x128xf32, #tpu.memory_space<vmem>> -> memref<1x128x128xf32, #tpu.memory_space<vmem>>
        %dma_wait3A_517 = tpu.memref_squeeze %dma_wait3A_516 : memref<1x128x128xf32, #tpu.memory_space<vmem>> -> memref<128x128xf32, #tpu.memory_space<vmem>>
        %dma_wait3A_518 = arith.constant 0 : i32
        %dma_wait3A_519 = tpu.memref_slice %arg8[%run_scoped3A_202, %dma_wait3A_518] : memref<16x128xi32, #tpu.memory_space<vmem>> -> memref<1x128xi32, #tpu.memory_space<vmem>>
        %dma_wait3A_520 = tpu.memref_squeeze %dma_wait3A_519 : memref<1x128xi32, #tpu.memory_space<vmem>> -> memref<128xi32, #tpu.memory_space<vmem>>
        %dma_wait3A_521 = arith.constant 0 : i32
        %dma_wait3A_522 = arith.constant 0 : i32
        %dma_wait3A_523 = tpu.memref_slice %arg10[%dma_wait3A_521, %dma_wait3A_522] : memref<10240x128xf32, #tpu.memory_space<vmem_shared>> -> memref<10240x128xf32, #tpu.memory_space<vmem_shared>>
        tpu.wait_indirect_dma semaphore(%run_scoped3A_503 : memref<!tpu.dma_semaphore, #tpu.memory_space<semaphore_mem>>) src(%dma_wait3A_517 : memref<128x128xf32, #tpu.memory_space<vmem>>) dst(%dma_wait3A_523 : memref<10240x128xf32, #tpu.memory_space<vmem_shared>>)
        tpu.yield
      }) : () -> ()
      %dma_start3A_203 = arith.constant 5 : i32
      %dma_start3A_204 = arith.constant 1 : i32
      %dma_start3A_205 = arith.constant 0 : i32
      %dma_start3A_206 = arith.constant 0 : i32
      %dma_start3A_207 = tpu.memref_slice %arg9[%dma_start3A_204, %dma_start3A_205, %dma_start3A_206] : memref<2x128x128xf32, #tpu.memory_space<vmem>> -> memref<1x128x128xf32, #tpu.memory_space<vmem>>
      %dma_start3A_208 = tpu.memref_squeeze %dma_start3A_207 : memref<1x128x128xf32, #tpu.memory_space<vmem>> -> memref<128x128xf32, #tpu.memory_space<vmem>>
      %dma_start3A_209 = arith.constant 0 : i32
      %dma_start3A_210 = tpu.memref_slice %arg7[%dma_start3A_203, %dma_start3A_209] : memref<16x128xi32, #tpu.memory_space<vmem>> -> memref<1x128xi32, #tpu.memory_space<vmem>>
      %dma_start3A_211 = tpu.memref_squeeze %dma_start3A_210 : memref<1x128xi32, #tpu.memory_space<vmem>> -> memref<128xi32, #tpu.memory_space<vmem>>
      %dma_start3A_212 = arith.constant 0 : i32
      %dma_start3A_213 = arith.constant 0 : i32
      %dma_start3A_214 = tpu.memref_slice %arg2[%dma_start3A_212, %dma_start3A_213] : memref<10000x128xf32, #tpu.memory_space<hbm>> -> memref<10000x128xf32, #tpu.memory_space<hbm>>
      tpu.enqueue_indirect_dma source(%dma_start3A_214 : memref<10000x128xf32, #tpu.memory_space<hbm>>) target(%dma_start3A_208 : memref<128x128xf32, #tpu.memory_space<vmem>>) offsets(%dma_start3A_211 : memref<128xi32, #tpu.memory_space<vmem>>) semaphore(%arg12 : memref<!tpu.dma_semaphore, #tpu.memory_space<semaphore_mem>>)
      %dma_wait3A_215 = arith.constant 4 : i32
      %dma_wait3A_216 = arith.constant 0 : i32
      %dma_wait3A_217 = arith.constant 0 : i32
      %dma_wait3A_218 = arith.constant 0 : i32
      %dma_wait3A_219 = tpu.memref_slice %arg9[%dma_wait3A_216, %dma_wait3A_217, %dma_wait3A_218] : memref<2x128x128xf32, #tpu.memory_space<vmem>> -> memref<1x128x128xf32, #tpu.memory_space<vmem>>
      %dma_wait3A_220 = tpu.memref_squeeze %dma_wait3A_219 : memref<1x128x128xf32, #tpu.memory_space<vmem>> -> memref<128x128xf32, #tpu.memory_space<vmem>>
      %dma_wait3A_221 = arith.constant 0 : i32
      %dma_wait3A_222 = tpu.memref_slice %arg7[%dma_wait3A_215, %dma_wait3A_221] : memref<16x128xi32, #tpu.memory_space<vmem>> -> memref<1x128xi32, #tpu.memory_space<vmem>>
      %dma_wait3A_223 = tpu.memref_squeeze %dma_wait3A_222 : memref<1x128xi32, #tpu.memory_space<vmem>> -> memref<128xi32, #tpu.memory_space<vmem>>
      %dma_wait3A_224 = arith.constant 0 : i32
      %dma_wait3A_225 = arith.constant 0 : i32
      %dma_wait3A_226 = tpu.memref_slice %arg2[%dma_wait3A_224, %dma_wait3A_225] : memref<10000x128xf32, #tpu.memory_space<hbm>> -> memref<10000x128xf32, #tpu.memory_space<hbm>>
      tpu.wait_indirect_dma semaphore(%arg11 : memref<!tpu.dma_semaphore, #tpu.memory_space<semaphore_mem>>) src(%dma_wait3A_226 : memref<10000x128xf32, #tpu.memory_space<hbm>>) dst(%dma_wait3A_220 : memref<128x128xf32, #tpu.memory_space<vmem>>)
      %run_scoped3A_227 = arith.constant 0 : i32
      %run_scoped3A_228 = arith.constant 4 : i32
      "tpu.region"() ({
        %run_scoped3A_503 = tpu.sem_alloc : memref<!tpu.dma_semaphore, #tpu.memory_space<semaphore_mem>>
        %dma_start3A_504 = arith.constant 0 : i32
        %dma_start3A_505 = arith.constant 0 : i32
        %dma_start3A_506 = tpu.memref_slice %arg9[%run_scoped3A_227, %dma_start3A_504, %dma_start3A_505] : memref<2x128x128xf32, #tpu.memory_space<vmem>> -> memref<1x128x128xf32, #tpu.memory_space<vmem>>
        %dma_start3A_507 = tpu.memref_squeeze %dma_start3A_506 : memref<1x128x128xf32, #tpu.memory_space<vmem>> -> memref<128x128xf32, #tpu.memory_space<vmem>>
        %dma_start3A_508 = arith.constant 0 : i32
        %dma_start3A_509 = tpu.memref_slice %arg8[%run_scoped3A_228, %dma_start3A_508] : memref<16x128xi32, #tpu.memory_space<vmem>> -> memref<1x128xi32, #tpu.memory_space<vmem>>
        %dma_start3A_510 = tpu.memref_squeeze %dma_start3A_509 : memref<1x128xi32, #tpu.memory_space<vmem>> -> memref<128xi32, #tpu.memory_space<vmem>>
        %dma_start3A_511 = arith.constant 0 : i32
        %dma_start3A_512 = arith.constant 0 : i32
        %dma_start3A_513 = tpu.memref_slice %arg10[%dma_start3A_511, %dma_start3A_512] : memref<10240x128xf32, #tpu.memory_space<vmem_shared>> -> memref<10240x128xf32, #tpu.memory_space<vmem_shared>>
        tpu.enqueue_indirect_dma source(%dma_start3A_507 : memref<128x128xf32, #tpu.memory_space<vmem>>) target(%dma_start3A_513 : memref<10240x128xf32, #tpu.memory_space<vmem_shared>>) offsets(%dma_start3A_510 : memref<128xi32, #tpu.memory_space<vmem>>) semaphore(%run_scoped3A_503 : memref<!tpu.dma_semaphore, #tpu.memory_space<semaphore_mem>>) {add = true}
        %dma_wait3A_514 = arith.constant 0 : i32
        %dma_wait3A_515 = arith.constant 0 : i32
        %dma_wait3A_516 = tpu.memref_slice %arg9[%run_scoped3A_227, %dma_wait3A_514, %dma_wait3A_515] : memref<2x128x128xf32, #tpu.memory_space<vmem>> -> memref<1x128x128xf32, #tpu.memory_space<vmem>>
        %dma_wait3A_517 = tpu.memref_squeeze %dma_wait3A_516 : memref<1x128x128xf32, #tpu.memory_space<vmem>> -> memref<128x128xf32, #tpu.memory_space<vmem>>
        %dma_wait3A_518 = arith.constant 0 : i32
        %dma_wait3A_519 = tpu.memref_slice %arg8[%run_scoped3A_228, %dma_wait3A_518] : memref<16x128xi32, #tpu.memory_space<vmem>> -> memref<1x128xi32, #tpu.memory_space<vmem>>
        %dma_wait3A_520 = tpu.memref_squeeze %dma_wait3A_519 : memref<1x128xi32, #tpu.memory_space<vmem>> -> memref<128xi32, #tpu.memory_space<vmem>>
        %dma_wait3A_521 = arith.constant 0 : i32
        %dma_wait3A_522 = arith.constant 0 : i32
        %dma_wait3A_523 = tpu.memref_slice %arg10[%dma_wait3A_521, %dma_wait3A_522] : memref<10240x128xf32, #tpu.memory_space<vmem_shared>> -> memref<10240x128xf32, #tpu.memory_space<vmem_shared>>
        tpu.wait_indirect_dma semaphore(%run_scoped3A_503 : memref<!tpu.dma_semaphore, #tpu.memory_space<semaphore_mem>>) src(%dma_wait3A_517 : memref<128x128xf32, #tpu.memory_space<vmem>>) dst(%dma_wait3A_523 : memref<10240x128xf32, #tpu.memory_space<vmem_shared>>)
        tpu.yield
      }) : () -> ()
      %dma_start3A_229 = arith.constant 6 : i32
      %dma_start3A_230 = arith.constant 0 : i32
      %dma_start3A_231 = arith.constant 0 : i32
      %dma_start3A_232 = arith.constant 0 : i32
      %dma_start3A_233 = tpu.memref_slice %arg9[%dma_start3A_230, %dma_start3A_231, %dma_start3A_232] : memref<2x128x128xf32, #tpu.memory_space<vmem>> -> memref<1x128x128xf32, #tpu.memory_space<vmem>>
      %dma_start3A_234 = tpu.memref_squeeze %dma_start3A_233 : memref<1x128x128xf32, #tpu.memory_space<vmem>> -> memref<128x128xf32, #tpu.memory_space<vmem>>
      %dma_start3A_235 = arith.constant 0 : i32
      %dma_start3A_236 = tpu.memref_slice %arg7[%dma_start3A_229, %dma_start3A_235] : memref<16x128xi32, #tpu.memory_space<vmem>> -> memref<1x128xi32, #tpu.memory_space<vmem>>
      %dma_start3A_237 = tpu.memref_squeeze %dma_start3A_236 : memref<1x128xi32, #tpu.memory_space<vmem>> -> memref<128xi32, #tpu.memory_space<vmem>>
      %dma_start3A_238 = arith.constant 0 : i32
      %dma_start3A_239 = arith.constant 0 : i32
      %dma_start3A_240 = tpu.memref_slice %arg2[%dma_start3A_238, %dma_start3A_239] : memref<10000x128xf32, #tpu.memory_space<hbm>> -> memref<10000x128xf32, #tpu.memory_space<hbm>>
      tpu.enqueue_indirect_dma source(%dma_start3A_240 : memref<10000x128xf32, #tpu.memory_space<hbm>>) target(%dma_start3A_234 : memref<128x128xf32, #tpu.memory_space<vmem>>) offsets(%dma_start3A_237 : memref<128xi32, #tpu.memory_space<vmem>>) semaphore(%arg11 : memref<!tpu.dma_semaphore, #tpu.memory_space<semaphore_mem>>)
      %dma_wait3A_241 = arith.constant 5 : i32
      %dma_wait3A_242 = arith.constant 1 : i32
      %dma_wait3A_243 = arith.constant 0 : i32
      %dma_wait3A_244 = arith.constant 0 : i32
      %dma_wait3A_245 = tpu.memref_slice %arg9[%dma_wait3A_242, %dma_wait3A_243, %dma_wait3A_244] : memref<2x128x128xf32, #tpu.memory_space<vmem>> -> memref<1x128x128xf32, #tpu.memory_space<vmem>>
      %dma_wait3A_246 = tpu.memref_squeeze %dma_wait3A_245 : memref<1x128x128xf32, #tpu.memory_space<vmem>> -> memref<128x128xf32, #tpu.memory_space<vmem>>
      %dma_wait3A_247 = arith.constant 0 : i32
      %dma_wait3A_248 = tpu.memref_slice %arg7[%dma_wait3A_241, %dma_wait3A_247] : memref<16x128xi32, #tpu.memory_space<vmem>> -> memref<1x128xi32, #tpu.memory_space<vmem>>
      %dma_wait3A_249 = tpu.memref_squeeze %dma_wait3A_248 : memref<1x128xi32, #tpu.memory_space<vmem>> -> memref<128xi32, #tpu.memory_space<vmem>>
      %dma_wait3A_250 = arith.constant 0 : i32
      %dma_wait3A_251 = arith.constant 0 : i32
      %dma_wait3A_252 = tpu.memref_slice %arg2[%dma_wait3A_250, %dma_wait3A_251] : memref<10000x128xf32, #tpu.memory_space<hbm>> -> memref<10000x128xf32, #tpu.memory_space<hbm>>
      tpu.wait_indirect_dma semaphore(%arg12 : memref<!tpu.dma_semaphore, #tpu.memory_space<semaphore_mem>>) src(%dma_wait3A_252 : memref<10000x128xf32, #tpu.memory_space<hbm>>) dst(%dma_wait3A_246 : memref<128x128xf32, #tpu.memory_space<vmem>>)
      %run_scoped3A_253 = arith.constant 1 : i32
      %run_scoped3A_254 = arith.constant 5 : i32
      "tpu.region"() ({
        %run_scoped3A_503 = tpu.sem_alloc : memref<!tpu.dma_semaphore, #tpu.memory_space<semaphore_mem>>
        %dma_start3A_504 = arith.constant 0 : i32
        %dma_start3A_505 = arith.constant 0 : i32
        %dma_start3A_506 = tpu.memref_slice %arg9[%run_scoped3A_253, %dma_start3A_504, %dma_start3A_505] : memref<2x128x128xf32, #tpu.memory_space<vmem>> -> memref<1x128x128xf32, #tpu.memory_space<vmem>>
        %dma_start3A_507 = tpu.memref_squeeze %dma_start3A_506 : memref<1x128x128xf32, #tpu.memory_space<vmem>> -> memref<128x128xf32, #tpu.memory_space<vmem>>
        %dma_start3A_508 = arith.constant 0 : i32
        %dma_start3A_509 = tpu.memref_slice %arg8[%run_scoped3A_254, %dma_start3A_508] : memref<16x128xi32, #tpu.memory_space<vmem>> -> memref<1x128xi32, #tpu.memory_space<vmem>>
        %dma_start3A_510 = tpu.memref_squeeze %dma_start3A_509 : memref<1x128xi32, #tpu.memory_space<vmem>> -> memref<128xi32, #tpu.memory_space<vmem>>
        %dma_start3A_511 = arith.constant 0 : i32
        %dma_start3A_512 = arith.constant 0 : i32
        %dma_start3A_513 = tpu.memref_slice %arg10[%dma_start3A_511, %dma_start3A_512] : memref<10240x128xf32, #tpu.memory_space<vmem_shared>> -> memref<10240x128xf32, #tpu.memory_space<vmem_shared>>
        tpu.enqueue_indirect_dma source(%dma_start3A_507 : memref<128x128xf32, #tpu.memory_space<vmem>>) target(%dma_start3A_513 : memref<10240x128xf32, #tpu.memory_space<vmem_shared>>) offsets(%dma_start3A_510 : memref<128xi32, #tpu.memory_space<vmem>>) semaphore(%run_scoped3A_503 : memref<!tpu.dma_semaphore, #tpu.memory_space<semaphore_mem>>) {add = true}
        %dma_wait3A_514 = arith.constant 0 : i32
        %dma_wait3A_515 = arith.constant 0 : i32
        %dma_wait3A_516 = tpu.memref_slice %arg9[%run_scoped3A_253, %dma_wait3A_514, %dma_wait3A_515] : memref<2x128x128xf32, #tpu.memory_space<vmem>> -> memref<1x128x128xf32, #tpu.memory_space<vmem>>
        %dma_wait3A_517 = tpu.memref_squeeze %dma_wait3A_516 : memref<1x128x128xf32, #tpu.memory_space<vmem>> -> memref<128x128xf32, #tpu.memory_space<vmem>>
        %dma_wait3A_518 = arith.constant 0 : i32
        %dma_wait3A_519 = tpu.memref_slice %arg8[%run_scoped3A_254, %dma_wait3A_518] : memref<16x128xi32, #tpu.memory_space<vmem>> -> memref<1x128xi32, #tpu.memory_space<vmem>>
        %dma_wait3A_520 = tpu.memref_squeeze %dma_wait3A_519 : memref<1x128xi32, #tpu.memory_space<vmem>> -> memref<128xi32, #tpu.memory_space<vmem>>
        %dma_wait3A_521 = arith.constant 0 : i32
        %dma_wait3A_522 = arith.constant 0 : i32
        %dma_wait3A_523 = tpu.memref_slice %arg10[%dma_wait3A_521, %dma_wait3A_522] : memref<10240x128xf32, #tpu.memory_space<vmem_shared>> -> memref<10240x128xf32, #tpu.memory_space<vmem_shared>>
        tpu.wait_indirect_dma semaphore(%run_scoped3A_503 : memref<!tpu.dma_semaphore, #tpu.memory_space<semaphore_mem>>) src(%dma_wait3A_517 : memref<128x128xf32, #tpu.memory_space<vmem>>) dst(%dma_wait3A_523 : memref<10240x128xf32, #tpu.memory_space<vmem_shared>>)
        tpu.yield
      }) : () -> ()
      %dma_start3A_255 = arith.constant 7 : i32
      %dma_start3A_256 = arith.constant 1 : i32
      %dma_start3A_257 = arith.constant 0 : i32
      %dma_start3A_258 = arith.constant 0 : i32
      %dma_start3A_259 = tpu.memref_slice %arg9[%dma_start3A_256, %dma_start3A_257, %dma_start3A_258] : memref<2x128x128xf32, #tpu.memory_space<vmem>> -> memref<1x128x128xf32, #tpu.memory_space<vmem>>
      %dma_start3A_260 = tpu.memref_squeeze %dma_start3A_259 : memref<1x128x128xf32, #tpu.memory_space<vmem>> -> memref<128x128xf32, #tpu.memory_space<vmem>>
      %dma_start3A_261 = arith.constant 0 : i32
      %dma_start3A_262 = tpu.memref_slice %arg7[%dma_start3A_255, %dma_start3A_261] : memref<16x128xi32, #tpu.memory_space<vmem>> -> memref<1x128xi32, #tpu.memory_space<vmem>>
      %dma_start3A_263 = tpu.memref_squeeze %dma_start3A_262 : memref<1x128xi32, #tpu.memory_space<vmem>> -> memref<128xi32, #tpu.memory_space<vmem>>
      %dma_start3A_264 = arith.constant 0 : i32
      %dma_start3A_265 = arith.constant 0 : i32
      %dma_start3A_266 = tpu.memref_slice %arg2[%dma_start3A_264, %dma_start3A_265] : memref<10000x128xf32, #tpu.memory_space<hbm>> -> memref<10000x128xf32, #tpu.memory_space<hbm>>
      tpu.enqueue_indirect_dma source(%dma_start3A_266 : memref<10000x128xf32, #tpu.memory_space<hbm>>) target(%dma_start3A_260 : memref<128x128xf32, #tpu.memory_space<vmem>>) offsets(%dma_start3A_263 : memref<128xi32, #tpu.memory_space<vmem>>) semaphore(%arg12 : memref<!tpu.dma_semaphore, #tpu.memory_space<semaphore_mem>>)
      %dma_wait3A_267 = arith.constant 6 : i32
      %dma_wait3A_268 = arith.constant 0 : i32
      %dma_wait3A_269 = arith.constant 0 : i32
      %dma_wait3A_270 = arith.constant 0 : i32
      %dma_wait3A_271 = tpu.memref_slice %arg9[%dma_wait3A_268, %dma_wait3A_269, %dma_wait3A_270] : memref<2x128x128xf32, #tpu.memory_space<vmem>> -> memref<1x128x128xf32, #tpu.memory_space<vmem>>
      %dma_wait3A_272 = tpu.memref_squeeze %dma_wait3A_271 : memref<1x128x128xf32, #tpu.memory_space<vmem>> -> memref<128x128xf32, #tpu.memory_space<vmem>>
      %dma_wait3A_273 = arith.constant 0 : i32
      %dma_wait3A_274 = tpu.memref_slice %arg7[%dma_wait3A_267, %dma_wait3A_273] : memref<16x128xi32, #tpu.memory_space<vmem>> -> memref<1x128xi32, #tpu.memory_space<vmem>>
      %dma_wait3A_275 = tpu.memref_squeeze %dma_wait3A_274 : memref<1x128xi32, #tpu.memory_space<vmem>> -> memref<128xi32, #tpu.memory_space<vmem>>
      %dma_wait3A_276 = arith.constant 0 : i32
      %dma_wait3A_277 = arith.constant 0 : i32
      %dma_wait3A_278 = tpu.memref_slice %arg2[%dma_wait3A_276, %dma_wait3A_277] : memref<10000x128xf32, #tpu.memory_space<hbm>> -> memref<10000x128xf32, #tpu.memory_space<hbm>>
      tpu.wait_indirect_dma semaphore(%arg11 : memref<!tpu.dma_semaphore, #tpu.memory_space<semaphore_mem>>) src(%dma_wait3A_278 : memref<10000x128xf32, #tpu.memory_space<hbm>>) dst(%dma_wait3A_272 : memref<128x128xf32, #tpu.memory_space<vmem>>)
      %run_scoped3A_279 = arith.constant 0 : i32
      %run_scoped3A_280 = arith.constant 6 : i32
      "tpu.region"() ({
        %run_scoped3A_503 = tpu.sem_alloc : memref<!tpu.dma_semaphore, #tpu.memory_space<semaphore_mem>>
        %dma_start3A_504 = arith.constant 0 : i32
        %dma_start3A_505 = arith.constant 0 : i32
        %dma_start3A_506 = tpu.memref_slice %arg9[%run_scoped3A_279, %dma_start3A_504, %dma_start3A_505] : memref<2x128x128xf32, #tpu.memory_space<vmem>> -> memref<1x128x128xf32, #tpu.memory_space<vmem>>
        %dma_start3A_507 = tpu.memref_squeeze %dma_start3A_506 : memref<1x128x128xf32, #tpu.memory_space<vmem>> -> memref<128x128xf32, #tpu.memory_space<vmem>>
        %dma_start3A_508 = arith.constant 0 : i32
        %dma_start3A_509 = tpu.memref_slice %arg8[%run_scoped3A_280, %dma_start3A_508] : memref<16x128xi32, #tpu.memory_space<vmem>> -> memref<1x128xi32, #tpu.memory_space<vmem>>
        %dma_start3A_510 = tpu.memref_squeeze %dma_start3A_509 : memref<1x128xi32, #tpu.memory_space<vmem>> -> memref<128xi32, #tpu.memory_space<vmem>>
        %dma_start3A_511 = arith.constant 0 : i32
        %dma_start3A_512 = arith.constant 0 : i32
        %dma_start3A_513 = tpu.memref_slice %arg10[%dma_start3A_511, %dma_start3A_512] : memref<10240x128xf32, #tpu.memory_space<vmem_shared>> -> memref<10240x128xf32, #tpu.memory_space<vmem_shared>>
        tpu.enqueue_indirect_dma source(%dma_start3A_507 : memref<128x128xf32, #tpu.memory_space<vmem>>) target(%dma_start3A_513 : memref<10240x128xf32, #tpu.memory_space<vmem_shared>>) offsets(%dma_start3A_510 : memref<128xi32, #tpu.memory_space<vmem>>) semaphore(%run_scoped3A_503 : memref<!tpu.dma_semaphore, #tpu.memory_space<semaphore_mem>>) {add = true}
        %dma_wait3A_514 = arith.constant 0 : i32
        %dma_wait3A_515 = arith.constant 0 : i32
        %dma_wait3A_516 = tpu.memref_slice %arg9[%run_scoped3A_279, %dma_wait3A_514, %dma_wait3A_515] : memref<2x128x128xf32, #tpu.memory_space<vmem>> -> memref<1x128x128xf32, #tpu.memory_space<vmem>>
        %dma_wait3A_517 = tpu.memref_squeeze %dma_wait3A_516 : memref<1x128x128xf32, #tpu.memory_space<vmem>> -> memref<128x128xf32, #tpu.memory_space<vmem>>
        %dma_wait3A_518 = arith.constant 0 : i32
        %dma_wait3A_519 = tpu.memref_slice %arg8[%run_scoped3A_280, %dma_wait3A_518] : memref<16x128xi32, #tpu.memory_space<vmem>> -> memref<1x128xi32, #tpu.memory_space<vmem>>
        %dma_wait3A_520 = tpu.memref_squeeze %dma_wait3A_519 : memref<1x128xi32, #tpu.memory_space<vmem>> -> memref<128xi32, #tpu.memory_space<vmem>>
        %dma_wait3A_521 = arith.constant 0 : i32
        %dma_wait3A_522 = arith.constant 0 : i32
        %dma_wait3A_523 = tpu.memref_slice %arg10[%dma_wait3A_521, %dma_wait3A_522] : memref<10240x128xf32, #tpu.memory_space<vmem_shared>> -> memref<10240x128xf32, #tpu.memory_space<vmem_shared>>
        tpu.wait_indirect_dma semaphore(%run_scoped3A_503 : memref<!tpu.dma_semaphore, #tpu.memory_space<semaphore_mem>>) src(%dma_wait3A_517 : memref<128x128xf32, #tpu.memory_space<vmem>>) dst(%dma_wait3A_523 : memref<10240x128xf32, #tpu.memory_space<vmem_shared>>)
        tpu.yield
      }) : () -> ()
      %dma_start3A_281 = arith.constant 8 : i32
      %dma_start3A_282 = arith.constant 0 : i32
      %dma_start3A_283 = arith.constant 0 : i32
      %dma_start3A_284 = arith.constant 0 : i32
      %dma_start3A_285 = tpu.memref_slice %arg9[%dma_start3A_282, %dma_start3A_283, %dma_start3A_284] : memref<2x128x128xf32, #tpu.memory_space<vmem>> -> memref<1x128x128xf32, #tpu.memory_space<vmem>>
      %dma_start3A_286 = tpu.memref_squeeze %dma_start3A_285 : memref<1x128x128xf32, #tpu.memory_space<vmem>> -> memref<128x128xf32, #tpu.memory_space<vmem>>
      %dma_start3A_287 = arith.constant 0 : i32
      %dma_start3A_288 = tpu.memref_slice %arg7[%dma_start3A_281, %dma_start3A_287] : memref<16x128xi32, #tpu.memory_space<vmem>> -> memref<1x128xi32, #tpu.memory_space<vmem>>
      %dma_start3A_289 = tpu.memref_squeeze %dma_start3A_288 : memref<1x128xi32, #tpu.memory_space<vmem>> -> memref<128xi32, #tpu.memory_space<vmem>>
      %dma_start3A_290 = arith.constant 0 : i32
      %dma_start3A_291 = arith.constant 0 : i32
      %dma_start3A_292 = tpu.memref_slice %arg2[%dma_start3A_290, %dma_start3A_291] : memref<10000x128xf32, #tpu.memory_space<hbm>> -> memref<10000x128xf32, #tpu.memory_space<hbm>>
      tpu.enqueue_indirect_dma source(%dma_start3A_292 : memref<10000x128xf32, #tpu.memory_space<hbm>>) target(%dma_start3A_286 : memref<128x128xf32, #tpu.memory_space<vmem>>) offsets(%dma_start3A_289 : memref<128xi32, #tpu.memory_space<vmem>>) semaphore(%arg11 : memref<!tpu.dma_semaphore, #tpu.memory_space<semaphore_mem>>)
      %dma_wait3A_293 = arith.constant 7 : i32
      %dma_wait3A_294 = arith.constant 1 : i32
      %dma_wait3A_295 = arith.constant 0 : i32
      %dma_wait3A_296 = arith.constant 0 : i32
      %dma_wait3A_297 = tpu.memref_slice %arg9[%dma_wait3A_294, %dma_wait3A_295, %dma_wait3A_296] : memref<2x128x128xf32, #tpu.memory_space<vmem>> -> memref<1x128x128xf32, #tpu.memory_space<vmem>>
      %dma_wait3A_298 = tpu.memref_squeeze %dma_wait3A_297 : memref<1x128x128xf32, #tpu.memory_space<vmem>> -> memref<128x128xf32, #tpu.memory_space<vmem>>
      %dma_wait3A_299 = arith.constant 0 : i32
      %dma_wait3A_300 = tpu.memref_slice %arg7[%dma_wait3A_293, %dma_wait3A_299] : memref<16x128xi32, #tpu.memory_space<vmem>> -> memref<1x128xi32, #tpu.memory_space<vmem>>
      %dma_wait3A_301 = tpu.memref_squeeze %dma_wait3A_300 : memref<1x128xi32, #tpu.memory_space<vmem>> -> memref<128xi32, #tpu.memory_space<vmem>>
      %dma_wait3A_302 = arith.constant 0 : i32
      %dma_wait3A_303 = arith.constant 0 : i32
      %dma_wait3A_304 = tpu.memref_slice %arg2[%dma_wait3A_302, %dma_wait3A_303] : memref<10000x128xf32, #tpu.memory_space<hbm>> -> memref<10000x128xf32, #tpu.memory_space<hbm>>
      tpu.wait_indirect_dma semaphore(%arg12 : memref<!tpu.dma_semaphore, #tpu.memory_space<semaphore_mem>>) src(%dma_wait3A_304 : memref<10000x128xf32, #tpu.memory_space<hbm>>) dst(%dma_wait3A_298 : memref<128x128xf32, #tpu.memory_space<vmem>>)
      %run_scoped3A_305 = arith.constant 1 : i32
      %run_scoped3A_306 = arith.constant 7 : i32
      "tpu.region"() ({
        %run_scoped3A_503 = tpu.sem_alloc : memref<!tpu.dma_semaphore, #tpu.memory_space<semaphore_mem>>
        %dma_start3A_504 = arith.constant 0 : i32
        %dma_start3A_505 = arith.constant 0 : i32
        %dma_start3A_506 = tpu.memref_slice %arg9[%run_scoped3A_305, %dma_start3A_504, %dma_start3A_505] : memref<2x128x128xf32, #tpu.memory_space<vmem>> -> memref<1x128x128xf32, #tpu.memory_space<vmem>>
        %dma_start3A_507 = tpu.memref_squeeze %dma_start3A_506 : memref<1x128x128xf32, #tpu.memory_space<vmem>> -> memref<128x128xf32, #tpu.memory_space<vmem>>
        %dma_start3A_508 = arith.constant 0 : i32
        %dma_start3A_509 = tpu.memref_slice %arg8[%run_scoped3A_306, %dma_start3A_508] : memref<16x128xi32, #tpu.memory_space<vmem>> -> memref<1x128xi32, #tpu.memory_space<vmem>>
        %dma_start3A_510 = tpu.memref_squeeze %dma_start3A_509 : memref<1x128xi32, #tpu.memory_space<vmem>> -> memref<128xi32, #tpu.memory_space<vmem>>
        %dma_start3A_511 = arith.constant 0 : i32
        %dma_start3A_512 = arith.constant 0 : i32
        %dma_start3A_513 = tpu.memref_slice %arg10[%dma_start3A_511, %dma_start3A_512] : memref<10240x128xf32, #tpu.memory_space<vmem_shared>> -> memref<10240x128xf32, #tpu.memory_space<vmem_shared>>
        tpu.enqueue_indirect_dma source(%dma_start3A_507 : memref<128x128xf32, #tpu.memory_space<vmem>>) target(%dma_start3A_513 : memref<10240x128xf32, #tpu.memory_space<vmem_shared>>) offsets(%dma_start3A_510 : memref<128xi32, #tpu.memory_space<vmem>>) semaphore(%run_scoped3A_503 : memref<!tpu.dma_semaphore, #tpu.memory_space<semaphore_mem>>) {add = true}
        %dma_wait3A_514 = arith.constant 0 : i32
        %dma_wait3A_515 = arith.constant 0 : i32
        %dma_wait3A_516 = tpu.memref_slice %arg9[%run_scoped3A_305, %dma_wait3A_514, %dma_wait3A_515] : memref<2x128x128xf32, #tpu.memory_space<vmem>> -> memref<1x128x128xf32, #tpu.memory_space<vmem>>
        %dma_wait3A_517 = tpu.memref_squeeze %dma_wait3A_516 : memref<1x128x128xf32, #tpu.memory_space<vmem>> -> memref<128x128xf32, #tpu.memory_space<vmem>>
        %dma_wait3A_518 = arith.constant 0 : i32
        %dma_wait3A_519 = tpu.memref_slice %arg8[%run_scoped3A_306, %dma_wait3A_518] : memref<16x128xi32, #tpu.memory_space<vmem>> -> memref<1x128xi32, #tpu.memory_space<vmem>>
        %dma_wait3A_520 = tpu.memref_squeeze %dma_wait3A_519 : memref<1x128xi32, #tpu.memory_space<vmem>> -> memref<128xi32, #tpu.memory_space<vmem>>
        %dma_wait3A_521 = arith.constant 0 : i32
        %dma_wait3A_522 = arith.constant 0 : i32
        %dma_wait3A_523 = tpu.memref_slice %arg10[%dma_wait3A_521, %dma_wait3A_522] : memref<10240x128xf32, #tpu.memory_space<vmem_shared>> -> memref<10240x128xf32, #tpu.memory_space<vmem_shared>>
        tpu.wait_indirect_dma semaphore(%run_scoped3A_503 : memref<!tpu.dma_semaphore, #tpu.memory_space<semaphore_mem>>) src(%dma_wait3A_517 : memref<128x128xf32, #tpu.memory_space<vmem>>) dst(%dma_wait3A_523 : memref<10240x128xf32, #tpu.memory_space<vmem_shared>>)
        tpu.yield
      }) : () -> ()
      %dma_start3A_307 = arith.constant 9 : i32
      %dma_start3A_308 = arith.constant 1 : i32
      %dma_start3A_309 = arith.constant 0 : i32
      %dma_start3A_310 = arith.constant 0 : i32
      %dma_start3A_311 = tpu.memref_slice %arg9[%dma_start3A_308, %dma_start3A_309, %dma_start3A_310] : memref<2x128x128xf32, #tpu.memory_space<vmem>> -> memref<1x128x128xf32, #tpu.memory_space<vmem>>
      %dma_start3A_312 = tpu.memref_squeeze %dma_start3A_311 : memref<1x128x128xf32, #tpu.memory_space<vmem>> -> memref<128x128xf32, #tpu.memory_space<vmem>>
      %dma_start3A_313 = arith.constant 0 : i32
      %dma_start3A_314 = tpu.memref_slice %arg7[%dma_start3A_307, %dma_start3A_313] : memref<16x128xi32, #tpu.memory_space<vmem>> -> memref<1x128xi32, #tpu.memory_space<vmem>>
      %dma_start3A_315 = tpu.memref_squeeze %dma_start3A_314 : memref<1x128xi32, #tpu.memory_space<vmem>> -> memref<128xi32, #tpu.memory_space<vmem>>
      %dma_start3A_316 = arith.constant 0 : i32
      %dma_start3A_317 = arith.constant 0 : i32
      %dma_start3A_318 = tpu.memref_slice %arg2[%dma_start3A_316, %dma_start3A_317] : memref<10000x128xf32, #tpu.memory_space<hbm>> -> memref<10000x128xf32, #tpu.memory_space<hbm>>
      tpu.enqueue_indirect_dma source(%dma_start3A_318 : memref<10000x128xf32, #tpu.memory_space<hbm>>) target(%dma_start3A_312 : memref<128x128xf32, #tpu.memory_space<vmem>>) offsets(%dma_start3A_315 : memref<128xi32, #tpu.memory_space<vmem>>) semaphore(%arg12 : memref<!tpu.dma_semaphore, #tpu.memory_space<semaphore_mem>>)
      %dma_wait3A_319 = arith.constant 8 : i32
      %dma_wait3A_320 = arith.constant 0 : i32
      %dma_wait3A_321 = arith.constant 0 : i32
      %dma_wait3A_322 = arith.constant 0 : i32
      %dma_wait3A_323 = tpu.memref_slice %arg9[%dma_wait3A_320, %dma_wait3A_321, %dma_wait3A_322] : memref<2x128x128xf32, #tpu.memory_space<vmem>> -> memref<1x128x128xf32, #tpu.memory_space<vmem>>
      %dma_wait3A_324 = tpu.memref_squeeze %dma_wait3A_323 : memref<1x128x128xf32, #tpu.memory_space<vmem>> -> memref<128x128xf32, #tpu.memory_space<vmem>>
      %dma_wait3A_325 = arith.constant 0 : i32
      %dma_wait3A_326 = tpu.memref_slice %arg7[%dma_wait3A_319, %dma_wait3A_325] : memref<16x128xi32, #tpu.memory_space<vmem>> -> memref<1x128xi32, #tpu.memory_space<vmem>>
      %dma_wait3A_327 = tpu.memref_squeeze %dma_wait3A_326 : memref<1x128xi32, #tpu.memory_space<vmem>> -> memref<128xi32, #tpu.memory_space<vmem>>
      %dma_wait3A_328 = arith.constant 0 : i32
      %dma_wait3A_329 = arith.constant 0 : i32
      %dma_wait3A_330 = tpu.memref_slice %arg2[%dma_wait3A_328, %dma_wait3A_329] : memref<10000x128xf32, #tpu.memory_space<hbm>> -> memref<10000x128xf32, #tpu.memory_space<hbm>>
      tpu.wait_indirect_dma semaphore(%arg11 : memref<!tpu.dma_semaphore, #tpu.memory_space<semaphore_mem>>) src(%dma_wait3A_330 : memref<10000x128xf32, #tpu.memory_space<hbm>>) dst(%dma_wait3A_324 : memref<128x128xf32, #tpu.memory_space<vmem>>)
      %run_scoped3A_331 = arith.constant 0 : i32
      %run_scoped3A_332 = arith.constant 8 : i32
      "tpu.region"() ({
        %run_scoped3A_503 = tpu.sem_alloc : memref<!tpu.dma_semaphore, #tpu.memory_space<semaphore_mem>>
        %dma_start3A_504 = arith.constant 0 : i32
        %dma_start3A_505 = arith.constant 0 : i32
        %dma_start3A_506 = tpu.memref_slice %arg9[%run_scoped3A_331, %dma_start3A_504, %dma_start3A_505] : memref<2x128x128xf32, #tpu.memory_space<vmem>> -> memref<1x128x128xf32, #tpu.memory_space<vmem>>
        %dma_start3A_507 = tpu.memref_squeeze %dma_start3A_506 : memref<1x128x128xf32, #tpu.memory_space<vmem>> -> memref<128x128xf32, #tpu.memory_space<vmem>>
        %dma_start3A_508 = arith.constant 0 : i32
        %dma_start3A_509 = tpu.memref_slice %arg8[%run_scoped3A_332, %dma_start3A_508] : memref<16x128xi32, #tpu.memory_space<vmem>> -> memref<1x128xi32, #tpu.memory_space<vmem>>
        %dma_start3A_510 = tpu.memref_squeeze %dma_start3A_509 : memref<1x128xi32, #tpu.memory_space<vmem>> -> memref<128xi32, #tpu.memory_space<vmem>>
        %dma_start3A_511 = arith.constant 0 : i32
        %dma_start3A_512 = arith.constant 0 : i32
        %dma_start3A_513 = tpu.memref_slice %arg10[%dma_start3A_511, %dma_start3A_512] : memref<10240x128xf32, #tpu.memory_space<vmem_shared>> -> memref<10240x128xf32, #tpu.memory_space<vmem_shared>>
        tpu.enqueue_indirect_dma source(%dma_start3A_507 : memref<128x128xf32, #tpu.memory_space<vmem>>) target(%dma_start3A_513 : memref<10240x128xf32, #tpu.memory_space<vmem_shared>>) offsets(%dma_start3A_510 : memref<128xi32, #tpu.memory_space<vmem>>) semaphore(%run_scoped3A_503 : memref<!tpu.dma_semaphore, #tpu.memory_space<semaphore_mem>>) {add = true}
        %dma_wait3A_514 = arith.constant 0 : i32
        %dma_wait3A_515 = arith.constant 0 : i32
        %dma_wait3A_516 = tpu.memref_slice %arg9[%run_scoped3A_331, %dma_wait3A_514, %dma_wait3A_515] : memref<2x128x128xf32, #tpu.memory_space<vmem>> -> memref<1x128x128xf32, #tpu.memory_space<vmem>>
        %dma_wait3A_517 = tpu.memref_squeeze %dma_wait3A_516 : memref<1x128x128xf32, #tpu.memory_space<vmem>> -> memref<128x128xf32, #tpu.memory_space<vmem>>
        %dma_wait3A_518 = arith.constant 0 : i32
        %dma_wait3A_519 = tpu.memref_slice %arg8[%run_scoped3A_332, %dma_wait3A_518] : memref<16x128xi32, #tpu.memory_space<vmem>> -> memref<1x128xi32, #tpu.memory_space<vmem>>
        %dma_wait3A_520 = tpu.memref_squeeze %dma_wait3A_519 : memref<1x128xi32, #tpu.memory_space<vmem>> -> memref<128xi32, #tpu.memory_space<vmem>>
        %dma_wait3A_521 = arith.constant 0 : i32
        %dma_wait3A_522 = arith.constant 0 : i32
        %dma_wait3A_523 = tpu.memref_slice %arg10[%dma_wait3A_521, %dma_wait3A_522] : memref<10240x128xf32, #tpu.memory_space<vmem_shared>> -> memref<10240x128xf32, #tpu.memory_space<vmem_shared>>
        tpu.wait_indirect_dma semaphore(%run_scoped3A_503 : memref<!tpu.dma_semaphore, #tpu.memory_space<semaphore_mem>>) src(%dma_wait3A_517 : memref<128x128xf32, #tpu.memory_space<vmem>>) dst(%dma_wait3A_523 : memref<10240x128xf32, #tpu.memory_space<vmem_shared>>)
        tpu.yield
      }) : () -> ()
      %dma_start3A_333 = arith.constant 10 : i32
      %dma_start3A_334 = arith.constant 0 : i32
      %dma_start3A_335 = arith.constant 0 : i32
      %dma_start3A_336 = arith.constant 0 : i32
      %dma_start3A_337 = tpu.memref_slice %arg9[%dma_start3A_334, %dma_start3A_335, %dma_start3A_336] : memref<2x128x128xf32, #tpu.memory_space<vmem>> -> memref<1x128x128xf32, #tpu.memory_space<vmem>>
      %dma_start3A_338 = tpu.memref_squeeze %dma_start3A_337 : memref<1x128x128xf32, #tpu.memory_space<vmem>> -> memref<128x128xf32, #tpu.memory_space<vmem>>
      %dma_start3A_339 = arith.constant 0 : i32
      %dma_start3A_340 = tpu.memref_slice %arg7[%dma_start3A_333, %dma_start3A_339] : memref<16x128xi32, #tpu.memory_space<vmem>> -> memref<1x128xi32, #tpu.memory_space<vmem>>
      %dma_start3A_341 = tpu.memref_squeeze %dma_start3A_340 : memref<1x128xi32, #tpu.memory_space<vmem>> -> memref<128xi32, #tpu.memory_space<vmem>>
      %dma_start3A_342 = arith.constant 0 : i32
      %dma_start3A_343 = arith.constant 0 : i32
      %dma_start3A_344 = tpu.memref_slice %arg2[%dma_start3A_342, %dma_start3A_343] : memref<10000x128xf32, #tpu.memory_space<hbm>> -> memref<10000x128xf32, #tpu.memory_space<hbm>>
      tpu.enqueue_indirect_dma source(%dma_start3A_344 : memref<10000x128xf32, #tpu.memory_space<hbm>>) target(%dma_start3A_338 : memref<128x128xf32, #tpu.memory_space<vmem>>) offsets(%dma_start3A_341 : memref<128xi32, #tpu.memory_space<vmem>>) semaphore(%arg11 : memref<!tpu.dma_semaphore, #tpu.memory_space<semaphore_mem>>)
      %dma_wait3A_345 = arith.constant 9 : i32
      %dma_wait3A_346 = arith.constant 1 : i32
      %dma_wait3A_347 = arith.constant 0 : i32
      %dma_wait3A_348 = arith.constant 0 : i32
      %dma_wait3A_349 = tpu.memref_slice %arg9[%dma_wait3A_346, %dma_wait3A_347, %dma_wait3A_348] : memref<2x128x128xf32, #tpu.memory_space<vmem>> -> memref<1x128x128xf32, #tpu.memory_space<vmem>>
      %dma_wait3A_350 = tpu.memref_squeeze %dma_wait3A_349 : memref<1x128x128xf32, #tpu.memory_space<vmem>> -> memref<128x128xf32, #tpu.memory_space<vmem>>
      %dma_wait3A_351 = arith.constant 0 : i32
      %dma_wait3A_352 = tpu.memref_slice %arg7[%dma_wait3A_345, %dma_wait3A_351] : memref<16x128xi32, #tpu.memory_space<vmem>> -> memref<1x128xi32, #tpu.memory_space<vmem>>
      %dma_wait3A_353 = tpu.memref_squeeze %dma_wait3A_352 : memref<1x128xi32, #tpu.memory_space<vmem>> -> memref<128xi32, #tpu.memory_space<vmem>>
      %dma_wait3A_354 = arith.constant 0 : i32
      %dma_wait3A_355 = arith.constant 0 : i32
      %dma_wait3A_356 = tpu.memref_slice %arg2[%dma_wait3A_354, %dma_wait3A_355] : memref<10000x128xf32, #tpu.memory_space<hbm>> -> memref<10000x128xf32, #tpu.memory_space<hbm>>
      tpu.wait_indirect_dma semaphore(%arg12 : memref<!tpu.dma_semaphore, #tpu.memory_space<semaphore_mem>>) src(%dma_wait3A_356 : memref<10000x128xf32, #tpu.memory_space<hbm>>) dst(%dma_wait3A_350 : memref<128x128xf32, #tpu.memory_space<vmem>>)
      %run_scoped3A_357 = arith.constant 1 : i32
      %run_scoped3A_358 = arith.constant 9 : i32
      "tpu.region"() ({
        %run_scoped3A_503 = tpu.sem_alloc : memref<!tpu.dma_semaphore, #tpu.memory_space<semaphore_mem>>
        %dma_start3A_504 = arith.constant 0 : i32
        %dma_start3A_505 = arith.constant 0 : i32
        %dma_start3A_506 = tpu.memref_slice %arg9[%run_scoped3A_357, %dma_start3A_504, %dma_start3A_505] : memref<2x128x128xf32, #tpu.memory_space<vmem>> -> memref<1x128x128xf32, #tpu.memory_space<vmem>>
        %dma_start3A_507 = tpu.memref_squeeze %dma_start3A_506 : memref<1x128x128xf32, #tpu.memory_space<vmem>> -> memref<128x128xf32, #tpu.memory_space<vmem>>
        %dma_start3A_508 = arith.constant 0 : i32
        %dma_start3A_509 = tpu.memref_slice %arg8[%run_scoped3A_358, %dma_start3A_508] : memref<16x128xi32, #tpu.memory_space<vmem>> -> memref<1x128xi32, #tpu.memory_space<vmem>>
        %dma_start3A_510 = tpu.memref_squeeze %dma_start3A_509 : memref<1x128xi32, #tpu.memory_space<vmem>> -> memref<128xi32, #tpu.memory_space<vmem>>
        %dma_start3A_511 = arith.constant 0 : i32
        %dma_start3A_512 = arith.constant 0 : i32
        %dma_start3A_513 = tpu.memref_slice %arg10[%dma_start3A_511, %dma_start3A_512] : memref<10240x128xf32, #tpu.memory_space<vmem_shared>> -> memref<10240x128xf32, #tpu.memory_space<vmem_shared>>
        tpu.enqueue_indirect_dma source(%dma_start3A_507 : memref<128x128xf32, #tpu.memory_space<vmem>>) target(%dma_start3A_513 : memref<10240x128xf32, #tpu.memory_space<vmem_shared>>) offsets(%dma_start3A_510 : memref<128xi32, #tpu.memory_space<vmem>>) semaphore(%run_scoped3A_503 : memref<!tpu.dma_semaphore, #tpu.memory_space<semaphore_mem>>) {add = true}
        %dma_wait3A_514 = arith.constant 0 : i32
        %dma_wait3A_515 = arith.constant 0 : i32
        %dma_wait3A_516 = tpu.memref_slice %arg9[%run_scoped3A_357, %dma_wait3A_514, %dma_wait3A_515] : memref<2x128x128xf32, #tpu.memory_space<vmem>> -> memref<1x128x128xf32, #tpu.memory_space<vmem>>
        %dma_wait3A_517 = tpu.memref_squeeze %dma_wait3A_516 : memref<1x128x128xf32, #tpu.memory_space<vmem>> -> memref<128x128xf32, #tpu.memory_space<vmem>>
        %dma_wait3A_518 = arith.constant 0 : i32
        %dma_wait3A_519 = tpu.memref_slice %arg8[%run_scoped3A_358, %dma_wait3A_518] : memref<16x128xi32, #tpu.memory_space<vmem>> -> memref<1x128xi32, #tpu.memory_space<vmem>>
        %dma_wait3A_520 = tpu.memref_squeeze %dma_wait3A_519 : memref<1x128xi32, #tpu.memory_space<vmem>> -> memref<128xi32, #tpu.memory_space<vmem>>
        %dma_wait3A_521 = arith.constant 0 : i32
        %dma_wait3A_522 = arith.constant 0 : i32
        %dma_wait3A_523 = tpu.memref_slice %arg10[%dma_wait3A_521, %dma_wait3A_522] : memref<10240x128xf32, #tpu.memory_space<vmem_shared>> -> memref<10240x128xf32, #tpu.memory_space<vmem_shared>>
        tpu.wait_indirect_dma semaphore(%run_scoped3A_503 : memref<!tpu.dma_semaphore, #tpu.memory_space<semaphore_mem>>) src(%dma_wait3A_517 : memref<128x128xf32, #tpu.memory_space<vmem>>) dst(%dma_wait3A_523 : memref<10240x128xf32, #tpu.memory_space<vmem_shared>>)
        tpu.yield
      }) : () -> ()
      %dma_start3A_359 = arith.constant 11 : i32
      %dma_start3A_360 = arith.constant 1 : i32
      %dma_start3A_361 = arith.constant 0 : i32
      %dma_start3A_362 = arith.constant 0 : i32
      %dma_start3A_363 = tpu.memref_slice %arg9[%dma_start3A_360, %dma_start3A_361, %dma_start3A_362] : memref<2x128x128xf32, #tpu.memory_space<vmem>> -> memref<1x128x128xf32, #tpu.memory_space<vmem>>
      %dma_start3A_364 = tpu.memref_squeeze %dma_start3A_363 : memref<1x128x128xf32, #tpu.memory_space<vmem>> -> memref<128x128xf32, #tpu.memory_space<vmem>>
      %dma_start3A_365 = arith.constant 0 : i32
      %dma_start3A_366 = tpu.memref_slice %arg7[%dma_start3A_359, %dma_start3A_365] : memref<16x128xi32, #tpu.memory_space<vmem>> -> memref<1x128xi32, #tpu.memory_space<vmem>>
      %dma_start3A_367 = tpu.memref_squeeze %dma_start3A_366 : memref<1x128xi32, #tpu.memory_space<vmem>> -> memref<128xi32, #tpu.memory_space<vmem>>
      %dma_start3A_368 = arith.constant 0 : i32
      %dma_start3A_369 = arith.constant 0 : i32
      %dma_start3A_370 = tpu.memref_slice %arg2[%dma_start3A_368, %dma_start3A_369] : memref<10000x128xf32, #tpu.memory_space<hbm>> -> memref<10000x128xf32, #tpu.memory_space<hbm>>
      tpu.enqueue_indirect_dma source(%dma_start3A_370 : memref<10000x128xf32, #tpu.memory_space<hbm>>) target(%dma_start3A_364 : memref<128x128xf32, #tpu.memory_space<vmem>>) offsets(%dma_start3A_367 : memref<128xi32, #tpu.memory_space<vmem>>) semaphore(%arg12 : memref<!tpu.dma_semaphore, #tpu.memory_space<semaphore_mem>>)
      %dma_wait3A_371 = arith.constant 10 : i32
      %dma_wait3A_372 = arith.constant 0 : i32
      %dma_wait3A_373 = arith.constant 0 : i32
      %dma_wait3A_374 = arith.constant 0 : i32
      %dma_wait3A_375 = tpu.memref_slice %arg9[%dma_wait3A_372, %dma_wait3A_373, %dma_wait3A_374] : memref<2x128x128xf32, #tpu.memory_space<vmem>> -> memref<1x128x128xf32, #tpu.memory_space<vmem>>
      %dma_wait3A_376 = tpu.memref_squeeze %dma_wait3A_375 : memref<1x128x128xf32, #tpu.memory_space<vmem>> -> memref<128x128xf32, #tpu.memory_space<vmem>>
      %dma_wait3A_377 = arith.constant 0 : i32
      %dma_wait3A_378 = tpu.memref_slice %arg7[%dma_wait3A_371, %dma_wait3A_377] : memref<16x128xi32, #tpu.memory_space<vmem>> -> memref<1x128xi32, #tpu.memory_space<vmem>>
      %dma_wait3A_379 = tpu.memref_squeeze %dma_wait3A_378 : memref<1x128xi32, #tpu.memory_space<vmem>> -> memref<128xi32, #tpu.memory_space<vmem>>
      %dma_wait3A_380 = arith.constant 0 : i32
      %dma_wait3A_381 = arith.constant 0 : i32
      %dma_wait3A_382 = tpu.memref_slice %arg2[%dma_wait3A_380, %dma_wait3A_381] : memref<10000x128xf32, #tpu.memory_space<hbm>> -> memref<10000x128xf32, #tpu.memory_space<hbm>>
      tpu.wait_indirect_dma semaphore(%arg11 : memref<!tpu.dma_semaphore, #tpu.memory_space<semaphore_mem>>) src(%dma_wait3A_382 : memref<10000x128xf32, #tpu.memory_space<hbm>>) dst(%dma_wait3A_376 : memref<128x128xf32, #tpu.memory_space<vmem>>)
      %run_scoped3A_383 = arith.constant 0 : i32
      %run_scoped3A_384 = arith.constant 10 : i32
      "tpu.region"() ({
        %run_scoped3A_503 = tpu.sem_alloc : memref<!tpu.dma_semaphore, #tpu.memory_space<semaphore_mem>>
        %dma_start3A_504 = arith.constant 0 : i32
        %dma_start3A_505 = arith.constant 0 : i32
        %dma_start3A_506 = tpu.memref_slice %arg9[%run_scoped3A_383, %dma_start3A_504, %dma_start3A_505] : memref<2x128x128xf32, #tpu.memory_space<vmem>> -> memref<1x128x128xf32, #tpu.memory_space<vmem>>
        %dma_start3A_507 = tpu.memref_squeeze %dma_start3A_506 : memref<1x128x128xf32, #tpu.memory_space<vmem>> -> memref<128x128xf32, #tpu.memory_space<vmem>>
        %dma_start3A_508 = arith.constant 0 : i32
        %dma_start3A_509 = tpu.memref_slice %arg8[%run_scoped3A_384, %dma_start3A_508] : memref<16x128xi32, #tpu.memory_space<vmem>> -> memref<1x128xi32, #tpu.memory_space<vmem>>
        %dma_start3A_510 = tpu.memref_squeeze %dma_start3A_509 : memref<1x128xi32, #tpu.memory_space<vmem>> -> memref<128xi32, #tpu.memory_space<vmem>>
        %dma_start3A_511 = arith.constant 0 : i32
        %dma_start3A_512 = arith.constant 0 : i32
        %dma_start3A_513 = tpu.memref_slice %arg10[%dma_start3A_511, %dma_start3A_512] : memref<10240x128xf32, #tpu.memory_space<vmem_shared>> -> memref<10240x128xf32, #tpu.memory_space<vmem_shared>>
        tpu.enqueue_indirect_dma source(%dma_start3A_507 : memref<128x128xf32, #tpu.memory_space<vmem>>) target(%dma_start3A_513 : memref<10240x128xf32, #tpu.memory_space<vmem_shared>>) offsets(%dma_start3A_510 : memref<128xi32, #tpu.memory_space<vmem>>) semaphore(%run_scoped3A_503 : memref<!tpu.dma_semaphore, #tpu.memory_space<semaphore_mem>>) {add = true}
        %dma_wait3A_514 = arith.constant 0 : i32
        %dma_wait3A_515 = arith.constant 0 : i32
        %dma_wait3A_516 = tpu.memref_slice %arg9[%run_scoped3A_383, %dma_wait3A_514, %dma_wait3A_515] : memref<2x128x128xf32, #tpu.memory_space<vmem>> -> memref<1x128x128xf32, #tpu.memory_space<vmem>>
        %dma_wait3A_517 = tpu.memref_squeeze %dma_wait3A_516 : memref<1x128x128xf32, #tpu.memory_space<vmem>> -> memref<128x128xf32, #tpu.memory_space<vmem>>
        %dma_wait3A_518 = arith.constant 0 : i32
        %dma_wait3A_519 = tpu.memref_slice %arg8[%run_scoped3A_384, %dma_wait3A_518] : memref<16x128xi32, #tpu.memory_space<vmem>> -> memref<1x128xi32, #tpu.memory_space<vmem>>
        %dma_wait3A_520 = tpu.memref_squeeze %dma_wait3A_519 : memref<1x128xi32, #tpu.memory_space<vmem>> -> memref<128xi32, #tpu.memory_space<vmem>>
        %dma_wait3A_521 = arith.constant 0 : i32
        %dma_wait3A_522 = arith.constant 0 : i32
        %dma_wait3A_523 = tpu.memref_slice %arg10[%dma_wait3A_521, %dma_wait3A_522] : memref<10240x128xf32, #tpu.memory_space<vmem_shared>> -> memref<10240x128xf32, #tpu.memory_space<vmem_shared>>
        tpu.wait_indirect_dma semaphore(%run_scoped3A_503 : memref<!tpu.dma_semaphore, #tpu.memory_space<semaphore_mem>>) src(%dma_wait3A_517 : memref<128x128xf32, #tpu.memory_space<vmem>>) dst(%dma_wait3A_523 : memref<10240x128xf32, #tpu.memory_space<vmem_shared>>)
        tpu.yield
      }) : () -> ()
      %dma_start3A_385 = arith.constant 12 : i32
      %dma_start3A_386 = arith.constant 0 : i32
      %dma_start3A_387 = arith.constant 0 : i32
      %dma_start3A_388 = arith.constant 0 : i32
      %dma_start3A_389 = tpu.memref_slice %arg9[%dma_start3A_386, %dma_start3A_387, %dma_start3A_388] : memref<2x128x128xf32, #tpu.memory_space<vmem>> -> memref<1x128x128xf32, #tpu.memory_space<vmem>>
      %dma_start3A_390 = tpu.memref_squeeze %dma_start3A_389 : memref<1x128x128xf32, #tpu.memory_space<vmem>> -> memref<128x128xf32, #tpu.memory_space<vmem>>
      %dma_start3A_391 = arith.constant 0 : i32
      %dma_start3A_392 = tpu.memref_slice %arg7[%dma_start3A_385, %dma_start3A_391] : memref<16x128xi32, #tpu.memory_space<vmem>> -> memref<1x128xi32, #tpu.memory_space<vmem>>
      %dma_start3A_393 = tpu.memref_squeeze %dma_start3A_392 : memref<1x128xi32, #tpu.memory_space<vmem>> -> memref<128xi32, #tpu.memory_space<vmem>>
      %dma_start3A_394 = arith.constant 0 : i32
      %dma_start3A_395 = arith.constant 0 : i32
      %dma_start3A_396 = tpu.memref_slice %arg2[%dma_start3A_394, %dma_start3A_395] : memref<10000x128xf32, #tpu.memory_space<hbm>> -> memref<10000x128xf32, #tpu.memory_space<hbm>>
      tpu.enqueue_indirect_dma source(%dma_start3A_396 : memref<10000x128xf32, #tpu.memory_space<hbm>>) target(%dma_start3A_390 : memref<128x128xf32, #tpu.memory_space<vmem>>) offsets(%dma_start3A_393 : memref<128xi32, #tpu.memory_space<vmem>>) semaphore(%arg11 : memref<!tpu.dma_semaphore, #tpu.memory_space<semaphore_mem>>)
      %dma_wait3A_397 = arith.constant 11 : i32
      %dma_wait3A_398 = arith.constant 1 : i32
      %dma_wait3A_399 = arith.constant 0 : i32
      %dma_wait3A_400 = arith.constant 0 : i32
      %dma_wait3A_401 = tpu.memref_slice %arg9[%dma_wait3A_398, %dma_wait3A_399, %dma_wait3A_400] : memref<2x128x128xf32, #tpu.memory_space<vmem>> -> memref<1x128x128xf32, #tpu.memory_space<vmem>>
      %dma_wait3A_402 = tpu.memref_squeeze %dma_wait3A_401 : memref<1x128x128xf32, #tpu.memory_space<vmem>> -> memref<128x128xf32, #tpu.memory_space<vmem>>
      %dma_wait3A_403 = arith.constant 0 : i32
      %dma_wait3A_404 = tpu.memref_slice %arg7[%dma_wait3A_397, %dma_wait3A_403] : memref<16x128xi32, #tpu.memory_space<vmem>> -> memref<1x128xi32, #tpu.memory_space<vmem>>
      %dma_wait3A_405 = tpu.memref_squeeze %dma_wait3A_404 : memref<1x128xi32, #tpu.memory_space<vmem>> -> memref<128xi32, #tpu.memory_space<vmem>>
      %dma_wait3A_406 = arith.constant 0 : i32
      %dma_wait3A_407 = arith.constant 0 : i32
      %dma_wait3A_408 = tpu.memref_slice %arg2[%dma_wait3A_406, %dma_wait3A_407] : memref<10000x128xf32, #tpu.memory_space<hbm>> -> memref<10000x128xf32, #tpu.memory_space<hbm>>
      tpu.wait_indirect_dma semaphore(%arg12 : memref<!tpu.dma_semaphore, #tpu.memory_space<semaphore_mem>>) src(%dma_wait3A_408 : memref<10000x128xf32, #tpu.memory_space<hbm>>) dst(%dma_wait3A_402 : memref<128x128xf32, #tpu.memory_space<vmem>>)
      %run_scoped3A_409 = arith.constant 1 : i32
      %run_scoped3A_410 = arith.constant 11 : i32
      "tpu.region"() ({
        %run_scoped3A_503 = tpu.sem_alloc : memref<!tpu.dma_semaphore, #tpu.memory_space<semaphore_mem>>
        %dma_start3A_504 = arith.constant 0 : i32
        %dma_start3A_505 = arith.constant 0 : i32
        %dma_start3A_506 = tpu.memref_slice %arg9[%run_scoped3A_409, %dma_start3A_504, %dma_start3A_505] : memref<2x128x128xf32, #tpu.memory_space<vmem>> -> memref<1x128x128xf32, #tpu.memory_space<vmem>>
        %dma_start3A_507 = tpu.memref_squeeze %dma_start3A_506 : memref<1x128x128xf32, #tpu.memory_space<vmem>> -> memref<128x128xf32, #tpu.memory_space<vmem>>
        %dma_start3A_508 = arith.constant 0 : i32
        %dma_start3A_509 = tpu.memref_slice %arg8[%run_scoped3A_410, %dma_start3A_508] : memref<16x128xi32, #tpu.memory_space<vmem>> -> memref<1x128xi32, #tpu.memory_space<vmem>>
        %dma_start3A_510 = tpu.memref_squeeze %dma_start3A_509 : memref<1x128xi32, #tpu.memory_space<vmem>> -> memref<128xi32, #tpu.memory_space<vmem>>
        %dma_start3A_511 = arith.constant 0 : i32
        %dma_start3A_512 = arith.constant 0 : i32
        %dma_start3A_513 = tpu.memref_slice %arg10[%dma_start3A_511, %dma_start3A_512] : memref<10240x128xf32, #tpu.memory_space<vmem_shared>> -> memref<10240x128xf32, #tpu.memory_space<vmem_shared>>
        tpu.enqueue_indirect_dma source(%dma_start3A_507 : memref<128x128xf32, #tpu.memory_space<vmem>>) target(%dma_start3A_513 : memref<10240x128xf32, #tpu.memory_space<vmem_shared>>) offsets(%dma_start3A_510 : memref<128xi32, #tpu.memory_space<vmem>>) semaphore(%run_scoped3A_503 : memref<!tpu.dma_semaphore, #tpu.memory_space<semaphore_mem>>) {add = true}
        %dma_wait3A_514 = arith.constant 0 : i32
        %dma_wait3A_515 = arith.constant 0 : i32
        %dma_wait3A_516 = tpu.memref_slice %arg9[%run_scoped3A_409, %dma_wait3A_514, %dma_wait3A_515] : memref<2x128x128xf32, #tpu.memory_space<vmem>> -> memref<1x128x128xf32, #tpu.memory_space<vmem>>
        %dma_wait3A_517 = tpu.memref_squeeze %dma_wait3A_516 : memref<1x128x128xf32, #tpu.memory_space<vmem>> -> memref<128x128xf32, #tpu.memory_space<vmem>>
        %dma_wait3A_518 = arith.constant 0 : i32
        %dma_wait3A_519 = tpu.memref_slice %arg8[%run_scoped3A_410, %dma_wait3A_518] : memref<16x128xi32, #tpu.memory_space<vmem>> -> memref<1x128xi32, #tpu.memory_space<vmem>>
        %dma_wait3A_520 = tpu.memref_squeeze %dma_wait3A_519 : memref<1x128xi32, #tpu.memory_space<vmem>> -> memref<128xi32, #tpu.memory_space<vmem>>
        %dma_wait3A_521 = arith.constant 0 : i32
        %dma_wait3A_522 = arith.constant 0 : i32
        %dma_wait3A_523 = tpu.memref_slice %arg10[%dma_wait3A_521, %dma_wait3A_522] : memref<10240x128xf32, #tpu.memory_space<vmem_shared>> -> memref<10240x128xf32, #tpu.memory_space<vmem_shared>>
        tpu.wait_indirect_dma semaphore(%run_scoped3A_503 : memref<!tpu.dma_semaphore, #tpu.memory_space<semaphore_mem>>) src(%dma_wait3A_517 : memref<128x128xf32, #tpu.memory_space<vmem>>) dst(%dma_wait3A_523 : memref<10240x128xf32, #tpu.memory_space<vmem_shared>>)
        tpu.yield
      }) : () -> ()
      %dma_start3A_411 = arith.constant 13 : i32
      %dma_start3A_412 = arith.constant 1 : i32
      %dma_start3A_413 = arith.constant 0 : i32
      %dma_start3A_414 = arith.constant 0 : i32
      %dma_start3A_415 = tpu.memref_slice %arg9[%dma_start3A_412, %dma_start3A_413, %dma_start3A_414] : memref<2x128x128xf32, #tpu.memory_space<vmem>> -> memref<1x128x128xf32, #tpu.memory_space<vmem>>
      %dma_start3A_416 = tpu.memref_squeeze %dma_start3A_415 : memref<1x128x128xf32, #tpu.memory_space<vmem>> -> memref<128x128xf32, #tpu.memory_space<vmem>>
      %dma_start3A_417 = arith.constant 0 : i32
      %dma_start3A_418 = tpu.memref_slice %arg7[%dma_start3A_411, %dma_start3A_417] : memref<16x128xi32, #tpu.memory_space<vmem>> -> memref<1x128xi32, #tpu.memory_space<vmem>>
      %dma_start3A_419 = tpu.memref_squeeze %dma_start3A_418 : memref<1x128xi32, #tpu.memory_space<vmem>> -> memref<128xi32, #tpu.memory_space<vmem>>
      %dma_start3A_420 = arith.constant 0 : i32
      %dma_start3A_421 = arith.constant 0 : i32
      %dma_start3A_422 = tpu.memref_slice %arg2[%dma_start3A_420, %dma_start3A_421] : memref<10000x128xf32, #tpu.memory_space<hbm>> -> memref<10000x128xf32, #tpu.memory_space<hbm>>
      tpu.enqueue_indirect_dma source(%dma_start3A_422 : memref<10000x128xf32, #tpu.memory_space<hbm>>) target(%dma_start3A_416 : memref<128x128xf32, #tpu.memory_space<vmem>>) offsets(%dma_start3A_419 : memref<128xi32, #tpu.memory_space<vmem>>) semaphore(%arg12 : memref<!tpu.dma_semaphore, #tpu.memory_space<semaphore_mem>>)
      %dma_wait3A_423 = arith.constant 12 : i32
      %dma_wait3A_424 = arith.constant 0 : i32
      %dma_wait3A_425 = arith.constant 0 : i32
      %dma_wait3A_426 = arith.constant 0 : i32
      %dma_wait3A_427 = tpu.memref_slice %arg9[%dma_wait3A_424, %dma_wait3A_425, %dma_wait3A_426] : memref<2x128x128xf32, #tpu.memory_space<vmem>> -> memref<1x128x128xf32, #tpu.memory_space<vmem>>
      %dma_wait3A_428 = tpu.memref_squeeze %dma_wait3A_427 : memref<1x128x128xf32, #tpu.memory_space<vmem>> -> memref<128x128xf32, #tpu.memory_space<vmem>>
      %dma_wait3A_429 = arith.constant 0 : i32
      %dma_wait3A_430 = tpu.memref_slice %arg7[%dma_wait3A_423, %dma_wait3A_429] : memref<16x128xi32, #tpu.memory_space<vmem>> -> memref<1x128xi32, #tpu.memory_space<vmem>>
      %dma_wait3A_431 = tpu.memref_squeeze %dma_wait3A_430 : memref<1x128xi32, #tpu.memory_space<vmem>> -> memref<128xi32, #tpu.memory_space<vmem>>
      %dma_wait3A_432 = arith.constant 0 : i32
      %dma_wait3A_433 = arith.constant 0 : i32
      %dma_wait3A_434 = tpu.memref_slice %arg2[%dma_wait3A_432, %dma_wait3A_433] : memref<10000x128xf32, #tpu.memory_space<hbm>> -> memref<10000x128xf32, #tpu.memory_space<hbm>>
      tpu.wait_indirect_dma semaphore(%arg11 : memref<!tpu.dma_semaphore, #tpu.memory_space<semaphore_mem>>) src(%dma_wait3A_434 : memref<10000x128xf32, #tpu.memory_space<hbm>>) dst(%dma_wait3A_428 : memref<128x128xf32, #tpu.memory_space<vmem>>)
      %run_scoped3A_435 = arith.constant 0 : i32
      %run_scoped3A_436 = arith.constant 12 : i32
      "tpu.region"() ({
        %run_scoped3A_503 = tpu.sem_alloc : memref<!tpu.dma_semaphore, #tpu.memory_space<semaphore_mem>>
        %dma_start3A_504 = arith.constant 0 : i32
        %dma_start3A_505 = arith.constant 0 : i32
        %dma_start3A_506 = tpu.memref_slice %arg9[%run_scoped3A_435, %dma_start3A_504, %dma_start3A_505] : memref<2x128x128xf32, #tpu.memory_space<vmem>> -> memref<1x128x128xf32, #tpu.memory_space<vmem>>
        %dma_start3A_507 = tpu.memref_squeeze %dma_start3A_506 : memref<1x128x128xf32, #tpu.memory_space<vmem>> -> memref<128x128xf32, #tpu.memory_space<vmem>>
        %dma_start3A_508 = arith.constant 0 : i32
        %dma_start3A_509 = tpu.memref_slice %arg8[%run_scoped3A_436, %dma_start3A_508] : memref<16x128xi32, #tpu.memory_space<vmem>> -> memref<1x128xi32, #tpu.memory_space<vmem>>
        %dma_start3A_510 = tpu.memref_squeeze %dma_start3A_509 : memref<1x128xi32, #tpu.memory_space<vmem>> -> memref<128xi32, #tpu.memory_space<vmem>>
        %dma_start3A_511 = arith.constant 0 : i32
        %dma_start3A_512 = arith.constant 0 : i32
        %dma_start3A_513 = tpu.memref_slice %arg10[%dma_start3A_511, %dma_start3A_512] : memref<10240x128xf32, #tpu.memory_space<vmem_shared>> -> memref<10240x128xf32, #tpu.memory_space<vmem_shared>>
        tpu.enqueue_indirect_dma source(%dma_start3A_507 : memref<128x128xf32, #tpu.memory_space<vmem>>) target(%dma_start3A_513 : memref<10240x128xf32, #tpu.memory_space<vmem_shared>>) offsets(%dma_start3A_510 : memref<128xi32, #tpu.memory_space<vmem>>) semaphore(%run_scoped3A_503 : memref<!tpu.dma_semaphore, #tpu.memory_space<semaphore_mem>>) {add = true}
        %dma_wait3A_514 = arith.constant 0 : i32
        %dma_wait3A_515 = arith.constant 0 : i32
        %dma_wait3A_516 = tpu.memref_slice %arg9[%run_scoped3A_435, %dma_wait3A_514, %dma_wait3A_515] : memref<2x128x128xf32, #tpu.memory_space<vmem>> -> memref<1x128x128xf32, #tpu.memory_space<vmem>>
        %dma_wait3A_517 = tpu.memref_squeeze %dma_wait3A_516 : memref<1x128x128xf32, #tpu.memory_space<vmem>> -> memref<128x128xf32, #tpu.memory_space<vmem>>
        %dma_wait3A_518 = arith.constant 0 : i32
        %dma_wait3A_519 = tpu.memref_slice %arg8[%run_scoped3A_436, %dma_wait3A_518] : memref<16x128xi32, #tpu.memory_space<vmem>> -> memref<1x128xi32, #tpu.memory_space<vmem>>
        %dma_wait3A_520 = tpu.memref_squeeze %dma_wait3A_519 : memref<1x128xi32, #tpu.memory_space<vmem>> -> memref<128xi32, #tpu.memory_space<vmem>>
        %dma_wait3A_521 = arith.constant 0 : i32
        %dma_wait3A_522 = arith.constant 0 : i32
        %dma_wait3A_523 = tpu.memref_slice %arg10[%dma_wait3A_521, %dma_wait3A_522] : memref<10240x128xf32, #tpu.memory_space<vmem_shared>> -> memref<10240x128xf32, #tpu.memory_space<vmem_shared>>
        tpu.wait_indirect_dma semaphore(%run_scoped3A_503 : memref<!tpu.dma_semaphore, #tpu.memory_space<semaphore_mem>>) src(%dma_wait3A_517 : memref<128x128xf32, #tpu.memory_space<vmem>>) dst(%dma_wait3A_523 : memref<10240x128xf32, #tpu.memory_space<vmem_shared>>)
        tpu.yield
      }) : () -> ()
      %dma_start3A_437 = arith.constant 14 : i32
      %dma_start3A_438 = arith.constant 0 : i32
      %dma_start3A_439 = arith.constant 0 : i32
      %dma_start3A_440 = arith.constant 0 : i32
      %dma_start3A_441 = tpu.memref_slice %arg9[%dma_start3A_438, %dma_start3A_439, %dma_start3A_440] : memref<2x128x128xf32, #tpu.memory_space<vmem>> -> memref<1x128x128xf32, #tpu.memory_space<vmem>>
      %dma_start3A_442 = tpu.memref_squeeze %dma_start3A_441 : memref<1x128x128xf32, #tpu.memory_space<vmem>> -> memref<128x128xf32, #tpu.memory_space<vmem>>
      %dma_start3A_443 = arith.constant 0 : i32
      %dma_start3A_444 = tpu.memref_slice %arg7[%dma_start3A_437, %dma_start3A_443] : memref<16x128xi32, #tpu.memory_space<vmem>> -> memref<1x128xi32, #tpu.memory_space<vmem>>
      %dma_start3A_445 = tpu.memref_squeeze %dma_start3A_444 : memref<1x128xi32, #tpu.memory_space<vmem>> -> memref<128xi32, #tpu.memory_space<vmem>>
      %dma_start3A_446 = arith.constant 0 : i32
      %dma_start3A_447 = arith.constant 0 : i32
      %dma_start3A_448 = tpu.memref_slice %arg2[%dma_start3A_446, %dma_start3A_447] : memref<10000x128xf32, #tpu.memory_space<hbm>> -> memref<10000x128xf32, #tpu.memory_space<hbm>>
      tpu.enqueue_indirect_dma source(%dma_start3A_448 : memref<10000x128xf32, #tpu.memory_space<hbm>>) target(%dma_start3A_442 : memref<128x128xf32, #tpu.memory_space<vmem>>) offsets(%dma_start3A_445 : memref<128xi32, #tpu.memory_space<vmem>>) semaphore(%arg11 : memref<!tpu.dma_semaphore, #tpu.memory_space<semaphore_mem>>)
      %dma_wait3A_449 = arith.constant 13 : i32
      %dma_wait3A_450 = arith.constant 1 : i32
      %dma_wait3A_451 = arith.constant 0 : i32
      %dma_wait3A_452 = arith.constant 0 : i32
      %dma_wait3A_453 = tpu.memref_slice %arg9[%dma_wait3A_450, %dma_wait3A_451, %dma_wait3A_452] : memref<2x128x128xf32, #tpu.memory_space<vmem>> -> memref<1x128x128xf32, #tpu.memory_space<vmem>>
      %dma_wait3A_454 = tpu.memref_squeeze %dma_wait3A_453 : memref<1x128x128xf32, #tpu.memory_space<vmem>> -> memref<128x128xf32, #tpu.memory_space<vmem>>
      %dma_wait3A_455 = arith.constant 0 : i32
      %dma_wait3A_456 = tpu.memref_slice %arg7[%dma_wait3A_449, %dma_wait3A_455] : memref<16x128xi32, #tpu.memory_space<vmem>> -> memref<1x128xi32, #tpu.memory_space<vmem>>
      %dma_wait3A_457 = tpu.memref_squeeze %dma_wait3A_456 : memref<1x128xi32, #tpu.memory_space<vmem>> -> memref<128xi32, #tpu.memory_space<vmem>>
      %dma_wait3A_458 = arith.constant 0 : i32
      %dma_wait3A_459 = arith.constant 0 : i32
      %dma_wait3A_460 = tpu.memref_slice %arg2[%dma_wait3A_458, %dma_wait3A_459] : memref<10000x128xf32, #tpu.memory_space<hbm>> -> memref<10000x128xf32, #tpu.memory_space<hbm>>
      tpu.wait_indirect_dma semaphore(%arg12 : memref<!tpu.dma_semaphore, #tpu.memory_space<semaphore_mem>>) src(%dma_wait3A_460 : memref<10000x128xf32, #tpu.memory_space<hbm>>) dst(%dma_wait3A_454 : memref<128x128xf32, #tpu.memory_space<vmem>>)
      %run_scoped3A_461 = arith.constant 1 : i32
      %run_scoped3A_462 = arith.constant 13 : i32
      "tpu.region"() ({
        %run_scoped3A_503 = tpu.sem_alloc : memref<!tpu.dma_semaphore, #tpu.memory_space<semaphore_mem>>
        %dma_start3A_504 = arith.constant 0 : i32
        %dma_start3A_505 = arith.constant 0 : i32
        %dma_start3A_506 = tpu.memref_slice %arg9[%run_scoped3A_461, %dma_start3A_504, %dma_start3A_505] : memref<2x128x128xf32, #tpu.memory_space<vmem>> -> memref<1x128x128xf32, #tpu.memory_space<vmem>>
        %dma_start3A_507 = tpu.memref_squeeze %dma_start3A_506 : memref<1x128x128xf32, #tpu.memory_space<vmem>> -> memref<128x128xf32, #tpu.memory_space<vmem>>
        %dma_start3A_508 = arith.constant 0 : i32
        %dma_start3A_509 = tpu.memref_slice %arg8[%run_scoped3A_462, %dma_start3A_508] : memref<16x128xi32, #tpu.memory_space<vmem>> -> memref<1x128xi32, #tpu.memory_space<vmem>>
        %dma_start3A_510 = tpu.memref_squeeze %dma_start3A_509 : memref<1x128xi32, #tpu.memory_space<vmem>> -> memref<128xi32, #tpu.memory_space<vmem>>
        %dma_start3A_511 = arith.constant 0 : i32
        %dma_start3A_512 = arith.constant 0 : i32
        %dma_start3A_513 = tpu.memref_slice %arg10[%dma_start3A_511, %dma_start3A_512] : memref<10240x128xf32, #tpu.memory_space<vmem_shared>> -> memref<10240x128xf32, #tpu.memory_space<vmem_shared>>
        tpu.enqueue_indirect_dma source(%dma_start3A_507 : memref<128x128xf32, #tpu.memory_space<vmem>>) target(%dma_start3A_513 : memref<10240x128xf32, #tpu.memory_space<vmem_shared>>) offsets(%dma_start3A_510 : memref<128xi32, #tpu.memory_space<vmem>>) semaphore(%run_scoped3A_503 : memref<!tpu.dma_semaphore, #tpu.memory_space<semaphore_mem>>) {add = true}
        %dma_wait3A_514 = arith.constant 0 : i32
        %dma_wait3A_515 = arith.constant 0 : i32
        %dma_wait3A_516 = tpu.memref_slice %arg9[%run_scoped3A_461, %dma_wait3A_514, %dma_wait3A_515] : memref<2x128x128xf32, #tpu.memory_space<vmem>> -> memref<1x128x128xf32, #tpu.memory_space<vmem>>
        %dma_wait3A_517 = tpu.memref_squeeze %dma_wait3A_516 : memref<1x128x128xf32, #tpu.memory_space<vmem>> -> memref<128x128xf32, #tpu.memory_space<vmem>>
        %dma_wait3A_518 = arith.constant 0 : i32
        %dma_wait3A_519 = tpu.memref_slice %arg8[%run_scoped3A_462, %dma_wait3A_518] : memref<16x128xi32, #tpu.memory_space<vmem>> -> memref<1x128xi32, #tpu.memory_space<vmem>>
        %dma_wait3A_520 = tpu.memref_squeeze %dma_wait3A_519 : memref<1x128xi32, #tpu.memory_space<vmem>> -> memref<128xi32, #tpu.memory_space<vmem>>
        %dma_wait3A_521 = arith.constant 0 : i32
        %dma_wait3A_522 = arith.constant 0 : i32
        %dma_wait3A_523 = tpu.memref_slice %arg10[%dma_wait3A_521, %dma_wait3A_522] : memref<10240x128xf32, #tpu.memory_space<vmem_shared>> -> memref<10240x128xf32, #tpu.memory_space<vmem_shared>>
        tpu.wait_indirect_dma semaphore(%run_scoped3A_503 : memref<!tpu.dma_semaphore, #tpu.memory_space<semaphore_mem>>) src(%dma_wait3A_517 : memref<128x128xf32, #tpu.memory_space<vmem>>) dst(%dma_wait3A_523 : memref<10240x128xf32, #tpu.memory_space<vmem_shared>>)
        tpu.yield
      }) : () -> ()
      %dma_start3A_463 = arith.constant 15 : i32
      %dma_start3A_464 = arith.constant 1 : i32
      %dma_start3A_465 = arith.constant 0 : i32
      %dma_start3A_466 = arith.constant 0 : i32
      %dma_start3A_467 = tpu.memref_slice %arg9[%dma_start3A_464, %dma_start3A_465, %dma_start3A_466] : memref<2x128x128xf32, #tpu.memory_space<vmem>> -> memref<1x128x128xf32, #tpu.memory_space<vmem>>
      %dma_start3A_468 = tpu.memref_squeeze %dma_start3A_467 : memref<1x128x128xf32, #tpu.memory_space<vmem>> -> memref<128x128xf32, #tpu.memory_space<vmem>>
      %dma_start3A_469 = arith.constant 0 : i32
      %dma_start3A_470 = tpu.memref_slice %arg7[%dma_start3A_463, %dma_start3A_469] : memref<16x128xi32, #tpu.memory_space<vmem>> -> memref<1x128xi32, #tpu.memory_space<vmem>>
      %dma_start3A_471 = tpu.memref_squeeze %dma_start3A_470 : memref<1x128xi32, #tpu.memory_space<vmem>> -> memref<128xi32, #tpu.memory_space<vmem>>
      %dma_start3A_472 = arith.constant 0 : i32
      %dma_start3A_473 = arith.constant 0 : i32
      %dma_start3A_474 = tpu.memref_slice %arg2[%dma_start3A_472, %dma_start3A_473] : memref<10000x128xf32, #tpu.memory_space<hbm>> -> memref<10000x128xf32, #tpu.memory_space<hbm>>
      tpu.enqueue_indirect_dma source(%dma_start3A_474 : memref<10000x128xf32, #tpu.memory_space<hbm>>) target(%dma_start3A_468 : memref<128x128xf32, #tpu.memory_space<vmem>>) offsets(%dma_start3A_471 : memref<128xi32, #tpu.memory_space<vmem>>) semaphore(%arg12 : memref<!tpu.dma_semaphore, #tpu.memory_space<semaphore_mem>>)
      %dma_wait3A_475 = arith.constant 14 : i32
      %dma_wait3A_476 = arith.constant 0 : i32
      %dma_wait3A_477 = arith.constant 0 : i32
      %dma_wait3A_478 = arith.constant 0 : i32
      %dma_wait3A_479 = tpu.memref_slice %arg9[%dma_wait3A_476, %dma_wait3A_477, %dma_wait3A_478] : memref<2x128x128xf32, #tpu.memory_space<vmem>> -> memref<1x128x128xf32, #tpu.memory_space<vmem>>
      %dma_wait3A_480 = tpu.memref_squeeze %dma_wait3A_479 : memref<1x128x128xf32, #tpu.memory_space<vmem>> -> memref<128x128xf32, #tpu.memory_space<vmem>>
      %dma_wait3A_481 = arith.constant 0 : i32
      %dma_wait3A_482 = tpu.memref_slice %arg7[%dma_wait3A_475, %dma_wait3A_481] : memref<16x128xi32, #tpu.memory_space<vmem>> -> memref<1x128xi32, #tpu.memory_space<vmem>>
      %dma_wait3A_483 = tpu.memref_squeeze %dma_wait3A_482 : memref<1x128xi32, #tpu.memory_space<vmem>> -> memref<128xi32, #tpu.memory_space<vmem>>
      %dma_wait3A_484 = arith.constant 0 : i32
      %dma_wait3A_485 = arith.constant 0 : i32
      %dma_wait3A_486 = tpu.memref_slice %arg2[%dma_wait3A_484, %dma_wait3A_485] : memref<10000x128xf32, #tpu.memory_space<hbm>> -> memref<10000x128xf32, #tpu.memory_space<hbm>>
      tpu.wait_indirect_dma semaphore(%arg11 : memref<!tpu.dma_semaphore, #tpu.memory_space<semaphore_mem>>) src(%dma_wait3A_486 : memref<10000x128xf32, #tpu.memory_space<hbm>>) dst(%dma_wait3A_480 : memref<128x128xf32, #tpu.memory_space<vmem>>)
      %run_scoped3A_487 = arith.constant 0 : i32
      %run_scoped3A_488 = arith.constant 14 : i32
      "tpu.region"() ({
        %run_scoped3A_503 = tpu.sem_alloc : memref<!tpu.dma_semaphore, #tpu.memory_space<semaphore_mem>>
        %dma_start3A_504 = arith.constant 0 : i32
        %dma_start3A_505 = arith.constant 0 : i32
        %dma_start3A_506 = tpu.memref_slice %arg9[%run_scoped3A_487, %dma_start3A_504, %dma_start3A_505] : memref<2x128x128xf32, #tpu.memory_space<vmem>> -> memref<1x128x128xf32, #tpu.memory_space<vmem>>
        %dma_start3A_507 = tpu.memref_squeeze %dma_start3A_506 : memref<1x128x128xf32, #tpu.memory_space<vmem>> -> memref<128x128xf32, #tpu.memory_space<vmem>>
        %dma_start3A_508 = arith.constant 0 : i32
        %dma_start3A_509 = tpu.memref_slice %arg8[%run_scoped3A_488, %dma_start3A_508] : memref<16x128xi32, #tpu.memory_space<vmem>> -> memref<1x128xi32, #tpu.memory_space<vmem>>
        %dma_start3A_510 = tpu.memref_squeeze %dma_start3A_509 : memref<1x128xi32, #tpu.memory_space<vmem>> -> memref<128xi32, #tpu.memory_space<vmem>>
        %dma_start3A_511 = arith.constant 0 : i32
        %dma_start3A_512 = arith.constant 0 : i32
        %dma_start3A_513 = tpu.memref_slice %arg10[%dma_start3A_511, %dma_start3A_512] : memref<10240x128xf32, #tpu.memory_space<vmem_shared>> -> memref<10240x128xf32, #tpu.memory_space<vmem_shared>>
        tpu.enqueue_indirect_dma source(%dma_start3A_507 : memref<128x128xf32, #tpu.memory_space<vmem>>) target(%dma_start3A_513 : memref<10240x128xf32, #tpu.memory_space<vmem_shared>>) offsets(%dma_start3A_510 : memref<128xi32, #tpu.memory_space<vmem>>) semaphore(%run_scoped3A_503 : memref<!tpu.dma_semaphore, #tpu.memory_space<semaphore_mem>>) {add = true}
        %dma_wait3A_514 = arith.constant 0 : i32
        %dma_wait3A_515 = arith.constant 0 : i32
        %dma_wait3A_516 = tpu.memref_slice %arg9[%run_scoped3A_487, %dma_wait3A_514, %dma_wait3A_515] : memref<2x128x128xf32, #tpu.memory_space<vmem>> -> memref<1x128x128xf32, #tpu.memory_space<vmem>>
        %dma_wait3A_517 = tpu.memref_squeeze %dma_wait3A_516 : memref<1x128x128xf32, #tpu.memory_space<vmem>> -> memref<128x128xf32, #tpu.memory_space<vmem>>
        %dma_wait3A_518 = arith.constant 0 : i32
        %dma_wait3A_519 = tpu.memref_slice %arg8[%run_scoped3A_488, %dma_wait3A_518] : memref<16x128xi32, #tpu.memory_space<vmem>> -> memref<1x128xi32, #tpu.memory_space<vmem>>
        %dma_wait3A_520 = tpu.memref_squeeze %dma_wait3A_519 : memref<1x128xi32, #tpu.memory_space<vmem>> -> memref<128xi32, #tpu.memory_space<vmem>>
        %dma_wait3A_521 = arith.constant 0 : i32
        %dma_wait3A_522 = arith.constant 0 : i32
        %dma_wait3A_523 = tpu.memref_slice %arg10[%dma_wait3A_521, %dma_wait3A_522] : memref<10240x128xf32, #tpu.memory_space<vmem_shared>> -> memref<10240x128xf32, #tpu.memory_space<vmem_shared>>
        tpu.wait_indirect_dma semaphore(%run_scoped3A_503 : memref<!tpu.dma_semaphore, #tpu.memory_space<semaphore_mem>>) src(%dma_wait3A_517 : memref<128x128xf32, #tpu.memory_space<vmem>>) dst(%dma_wait3A_523 : memref<10240x128xf32, #tpu.memory_space<vmem_shared>>)
        tpu.yield
      }) : () -> ()
      %dma_wait3A_489 = arith.constant 15 : i32
      %dma_wait3A_490 = arith.constant 1 : i32
      %dma_wait3A_491 = arith.constant 0 : i32
      %dma_wait3A_492 = arith.constant 0 : i32
      %dma_wait3A_493 = tpu.memref_slice %arg9[%dma_wait3A_490, %dma_wait3A_491, %dma_wait3A_492] : memref<2x128x128xf32, #tpu.memory_space<vmem>> -> memref<1x128x128xf32, #tpu.memory_space<vmem>>
      %dma_wait3A_494 = tpu.memref_squeeze %dma_wait3A_493 : memref<1x128x128xf32, #tpu.memory_space<vmem>> -> memref<128x128xf32, #tpu.memory_space<vmem>>
      %dma_wait3A_495 = arith.constant 0 : i32
      %dma_wait3A_496 = tpu.memref_slice %arg7[%dma_wait3A_489, %dma_wait3A_495] : memref<16x128xi32, #tpu.memory_space<vmem>> -> memref<1x128xi32, #tpu.memory_space<vmem>>
      %dma_wait3A_497 = tpu.memref_squeeze %dma_wait3A_496 : memref<1x128xi32, #tpu.memory_space<vmem>> -> memref<128xi32, #tpu.memory_space<vmem>>
      %dma_wait3A_498 = arith.constant 0 : i32
      %dma_wait3A_499 = arith.constant 0 : i32
      %dma_wait3A_500 = tpu.memref_slice %arg2[%dma_wait3A_498, %dma_wait3A_499] : memref<10000x128xf32, #tpu.memory_space<hbm>> -> memref<10000x128xf32, #tpu.memory_space<hbm>>
      tpu.wait_indirect_dma semaphore(%arg12 : memref<!tpu.dma_semaphore, #tpu.memory_space<semaphore_mem>>) src(%dma_wait3A_500 : memref<10000x128xf32, #tpu.memory_space<hbm>>) dst(%dma_wait3A_494 : memref<128x128xf32, #tpu.memory_space<vmem>>)
      %run_scoped3A_501 = arith.constant 1 : i32
      %run_scoped3A_502 = arith.constant 15 : i32
      "tpu.region"() ({
        %run_scoped3A_503 = tpu.sem_alloc : memref<!tpu.dma_semaphore, #tpu.memory_space<semaphore_mem>>
        %dma_start3A_504 = arith.constant 0 : i32
        %dma_start3A_505 = arith.constant 0 : i32
        %dma_start3A_506 = tpu.memref_slice %arg9[%run_scoped3A_501, %dma_start3A_504, %dma_start3A_505] : memref<2x128x128xf32, #tpu.memory_space<vmem>> -> memref<1x128x128xf32, #tpu.memory_space<vmem>>
        %dma_start3A_507 = tpu.memref_squeeze %dma_start3A_506 : memref<1x128x128xf32, #tpu.memory_space<vmem>> -> memref<128x128xf32, #tpu.memory_space<vmem>>
        %dma_start3A_508 = arith.constant 0 : i32
        %dma_start3A_509 = tpu.memref_slice %arg8[%run_scoped3A_502, %dma_start3A_508] : memref<16x128xi32, #tpu.memory_space<vmem>> -> memref<1x128xi32, #tpu.memory_space<vmem>>
        %dma_start3A_510 = tpu.memref_squeeze %dma_start3A_509 : memref<1x128xi32, #tpu.memory_space<vmem>> -> memref<128xi32, #tpu.memory_space<vmem>>
        %dma_start3A_511 = arith.constant 0 : i32
        %dma_start3A_512 = arith.constant 0 : i32
        %dma_start3A_513 = tpu.memref_slice %arg10[%dma_start3A_511, %dma_start3A_512] : memref<10240x128xf32, #tpu.memory_space<vmem_shared>> -> memref<10240x128xf32, #tpu.memory_space<vmem_shared>>
        tpu.enqueue_indirect_dma source(%dma_start3A_507 : memref<128x128xf32, #tpu.memory_space<vmem>>) target(%dma_start3A_513 : memref<10240x128xf32, #tpu.memory_space<vmem_shared>>) offsets(%dma_start3A_510 : memref<128xi32, #tpu.memory_space<vmem>>) semaphore(%run_scoped3A_503 : memref<!tpu.dma_semaphore, #tpu.memory_space<semaphore_mem>>) {add = true}
        %dma_wait3A_514 = arith.constant 0 : i32
        %dma_wait3A_515 = arith.constant 0 : i32
        %dma_wait3A_516 = tpu.memref_slice %arg9[%run_scoped3A_501, %dma_wait3A_514, %dma_wait3A_515] : memref<2x128x128xf32, #tpu.memory_space<vmem>> -> memref<1x128x128xf32, #tpu.memory_space<vmem>>
        %dma_wait3A_517 = tpu.memref_squeeze %dma_wait3A_516 : memref<1x128x128xf32, #tpu.memory_space<vmem>> -> memref<128x128xf32, #tpu.memory_space<vmem>>
        %dma_wait3A_518 = arith.constant 0 : i32
        %dma_wait3A_519 = tpu.memref_slice %arg8[%run_scoped3A_502, %dma_wait3A_518] : memref<16x128xi32, #tpu.memory_space<vmem>> -> memref<1x128xi32, #tpu.memory_space<vmem>>
        %dma_wait3A_520 = tpu.memref_squeeze %dma_wait3A_519 : memref<1x128xi32, #tpu.memory_space<vmem>> -> memref<128xi32, #tpu.memory_space<vmem>>
        %dma_wait3A_521 = arith.constant 0 : i32
        %dma_wait3A_522 = arith.constant 0 : i32
        %dma_wait3A_523 = tpu.memref_slice %arg10[%dma_wait3A_521, %dma_wait3A_522] : memref<10240x128xf32, #tpu.memory_space<vmem_shared>> -> memref<10240x128xf32, #tpu.memory_space<vmem_shared>>
        tpu.wait_indirect_dma semaphore(%run_scoped3A_503 : memref<!tpu.dma_semaphore, #tpu.memory_space<semaphore_mem>>) src(%dma_wait3A_517 : memref<128x128xf32, #tpu.memory_space<vmem>>) dst(%dma_wait3A_523 : memref<10240x128xf32, #tpu.memory_space<vmem_shared>>)
        tpu.yield
      }) : () -> ()
    }
    %scan3A_31 = arith.constant 5 : i32
    %barrier3A_32 = arith.constant 0 : index
    tpu.barrier barrier_id(%barrier3A_32)
    %mul3A_33 = arith.constant 640 : i32
    %mul3A_34 = arith.muli %arg1, %mul3A_33 : i32
    %add3A_35 = arith.constant 0 : i32
    %add3A_36 = arith.addi %mul3A_34, %add3A_35 : i32
    %run_scoped3A_37 = arith.constant 0 : i32
    "tpu.region"() ({
      %run_scoped3A_83 = tpu.sem_alloc : memref<!tpu.dma_semaphore, #tpu.memory_space<semaphore_mem>>
      %dma_start3A = arith.constant 0 : i32
      %dma_start3A_84 = arith.constant 0 : i32
      %dma_start3A_85 = tpu.memref_slice %arg9[%run_scoped3A_37, %dma_start3A, %dma_start3A_84] : memref<2x128x128xf32, #tpu.memory_space<vmem>> -> memref<1x128x128xf32, #tpu.memory_space<vmem>>
      %dma_start3A_86 = tpu.memref_squeeze %dma_start3A_85 : memref<1x128x128xf32, #tpu.memory_space<vmem>> -> memref<128x128xf32, #tpu.memory_space<vmem>>
      %dma_start3A_87 = arith.constant 0 : i32
      %dma_start3A_88 = tpu.memref_slice %arg10[%add3A_36, %dma_start3A_87] : memref<10240x128xf32, #tpu.memory_space<vmem_shared>> -> memref<128x128xf32, #tpu.memory_space<vmem_shared>>
      %dma_start3A_89 = arith.constant 0 : i32
      %dma_start3A_90 = arith.constant 0 : i32
      %dma_start3A_91 = tpu.memref_slice %arg9[%run_scoped3A_37, %dma_start3A_89, %dma_start3A_90] : memref<2x128x128xf32, #tpu.memory_space<vmem>> -> memref<1x128x128xf32, #tpu.memory_space<vmem>>
      %dma_start3A_92 = tpu.memref_squeeze %dma_start3A_91 : memref<1x128x128xf32, #tpu.memory_space<vmem>> -> memref<128x128xf32, #tpu.memory_space<vmem>>
      %dma_start3A_93 = arith.constant 0 : i32
      %dma_start3A_94 = tpu.memref_slice %arg10[%add3A_36, %dma_start3A_93] : memref<10240x128xf32, #tpu.memory_space<vmem_shared>> -> memref<128x128xf32, #tpu.memory_space<vmem_shared>>
      tpu.enqueue_dma source(%dma_start3A_94 : memref<128x128xf32, #tpu.memory_space<vmem_shared>>) target(%dma_start3A_92 : memref<128x128xf32, #tpu.memory_space<vmem>>) target_semaphore(%run_scoped3A_83 : memref<!tpu.dma_semaphore, #tpu.memory_space<semaphore_mem>>)
      %dma_wait3A = arith.constant 0 : i32
      %dma_wait3A_95 = arith.constant 0 : i32
      %dma_wait3A_96 = tpu.memref_slice %arg9[%run_scoped3A_37, %dma_wait3A, %dma_wait3A_95] : memref<2x128x128xf32, #tpu.memory_space<vmem>> -> memref<1x128x128xf32, #tpu.memory_space<vmem>>
      %dma_wait3A_97 = tpu.memref_squeeze %dma_wait3A_96 : memref<1x128x128xf32, #tpu.memory_space<vmem>> -> memref<128x128xf32, #tpu.memory_space<vmem>>
      %dma_wait3A_98 = arith.constant 0 : i32
      %dma_wait3A_99 = tpu.memref_slice %arg10[%add3A_36, %dma_wait3A_98] : memref<10240x128xf32, #tpu.memory_space<vmem_shared>> -> memref<128x128xf32, #tpu.memory_space<vmem_shared>>
      %dma_wait3A_100 = arith.constant 0 : i32
      %dma_wait3A_101 = arith.constant 0 : i32
      %dma_wait3A_102 = tpu.memref_slice %arg9[%run_scoped3A_37, %dma_wait3A_100, %dma_wait3A_101] : memref<2x128x128xf32, #tpu.memory_space<vmem>> -> memref<1x128x128xf32, #tpu.memory_space<vmem>>
      %dma_wait3A_103 = tpu.memref_squeeze %dma_wait3A_102 : memref<1x128x128xf32, #tpu.memory_space<vmem>> -> memref<128x128xf32, #tpu.memory_space<vmem>>
      %dma_wait3A_104 = arith.constant 0 : i32
      %dma_wait3A_105 = tpu.memref_slice %arg10[%add3A_36, %dma_wait3A_104] : memref<10240x128xf32, #tpu.memory_space<vmem_shared>> -> memref<128x128xf32, #tpu.memory_space<vmem_shared>>
      tpu.wait_dma2 semaphore(%run_scoped3A_83 : memref<!tpu.dma_semaphore, #tpu.memory_space<semaphore_mem>>) src(%dma_wait3A_105 : memref<128x128xf32, #tpu.memory_space<vmem_shared>>) dst(%dma_wait3A_103 : memref<128x128xf32, #tpu.memory_space<vmem>>)
      tpu.yield
    }) : () -> ()
    %mul3A_38 = arith.constant 640 : i32
    %mul3A_39 = arith.muli %arg1, %mul3A_38 : i32
    %add3A_40 = arith.constant 0 : i32
    %add3A_41 = arith.addi %mul3A_39, %add3A_40 : i32
    %run_scoped3A_42 = arith.constant 0 : i32
    "tpu.region"() ({
      %run_scoped3A_83 = tpu.sem_alloc : memref<!tpu.dma_semaphore, #tpu.memory_space<semaphore_mem>>
      %dma_start3A = arith.constant 0 : i32
      %dma_start3A_84 = arith.constant 0 : i32
      %dma_start3A_85 = tpu.memref_slice %arg9[%run_scoped3A_42, %dma_start3A, %dma_start3A_84] : memref<2x128x128xf32, #tpu.memory_space<vmem>> -> memref<1x128x128xf32, #tpu.memory_space<vmem>>
      %dma_start3A_86 = tpu.memref_squeeze %dma_start3A_85 : memref<1x128x128xf32, #tpu.memory_space<vmem>> -> memref<128x128xf32, #tpu.memory_space<vmem>>
      %dma_start3A_87 = arith.constant 0 : i32
      %dma_start3A_88 = tpu.memref_slice %arg6[%arg0, %add3A_41, %dma_start3A_87] : memref<2x10240x128xf32, #tpu.memory_space<hbm>> -> memref<1x128x128xf32, #tpu.memory_space<hbm>>
      %dma_start3A_89 = tpu.memref_squeeze %dma_start3A_88 : memref<1x128x128xf32, #tpu.memory_space<hbm>> -> memref<128x128xf32, #tpu.memory_space<hbm>>
      %dma_start3A_90 = arith.constant 0 : i32
      %dma_start3A_91 = tpu.memref_slice %arg6[%arg0, %add3A_41, %dma_start3A_90] : memref<2x10240x128xf32, #tpu.memory_space<hbm>> -> memref<1x128x128xf32, #tpu.memory_space<hbm>>
      %dma_start3A_92 = tpu.memref_squeeze %dma_start3A_91 : memref<1x128x128xf32, #tpu.memory_space<hbm>> -> memref<128x128xf32, #tpu.memory_space<hbm>>
      %dma_start3A_93 = arith.constant 0 : i32
      %dma_start3A_94 = arith.constant 0 : i32
      %dma_start3A_95 = tpu.memref_slice %arg9[%run_scoped3A_42, %dma_start3A_93, %dma_start3A_94] : memref<2x128x128xf32, #tpu.memory_space<vmem>> -> memref<1x128x128xf32, #tpu.memory_space<vmem>>
      %dma_start3A_96 = tpu.memref_squeeze %dma_start3A_95 : memref<1x128x128xf32, #tpu.memory_space<vmem>> -> memref<128x128xf32, #tpu.memory_space<vmem>>
      tpu.enqueue_dma source(%dma_start3A_96 : memref<128x128xf32, #tpu.memory_space<vmem>>) target(%dma_start3A_92 : memref<128x128xf32, #tpu.memory_space<hbm>>) target_semaphore(%run_scoped3A_83 : memref<!tpu.dma_semaphore, #tpu.memory_space<semaphore_mem>>)
      %dma_wait3A = arith.constant 0 : i32
      %dma_wait3A_97 = arith.constant 0 : i32
      %dma_wait3A_98 = tpu.memref_slice %arg9[%run_scoped3A_42, %dma_wait3A, %dma_wait3A_97] : memref<2x128x128xf32, #tpu.memory_space<vmem>> -> memref<1x128x128xf32, #tpu.memory_space<vmem>>
      %dma_wait3A_99 = tpu.memref_squeeze %dma_wait3A_98 : memref<1x128x128xf32, #tpu.memory_space<vmem>> -> memref<128x128xf32, #tpu.memory_space<vmem>>
      %dma_wait3A_100 = arith.constant 0 : i32
      %dma_wait3A_101 = tpu.memref_slice %arg6[%arg0, %add3A_41, %dma_wait3A_100] : memref<2x10240x128xf32, #tpu.memory_space<hbm>> -> memref<1x128x128xf32, #tpu.memory_space<hbm>>
      %dma_wait3A_102 = tpu.memref_squeeze %dma_wait3A_101 : memref<1x128x128xf32, #tpu.memory_space<hbm>> -> memref<128x128xf32, #tpu.memory_space<hbm>>
      %dma_wait3A_103 = arith.constant 0 : i32
      %dma_wait3A_104 = tpu.memref_slice %arg6[%arg0, %add3A_41, %dma_wait3A_103] : memref<2x10240x128xf32, #tpu.memory_space<hbm>> -> memref<1x128x128xf32, #tpu.memory_space<hbm>>
      %dma_wait3A_105 = tpu.memref_squeeze %dma_wait3A_104 : memref<1x128x128xf32, #tpu.memory_space<hbm>> -> memref<128x128xf32, #tpu.memory_space<hbm>>
      %dma_wait3A_106 = arith.constant 0 : i32
      %dma_wait3A_107 = arith.constant 0 : i32
      %dma_wait3A_108 = tpu.memref_slice %arg9[%run_scoped3A_42, %dma_wait3A_106, %dma_wait3A_107] : memref<2x128x128xf32, #tpu.memory_space<vmem>> -> memref<1x128x128xf32, #tpu.memory_space<vmem>>
      %dma_wait3A_109 = tpu.memref_squeeze %dma_wait3A_108 : memref<1x128x128xf32, #tpu.memory_space<vmem>> -> memref<128x128xf32, #tpu.memory_space<vmem>>
      tpu.wait_dma2 semaphore(%run_scoped3A_83 : memref<!tpu.dma_semaphore, #tpu.memory_space<semaphore_mem>>) src(%dma_wait3A_109 : memref<128x128xf32, #tpu.memory_space<vmem>>) dst(%dma_wait3A_105 : memref<128x128xf32, #tpu.memory_space<hbm>>)
      tpu.yield
    }) : () -> ()
    %mul3A_43 = arith.constant 640 : i32
    %mul3A_44 = arith.muli %arg1, %mul3A_43 : i32
    %add3A_45 = arith.constant 128 : i32
    %add3A_46 = arith.addi %mul3A_44, %add3A_45 : i32
    %run_scoped3A_47 = arith.constant 0 : i32
    "tpu.region"() ({
      %run_scoped3A_83 = tpu.sem_alloc : memref<!tpu.dma_semaphore, #tpu.memory_space<semaphore_mem>>
      %dma_start3A = arith.constant 0 : i32
      %dma_start3A_84 = arith.constant 0 : i32
      %dma_start3A_85 = tpu.memref_slice %arg9[%run_scoped3A_47, %dma_start3A, %dma_start3A_84] : memref<2x128x128xf32, #tpu.memory_space<vmem>> -> memref<1x128x128xf32, #tpu.memory_space<vmem>>
      %dma_start3A_86 = tpu.memref_squeeze %dma_start3A_85 : memref<1x128x128xf32, #tpu.memory_space<vmem>> -> memref<128x128xf32, #tpu.memory_space<vmem>>
      %dma_start3A_87 = arith.constant 0 : i32
      %dma_start3A_88 = tpu.memref_slice %arg10[%add3A_46, %dma_start3A_87] : memref<10240x128xf32, #tpu.memory_space<vmem_shared>> -> memref<128x128xf32, #tpu.memory_space<vmem_shared>>
      %dma_start3A_89 = arith.constant 0 : i32
      %dma_start3A_90 = arith.constant 0 : i32
      %dma_start3A_91 = tpu.memref_slice %arg9[%run_scoped3A_47, %dma_start3A_89, %dma_start3A_90] : memref<2x128x128xf32, #tpu.memory_space<vmem>> -> memref<1x128x128xf32, #tpu.memory_space<vmem>>
      %dma_start3A_92 = tpu.memref_squeeze %dma_start3A_91 : memref<1x128x128xf32, #tpu.memory_space<vmem>> -> memref<128x128xf32, #tpu.memory_space<vmem>>
      %dma_start3A_93 = arith.constant 0 : i32
      %dma_start3A_94 = tpu.memref_slice %arg10[%add3A_46, %dma_start3A_93] : memref<10240x128xf32, #tpu.memory_space<vmem_shared>> -> memref<128x128xf32, #tpu.memory_space<vmem_shared>>
      tpu.enqueue_dma source(%dma_start3A_94 : memref<128x128xf32, #tpu.memory_space<vmem_shared>>) target(%dma_start3A_92 : memref<128x128xf32, #tpu.memory_space<vmem>>) target_semaphore(%run_scoped3A_83 : memref<!tpu.dma_semaphore, #tpu.memory_space<semaphore_mem>>)
      %dma_wait3A = arith.constant 0 : i32
      %dma_wait3A_95 = arith.constant 0 : i32
      %dma_wait3A_96 = tpu.memref_slice %arg9[%run_scoped3A_47, %dma_wait3A, %dma_wait3A_95] : memref<2x128x128xf32, #tpu.memory_space<vmem>> -> memref<1x128x128xf32, #tpu.memory_space<vmem>>
      %dma_wait3A_97 = tpu.memref_squeeze %dma_wait3A_96 : memref<1x128x128xf32, #tpu.memory_space<vmem>> -> memref<128x128xf32, #tpu.memory_space<vmem>>
      %dma_wait3A_98 = arith.constant 0 : i32
      %dma_wait3A_99 = tpu.memref_slice %arg10[%add3A_46, %dma_wait3A_98] : memref<10240x128xf32, #tpu.memory_space<vmem_shared>> -> memref<128x128xf32, #tpu.memory_space<vmem_shared>>
      %dma_wait3A_100 = arith.constant 0 : i32
      %dma_wait3A_101 = arith.constant 0 : i32
      %dma_wait3A_102 = tpu.memref_slice %arg9[%run_scoped3A_47, %dma_wait3A_100, %dma_wait3A_101] : memref<2x128x128xf32, #tpu.memory_space<vmem>> -> memref<1x128x128xf32, #tpu.memory_space<vmem>>
      %dma_wait3A_103 = tpu.memref_squeeze %dma_wait3A_102 : memref<1x128x128xf32, #tpu.memory_space<vmem>> -> memref<128x128xf32, #tpu.memory_space<vmem>>
      %dma_wait3A_104 = arith.constant 0 : i32
      %dma_wait3A_105 = tpu.memref_slice %arg10[%add3A_46, %dma_wait3A_104] : memref<10240x128xf32, #tpu.memory_space<vmem_shared>> -> memref<128x128xf32, #tpu.memory_space<vmem_shared>>
      tpu.wait_dma2 semaphore(%run_scoped3A_83 : memref<!tpu.dma_semaphore, #tpu.memory_space<semaphore_mem>>) src(%dma_wait3A_105 : memref<128x128xf32, #tpu.memory_space<vmem_shared>>) dst(%dma_wait3A_103 : memref<128x128xf32, #tpu.memory_space<vmem>>)
      tpu.yield
    }) : () -> ()
    %mul3A_48 = arith.constant 640 : i32
    %mul3A_49 = arith.muli %arg1, %mul3A_48 : i32
    %add3A_50 = arith.constant 128 : i32
    %add3A_51 = arith.addi %mul3A_49, %add3A_50 : i32
    %run_scoped3A_52 = arith.constant 0 : i32
    "tpu.region"() ({
      %run_scoped3A_83 = tpu.sem_alloc : memref<!tpu.dma_semaphore, #tpu.memory_space<semaphore_mem>>
      %dma_start3A = arith.constant 0 : i32
      %dma_start3A_84 = arith.constant 0 : i32
      %dma_start3A_85 = tpu.memref_slice %arg9[%run_scoped3A_52, %dma_start3A, %dma_start3A_84] : memref<2x128x128xf32, #tpu.memory_space<vmem>> -> memref<1x128x128xf32, #tpu.memory_space<vmem>>
      %dma_start3A_86 = tpu.memref_squeeze %dma_start3A_85 : memref<1x128x128xf32, #tpu.memory_space<vmem>> -> memref<128x128xf32, #tpu.memory_space<vmem>>
      %dma_start3A_87 = arith.constant 0 : i32
      %dma_start3A_88 = tpu.memref_slice %arg6[%arg0, %add3A_51, %dma_start3A_87] : memref<2x10240x128xf32, #tpu.memory_space<hbm>> -> memref<1x128x128xf32, #tpu.memory_space<hbm>>
      %dma_start3A_89 = tpu.memref_squeeze %dma_start3A_88 : memref<1x128x128xf32, #tpu.memory_space<hbm>> -> memref<128x128xf32, #tpu.memory_space<hbm>>
      %dma_start3A_90 = arith.constant 0 : i32
      %dma_start3A_91 = tpu.memref_slice %arg6[%arg0, %add3A_51, %dma_start3A_90] : memref<2x10240x128xf32, #tpu.memory_space<hbm>> -> memref<1x128x128xf32, #tpu.memory_space<hbm>>
      %dma_start3A_92 = tpu.memref_squeeze %dma_start3A_91 : memref<1x128x128xf32, #tpu.memory_space<hbm>> -> memref<128x128xf32, #tpu.memory_space<hbm>>
      %dma_start3A_93 = arith.constant 0 : i32
      %dma_start3A_94 = arith.constant 0 : i32
      %dma_start3A_95 = tpu.memref_slice %arg9[%run_scoped3A_52, %dma_start3A_93, %dma_start3A_94] : memref<2x128x128xf32, #tpu.memory_space<vmem>> -> memref<1x128x128xf32, #tpu.memory_space<vmem>>
      %dma_start3A_96 = tpu.memref_squeeze %dma_start3A_95 : memref<1x128x128xf32, #tpu.memory_space<vmem>> -> memref<128x128xf32, #tpu.memory_space<vmem>>
      tpu.enqueue_dma source(%dma_start3A_96 : memref<128x128xf32, #tpu.memory_space<vmem>>) target(%dma_start3A_92 : memref<128x128xf32, #tpu.memory_space<hbm>>) target_semaphore(%run_scoped3A_83 : memref<!tpu.dma_semaphore, #tpu.memory_space<semaphore_mem>>)
      %dma_wait3A = arith.constant 0 : i32
      %dma_wait3A_97 = arith.constant 0 : i32
      %dma_wait3A_98 = tpu.memref_slice %arg9[%run_scoped3A_52, %dma_wait3A, %dma_wait3A_97] : memref<2x128x128xf32, #tpu.memory_space<vmem>> -> memref<1x128x128xf32, #tpu.memory_space<vmem>>
      %dma_wait3A_99 = tpu.memref_squeeze %dma_wait3A_98 : memref<1x128x128xf32, #tpu.memory_space<vmem>> -> memref<128x128xf32, #tpu.memory_space<vmem>>
      %dma_wait3A_100 = arith.constant 0 : i32
      %dma_wait3A_101 = tpu.memref_slice %arg6[%arg0, %add3A_51, %dma_wait3A_100] : memref<2x10240x128xf32, #tpu.memory_space<hbm>> -> memref<1x128x128xf32, #tpu.memory_space<hbm>>
      %dma_wait3A_102 = tpu.memref_squeeze %dma_wait3A_101 : memref<1x128x128xf32, #tpu.memory_space<hbm>> -> memref<128x128xf32, #tpu.memory_space<hbm>>
      %dma_wait3A_103 = arith.constant 0 : i32
      %dma_wait3A_104 = tpu.memref_slice %arg6[%arg0, %add3A_51, %dma_wait3A_103] : memref<2x10240x128xf32, #tpu.memory_space<hbm>> -> memref<1x128x128xf32, #tpu.memory_space<hbm>>
      %dma_wait3A_105 = tpu.memref_squeeze %dma_wait3A_104 : memref<1x128x128xf32, #tpu.memory_space<hbm>> -> memref<128x128xf32, #tpu.memory_space<hbm>>
      %dma_wait3A_106 = arith.constant 0 : i32
      %dma_wait3A_107 = arith.constant 0 : i32
      %dma_wait3A_108 = tpu.memref_slice %arg9[%run_scoped3A_52, %dma_wait3A_106, %dma_wait3A_107] : memref<2x128x128xf32, #tpu.memory_space<vmem>> -> memref<1x128x128xf32, #tpu.memory_space<vmem>>
      %dma_wait3A_109 = tpu.memref_squeeze %dma_wait3A_108 : memref<1x128x128xf32, #tpu.memory_space<vmem>> -> memref<128x128xf32, #tpu.memory_space<vmem>>
      tpu.wait_dma2 semaphore(%run_scoped3A_83 : memref<!tpu.dma_semaphore, #tpu.memory_space<semaphore_mem>>) src(%dma_wait3A_109 : memref<128x128xf32, #tpu.memory_space<vmem>>) dst(%dma_wait3A_105 : memref<128x128xf32, #tpu.memory_space<hbm>>)
      tpu.yield
    }) : () -> ()
    %mul3A_53 = arith.constant 640 : i32
    %mul3A_54 = arith.muli %arg1, %mul3A_53 : i32
    %add3A_55 = arith.constant 256 : i32
    %add3A_56 = arith.addi %mul3A_54, %add3A_55 : i32
    %run_scoped3A_57 = arith.constant 0 : i32
    "tpu.region"() ({
      %run_scoped3A_83 = tpu.sem_alloc : memref<!tpu.dma_semaphore, #tpu.memory_space<semaphore_mem>>
      %dma_start3A = arith.constant 0 : i32
      %dma_start3A_84 = arith.constant 0 : i32
      %dma_start3A_85 = tpu.memref_slice %arg9[%run_scoped3A_57, %dma_start3A, %dma_start3A_84] : memref<2x128x128xf32, #tpu.memory_space<vmem>> -> memref<1x128x128xf32, #tpu.memory_space<vmem>>
      %dma_start3A_86 = tpu.memref_squeeze %dma_start3A_85 : memref<1x128x128xf32, #tpu.memory_space<vmem>> -> memref<128x128xf32, #tpu.memory_space<vmem>>
      %dma_start3A_87 = arith.constant 0 : i32
      %dma_start3A_88 = tpu.memref_slice %arg10[%add3A_56, %dma_start3A_87] : memref<10240x128xf32, #tpu.memory_space<vmem_shared>> -> memref<128x128xf32, #tpu.memory_space<vmem_shared>>
      %dma_start3A_89 = arith.constant 0 : i32
      %dma_start3A_90 = arith.constant 0 : i32
      %dma_start3A_91 = tpu.memref_slice %arg9[%run_scoped3A_57, %dma_start3A_89, %dma_start3A_90] : memref<2x128x128xf32, #tpu.memory_space<vmem>> -> memref<1x128x128xf32, #tpu.memory_space<vmem>>
      %dma_start3A_92 = tpu.memref_squeeze %dma_start3A_91 : memref<1x128x128xf32, #tpu.memory_space<vmem>> -> memref<128x128xf32, #tpu.memory_space<vmem>>
      %dma_start3A_93 = arith.constant 0 : i32
      %dma_start3A_94 = tpu.memref_slice %arg10[%add3A_56, %dma_start3A_93] : memref<10240x128xf32, #tpu.memory_space<vmem_shared>> -> memref<128x128xf32, #tpu.memory_space<vmem_shared>>
      tpu.enqueue_dma source(%dma_start3A_94 : memref<128x128xf32, #tpu.memory_space<vmem_shared>>) target(%dma_start3A_92 : memref<128x128xf32, #tpu.memory_space<vmem>>) target_semaphore(%run_scoped3A_83 : memref<!tpu.dma_semaphore, #tpu.memory_space<semaphore_mem>>)
      %dma_wait3A = arith.constant 0 : i32
      %dma_wait3A_95 = arith.constant 0 : i32
      %dma_wait3A_96 = tpu.memref_slice %arg9[%run_scoped3A_57, %dma_wait3A, %dma_wait3A_95] : memref<2x128x128xf32, #tpu.memory_space<vmem>> -> memref<1x128x128xf32, #tpu.memory_space<vmem>>
      %dma_wait3A_97 = tpu.memref_squeeze %dma_wait3A_96 : memref<1x128x128xf32, #tpu.memory_space<vmem>> -> memref<128x128xf32, #tpu.memory_space<vmem>>
      %dma_wait3A_98 = arith.constant 0 : i32
      %dma_wait3A_99 = tpu.memref_slice %arg10[%add3A_56, %dma_wait3A_98] : memref<10240x128xf32, #tpu.memory_space<vmem_shared>> -> memref<128x128xf32, #tpu.memory_space<vmem_shared>>
      %dma_wait3A_100 = arith.constant 0 : i32
      %dma_wait3A_101 = arith.constant 0 : i32
      %dma_wait3A_102 = tpu.memref_slice %arg9[%run_scoped3A_57, %dma_wait3A_100, %dma_wait3A_101] : memref<2x128x128xf32, #tpu.memory_space<vmem>> -> memref<1x128x128xf32, #tpu.memory_space<vmem>>
      %dma_wait3A_103 = tpu.memref_squeeze %dma_wait3A_102 : memref<1x128x128xf32, #tpu.memory_space<vmem>> -> memref<128x128xf32, #tpu.memory_space<vmem>>
      %dma_wait3A_104 = arith.constant 0 : i32
      %dma_wait3A_105 = tpu.memref_slice %arg10[%add3A_56, %dma_wait3A_104] : memref<10240x128xf32, #tpu.memory_space<vmem_shared>> -> memref<128x128xf32, #tpu.memory_space<vmem_shared>>
      tpu.wait_dma2 semaphore(%run_scoped3A_83 : memref<!tpu.dma_semaphore, #tpu.memory_space<semaphore_mem>>) src(%dma_wait3A_105 : memref<128x128xf32, #tpu.memory_space<vmem_shared>>) dst(%dma_wait3A_103 : memref<128x128xf32, #tpu.memory_space<vmem>>)
      tpu.yield
    }) : () -> ()
    %mul3A_58 = arith.constant 640 : i32
    %mul3A_59 = arith.muli %arg1, %mul3A_58 : i32
    %add3A_60 = arith.constant 256 : i32
    %add3A_61 = arith.addi %mul3A_59, %add3A_60 : i32
    %run_scoped3A_62 = arith.constant 0 : i32
    "tpu.region"() ({
      %run_scoped3A_83 = tpu.sem_alloc : memref<!tpu.dma_semaphore, #tpu.memory_space<semaphore_mem>>
      %dma_start3A = arith.constant 0 : i32
      %dma_start3A_84 = arith.constant 0 : i32
      %dma_start3A_85 = tpu.memref_slice %arg9[%run_scoped3A_62, %dma_start3A, %dma_start3A_84] : memref<2x128x128xf32, #tpu.memory_space<vmem>> -> memref<1x128x128xf32, #tpu.memory_space<vmem>>
      %dma_start3A_86 = tpu.memref_squeeze %dma_start3A_85 : memref<1x128x128xf32, #tpu.memory_space<vmem>> -> memref<128x128xf32, #tpu.memory_space<vmem>>
      %dma_start3A_87 = arith.constant 0 : i32
      %dma_start3A_88 = tpu.memref_slice %arg6[%arg0, %add3A_61, %dma_start3A_87] : memref<2x10240x128xf32, #tpu.memory_space<hbm>> -> memref<1x128x128xf32, #tpu.memory_space<hbm>>
      %dma_start3A_89 = tpu.memref_squeeze %dma_start3A_88 : memref<1x128x128xf32, #tpu.memory_space<hbm>> -> memref<128x128xf32, #tpu.memory_space<hbm>>
      %dma_start3A_90 = arith.constant 0 : i32
      %dma_start3A_91 = tpu.memref_slice %arg6[%arg0, %add3A_61, %dma_start3A_90] : memref<2x10240x128xf32, #tpu.memory_space<hbm>> -> memref<1x128x128xf32, #tpu.memory_space<hbm>>
      %dma_start3A_92 = tpu.memref_squeeze %dma_start3A_91 : memref<1x128x128xf32, #tpu.memory_space<hbm>> -> memref<128x128xf32, #tpu.memory_space<hbm>>
      %dma_start3A_93 = arith.constant 0 : i32
      %dma_start3A_94 = arith.constant 0 : i32
      %dma_start3A_95 = tpu.memref_slice %arg9[%run_scoped3A_62, %dma_start3A_93, %dma_start3A_94] : memref<2x128x128xf32, #tpu.memory_space<vmem>> -> memref<1x128x128xf32, #tpu.memory_space<vmem>>
      %dma_start3A_96 = tpu.memref_squeeze %dma_start3A_95 : memref<1x128x128xf32, #tpu.memory_space<vmem>> -> memref<128x128xf32, #tpu.memory_space<vmem>>
      tpu.enqueue_dma source(%dma_start3A_96 : memref<128x128xf32, #tpu.memory_space<vmem>>) target(%dma_start3A_92 : memref<128x128xf32, #tpu.memory_space<hbm>>) target_semaphore(%run_scoped3A_83 : memref<!tpu.dma_semaphore, #tpu.memory_space<semaphore_mem>>)
      %dma_wait3A = arith.constant 0 : i32
      %dma_wait3A_97 = arith.constant 0 : i32
      %dma_wait3A_98 = tpu.memref_slice %arg9[%run_scoped3A_62, %dma_wait3A, %dma_wait3A_97] : memref<2x128x128xf32, #tpu.memory_space<vmem>> -> memref<1x128x128xf32, #tpu.memory_space<vmem>>
      %dma_wait3A_99 = tpu.memref_squeeze %dma_wait3A_98 : memref<1x128x128xf32, #tpu.memory_space<vmem>> -> memref<128x128xf32, #tpu.memory_space<vmem>>
      %dma_wait3A_100 = arith.constant 0 : i32
      %dma_wait3A_101 = tpu.memref_slice %arg6[%arg0, %add3A_61, %dma_wait3A_100] : memref<2x10240x128xf32, #tpu.memory_space<hbm>> -> memref<1x128x128xf32, #tpu.memory_space<hbm>>
      %dma_wait3A_102 = tpu.memref_squeeze %dma_wait3A_101 : memref<1x128x128xf32, #tpu.memory_space<hbm>> -> memref<128x128xf32, #tpu.memory_space<hbm>>
      %dma_wait3A_103 = arith.constant 0 : i32
      %dma_wait3A_104 = tpu.memref_slice %arg6[%arg0, %add3A_61, %dma_wait3A_103] : memref<2x10240x128xf32, #tpu.memory_space<hbm>> -> memref<1x128x128xf32, #tpu.memory_space<hbm>>
      %dma_wait3A_105 = tpu.memref_squeeze %dma_wait3A_104 : memref<1x128x128xf32, #tpu.memory_space<hbm>> -> memref<128x128xf32, #tpu.memory_space<hbm>>
      %dma_wait3A_106 = arith.constant 0 : i32
      %dma_wait3A_107 = arith.constant 0 : i32
      %dma_wait3A_108 = tpu.memref_slice %arg9[%run_scoped3A_62, %dma_wait3A_106, %dma_wait3A_107] : memref<2x128x128xf32, #tpu.memory_space<vmem>> -> memref<1x128x128xf32, #tpu.memory_space<vmem>>
      %dma_wait3A_109 = tpu.memref_squeeze %dma_wait3A_108 : memref<1x128x128xf32, #tpu.memory_space<vmem>> -> memref<128x128xf32, #tpu.memory_space<vmem>>
      tpu.wait_dma2 semaphore(%run_scoped3A_83 : memref<!tpu.dma_semaphore, #tpu.memory_space<semaphore_mem>>) src(%dma_wait3A_109 : memref<128x128xf32, #tpu.memory_space<vmem>>) dst(%dma_wait3A_105 : memref<128x128xf32, #tpu.memory_space<hbm>>)
      tpu.yield
    }) : () -> ()
    %mul3A_63 = arith.constant 640 : i32
    %mul3A_64 = arith.muli %arg1, %mul3A_63 : i32
    %add3A_65 = arith.constant 384 : i32
    %add3A_66 = arith.addi %mul3A_64, %add3A_65 : i32
    %run_scoped3A_67 = arith.constant 0 : i32
    "tpu.region"() ({
      %run_scoped3A_83 = tpu.sem_alloc : memref<!tpu.dma_semaphore, #tpu.memory_space<semaphore_mem>>
      %dma_start3A = arith.constant 0 : i32
      %dma_start3A_84 = arith.constant 0 : i32
      %dma_start3A_85 = tpu.memref_slice %arg9[%run_scoped3A_67, %dma_start3A, %dma_start3A_84] : memref<2x128x128xf32, #tpu.memory_space<vmem>> -> memref<1x128x128xf32, #tpu.memory_space<vmem>>
      %dma_start3A_86 = tpu.memref_squeeze %dma_start3A_85 : memref<1x128x128xf32, #tpu.memory_space<vmem>> -> memref<128x128xf32, #tpu.memory_space<vmem>>
      %dma_start3A_87 = arith.constant 0 : i32
      %dma_start3A_88 = tpu.memref_slice %arg10[%add3A_66, %dma_start3A_87] : memref<10240x128xf32, #tpu.memory_space<vmem_shared>> -> memref<128x128xf32, #tpu.memory_space<vmem_shared>>
      %dma_start3A_89 = arith.constant 0 : i32
      %dma_start3A_90 = arith.constant 0 : i32
      %dma_start3A_91 = tpu.memref_slice %arg9[%run_scoped3A_67, %dma_start3A_89, %dma_start3A_90] : memref<2x128x128xf32, #tpu.memory_space<vmem>> -> memref<1x128x128xf32, #tpu.memory_space<vmem>>
      %dma_start3A_92 = tpu.memref_squeeze %dma_start3A_91 : memref<1x128x128xf32, #tpu.memory_space<vmem>> -> memref<128x128xf32, #tpu.memory_space<vmem>>
      %dma_start3A_93 = arith.constant 0 : i32
      %dma_start3A_94 = tpu.memref_slice %arg10[%add3A_66, %dma_start3A_93] : memref<10240x128xf32, #tpu.memory_space<vmem_shared>> -> memref<128x128xf32, #tpu.memory_space<vmem_shared>>
      tpu.enqueue_dma source(%dma_start3A_94 : memref<128x128xf32, #tpu.memory_space<vmem_shared>>) target(%dma_start3A_92 : memref<128x128xf32, #tpu.memory_space<vmem>>) target_semaphore(%run_scoped3A_83 : memref<!tpu.dma_semaphore, #tpu.memory_space<semaphore_mem>>)
      %dma_wait3A = arith.constant 0 : i32
      %dma_wait3A_95 = arith.constant 0 : i32
      %dma_wait3A_96 = tpu.memref_slice %arg9[%run_scoped3A_67, %dma_wait3A, %dma_wait3A_95] : memref<2x128x128xf32, #tpu.memory_space<vmem>> -> memref<1x128x128xf32, #tpu.memory_space<vmem>>
      %dma_wait3A_97 = tpu.memref_squeeze %dma_wait3A_96 : memref<1x128x128xf32, #tpu.memory_space<vmem>> -> memref<128x128xf32, #tpu.memory_space<vmem>>
      %dma_wait3A_98 = arith.constant 0 : i32
      %dma_wait3A_99 = tpu.memref_slice %arg10[%add3A_66, %dma_wait3A_98] : memref<10240x128xf32, #tpu.memory_space<vmem_shared>> -> memref<128x128xf32, #tpu.memory_space<vmem_shared>>
      %dma_wait3A_100 = arith.constant 0 : i32
      %dma_wait3A_101 = arith.constant 0 : i32
      %dma_wait3A_102 = tpu.memref_slice %arg9[%run_scoped3A_67, %dma_wait3A_100, %dma_wait3A_101] : memref<2x128x128xf32, #tpu.memory_space<vmem>> -> memref<1x128x128xf32, #tpu.memory_space<vmem>>
      %dma_wait3A_103 = tpu.memref_squeeze %dma_wait3A_102 : memref<1x128x128xf32, #tpu.memory_space<vmem>> -> memref<128x128xf32, #tpu.memory_space<vmem>>
      %dma_wait3A_104 = arith.constant 0 : i32
      %dma_wait3A_105 = tpu.memref_slice %arg10[%add3A_66, %dma_wait3A_104] : memref<10240x128xf32, #tpu.memory_space<vmem_shared>> -> memref<128x128xf32, #tpu.memory_space<vmem_shared>>
      tpu.wait_dma2 semaphore(%run_scoped3A_83 : memref<!tpu.dma_semaphore, #tpu.memory_space<semaphore_mem>>) src(%dma_wait3A_105 : memref<128x128xf32, #tpu.memory_space<vmem_shared>>) dst(%dma_wait3A_103 : memref<128x128xf32, #tpu.memory_space<vmem>>)
      tpu.yield
    }) : () -> ()
    %mul3A_68 = arith.constant 640 : i32
    %mul3A_69 = arith.muli %arg1, %mul3A_68 : i32
    %add3A_70 = arith.constant 384 : i32
    %add3A_71 = arith.addi %mul3A_69, %add3A_70 : i32
    %run_scoped3A_72 = arith.constant 0 : i32
    "tpu.region"() ({
      %run_scoped3A_83 = tpu.sem_alloc : memref<!tpu.dma_semaphore, #tpu.memory_space<semaphore_mem>>
      %dma_start3A = arith.constant 0 : i32
      %dma_start3A_84 = arith.constant 0 : i32
      %dma_start3A_85 = tpu.memref_slice %arg9[%run_scoped3A_72, %dma_start3A, %dma_start3A_84] : memref<2x128x128xf32, #tpu.memory_space<vmem>> -> memref<1x128x128xf32, #tpu.memory_space<vmem>>
      %dma_start3A_86 = tpu.memref_squeeze %dma_start3A_85 : memref<1x128x128xf32, #tpu.memory_space<vmem>> -> memref<128x128xf32, #tpu.memory_space<vmem>>
      %dma_start3A_87 = arith.constant 0 : i32
      %dma_start3A_88 = tpu.memref_slice %arg6[%arg0, %add3A_71, %dma_start3A_87] : memref<2x10240x128xf32, #tpu.memory_space<hbm>> -> memref<1x128x128xf32, #tpu.memory_space<hbm>>
      %dma_start3A_89 = tpu.memref_squeeze %dma_start3A_88 : memref<1x128x128xf32, #tpu.memory_space<hbm>> -> memref<128x128xf32, #tpu.memory_space<hbm>>
      %dma_start3A_90 = arith.constant 0 : i32
      %dma_start3A_91 = tpu.memref_slice %arg6[%arg0, %add3A_71, %dma_start3A_90] : memref<2x10240x128xf32, #tpu.memory_space<hbm>> -> memref<1x128x128xf32, #tpu.memory_space<hbm>>
      %dma_start3A_92 = tpu.memref_squeeze %dma_start3A_91 : memref<1x128x128xf32, #tpu.memory_space<hbm>> -> memref<128x128xf32, #tpu.memory_space<hbm>>
      %dma_start3A_93 = arith.constant 0 : i32
      %dma_start3A_94 = arith.constant 0 : i32
      %dma_start3A_95 = tpu.memref_slice %arg9[%run_scoped3A_72, %dma_start3A_93, %dma_start3A_94] : memref<2x128x128xf32, #tpu.memory_space<vmem>> -> memref<1x128x128xf32, #tpu.memory_space<vmem>>
      %dma_start3A_96 = tpu.memref_squeeze %dma_start3A_95 : memref<1x128x128xf32, #tpu.memory_space<vmem>> -> memref<128x128xf32, #tpu.memory_space<vmem>>
      tpu.enqueue_dma source(%dma_start3A_96 : memref<128x128xf32, #tpu.memory_space<vmem>>) target(%dma_start3A_92 : memref<128x128xf32, #tpu.memory_space<hbm>>) target_semaphore(%run_scoped3A_83 : memref<!tpu.dma_semaphore, #tpu.memory_space<semaphore_mem>>)
      %dma_wait3A = arith.constant 0 : i32
      %dma_wait3A_97 = arith.constant 0 : i32
      %dma_wait3A_98 = tpu.memref_slice %arg9[%run_scoped3A_72, %dma_wait3A, %dma_wait3A_97] : memref<2x128x128xf32, #tpu.memory_space<vmem>> -> memref<1x128x128xf32, #tpu.memory_space<vmem>>
      %dma_wait3A_99 = tpu.memref_squeeze %dma_wait3A_98 : memref<1x128x128xf32, #tpu.memory_space<vmem>> -> memref<128x128xf32, #tpu.memory_space<vmem>>
      %dma_wait3A_100 = arith.constant 0 : i32
      %dma_wait3A_101 = tpu.memref_slice %arg6[%arg0, %add3A_71, %dma_wait3A_100] : memref<2x10240x128xf32, #tpu.memory_space<hbm>> -> memref<1x128x128xf32, #tpu.memory_space<hbm>>
      %dma_wait3A_102 = tpu.memref_squeeze %dma_wait3A_101 : memref<1x128x128xf32, #tpu.memory_space<hbm>> -> memref<128x128xf32, #tpu.memory_space<hbm>>
      %dma_wait3A_103 = arith.constant 0 : i32
      %dma_wait3A_104 = tpu.memref_slice %arg6[%arg0, %add3A_71, %dma_wait3A_103] : memref<2x10240x128xf32, #tpu.memory_space<hbm>> -> memref<1x128x128xf32, #tpu.memory_space<hbm>>
      %dma_wait3A_105 = tpu.memref_squeeze %dma_wait3A_104 : memref<1x128x128xf32, #tpu.memory_space<hbm>> -> memref<128x128xf32, #tpu.memory_space<hbm>>
      %dma_wait3A_106 = arith.constant 0 : i32
      %dma_wait3A_107 = arith.constant 0 : i32
      %dma_wait3A_108 = tpu.memref_slice %arg9[%run_scoped3A_72, %dma_wait3A_106, %dma_wait3A_107] : memref<2x128x128xf32, #tpu.memory_space<vmem>> -> memref<1x128x128xf32, #tpu.memory_space<vmem>>
      %dma_wait3A_109 = tpu.memref_squeeze %dma_wait3A_108 : memref<1x128x128xf32, #tpu.memory_space<vmem>> -> memref<128x128xf32, #tpu.memory_space<vmem>>
      tpu.wait_dma2 semaphore(%run_scoped3A_83 : memref<!tpu.dma_semaphore, #tpu.memory_space<semaphore_mem>>) src(%dma_wait3A_109 : memref<128x128xf32, #tpu.memory_space<vmem>>) dst(%dma_wait3A_105 : memref<128x128xf32, #tpu.memory_space<hbm>>)
      tpu.yield
    }) : () -> ()
    %mul3A_73 = arith.constant 640 : i32
    %mul3A_74 = arith.muli %arg1, %mul3A_73 : i32
    %add3A_75 = arith.constant 512 : i32
    %add3A_76 = arith.addi %mul3A_74, %add3A_75 : i32
    %run_scoped3A_77 = arith.constant 0 : i32
    "tpu.region"() ({
      %run_scoped3A_83 = tpu.sem_alloc : memref<!tpu.dma_semaphore, #tpu.memory_space<semaphore_mem>>
      %dma_start3A = arith.constant 0 : i32
      %dma_start3A_84 = arith.constant 0 : i32
      %dma_start3A_85 = tpu.memref_slice %arg9[%run_scoped3A_77, %dma_start3A, %dma_start3A_84] : memref<2x128x128xf32, #tpu.memory_space<vmem>> -> memref<1x128x128xf32, #tpu.memory_space<vmem>>
      %dma_start3A_86 = tpu.memref_squeeze %dma_start3A_85 : memref<1x128x128xf32, #tpu.memory_space<vmem>> -> memref<128x128xf32, #tpu.memory_space<vmem>>
      %dma_start3A_87 = arith.constant 0 : i32
      %dma_start3A_88 = tpu.memref_slice %arg10[%add3A_76, %dma_start3A_87] : memref<10240x128xf32, #tpu.memory_space<vmem_shared>> -> memref<128x128xf32, #tpu.memory_space<vmem_shared>>
      %dma_start3A_89 = arith.constant 0 : i32
      %dma_start3A_90 = arith.constant 0 : i32
      %dma_start3A_91 = tpu.memref_slice %arg9[%run_scoped3A_77, %dma_start3A_89, %dma_start3A_90] : memref<2x128x128xf32, #tpu.memory_space<vmem>> -> memref<1x128x128xf32, #tpu.memory_space<vmem>>
      %dma_start3A_92 = tpu.memref_squeeze %dma_start3A_91 : memref<1x128x128xf32, #tpu.memory_space<vmem>> -> memref<128x128xf32, #tpu.memory_space<vmem>>
      %dma_start3A_93 = arith.constant 0 : i32
      %dma_start3A_94 = tpu.memref_slice %arg10[%add3A_76, %dma_start3A_93] : memref<10240x128xf32, #tpu.memory_space<vmem_shared>> -> memref<128x128xf32, #tpu.memory_space<vmem_shared>>
      tpu.enqueue_dma source(%dma_start3A_94 : memref<128x128xf32, #tpu.memory_space<vmem_shared>>) target(%dma_start3A_92 : memref<128x128xf32, #tpu.memory_space<vmem>>) target_semaphore(%run_scoped3A_83 : memref<!tpu.dma_semaphore, #tpu.memory_space<semaphore_mem>>)
      %dma_wait3A = arith.constant 0 : i32
      %dma_wait3A_95 = arith.constant 0 : i32
      %dma_wait3A_96 = tpu.memref_slice %arg9[%run_scoped3A_77, %dma_wait3A, %dma_wait3A_95] : memref<2x128x128xf32, #tpu.memory_space<vmem>> -> memref<1x128x128xf32, #tpu.memory_space<vmem>>
      %dma_wait3A_97 = tpu.memref_squeeze %dma_wait3A_96 : memref<1x128x128xf32, #tpu.memory_space<vmem>> -> memref<128x128xf32, #tpu.memory_space<vmem>>
      %dma_wait3A_98 = arith.constant 0 : i32
      %dma_wait3A_99 = tpu.memref_slice %arg10[%add3A_76, %dma_wait3A_98] : memref<10240x128xf32, #tpu.memory_space<vmem_shared>> -> memref<128x128xf32, #tpu.memory_space<vmem_shared>>
      %dma_wait3A_100 = arith.constant 0 : i32
      %dma_wait3A_101 = arith.constant 0 : i32
      %dma_wait3A_102 = tpu.memref_slice %arg9[%run_scoped3A_77, %dma_wait3A_100, %dma_wait3A_101] : memref<2x128x128xf32, #tpu.memory_space<vmem>> -> memref<1x128x128xf32, #tpu.memory_space<vmem>>
      %dma_wait3A_103 = tpu.memref_squeeze %dma_wait3A_102 : memref<1x128x128xf32, #tpu.memory_space<vmem>> -> memref<128x128xf32, #tpu.memory_space<vmem>>
      %dma_wait3A_104 = arith.constant 0 : i32
      %dma_wait3A_105 = tpu.memref_slice %arg10[%add3A_76, %dma_wait3A_104] : memref<10240x128xf32, #tpu.memory_space<vmem_shared>> -> memref<128x128xf32, #tpu.memory_space<vmem_shared>>
      tpu.wait_dma2 semaphore(%run_scoped3A_83 : memref<!tpu.dma_semaphore, #tpu.memory_space<semaphore_mem>>) src(%dma_wait3A_105 : memref<128x128xf32, #tpu.memory_space<vmem_shared>>) dst(%dma_wait3A_103 : memref<128x128xf32, #tpu.memory_space<vmem>>)
      tpu.yield
    }) : () -> ()
    %mul3A_78 = arith.constant 640 : i32
    %mul3A_79 = arith.muli %arg1, %mul3A_78 : i32
    %add3A_80 = arith.constant 512 : i32
    %add3A_81 = arith.addi %mul3A_79, %add3A_80 : i32
    %run_scoped3A_82 = arith.constant 0 : i32
    "tpu.region"() ({
      %run_scoped3A_83 = tpu.sem_alloc : memref<!tpu.dma_semaphore, #tpu.memory_space<semaphore_mem>>
      %dma_start3A = arith.constant 0 : i32
      %dma_start3A_84 = arith.constant 0 : i32
      %dma_start3A_85 = tpu.memref_slice %arg9[%run_scoped3A_82, %dma_start3A, %dma_start3A_84] : memref<2x128x128xf32, #tpu.memory_space<vmem>> -> memref<1x128x128xf32, #tpu.memory_space<vmem>>
      %dma_start3A_86 = tpu.memref_squeeze %dma_start3A_85 : memref<1x128x128xf32, #tpu.memory_space<vmem>> -> memref<128x128xf32, #tpu.memory_space<vmem>>
      %dma_start3A_87 = arith.constant 0 : i32
      %dma_start3A_88 = tpu.memref_slice %arg6[%arg0, %add3A_81, %dma_start3A_87] : memref<2x10240x128xf32, #tpu.memory_space<hbm>> -> memref<1x128x128xf32, #tpu.memory_space<hbm>>
      %dma_start3A_89 = tpu.memref_squeeze %dma_start3A_88 : memref<1x128x128xf32, #tpu.memory_space<hbm>> -> memref<128x128xf32, #tpu.memory_space<hbm>>
      %dma_start3A_90 = arith.constant 0 : i32
      %dma_start3A_91 = tpu.memref_slice %arg6[%arg0, %add3A_81, %dma_start3A_90] : memref<2x10240x128xf32, #tpu.memory_space<hbm>> -> memref<1x128x128xf32, #tpu.memory_space<hbm>>
      %dma_start3A_92 = tpu.memref_squeeze %dma_start3A_91 : memref<1x128x128xf32, #tpu.memory_space<hbm>> -> memref<128x128xf32, #tpu.memory_space<hbm>>
      %dma_start3A_93 = arith.constant 0 : i32
      %dma_start3A_94 = arith.constant 0 : i32
      %dma_start3A_95 = tpu.memref_slice %arg9[%run_scoped3A_82, %dma_start3A_93, %dma_start3A_94] : memref<2x128x128xf32, #tpu.memory_space<vmem>> -> memref<1x128x128xf32, #tpu.memory_space<vmem>>
      %dma_start3A_96 = tpu.memref_squeeze %dma_start3A_95 : memref<1x128x128xf32, #tpu.memory_space<vmem>> -> memref<128x128xf32, #tpu.memory_space<vmem>>
      tpu.enqueue_dma source(%dma_start3A_96 : memref<128x128xf32, #tpu.memory_space<vmem>>) target(%dma_start3A_92 : memref<128x128xf32, #tpu.memory_space<hbm>>) target_semaphore(%run_scoped3A_83 : memref<!tpu.dma_semaphore, #tpu.memory_space<semaphore_mem>>)
      %dma_wait3A = arith.constant 0 : i32
      %dma_wait3A_97 = arith.constant 0 : i32
      %dma_wait3A_98 = tpu.memref_slice %arg9[%run_scoped3A_82, %dma_wait3A, %dma_wait3A_97] : memref<2x128x128xf32, #tpu.memory_space<vmem>> -> memref<1x128x128xf32, #tpu.memory_space<vmem>>
      %dma_wait3A_99 = tpu.memref_squeeze %dma_wait3A_98 : memref<1x128x128xf32, #tpu.memory_space<vmem>> -> memref<128x128xf32, #tpu.memory_space<vmem>>
      %dma_wait3A_100 = arith.constant 0 : i32
      %dma_wait3A_101 = tpu.memref_slice %arg6[%arg0, %add3A_81, %dma_wait3A_100] : memref<2x10240x128xf32, #tpu.memory_space<hbm>> -> memref<1x128x128xf32, #tpu.memory_space<hbm>>
      %dma_wait3A_102 = tpu.memref_squeeze %dma_wait3A_101 : memref<1x128x128xf32, #tpu.memory_space<hbm>> -> memref<128x128xf32, #tpu.memory_space<hbm>>
      %dma_wait3A_103 = arith.constant 0 : i32
      %dma_wait3A_104 = tpu.memref_slice %arg6[%arg0, %add3A_81, %dma_wait3A_103] : memref<2x10240x128xf32, #tpu.memory_space<hbm>> -> memref<1x128x128xf32, #tpu.memory_space<hbm>>
      %dma_wait3A_105 = tpu.memref_squeeze %dma_wait3A_104 : memref<1x128x128xf32, #tpu.memory_space<hbm>> -> memref<128x128xf32, #tpu.memory_space<hbm>>
      %dma_wait3A_106 = arith.constant 0 : i32
      %dma_wait3A_107 = arith.constant 0 : i32
      %dma_wait3A_108 = tpu.memref_slice %arg9[%run_scoped3A_82, %dma_wait3A_106, %dma_wait3A_107] : memref<2x128x128xf32, #tpu.memory_space<vmem>> -> memref<1x128x128xf32, #tpu.memory_space<vmem>>
      %dma_wait3A_109 = tpu.memref_squeeze %dma_wait3A_108 : memref<1x128x128xf32, #tpu.memory_space<vmem>> -> memref<128x128xf32, #tpu.memory_space<vmem>>
      tpu.wait_dma2 semaphore(%run_scoped3A_83 : memref<!tpu.dma_semaphore, #tpu.memory_space<semaphore_mem>>) src(%dma_wait3A_109 : memref<128x128xf32, #tpu.memory_space<vmem>>) dst(%dma_wait3A_105 : memref<128x128xf32, #tpu.memory_space<hbm>>)
      tpu.yield
    }) : () -> ()
    return
  }
}

#map = affine_map<(d0, d1) -> (0, 0)>
#map1 = affine_map<(d0, d1) -> (0, 0, 0)>
module attributes {stable_mosaic.version = 14 : i64} {
  func.func @agg_kernel(%arg0: i32, %arg1: i32, %arg2: memref<10000x128xf32, #tpu.memory_space<hbm>>, %arg3: memref<2560x128xi32, #tpu.memory_space<hbm>>, %arg4: memref<2560x128xi32, #tpu.memory_space<hbm>>, %arg5: memref<128x128xf32, #tpu.memory_space<hbm>>, %arg6: memref<2x10240x128xf32, #tpu.memory_space<hbm>>, %arg7: memref<16x128xi32, #tpu.memory_space<vmem>>, %arg8: memref<16x128xi32, #tpu.memory_space<vmem>>, %arg9: memref<2x128x128xf32, #tpu.memory_space<vmem>>, %arg10: memref<10240x128xf32, #tpu.memory_space<vmem_shared>>, %arg11: memref<!tpu.dma_semaphore, #tpu.memory_space<semaphore_mem>>, %arg12: memref<!tpu.dma_semaphore, #tpu.memory_space<semaphore_mem>>) attributes {dimension_semantics = [#tpu.dimension_semantics<core_parallel>, #tpu.dimension_semantics<subcore_parallel>], iteration_bounds = array<i64: 2, 16>, scalar_prefetch = 0 : i64, scratch_operands = 6 : i64, tpu.core_type = #tpu.core_type<sc_vector_subcore>, window_params = [{transform_indices = #map}, {transform_indices = #map}, {transform_indices = #map}, {transform_indices = #map}, {transform_indices = #map1}]} {
    %sub3A = arith.constant 1 : i32
    %sub3A_0 = arith.subi %sub3A, %arg0 : i32
    %mul3A = arith.constant 16 : i32
    %mul3A_1 = arith.muli %sub3A_0, %mul3A : i32
    %add3A = arith.addi %mul3A_1, %arg1 : i32
    %run_scoped3A = arith.constant 0 : i32
    "tpu.region"() ({
      %run_scoped3A_83 = tpu.sem_alloc : memref<!tpu.dma_semaphore, #tpu.memory_space<semaphore_mem>>
      %dma_start3A = arith.constant 0 : i32
      %dma_start3A_84 = arith.constant 0 : i32
      %dma_start3A_85 = tpu.memref_slice %arg9[%run_scoped3A, %dma_start3A, %dma_start3A_84] : memref<2x128x128xf32, #tpu.memory_space<vmem>> -> memref<1x128x128xf32, #tpu.memory_space<vmem>>
      %dma_start3A_86 = tpu.memref_squeeze %dma_start3A_85 : memref<1x128x128xf32, #tpu.memory_space<vmem>> -> memref<128x128xf32, #tpu.memory_space<vmem>>
      %dma_start3A_87 = arith.constant 0 : i32
      %dma_start3A_88 = arith.constant 0 : i32
      %dma_start3A_89 = tpu.memref_slice %arg9[%run_scoped3A, %dma_start3A_87, %dma_start3A_88] : memref<2x128x128xf32, #tpu.memory_space<vmem>> -> memref<1x128x128xf32, #tpu.memory_space<vmem>>
      %dma_start3A_90 = tpu.memref_squeeze %dma_start3A_89 : memref<1x128x128xf32, #tpu.memory_space<vmem>> -> memref<128x128xf32, #tpu.memory_space<vmem>>
      tpu.enqueue_dma source(%arg5 : memref<128x128xf32, #tpu.memory_space<hbm>>) target(%dma_start3A_90 : memref<128x128xf32, #tpu.memory_space<vmem>>) target_semaphore(%run_scoped3A_83 : memref<!tpu.dma_semaphore, #tpu.memory_space<semaphore_mem>>)
      %dma_wait3A = arith.constant 0 : i32
      %dma_wait3A_91 = arith.constant 0 : i32
      %dma_wait3A_92 = tpu.memref_slice %arg9[%run_scoped3A, %dma_wait3A, %dma_wait3A_91] : memref<2x128x128xf32, #tpu.memory_space<vmem>> -> memref<1x128x128xf32, #tpu.memory_space<vmem>>
      %dma_wait3A_93 = tpu.memref_squeeze %dma_wait3A_92 : memref<1x128x128xf32, #tpu.memory_space<vmem>> -> memref<128x128xf32, #tpu.memory_space<vmem>>
      %dma_wait3A_94 = arith.constant 0 : i32
      %dma_wait3A_95 = arith.constant 0 : i32
      %dma_wait3A_96 = tpu.memref_slice %arg9[%run_scoped3A, %dma_wait3A_94, %dma_wait3A_95] : memref<2x128x128xf32, #tpu.memory_space<vmem>> -> memref<1x128x128xf32, #tpu.memory_space<vmem>>
      %dma_wait3A_97 = tpu.memref_squeeze %dma_wait3A_96 : memref<1x128x128xf32, #tpu.memory_space<vmem>> -> memref<128x128xf32, #tpu.memory_space<vmem>>
      tpu.wait_dma2 semaphore(%run_scoped3A_83 : memref<!tpu.dma_semaphore, #tpu.memory_space<semaphore_mem>>) src(%arg5 : memref<128x128xf32, #tpu.memory_space<hbm>>) dst(%dma_wait3A_97 : memref<128x128xf32, #tpu.memory_space<vmem>>)
      tpu.yield
    }) : () -> ()
    %mul3A_2 = arith.constant 640 : i32
    %mul3A_3 = arith.muli %arg1, %mul3A_2 : i32
    %add3A_4 = arith.constant 0 : i32
    %add3A_5 = arith.addi %mul3A_3, %add3A_4 : i32
    %run_scoped3A_6 = arith.constant 0 : i32
    "tpu.region"() ({
      %run_scoped3A_83 = tpu.sem_alloc : memref<!tpu.dma_semaphore, #tpu.memory_space<semaphore_mem>>
      %dma_start3A = arith.constant 0 : i32
      %dma_start3A_84 = arith.constant 0 : i32
      %dma_start3A_85 = tpu.memref_slice %arg9[%run_scoped3A_6, %dma_start3A, %dma_start3A_84] : memref<2x128x128xf32, #tpu.memory_space<vmem>> -> memref<1x128x128xf32, #tpu.memory_space<vmem>>
      %dma_start3A_86 = tpu.memref_squeeze %dma_start3A_85 : memref<1x128x128xf32, #tpu.memory_space<vmem>> -> memref<128x128xf32, #tpu.memory_space<vmem>>
      %dma_start3A_87 = arith.constant 0 : i32
      %dma_start3A_88 = tpu.memref_slice %arg10[%add3A_5, %dma_start3A_87] : memref<10240x128xf32, #tpu.memory_space<vmem_shared>> -> memref<128x128xf32, #tpu.memory_space<vmem_shared>>
      %dma_start3A_89 = arith.constant 0 : i32
      %dma_start3A_90 = tpu.memref_slice %arg10[%add3A_5, %dma_start3A_89] : memref<10240x128xf32, #tpu.memory_space<vmem_shared>> -> memref<128x128xf32, #tpu.memory_space<vmem_shared>>
      %dma_start3A_91 = arith.constant 0 : i32
      %dma_start3A_92 = arith.constant 0 : i32
      %dma_start3A_93 = tpu.memref_slice %arg9[%run_scoped3A_6, %dma_start3A_91, %dma_start3A_92] : memref<2x128x128xf32, #tpu.memory_space<vmem>> -> memref<1x128x128xf32, #tpu.memory_space<vmem>>
      %dma_start3A_94 = tpu.memref_squeeze %dma_start3A_93 : memref<1x128x128xf32, #tpu.memory_space<vmem>> -> memref<128x128xf32, #tpu.memory_space<vmem>>
      tpu.enqueue_dma source(%dma_start3A_94 : memref<128x128xf32, #tpu.memory_space<vmem>>) target(%dma_start3A_90 : memref<128x128xf32, #tpu.memory_space<vmem_shared>>) target_semaphore(%run_scoped3A_83 : memref<!tpu.dma_semaphore, #tpu.memory_space<semaphore_mem>>)
      %dma_wait3A = arith.constant 0 : i32
      %dma_wait3A_95 = arith.constant 0 : i32
      %dma_wait3A_96 = tpu.memref_slice %arg9[%run_scoped3A_6, %dma_wait3A, %dma_wait3A_95] : memref<2x128x128xf32, #tpu.memory_space<vmem>> -> memref<1x128x128xf32, #tpu.memory_space<vmem>>
      %dma_wait3A_97 = tpu.memref_squeeze %dma_wait3A_96 : memref<1x128x128xf32, #tpu.memory_space<vmem>> -> memref<128x128xf32, #tpu.memory_space<vmem>>
      %dma_wait3A_98 = arith.constant 0 : i32
      %dma_wait3A_99 = tpu.memref_slice %arg10[%add3A_5, %dma_wait3A_98] : memref<10240x128xf32, #tpu.memory_space<vmem_shared>> -> memref<128x128xf32, #tpu.memory_space<vmem_shared>>
      %dma_wait3A_100 = arith.constant 0 : i32
      %dma_wait3A_101 = tpu.memref_slice %arg10[%add3A_5, %dma_wait3A_100] : memref<10240x128xf32, #tpu.memory_space<vmem_shared>> -> memref<128x128xf32, #tpu.memory_space<vmem_shared>>
      %dma_wait3A_102 = arith.constant 0 : i32
      %dma_wait3A_103 = arith.constant 0 : i32
      %dma_wait3A_104 = tpu.memref_slice %arg9[%run_scoped3A_6, %dma_wait3A_102, %dma_wait3A_103] : memref<2x128x128xf32, #tpu.memory_space<vmem>> -> memref<1x128x128xf32, #tpu.memory_space<vmem>>
      %dma_wait3A_105 = tpu.memref_squeeze %dma_wait3A_104 : memref<1x128x128xf32, #tpu.memory_space<vmem>> -> memref<128x128xf32, #tpu.memory_space<vmem>>
      tpu.wait_dma2 semaphore(%run_scoped3A_83 : memref<!tpu.dma_semaphore, #tpu.memory_space<semaphore_mem>>) src(%dma_wait3A_105 : memref<128x128xf32, #tpu.memory_space<vmem>>) dst(%dma_wait3A_101 : memref<128x128xf32, #tpu.memory_space<vmem_shared>>)
      tpu.yield
    }) : () -> ()
    %mul3A_7 = arith.constant 640 : i32
    %mul3A_8 = arith.muli %arg1, %mul3A_7 : i32
    %add3A_9 = arith.constant 128 : i32
    %add3A_10 = arith.addi %mul3A_8, %add3A_9 : i32
    %run_scoped3A_11 = arith.constant 0 : i32
    "tpu.region"() ({
      %run_scoped3A_83 = tpu.sem_alloc : memref<!tpu.dma_semaphore, #tpu.memory_space<semaphore_mem>>
      %dma_start3A = arith.constant 0 : i32
      %dma_start3A_84 = arith.constant 0 : i32
      %dma_start3A_85 = tpu.memref_slice %arg9[%run_scoped3A_11, %dma_start3A, %dma_start3A_84] : memref<2x128x128xf32, #tpu.memory_space<vmem>> -> memref<1x128x128xf32, #tpu.memory_space<vmem>>
      %dma_start3A_86 = tpu.memref_squeeze %dma_start3A_85 : memref<1x128x128xf32, #tpu.memory_space<vmem>> -> memref<128x128xf32, #tpu.memory_space<vmem>>
      %dma_start3A_87 = arith.constant 0 : i32
      %dma_start3A_88 = tpu.memref_slice %arg10[%add3A_10, %dma_start3A_87] : memref<10240x128xf32, #tpu.memory_space<vmem_shared>> -> memref<128x128xf32, #tpu.memory_space<vmem_shared>>
      %dma_start3A_89 = arith.constant 0 : i32
      %dma_start3A_90 = tpu.memref_slice %arg10[%add3A_10, %dma_start3A_89] : memref<10240x128xf32, #tpu.memory_space<vmem_shared>> -> memref<128x128xf32, #tpu.memory_space<vmem_shared>>
      %dma_start3A_91 = arith.constant 0 : i32
      %dma_start3A_92 = arith.constant 0 : i32
      %dma_start3A_93 = tpu.memref_slice %arg9[%run_scoped3A_11, %dma_start3A_91, %dma_start3A_92] : memref<2x128x128xf32, #tpu.memory_space<vmem>> -> memref<1x128x128xf32, #tpu.memory_space<vmem>>
      %dma_start3A_94 = tpu.memref_squeeze %dma_start3A_93 : memref<1x128x128xf32, #tpu.memory_space<vmem>> -> memref<128x128xf32, #tpu.memory_space<vmem>>
      tpu.enqueue_dma source(%dma_start3A_94 : memref<128x128xf32, #tpu.memory_space<vmem>>) target(%dma_start3A_90 : memref<128x128xf32, #tpu.memory_space<vmem_shared>>) target_semaphore(%run_scoped3A_83 : memref<!tpu.dma_semaphore, #tpu.memory_space<semaphore_mem>>)
      %dma_wait3A = arith.constant 0 : i32
      %dma_wait3A_95 = arith.constant 0 : i32
      %dma_wait3A_96 = tpu.memref_slice %arg9[%run_scoped3A_11, %dma_wait3A, %dma_wait3A_95] : memref<2x128x128xf32, #tpu.memory_space<vmem>> -> memref<1x128x128xf32, #tpu.memory_space<vmem>>
      %dma_wait3A_97 = tpu.memref_squeeze %dma_wait3A_96 : memref<1x128x128xf32, #tpu.memory_space<vmem>> -> memref<128x128xf32, #tpu.memory_space<vmem>>
      %dma_wait3A_98 = arith.constant 0 : i32
      %dma_wait3A_99 = tpu.memref_slice %arg10[%add3A_10, %dma_wait3A_98] : memref<10240x128xf32, #tpu.memory_space<vmem_shared>> -> memref<128x128xf32, #tpu.memory_space<vmem_shared>>
      %dma_wait3A_100 = arith.constant 0 : i32
      %dma_wait3A_101 = tpu.memref_slice %arg10[%add3A_10, %dma_wait3A_100] : memref<10240x128xf32, #tpu.memory_space<vmem_shared>> -> memref<128x128xf32, #tpu.memory_space<vmem_shared>>
      %dma_wait3A_102 = arith.constant 0 : i32
      %dma_wait3A_103 = arith.constant 0 : i32
      %dma_wait3A_104 = tpu.memref_slice %arg9[%run_scoped3A_11, %dma_wait3A_102, %dma_wait3A_103] : memref<2x128x128xf32, #tpu.memory_space<vmem>> -> memref<1x128x128xf32, #tpu.memory_space<vmem>>
      %dma_wait3A_105 = tpu.memref_squeeze %dma_wait3A_104 : memref<1x128x128xf32, #tpu.memory_space<vmem>> -> memref<128x128xf32, #tpu.memory_space<vmem>>
      tpu.wait_dma2 semaphore(%run_scoped3A_83 : memref<!tpu.dma_semaphore, #tpu.memory_space<semaphore_mem>>) src(%dma_wait3A_105 : memref<128x128xf32, #tpu.memory_space<vmem>>) dst(%dma_wait3A_101 : memref<128x128xf32, #tpu.memory_space<vmem_shared>>)
      tpu.yield
    }) : () -> ()
    %mul3A_12 = arith.constant 640 : i32
    %mul3A_13 = arith.muli %arg1, %mul3A_12 : i32
    %add3A_14 = arith.constant 256 : i32
    %add3A_15 = arith.addi %mul3A_13, %add3A_14 : i32
    %run_scoped3A_16 = arith.constant 0 : i32
    "tpu.region"() ({
      %run_scoped3A_83 = tpu.sem_alloc : memref<!tpu.dma_semaphore, #tpu.memory_space<semaphore_mem>>
      %dma_start3A = arith.constant 0 : i32
      %dma_start3A_84 = arith.constant 0 : i32
      %dma_start3A_85 = tpu.memref_slice %arg9[%run_scoped3A_16, %dma_start3A, %dma_start3A_84] : memref<2x128x128xf32, #tpu.memory_space<vmem>> -> memref<1x128x128xf32, #tpu.memory_space<vmem>>
      %dma_start3A_86 = tpu.memref_squeeze %dma_start3A_85 : memref<1x128x128xf32, #tpu.memory_space<vmem>> -> memref<128x128xf32, #tpu.memory_space<vmem>>
      %dma_start3A_87 = arith.constant 0 : i32
      %dma_start3A_88 = tpu.memref_slice %arg10[%add3A_15, %dma_start3A_87] : memref<10240x128xf32, #tpu.memory_space<vmem_shared>> -> memref<128x128xf32, #tpu.memory_space<vmem_shared>>
      %dma_start3A_89 = arith.constant 0 : i32
      %dma_start3A_90 = tpu.memref_slice %arg10[%add3A_15, %dma_start3A_89] : memref<10240x128xf32, #tpu.memory_space<vmem_shared>> -> memref<128x128xf32, #tpu.memory_space<vmem_shared>>
      %dma_start3A_91 = arith.constant 0 : i32
      %dma_start3A_92 = arith.constant 0 : i32
      %dma_start3A_93 = tpu.memref_slice %arg9[%run_scoped3A_16, %dma_start3A_91, %dma_start3A_92] : memref<2x128x128xf32, #tpu.memory_space<vmem>> -> memref<1x128x128xf32, #tpu.memory_space<vmem>>
      %dma_start3A_94 = tpu.memref_squeeze %dma_start3A_93 : memref<1x128x128xf32, #tpu.memory_space<vmem>> -> memref<128x128xf32, #tpu.memory_space<vmem>>
      tpu.enqueue_dma source(%dma_start3A_94 : memref<128x128xf32, #tpu.memory_space<vmem>>) target(%dma_start3A_90 : memref<128x128xf32, #tpu.memory_space<vmem_shared>>) target_semaphore(%run_scoped3A_83 : memref<!tpu.dma_semaphore, #tpu.memory_space<semaphore_mem>>)
      %dma_wait3A = arith.constant 0 : i32
      %dma_wait3A_95 = arith.constant 0 : i32
      %dma_wait3A_96 = tpu.memref_slice %arg9[%run_scoped3A_16, %dma_wait3A, %dma_wait3A_95] : memref<2x128x128xf32, #tpu.memory_space<vmem>> -> memref<1x128x128xf32, #tpu.memory_space<vmem>>
      %dma_wait3A_97 = tpu.memref_squeeze %dma_wait3A_96 : memref<1x128x128xf32, #tpu.memory_space<vmem>> -> memref<128x128xf32, #tpu.memory_space<vmem>>
      %dma_wait3A_98 = arith.constant 0 : i32
      %dma_wait3A_99 = tpu.memref_slice %arg10[%add3A_15, %dma_wait3A_98] : memref<10240x128xf32, #tpu.memory_space<vmem_shared>> -> memref<128x128xf32, #tpu.memory_space<vmem_shared>>
      %dma_wait3A_100 = arith.constant 0 : i32
      %dma_wait3A_101 = tpu.memref_slice %arg10[%add3A_15, %dma_wait3A_100] : memref<10240x128xf32, #tpu.memory_space<vmem_shared>> -> memref<128x128xf32, #tpu.memory_space<vmem_shared>>
      %dma_wait3A_102 = arith.constant 0 : i32
      %dma_wait3A_103 = arith.constant 0 : i32
      %dma_wait3A_104 = tpu.memref_slice %arg9[%run_scoped3A_16, %dma_wait3A_102, %dma_wait3A_103] : memref<2x128x128xf32, #tpu.memory_space<vmem>> -> memref<1x128x128xf32, #tpu.memory_space<vmem>>
      %dma_wait3A_105 = tpu.memref_squeeze %dma_wait3A_104 : memref<1x128x128xf32, #tpu.memory_space<vmem>> -> memref<128x128xf32, #tpu.memory_space<vmem>>
      tpu.wait_dma2 semaphore(%run_scoped3A_83 : memref<!tpu.dma_semaphore, #tpu.memory_space<semaphore_mem>>) src(%dma_wait3A_105 : memref<128x128xf32, #tpu.memory_space<vmem>>) dst(%dma_wait3A_101 : memref<128x128xf32, #tpu.memory_space<vmem_shared>>)
      tpu.yield
    }) : () -> ()
    %mul3A_17 = arith.constant 640 : i32
    %mul3A_18 = arith.muli %arg1, %mul3A_17 : i32
    %add3A_19 = arith.constant 384 : i32
    %add3A_20 = arith.addi %mul3A_18, %add3A_19 : i32
    %run_scoped3A_21 = arith.constant 0 : i32
    "tpu.region"() ({
      %run_scoped3A_83 = tpu.sem_alloc : memref<!tpu.dma_semaphore, #tpu.memory_space<semaphore_mem>>
      %dma_start3A = arith.constant 0 : i32
      %dma_start3A_84 = arith.constant 0 : i32
      %dma_start3A_85 = tpu.memref_slice %arg9[%run_scoped3A_21, %dma_start3A, %dma_start3A_84] : memref<2x128x128xf32, #tpu.memory_space<vmem>> -> memref<1x128x128xf32, #tpu.memory_space<vmem>>
      %dma_start3A_86 = tpu.memref_squeeze %dma_start3A_85 : memref<1x128x128xf32, #tpu.memory_space<vmem>> -> memref<128x128xf32, #tpu.memory_space<vmem>>
      %dma_start3A_87 = arith.constant 0 : i32
      %dma_start3A_88 = tpu.memref_slice %arg10[%add3A_20, %dma_start3A_87] : memref<10240x128xf32, #tpu.memory_space<vmem_shared>> -> memref<128x128xf32, #tpu.memory_space<vmem_shared>>
      %dma_start3A_89 = arith.constant 0 : i32
      %dma_start3A_90 = tpu.memref_slice %arg10[%add3A_20, %dma_start3A_89] : memref<10240x128xf32, #tpu.memory_space<vmem_shared>> -> memref<128x128xf32, #tpu.memory_space<vmem_shared>>
      %dma_start3A_91 = arith.constant 0 : i32
      %dma_start3A_92 = arith.constant 0 : i32
      %dma_start3A_93 = tpu.memref_slice %arg9[%run_scoped3A_21, %dma_start3A_91, %dma_start3A_92] : memref<2x128x128xf32, #tpu.memory_space<vmem>> -> memref<1x128x128xf32, #tpu.memory_space<vmem>>
      %dma_start3A_94 = tpu.memref_squeeze %dma_start3A_93 : memref<1x128x128xf32, #tpu.memory_space<vmem>> -> memref<128x128xf32, #tpu.memory_space<vmem>>
      tpu.enqueue_dma source(%dma_start3A_94 : memref<128x128xf32, #tpu.memory_space<vmem>>) target(%dma_start3A_90 : memref<128x128xf32, #tpu.memory_space<vmem_shared>>) target_semaphore(%run_scoped3A_83 : memref<!tpu.dma_semaphore, #tpu.memory_space<semaphore_mem>>)
      %dma_wait3A = arith.constant 0 : i32
      %dma_wait3A_95 = arith.constant 0 : i32
      %dma_wait3A_96 = tpu.memref_slice %arg9[%run_scoped3A_21, %dma_wait3A, %dma_wait3A_95] : memref<2x128x128xf32, #tpu.memory_space<vmem>> -> memref<1x128x128xf32, #tpu.memory_space<vmem>>
      %dma_wait3A_97 = tpu.memref_squeeze %dma_wait3A_96 : memref<1x128x128xf32, #tpu.memory_space<vmem>> -> memref<128x128xf32, #tpu.memory_space<vmem>>
      %dma_wait3A_98 = arith.constant 0 : i32
      %dma_wait3A_99 = tpu.memref_slice %arg10[%add3A_20, %dma_wait3A_98] : memref<10240x128xf32, #tpu.memory_space<vmem_shared>> -> memref<128x128xf32, #tpu.memory_space<vmem_shared>>
      %dma_wait3A_100 = arith.constant 0 : i32
      %dma_wait3A_101 = tpu.memref_slice %arg10[%add3A_20, %dma_wait3A_100] : memref<10240x128xf32, #tpu.memory_space<vmem_shared>> -> memref<128x128xf32, #tpu.memory_space<vmem_shared>>
      %dma_wait3A_102 = arith.constant 0 : i32
      %dma_wait3A_103 = arith.constant 0 : i32
      %dma_wait3A_104 = tpu.memref_slice %arg9[%run_scoped3A_21, %dma_wait3A_102, %dma_wait3A_103] : memref<2x128x128xf32, #tpu.memory_space<vmem>> -> memref<1x128x128xf32, #tpu.memory_space<vmem>>
      %dma_wait3A_105 = tpu.memref_squeeze %dma_wait3A_104 : memref<1x128x128xf32, #tpu.memory_space<vmem>> -> memref<128x128xf32, #tpu.memory_space<vmem>>
      tpu.wait_dma2 semaphore(%run_scoped3A_83 : memref<!tpu.dma_semaphore, #tpu.memory_space<semaphore_mem>>) src(%dma_wait3A_105 : memref<128x128xf32, #tpu.memory_space<vmem>>) dst(%dma_wait3A_101 : memref<128x128xf32, #tpu.memory_space<vmem_shared>>)
      tpu.yield
    }) : () -> ()
    %mul3A_22 = arith.constant 640 : i32
    %mul3A_23 = arith.muli %arg1, %mul3A_22 : i32
    %add3A_24 = arith.constant 512 : i32
    %add3A_25 = arith.addi %mul3A_23, %add3A_24 : i32
    %run_scoped3A_26 = arith.constant 0 : i32
    "tpu.region"() ({
      %run_scoped3A_83 = tpu.sem_alloc : memref<!tpu.dma_semaphore, #tpu.memory_space<semaphore_mem>>
      %dma_start3A = arith.constant 0 : i32
      %dma_start3A_84 = arith.constant 0 : i32
      %dma_start3A_85 = tpu.memref_slice %arg9[%run_scoped3A_26, %dma_start3A, %dma_start3A_84] : memref<2x128x128xf32, #tpu.memory_space<vmem>> -> memref<1x128x128xf32, #tpu.memory_space<vmem>>
      %dma_start3A_86 = tpu.memref_squeeze %dma_start3A_85 : memref<1x128x128xf32, #tpu.memory_space<vmem>> -> memref<128x128xf32, #tpu.memory_space<vmem>>
      %dma_start3A_87 = arith.constant 0 : i32
      %dma_start3A_88 = tpu.memref_slice %arg10[%add3A_25, %dma_start3A_87] : memref<10240x128xf32, #tpu.memory_space<vmem_shared>> -> memref<128x128xf32, #tpu.memory_space<vmem_shared>>
      %dma_start3A_89 = arith.constant 0 : i32
      %dma_start3A_90 = tpu.memref_slice %arg10[%add3A_25, %dma_start3A_89] : memref<10240x128xf32, #tpu.memory_space<vmem_shared>> -> memref<128x128xf32, #tpu.memory_space<vmem_shared>>
      %dma_start3A_91 = arith.constant 0 : i32
      %dma_start3A_92 = arith.constant 0 : i32
      %dma_start3A_93 = tpu.memref_slice %arg9[%run_scoped3A_26, %dma_start3A_91, %dma_start3A_92] : memref<2x128x128xf32, #tpu.memory_space<vmem>> -> memref<1x128x128xf32, #tpu.memory_space<vmem>>
      %dma_start3A_94 = tpu.memref_squeeze %dma_start3A_93 : memref<1x128x128xf32, #tpu.memory_space<vmem>> -> memref<128x128xf32, #tpu.memory_space<vmem>>
      tpu.enqueue_dma source(%dma_start3A_94 : memref<128x128xf32, #tpu.memory_space<vmem>>) target(%dma_start3A_90 : memref<128x128xf32, #tpu.memory_space<vmem_shared>>) target_semaphore(%run_scoped3A_83 : memref<!tpu.dma_semaphore, #tpu.memory_space<semaphore_mem>>)
      %dma_wait3A = arith.constant 0 : i32
      %dma_wait3A_95 = arith.constant 0 : i32
      %dma_wait3A_96 = tpu.memref_slice %arg9[%run_scoped3A_26, %dma_wait3A, %dma_wait3A_95] : memref<2x128x128xf32, #tpu.memory_space<vmem>> -> memref<1x128x128xf32, #tpu.memory_space<vmem>>
      %dma_wait3A_97 = tpu.memref_squeeze %dma_wait3A_96 : memref<1x128x128xf32, #tpu.memory_space<vmem>> -> memref<128x128xf32, #tpu.memory_space<vmem>>
      %dma_wait3A_98 = arith.constant 0 : i32
      %dma_wait3A_99 = tpu.memref_slice %arg10[%add3A_25, %dma_wait3A_98] : memref<10240x128xf32, #tpu.memory_space<vmem_shared>> -> memref<128x128xf32, #tpu.memory_space<vmem_shared>>
      %dma_wait3A_100 = arith.constant 0 : i32
      %dma_wait3A_101 = tpu.memref_slice %arg10[%add3A_25, %dma_wait3A_100] : memref<10240x128xf32, #tpu.memory_space<vmem_shared>> -> memref<128x128xf32, #tpu.memory_space<vmem_shared>>
      %dma_wait3A_102 = arith.constant 0 : i32
      %dma_wait3A_103 = arith.constant 0 : i32
      %dma_wait3A_104 = tpu.memref_slice %arg9[%run_scoped3A_26, %dma_wait3A_102, %dma_wait3A_103] : memref<2x128x128xf32, #tpu.memory_space<vmem>> -> memref<1x128x128xf32, #tpu.memory_space<vmem>>
      %dma_wait3A_105 = tpu.memref_squeeze %dma_wait3A_104 : memref<1x128x128xf32, #tpu.memory_space<vmem>> -> memref<128x128xf32, #tpu.memory_space<vmem>>
      tpu.wait_dma2 semaphore(%run_scoped3A_83 : memref<!tpu.dma_semaphore, #tpu.memory_space<semaphore_mem>>) src(%dma_wait3A_105 : memref<128x128xf32, #tpu.memory_space<vmem>>) dst(%dma_wait3A_101 : memref<128x128xf32, #tpu.memory_space<vmem_shared>>)
      tpu.yield
    }) : () -> ()
    %barrier3A = arith.constant 0 : index
    tpu.barrier barrier_id(%barrier3A)
    %scan3A = arith.constant 0 : i32
    %scan3A_27 = arith.constant 0 : i32
    %scan3A_28 = arith.constant 5 : i32
    %scan3A_29 = arith.addi %scan3A_27, %scan3A_28 : i32
    %scan3A_30 = arith.constant 1 : i32
    scf.for %scan3A_83 = %scan3A_27 to %scan3A_29 step %scan3A_30  : i32 {
      %mul3A_84 = arith.constant 80 : i32
      %mul3A_85 = arith.muli %add3A, %mul3A_84 : i32
      %mul3A_86 = arith.constant 16 : i32
      %mul3A_87 = arith.muli %scan3A_83, %mul3A_86 : i32
      %add3A_88 = arith.addi %mul3A_85, %mul3A_87 : i32
      "tpu.region"() ({
        %run_scoped3A_503 = tpu.sem_alloc : memref<!tpu.dma_semaphore, #tpu.memory_space<semaphore_mem>>
        %dma_start3A_504 = arith.constant 0 : i32
        %dma_start3A_505 = tpu.memref_slice %arg3[%add3A_88, %dma_start3A_504] : memref<2560x128xi32, #tpu.memory_space<hbm>> -> memref<16x128xi32, #tpu.memory_space<hbm>>
        %dma_start3A_506 = arith.constant 0 : i32
        %dma_start3A_507 = tpu.memref_slice %arg3[%add3A_88, %dma_start3A_506] : memref<2560x128xi32, #tpu.memory_space<hbm>> -> memref<16x128xi32, #tpu.memory_space<hbm>>
        tpu.enqueue_dma source(%dma_start3A_507 : memref<16x128xi32, #tpu.memory_space<hbm>>) target(%arg7 : memref<16x128xi32, #tpu.memory_space<vmem>>) target_semaphore(%run_scoped3A_503 : memref<!tpu.dma_semaphore, #tpu.memory_space<semaphore_mem>>)
        %dma_wait3A_508 = arith.constant 0 : i32
        %dma_wait3A_509 = tpu.memref_slice %arg3[%add3A_88, %dma_wait3A_508] : memref<2560x128xi32, #tpu.memory_space<hbm>> -> memref<16x128xi32, #tpu.memory_space<hbm>>
        %dma_wait3A_510 = arith.constant 0 : i32
        %dma_wait3A_511 = tpu.memref_slice %arg3[%add3A_88, %dma_wait3A_510] : memref<2560x128xi32, #tpu.memory_space<hbm>> -> memref<16x128xi32, #tpu.memory_space<hbm>>
        tpu.wait_dma2 semaphore(%run_scoped3A_503 : memref<!tpu.dma_semaphore, #tpu.memory_space<semaphore_mem>>) src(%dma_wait3A_511 : memref<16x128xi32, #tpu.memory_space<hbm>>) dst(%arg7 : memref<16x128xi32, #tpu.memory_space<vmem>>)
        tpu.yield
      }) : () -> ()
      "tpu.region"() ({
        %run_scoped3A_503 = tpu.sem_alloc : memref<!tpu.dma_semaphore, #tpu.memory_space<semaphore_mem>>
        %dma_start3A_504 = arith.constant 0 : i32
        %dma_start3A_505 = tpu.memref_slice %arg4[%add3A_88, %dma_start3A_504] : memref<2560x128xi32, #tpu.memory_space<hbm>> -> memref<16x128xi32, #tpu.memory_space<hbm>>
        %dma_start3A_506 = arith.constant 0 : i32
        %dma_start3A_507 = tpu.memref_slice %arg4[%add3A_88, %dma_start3A_506] : memref<2560x128xi32, #tpu.memory_space<hbm>> -> memref<16x128xi32, #tpu.memory_space<hbm>>
        tpu.enqueue_dma source(%dma_start3A_507 : memref<16x128xi32, #tpu.memory_space<hbm>>) target(%arg8 : memref<16x128xi32, #tpu.memory_space<vmem>>) target_semaphore(%run_scoped3A_503 : memref<!tpu.dma_semaphore, #tpu.memory_space<semaphore_mem>>)
        %dma_wait3A_508 = arith.constant 0 : i32
        %dma_wait3A_509 = tpu.memref_slice %arg4[%add3A_88, %dma_wait3A_508] : memref<2560x128xi32, #tpu.memory_space<hbm>> -> memref<16x128xi32, #tpu.memory_space<hbm>>
        %dma_wait3A_510 = arith.constant 0 : i32
        %dma_wait3A_511 = tpu.memref_slice %arg4[%add3A_88, %dma_wait3A_510] : memref<2560x128xi32, #tpu.memory_space<hbm>> -> memref<16x128xi32, #tpu.memory_space<hbm>>
        tpu.wait_dma2 semaphore(%run_scoped3A_503 : memref<!tpu.dma_semaphore, #tpu.memory_space<semaphore_mem>>) src(%dma_wait3A_511 : memref<16x128xi32, #tpu.memory_space<hbm>>) dst(%arg8 : memref<16x128xi32, #tpu.memory_space<vmem>>)
        tpu.yield
      }) : () -> ()
      %dma_start3A = arith.constant 0 : i32
      %dma_start3A_89 = arith.constant 0 : i32
      %dma_start3A_90 = arith.constant 0 : i32
      %dma_start3A_91 = arith.constant 0 : i32
      %dma_start3A_92 = tpu.memref_slice %arg9[%dma_start3A_89, %dma_start3A_90, %dma_start3A_91] : memref<2x128x128xf32, #tpu.memory_space<vmem>> -> memref<1x128x128xf32, #tpu.memory_space<vmem>>
      %dma_start3A_93 = tpu.memref_squeeze %dma_start3A_92 : memref<1x128x128xf32, #tpu.memory_space<vmem>> -> memref<128x128xf32, #tpu.memory_space<vmem>>
      %dma_start3A_94 = arith.constant 0 : i32
      %dma_start3A_95 = tpu.memref_slice %arg7[%dma_start3A, %dma_start3A_94] : memref<16x128xi32, #tpu.memory_space<vmem>> -> memref<1x128xi32, #tpu.memory_space<vmem>>
      %dma_start3A_96 = tpu.memref_squeeze %dma_start3A_95 : memref<1x128xi32, #tpu.memory_space<vmem>> -> memref<128xi32, #tpu.memory_space<vmem>>
      %dma_start3A_97 = arith.constant 0 : i32
      %dma_start3A_98 = arith.constant 0 : i32
      %dma_start3A_99 = tpu.memref_slice %arg2[%dma_start3A_97, %dma_start3A_98] : memref<10000x128xf32, #tpu.memory_space<hbm>> -> memref<10000x128xf32, #tpu.memory_space<hbm>>
      tpu.enqueue_indirect_dma source(%dma_start3A_99 : memref<10000x128xf32, #tpu.memory_space<hbm>>) target(%dma_start3A_93 : memref<128x128xf32, #tpu.memory_space<vmem>>) offsets(%dma_start3A_96 : memref<128xi32, #tpu.memory_space<vmem>>) semaphore(%arg11 : memref<!tpu.dma_semaphore, #tpu.memory_space<semaphore_mem>>)
      %dma_start3A_100 = arith.constant 1 : i32
      %dma_start3A_101 = arith.constant 1 : i32
      %dma_start3A_102 = arith.constant 0 : i32
      %dma_start3A_103 = arith.constant 0 : i32
      %dma_start3A_104 = tpu.memref_slice %arg9[%dma_start3A_101, %dma_start3A_102, %dma_start3A_103] : memref<2x128x128xf32, #tpu.memory_space<vmem>> -> memref<1x128x128xf32, #tpu.memory_space<vmem>>
      %dma_start3A_105 = tpu.memref_squeeze %dma_start3A_104 : memref<1x128x128xf32, #tpu.memory_space<vmem>> -> memref<128x128xf32, #tpu.memory_space<vmem>>
      %dma_start3A_106 = arith.constant 0 : i32
      %dma_start3A_107 = tpu.memref_slice %arg7[%dma_start3A_100, %dma_start3A_106] : memref<16x128xi32, #tpu.memory_space<vmem>> -> memref<1x128xi32, #tpu.memory_space<vmem>>
      %dma_start3A_108 = tpu.memref_squeeze %dma_start3A_107 : memref<1x128xi32, #tpu.memory_space<vmem>> -> memref<128xi32, #tpu.memory_space<vmem>>
      %dma_start3A_109 = arith.constant 0 : i32
      %dma_start3A_110 = arith.constant 0 : i32
      %dma_start3A_111 = tpu.memref_slice %arg2[%dma_start3A_109, %dma_start3A_110] : memref<10000x128xf32, #tpu.memory_space<hbm>> -> memref<10000x128xf32, #tpu.memory_space<hbm>>
      tpu.enqueue_indirect_dma source(%dma_start3A_111 : memref<10000x128xf32, #tpu.memory_space<hbm>>) target(%dma_start3A_105 : memref<128x128xf32, #tpu.memory_space<vmem>>) offsets(%dma_start3A_108 : memref<128xi32, #tpu.memory_space<vmem>>) semaphore(%arg12 : memref<!tpu.dma_semaphore, #tpu.memory_space<semaphore_mem>>)
      %dma_wait3A = arith.constant 0 : i32
      %dma_wait3A_112 = arith.constant 0 : i32
      %dma_wait3A_113 = arith.constant 0 : i32
      %dma_wait3A_114 = arith.constant 0 : i32
      %dma_wait3A_115 = tpu.memref_slice %arg9[%dma_wait3A_112, %dma_wait3A_113, %dma_wait3A_114] : memref<2x128x128xf32, #tpu.memory_space<vmem>> -> memref<1x128x128xf32, #tpu.memory_space<vmem>>
      %dma_wait3A_116 = tpu.memref_squeeze %dma_wait3A_115 : memref<1x128x128xf32, #tpu.memory_space<vmem>> -> memref<128x128xf32, #tpu.memory_space<vmem>>
      %dma_wait3A_117 = arith.constant 0 : i32
      %dma_wait3A_118 = tpu.memref_slice %arg7[%dma_wait3A, %dma_wait3A_117] : memref<16x128xi32, #tpu.memory_space<vmem>> -> memref<1x128xi32, #tpu.memory_space<vmem>>
      %dma_wait3A_119 = tpu.memref_squeeze %dma_wait3A_118 : memref<1x128xi32, #tpu.memory_space<vmem>> -> memref<128xi32, #tpu.memory_space<vmem>>
      %dma_wait3A_120 = arith.constant 0 : i32
      %dma_wait3A_121 = arith.constant 0 : i32
      %dma_wait3A_122 = tpu.memref_slice %arg2[%dma_wait3A_120, %dma_wait3A_121] : memref<10000x128xf32, #tpu.memory_space<hbm>> -> memref<10000x128xf32, #tpu.memory_space<hbm>>
      tpu.wait_indirect_dma semaphore(%arg11 : memref<!tpu.dma_semaphore, #tpu.memory_space<semaphore_mem>>) src(%dma_wait3A_122 : memref<10000x128xf32, #tpu.memory_space<hbm>>) dst(%dma_wait3A_116 : memref<128x128xf32, #tpu.memory_space<vmem>>)
      %run_scoped3A_123 = arith.constant 0 : i32
      %run_scoped3A_124 = arith.constant 0 : i32
      "tpu.region"() ({
        %run_scoped3A_503 = tpu.sem_alloc : memref<!tpu.dma_semaphore, #tpu.memory_space<semaphore_mem>>
        %dma_start3A_504 = arith.constant 0 : i32
        %dma_start3A_505 = arith.constant 0 : i32
        %dma_start3A_506 = tpu.memref_slice %arg9[%run_scoped3A_123, %dma_start3A_504, %dma_start3A_505] : memref<2x128x128xf32, #tpu.memory_space<vmem>> -> memref<1x128x128xf32, #tpu.memory_space<vmem>>
        %dma_start3A_507 = tpu.memref_squeeze %dma_start3A_506 : memref<1x128x128xf32, #tpu.memory_space<vmem>> -> memref<128x128xf32, #tpu.memory_space<vmem>>
        %dma_start3A_508 = arith.constant 0 : i32
        %dma_start3A_509 = tpu.memref_slice %arg8[%run_scoped3A_124, %dma_start3A_508] : memref<16x128xi32, #tpu.memory_space<vmem>> -> memref<1x128xi32, #tpu.memory_space<vmem>>
        %dma_start3A_510 = tpu.memref_squeeze %dma_start3A_509 : memref<1x128xi32, #tpu.memory_space<vmem>> -> memref<128xi32, #tpu.memory_space<vmem>>
        %dma_start3A_511 = arith.constant 0 : i32
        %dma_start3A_512 = arith.constant 0 : i32
        %dma_start3A_513 = tpu.memref_slice %arg10[%dma_start3A_511, %dma_start3A_512] : memref<10240x128xf32, #tpu.memory_space<vmem_shared>> -> memref<10240x128xf32, #tpu.memory_space<vmem_shared>>
        tpu.enqueue_indirect_dma source(%dma_start3A_507 : memref<128x128xf32, #tpu.memory_space<vmem>>) target(%dma_start3A_513 : memref<10240x128xf32, #tpu.memory_space<vmem_shared>>) offsets(%dma_start3A_510 : memref<128xi32, #tpu.memory_space<vmem>>) semaphore(%run_scoped3A_503 : memref<!tpu.dma_semaphore, #tpu.memory_space<semaphore_mem>>) {add = true}
        %dma_wait3A_514 = arith.constant 0 : i32
        %dma_wait3A_515 = arith.constant 0 : i32
        %dma_wait3A_516 = tpu.memref_slice %arg9[%run_scoped3A_123, %dma_wait3A_514, %dma_wait3A_515] : memref<2x128x128xf32, #tpu.memory_space<vmem>> -> memref<1x128x128xf32, #tpu.memory_space<vmem>>
        %dma_wait3A_517 = tpu.memref_squeeze %dma_wait3A_516 : memref<1x128x128xf32, #tpu.memory_space<vmem>> -> memref<128x128xf32, #tpu.memory_space<vmem>>
        %dma_wait3A_518 = arith.constant 0 : i32
        %dma_wait3A_519 = tpu.memref_slice %arg8[%run_scoped3A_124, %dma_wait3A_518] : memref<16x128xi32, #tpu.memory_space<vmem>> -> memref<1x128xi32, #tpu.memory_space<vmem>>
        %dma_wait3A_520 = tpu.memref_squeeze %dma_wait3A_519 : memref<1x128xi32, #tpu.memory_space<vmem>> -> memref<128xi32, #tpu.memory_space<vmem>>
        %dma_wait3A_521 = arith.constant 0 : i32
        %dma_wait3A_522 = arith.constant 0 : i32
        %dma_wait3A_523 = tpu.memref_slice %arg10[%dma_wait3A_521, %dma_wait3A_522] : memref<10240x128xf32, #tpu.memory_space<vmem_shared>> -> memref<10240x128xf32, #tpu.memory_space<vmem_shared>>
        tpu.wait_indirect_dma semaphore(%run_scoped3A_503 : memref<!tpu.dma_semaphore, #tpu.memory_space<semaphore_mem>>) src(%dma_wait3A_517 : memref<128x128xf32, #tpu.memory_space<vmem>>) dst(%dma_wait3A_523 : memref<10240x128xf32, #tpu.memory_space<vmem_shared>>)
        tpu.yield
      }) : () -> ()
      %dma_start3A_125 = arith.constant 2 : i32
      %dma_start3A_126 = arith.constant 0 : i32
      %dma_start3A_127 = arith.constant 0 : i32
      %dma_start3A_128 = arith.constant 0 : i32
      %dma_start3A_129 = tpu.memref_slice %arg9[%dma_start3A_126, %dma_start3A_127, %dma_start3A_128] : memref<2x128x128xf32, #tpu.memory_space<vmem>> -> memref<1x128x128xf32, #tpu.memory_space<vmem>>
      %dma_start3A_130 = tpu.memref_squeeze %dma_start3A_129 : memref<1x128x128xf32, #tpu.memory_space<vmem>> -> memref<128x128xf32, #tpu.memory_space<vmem>>
      %dma_start3A_131 = arith.constant 0 : i32
      %dma_start3A_132 = tpu.memref_slice %arg7[%dma_start3A_125, %dma_start3A_131] : memref<16x128xi32, #tpu.memory_space<vmem>> -> memref<1x128xi32, #tpu.memory_space<vmem>>
      %dma_start3A_133 = tpu.memref_squeeze %dma_start3A_132 : memref<1x128xi32, #tpu.memory_space<vmem>> -> memref<128xi32, #tpu.memory_space<vmem>>
      %dma_start3A_134 = arith.constant 0 : i32
      %dma_start3A_135 = arith.constant 0 : i32
      %dma_start3A_136 = tpu.memref_slice %arg2[%dma_start3A_134, %dma_start3A_135] : memref<10000x128xf32, #tpu.memory_space<hbm>> -> memref<10000x128xf32, #tpu.memory_space<hbm>>
      tpu.enqueue_indirect_dma source(%dma_start3A_136 : memref<10000x128xf32, #tpu.memory_space<hbm>>) target(%dma_start3A_130 : memref<128x128xf32, #tpu.memory_space<vmem>>) offsets(%dma_start3A_133 : memref<128xi32, #tpu.memory_space<vmem>>) semaphore(%arg11 : memref<!tpu.dma_semaphore, #tpu.memory_space<semaphore_mem>>)
      %dma_wait3A_137 = arith.constant 1 : i32
      %dma_wait3A_138 = arith.constant 1 : i32
      %dma_wait3A_139 = arith.constant 0 : i32
      %dma_wait3A_140 = arith.constant 0 : i32
      %dma_wait3A_141 = tpu.memref_slice %arg9[%dma_wait3A_138, %dma_wait3A_139, %dma_wait3A_140] : memref<2x128x128xf32, #tpu.memory_space<vmem>> -> memref<1x128x128xf32, #tpu.memory_space<vmem>>
      %dma_wait3A_142 = tpu.memref_squeeze %dma_wait3A_141 : memref<1x128x128xf32, #tpu.memory_space<vmem>> -> memref<128x128xf32, #tpu.memory_space<vmem>>
      %dma_wait3A_143 = arith.constant 0 : i32
      %dma_wait3A_144 = tpu.memref_slice %arg7[%dma_wait3A_137, %dma_wait3A_143] : memref<16x128xi32, #tpu.memory_space<vmem>> -> memref<1x128xi32, #tpu.memory_space<vmem>>
      %dma_wait3A_145 = tpu.memref_squeeze %dma_wait3A_144 : memref<1x128xi32, #tpu.memory_space<vmem>> -> memref<128xi32, #tpu.memory_space<vmem>>
      %dma_wait3A_146 = arith.constant 0 : i32
      %dma_wait3A_147 = arith.constant 0 : i32
      %dma_wait3A_148 = tpu.memref_slice %arg2[%dma_wait3A_146, %dma_wait3A_147] : memref<10000x128xf32, #tpu.memory_space<hbm>> -> memref<10000x128xf32, #tpu.memory_space<hbm>>
      tpu.wait_indirect_dma semaphore(%arg12 : memref<!tpu.dma_semaphore, #tpu.memory_space<semaphore_mem>>) src(%dma_wait3A_148 : memref<10000x128xf32, #tpu.memory_space<hbm>>) dst(%dma_wait3A_142 : memref<128x128xf32, #tpu.memory_space<vmem>>)
      %run_scoped3A_149 = arith.constant 1 : i32
      %run_scoped3A_150 = arith.constant 1 : i32
      "tpu.region"() ({
        %run_scoped3A_503 = tpu.sem_alloc : memref<!tpu.dma_semaphore, #tpu.memory_space<semaphore_mem>>
        %dma_start3A_504 = arith.constant 0 : i32
        %dma_start3A_505 = arith.constant 0 : i32
        %dma_start3A_506 = tpu.memref_slice %arg9[%run_scoped3A_149, %dma_start3A_504, %dma_start3A_505] : memref<2x128x128xf32, #tpu.memory_space<vmem>> -> memref<1x128x128xf32, #tpu.memory_space<vmem>>
        %dma_start3A_507 = tpu.memref_squeeze %dma_start3A_506 : memref<1x128x128xf32, #tpu.memory_space<vmem>> -> memref<128x128xf32, #tpu.memory_space<vmem>>
        %dma_start3A_508 = arith.constant 0 : i32
        %dma_start3A_509 = tpu.memref_slice %arg8[%run_scoped3A_150, %dma_start3A_508] : memref<16x128xi32, #tpu.memory_space<vmem>> -> memref<1x128xi32, #tpu.memory_space<vmem>>
        %dma_start3A_510 = tpu.memref_squeeze %dma_start3A_509 : memref<1x128xi32, #tpu.memory_space<vmem>> -> memref<128xi32, #tpu.memory_space<vmem>>
        %dma_start3A_511 = arith.constant 0 : i32
        %dma_start3A_512 = arith.constant 0 : i32
        %dma_start3A_513 = tpu.memref_slice %arg10[%dma_start3A_511, %dma_start3A_512] : memref<10240x128xf32, #tpu.memory_space<vmem_shared>> -> memref<10240x128xf32, #tpu.memory_space<vmem_shared>>
        tpu.enqueue_indirect_dma source(%dma_start3A_507 : memref<128x128xf32, #tpu.memory_space<vmem>>) target(%dma_start3A_513 : memref<10240x128xf32, #tpu.memory_space<vmem_shared>>) offsets(%dma_start3A_510 : memref<128xi32, #tpu.memory_space<vmem>>) semaphore(%run_scoped3A_503 : memref<!tpu.dma_semaphore, #tpu.memory_space<semaphore_mem>>) {add = true}
        %dma_wait3A_514 = arith.constant 0 : i32
        %dma_wait3A_515 = arith.constant 0 : i32
        %dma_wait3A_516 = tpu.memref_slice %arg9[%run_scoped3A_149, %dma_wait3A_514, %dma_wait3A_515] : memref<2x128x128xf32, #tpu.memory_space<vmem>> -> memref<1x128x128xf32, #tpu.memory_space<vmem>>
        %dma_wait3A_517 = tpu.memref_squeeze %dma_wait3A_516 : memref<1x128x128xf32, #tpu.memory_space<vmem>> -> memref<128x128xf32, #tpu.memory_space<vmem>>
        %dma_wait3A_518 = arith.constant 0 : i32
        %dma_wait3A_519 = tpu.memref_slice %arg8[%run_scoped3A_150, %dma_wait3A_518] : memref<16x128xi32, #tpu.memory_space<vmem>> -> memref<1x128xi32, #tpu.memory_space<vmem>>
        %dma_wait3A_520 = tpu.memref_squeeze %dma_wait3A_519 : memref<1x128xi32, #tpu.memory_space<vmem>> -> memref<128xi32, #tpu.memory_space<vmem>>
        %dma_wait3A_521 = arith.constant 0 : i32
        %dma_wait3A_522 = arith.constant 0 : i32
        %dma_wait3A_523 = tpu.memref_slice %arg10[%dma_wait3A_521, %dma_wait3A_522] : memref<10240x128xf32, #tpu.memory_space<vmem_shared>> -> memref<10240x128xf32, #tpu.memory_space<vmem_shared>>
        tpu.wait_indirect_dma semaphore(%run_scoped3A_503 : memref<!tpu.dma_semaphore, #tpu.memory_space<semaphore_mem>>) src(%dma_wait3A_517 : memref<128x128xf32, #tpu.memory_space<vmem>>) dst(%dma_wait3A_523 : memref<10240x128xf32, #tpu.memory_space<vmem_shared>>)
        tpu.yield
      }) : () -> ()
      %dma_start3A_151 = arith.constant 3 : i32
      %dma_start3A_152 = arith.constant 1 : i32
      %dma_start3A_153 = arith.constant 0 : i32
      %dma_start3A_154 = arith.constant 0 : i32
      %dma_start3A_155 = tpu.memref_slice %arg9[%dma_start3A_152, %dma_start3A_153, %dma_start3A_154] : memref<2x128x128xf32, #tpu.memory_space<vmem>> -> memref<1x128x128xf32, #tpu.memory_space<vmem>>
      %dma_start3A_156 = tpu.memref_squeeze %dma_start3A_155 : memref<1x128x128xf32, #tpu.memory_space<vmem>> -> memref<128x128xf32, #tpu.memory_space<vmem>>
      %dma_start3A_157 = arith.constant 0 : i32
      %dma_start3A_158 = tpu.memref_slice %arg7[%dma_start3A_151, %dma_start3A_157] : memref<16x128xi32, #tpu.memory_space<vmem>> -> memref<1x128xi32, #tpu.memory_space<vmem>>
      %dma_start3A_159 = tpu.memref_squeeze %dma_start3A_158 : memref<1x128xi32, #tpu.memory_space<vmem>> -> memref<128xi32, #tpu.memory_space<vmem>>
      %dma_start3A_160 = arith.constant 0 : i32
      %dma_start3A_161 = arith.constant 0 : i32
      %dma_start3A_162 = tpu.memref_slice %arg2[%dma_start3A_160, %dma_start3A_161] : memref<10000x128xf32, #tpu.memory_space<hbm>> -> memref<10000x128xf32, #tpu.memory_space<hbm>>
      tpu.enqueue_indirect_dma source(%dma_start3A_162 : memref<10000x128xf32, #tpu.memory_space<hbm>>) target(%dma_start3A_156 : memref<128x128xf32, #tpu.memory_space<vmem>>) offsets(%dma_start3A_159 : memref<128xi32, #tpu.memory_space<vmem>>) semaphore(%arg12 : memref<!tpu.dma_semaphore, #tpu.memory_space<semaphore_mem>>)
      %dma_wait3A_163 = arith.constant 2 : i32
      %dma_wait3A_164 = arith.constant 0 : i32
      %dma_wait3A_165 = arith.constant 0 : i32
      %dma_wait3A_166 = arith.constant 0 : i32
      %dma_wait3A_167 = tpu.memref_slice %arg9[%dma_wait3A_164, %dma_wait3A_165, %dma_wait3A_166] : memref<2x128x128xf32, #tpu.memory_space<vmem>> -> memref<1x128x128xf32, #tpu.memory_space<vmem>>
      %dma_wait3A_168 = tpu.memref_squeeze %dma_wait3A_167 : memref<1x128x128xf32, #tpu.memory_space<vmem>> -> memref<128x128xf32, #tpu.memory_space<vmem>>
      %dma_wait3A_169 = arith.constant 0 : i32
      %dma_wait3A_170 = tpu.memref_slice %arg7[%dma_wait3A_163, %dma_wait3A_169] : memref<16x128xi32, #tpu.memory_space<vmem>> -> memref<1x128xi32, #tpu.memory_space<vmem>>
      %dma_wait3A_171 = tpu.memref_squeeze %dma_wait3A_170 : memref<1x128xi32, #tpu.memory_space<vmem>> -> memref<128xi32, #tpu.memory_space<vmem>>
      %dma_wait3A_172 = arith.constant 0 : i32
      %dma_wait3A_173 = arith.constant 0 : i32
      %dma_wait3A_174 = tpu.memref_slice %arg2[%dma_wait3A_172, %dma_wait3A_173] : memref<10000x128xf32, #tpu.memory_space<hbm>> -> memref<10000x128xf32, #tpu.memory_space<hbm>>
      tpu.wait_indirect_dma semaphore(%arg11 : memref<!tpu.dma_semaphore, #tpu.memory_space<semaphore_mem>>) src(%dma_wait3A_174 : memref<10000x128xf32, #tpu.memory_space<hbm>>) dst(%dma_wait3A_168 : memref<128x128xf32, #tpu.memory_space<vmem>>)
      %run_scoped3A_175 = arith.constant 0 : i32
      %run_scoped3A_176 = arith.constant 2 : i32
      "tpu.region"() ({
        %run_scoped3A_503 = tpu.sem_alloc : memref<!tpu.dma_semaphore, #tpu.memory_space<semaphore_mem>>
        %dma_start3A_504 = arith.constant 0 : i32
        %dma_start3A_505 = arith.constant 0 : i32
        %dma_start3A_506 = tpu.memref_slice %arg9[%run_scoped3A_175, %dma_start3A_504, %dma_start3A_505] : memref<2x128x128xf32, #tpu.memory_space<vmem>> -> memref<1x128x128xf32, #tpu.memory_space<vmem>>
        %dma_start3A_507 = tpu.memref_squeeze %dma_start3A_506 : memref<1x128x128xf32, #tpu.memory_space<vmem>> -> memref<128x128xf32, #tpu.memory_space<vmem>>
        %dma_start3A_508 = arith.constant 0 : i32
        %dma_start3A_509 = tpu.memref_slice %arg8[%run_scoped3A_176, %dma_start3A_508] : memref<16x128xi32, #tpu.memory_space<vmem>> -> memref<1x128xi32, #tpu.memory_space<vmem>>
        %dma_start3A_510 = tpu.memref_squeeze %dma_start3A_509 : memref<1x128xi32, #tpu.memory_space<vmem>> -> memref<128xi32, #tpu.memory_space<vmem>>
        %dma_start3A_511 = arith.constant 0 : i32
        %dma_start3A_512 = arith.constant 0 : i32
        %dma_start3A_513 = tpu.memref_slice %arg10[%dma_start3A_511, %dma_start3A_512] : memref<10240x128xf32, #tpu.memory_space<vmem_shared>> -> memref<10240x128xf32, #tpu.memory_space<vmem_shared>>
        tpu.enqueue_indirect_dma source(%dma_start3A_507 : memref<128x128xf32, #tpu.memory_space<vmem>>) target(%dma_start3A_513 : memref<10240x128xf32, #tpu.memory_space<vmem_shared>>) offsets(%dma_start3A_510 : memref<128xi32, #tpu.memory_space<vmem>>) semaphore(%run_scoped3A_503 : memref<!tpu.dma_semaphore, #tpu.memory_space<semaphore_mem>>) {add = true}
        %dma_wait3A_514 = arith.constant 0 : i32
        %dma_wait3A_515 = arith.constant 0 : i32
        %dma_wait3A_516 = tpu.memref_slice %arg9[%run_scoped3A_175, %dma_wait3A_514, %dma_wait3A_515] : memref<2x128x128xf32, #tpu.memory_space<vmem>> -> memref<1x128x128xf32, #tpu.memory_space<vmem>>
        %dma_wait3A_517 = tpu.memref_squeeze %dma_wait3A_516 : memref<1x128x128xf32, #tpu.memory_space<vmem>> -> memref<128x128xf32, #tpu.memory_space<vmem>>
        %dma_wait3A_518 = arith.constant 0 : i32
        %dma_wait3A_519 = tpu.memref_slice %arg8[%run_scoped3A_176, %dma_wait3A_518] : memref<16x128xi32, #tpu.memory_space<vmem>> -> memref<1x128xi32, #tpu.memory_space<vmem>>
        %dma_wait3A_520 = tpu.memref_squeeze %dma_wait3A_519 : memref<1x128xi32, #tpu.memory_space<vmem>> -> memref<128xi32, #tpu.memory_space<vmem>>
        %dma_wait3A_521 = arith.constant 0 : i32
        %dma_wait3A_522 = arith.constant 0 : i32
        %dma_wait3A_523 = tpu.memref_slice %arg10[%dma_wait3A_521, %dma_wait3A_522] : memref<10240x128xf32, #tpu.memory_space<vmem_shared>> -> memref<10240x128xf32, #tpu.memory_space<vmem_shared>>
        tpu.wait_indirect_dma semaphore(%run_scoped3A_503 : memref<!tpu.dma_semaphore, #tpu.memory_space<semaphore_mem>>) src(%dma_wait3A_517 : memref<128x128xf32, #tpu.memory_space<vmem>>) dst(%dma_wait3A_523 : memref<10240x128xf32, #tpu.memory_space<vmem_shared>>)
        tpu.yield
      }) : () -> ()
      %dma_start3A_177 = arith.constant 4 : i32
      %dma_start3A_178 = arith.constant 0 : i32
      %dma_start3A_179 = arith.constant 0 : i32
      %dma_start3A_180 = arith.constant 0 : i32
      %dma_start3A_181 = tpu.memref_slice %arg9[%dma_start3A_178, %dma_start3A_179, %dma_start3A_180] : memref<2x128x128xf32, #tpu.memory_space<vmem>> -> memref<1x128x128xf32, #tpu.memory_space<vmem>>
      %dma_start3A_182 = tpu.memref_squeeze %dma_start3A_181 : memref<1x128x128xf32, #tpu.memory_space<vmem>> -> memref<128x128xf32, #tpu.memory_space<vmem>>
      %dma_start3A_183 = arith.constant 0 : i32
      %dma_start3A_184 = tpu.memref_slice %arg7[%dma_start3A_177, %dma_start3A_183] : memref<16x128xi32, #tpu.memory_space<vmem>> -> memref<1x128xi32, #tpu.memory_space<vmem>>
      %dma_start3A_185 = tpu.memref_squeeze %dma_start3A_184 : memref<1x128xi32, #tpu.memory_space<vmem>> -> memref<128xi32, #tpu.memory_space<vmem>>
      %dma_start3A_186 = arith.constant 0 : i32
      %dma_start3A_187 = arith.constant 0 : i32
      %dma_start3A_188 = tpu.memref_slice %arg2[%dma_start3A_186, %dma_start3A_187] : memref<10000x128xf32, #tpu.memory_space<hbm>> -> memref<10000x128xf32, #tpu.memory_space<hbm>>
      tpu.enqueue_indirect_dma source(%dma_start3A_188 : memref<10000x128xf32, #tpu.memory_space<hbm>>) target(%dma_start3A_182 : memref<128x128xf32, #tpu.memory_space<vmem>>) offsets(%dma_start3A_185 : memref<128xi32, #tpu.memory_space<vmem>>) semaphore(%arg11 : memref<!tpu.dma_semaphore, #tpu.memory_space<semaphore_mem>>)
      %dma_wait3A_189 = arith.constant 3 : i32
      %dma_wait3A_190 = arith.constant 1 : i32
      %dma_wait3A_191 = arith.constant 0 : i32
      %dma_wait3A_192 = arith.constant 0 : i32
      %dma_wait3A_193 = tpu.memref_slice %arg9[%dma_wait3A_190, %dma_wait3A_191, %dma_wait3A_192] : memref<2x128x128xf32, #tpu.memory_space<vmem>> -> memref<1x128x128xf32, #tpu.memory_space<vmem>>
      %dma_wait3A_194 = tpu.memref_squeeze %dma_wait3A_193 : memref<1x128x128xf32, #tpu.memory_space<vmem>> -> memref<128x128xf32, #tpu.memory_space<vmem>>
      %dma_wait3A_195 = arith.constant 0 : i32
      %dma_wait3A_196 = tpu.memref_slice %arg7[%dma_wait3A_189, %dma_wait3A_195] : memref<16x128xi32, #tpu.memory_space<vmem>> -> memref<1x128xi32, #tpu.memory_space<vmem>>
      %dma_wait3A_197 = tpu.memref_squeeze %dma_wait3A_196 : memref<1x128xi32, #tpu.memory_space<vmem>> -> memref<128xi32, #tpu.memory_space<vmem>>
      %dma_wait3A_198 = arith.constant 0 : i32
      %dma_wait3A_199 = arith.constant 0 : i32
      %dma_wait3A_200 = tpu.memref_slice %arg2[%dma_wait3A_198, %dma_wait3A_199] : memref<10000x128xf32, #tpu.memory_space<hbm>> -> memref<10000x128xf32, #tpu.memory_space<hbm>>
      tpu.wait_indirect_dma semaphore(%arg12 : memref<!tpu.dma_semaphore, #tpu.memory_space<semaphore_mem>>) src(%dma_wait3A_200 : memref<10000x128xf32, #tpu.memory_space<hbm>>) dst(%dma_wait3A_194 : memref<128x128xf32, #tpu.memory_space<vmem>>)
      %run_scoped3A_201 = arith.constant 1 : i32
      %run_scoped3A_202 = arith.constant 3 : i32
      "tpu.region"() ({
        %run_scoped3A_503 = tpu.sem_alloc : memref<!tpu.dma_semaphore, #tpu.memory_space<semaphore_mem>>
        %dma_start3A_504 = arith.constant 0 : i32
        %dma_start3A_505 = arith.constant 0 : i32
        %dma_start3A_506 = tpu.memref_slice %arg9[%run_scoped3A_201, %dma_start3A_504, %dma_start3A_505] : memref<2x128x128xf32, #tpu.memory_space<vmem>> -> memref<1x128x128xf32, #tpu.memory_space<vmem>>
        %dma_start3A_507 = tpu.memref_squeeze %dma_start3A_506 : memref<1x128x128xf32, #tpu.memory_space<vmem>> -> memref<128x128xf32, #tpu.memory_space<vmem>>
        %dma_start3A_508 = arith.constant 0 : i32
        %dma_start3A_509 = tpu.memref_slice %arg8[%run_scoped3A_202, %dma_start3A_508] : memref<16x128xi32, #tpu.memory_space<vmem>> -> memref<1x128xi32, #tpu.memory_space<vmem>>
        %dma_start3A_510 = tpu.memref_squeeze %dma_start3A_509 : memref<1x128xi32, #tpu.memory_space<vmem>> -> memref<128xi32, #tpu.memory_space<vmem>>
        %dma_start3A_511 = arith.constant 0 : i32
        %dma_start3A_512 = arith.constant 0 : i32
        %dma_start3A_513 = tpu.memref_slice %arg10[%dma_start3A_511, %dma_start3A_512] : memref<10240x128xf32, #tpu.memory_space<vmem_shared>> -> memref<10240x128xf32, #tpu.memory_space<vmem_shared>>
        tpu.enqueue_indirect_dma source(%dma_start3A_507 : memref<128x128xf32, #tpu.memory_space<vmem>>) target(%dma_start3A_513 : memref<10240x128xf32, #tpu.memory_space<vmem_shared>>) offsets(%dma_start3A_510 : memref<128xi32, #tpu.memory_space<vmem>>) semaphore(%run_scoped3A_503 : memref<!tpu.dma_semaphore, #tpu.memory_space<semaphore_mem>>) {add = true}
        %dma_wait3A_514 = arith.constant 0 : i32
        %dma_wait3A_515 = arith.constant 0 : i32
        %dma_wait3A_516 = tpu.memref_slice %arg9[%run_scoped3A_201, %dma_wait3A_514, %dma_wait3A_515] : memref<2x128x128xf32, #tpu.memory_space<vmem>> -> memref<1x128x128xf32, #tpu.memory_space<vmem>>
        %dma_wait3A_517 = tpu.memref_squeeze %dma_wait3A_516 : memref<1x128x128xf32, #tpu.memory_space<vmem>> -> memref<128x128xf32, #tpu.memory_space<vmem>>
        %dma_wait3A_518 = arith.constant 0 : i32
        %dma_wait3A_519 = tpu.memref_slice %arg8[%run_scoped3A_202, %dma_wait3A_518] : memref<16x128xi32, #tpu.memory_space<vmem>> -> memref<1x128xi32, #tpu.memory_space<vmem>>
        %dma_wait3A_520 = tpu.memref_squeeze %dma_wait3A_519 : memref<1x128xi32, #tpu.memory_space<vmem>> -> memref<128xi32, #tpu.memory_space<vmem>>
        %dma_wait3A_521 = arith.constant 0 : i32
        %dma_wait3A_522 = arith.constant 0 : i32
        %dma_wait3A_523 = tpu.memref_slice %arg10[%dma_wait3A_521, %dma_wait3A_522] : memref<10240x128xf32, #tpu.memory_space<vmem_shared>> -> memref<10240x128xf32, #tpu.memory_space<vmem_shared>>
        tpu.wait_indirect_dma semaphore(%run_scoped3A_503 : memref<!tpu.dma_semaphore, #tpu.memory_space<semaphore_mem>>) src(%dma_wait3A_517 : memref<128x128xf32, #tpu.memory_space<vmem>>) dst(%dma_wait3A_523 : memref<10240x128xf32, #tpu.memory_space<vmem_shared>>)
        tpu.yield
      }) : () -> ()
      %dma_start3A_203 = arith.constant 5 : i32
      %dma_start3A_204 = arith.constant 1 : i32
      %dma_start3A_205 = arith.constant 0 : i32
      %dma_start3A_206 = arith.constant 0 : i32
      %dma_start3A_207 = tpu.memref_slice %arg9[%dma_start3A_204, %dma_start3A_205, %dma_start3A_206] : memref<2x128x128xf32, #tpu.memory_space<vmem>> -> memref<1x128x128xf32, #tpu.memory_space<vmem>>
      %dma_start3A_208 = tpu.memref_squeeze %dma_start3A_207 : memref<1x128x128xf32, #tpu.memory_space<vmem>> -> memref<128x128xf32, #tpu.memory_space<vmem>>
      %dma_start3A_209 = arith.constant 0 : i32
      %dma_start3A_210 = tpu.memref_slice %arg7[%dma_start3A_203, %dma_start3A_209] : memref<16x128xi32, #tpu.memory_space<vmem>> -> memref<1x128xi32, #tpu.memory_space<vmem>>
      %dma_start3A_211 = tpu.memref_squeeze %dma_start3A_210 : memref<1x128xi32, #tpu.memory_space<vmem>> -> memref<128xi32, #tpu.memory_space<vmem>>
      %dma_start3A_212 = arith.constant 0 : i32
      %dma_start3A_213 = arith.constant 0 : i32
      %dma_start3A_214 = tpu.memref_slice %arg2[%dma_start3A_212, %dma_start3A_213] : memref<10000x128xf32, #tpu.memory_space<hbm>> -> memref<10000x128xf32, #tpu.memory_space<hbm>>
      tpu.enqueue_indirect_dma source(%dma_start3A_214 : memref<10000x128xf32, #tpu.memory_space<hbm>>) target(%dma_start3A_208 : memref<128x128xf32, #tpu.memory_space<vmem>>) offsets(%dma_start3A_211 : memref<128xi32, #tpu.memory_space<vmem>>) semaphore(%arg12 : memref<!tpu.dma_semaphore, #tpu.memory_space<semaphore_mem>>)
      %dma_wait3A_215 = arith.constant 4 : i32
      %dma_wait3A_216 = arith.constant 0 : i32
      %dma_wait3A_217 = arith.constant 0 : i32
      %dma_wait3A_218 = arith.constant 0 : i32
      %dma_wait3A_219 = tpu.memref_slice %arg9[%dma_wait3A_216, %dma_wait3A_217, %dma_wait3A_218] : memref<2x128x128xf32, #tpu.memory_space<vmem>> -> memref<1x128x128xf32, #tpu.memory_space<vmem>>
      %dma_wait3A_220 = tpu.memref_squeeze %dma_wait3A_219 : memref<1x128x128xf32, #tpu.memory_space<vmem>> -> memref<128x128xf32, #tpu.memory_space<vmem>>
      %dma_wait3A_221 = arith.constant 0 : i32
      %dma_wait3A_222 = tpu.memref_slice %arg7[%dma_wait3A_215, %dma_wait3A_221] : memref<16x128xi32, #tpu.memory_space<vmem>> -> memref<1x128xi32, #tpu.memory_space<vmem>>
      %dma_wait3A_223 = tpu.memref_squeeze %dma_wait3A_222 : memref<1x128xi32, #tpu.memory_space<vmem>> -> memref<128xi32, #tpu.memory_space<vmem>>
      %dma_wait3A_224 = arith.constant 0 : i32
      %dma_wait3A_225 = arith.constant 0 : i32
      %dma_wait3A_226 = tpu.memref_slice %arg2[%dma_wait3A_224, %dma_wait3A_225] : memref<10000x128xf32, #tpu.memory_space<hbm>> -> memref<10000x128xf32, #tpu.memory_space<hbm>>
      tpu.wait_indirect_dma semaphore(%arg11 : memref<!tpu.dma_semaphore, #tpu.memory_space<semaphore_mem>>) src(%dma_wait3A_226 : memref<10000x128xf32, #tpu.memory_space<hbm>>) dst(%dma_wait3A_220 : memref<128x128xf32, #tpu.memory_space<vmem>>)
      %run_scoped3A_227 = arith.constant 0 : i32
      %run_scoped3A_228 = arith.constant 4 : i32
      "tpu.region"() ({
        %run_scoped3A_503 = tpu.sem_alloc : memref<!tpu.dma_semaphore, #tpu.memory_space<semaphore_mem>>
        %dma_start3A_504 = arith.constant 0 : i32
        %dma_start3A_505 = arith.constant 0 : i32
        %dma_start3A_506 = tpu.memref_slice %arg9[%run_scoped3A_227, %dma_start3A_504, %dma_start3A_505] : memref<2x128x128xf32, #tpu.memory_space<vmem>> -> memref<1x128x128xf32, #tpu.memory_space<vmem>>
        %dma_start3A_507 = tpu.memref_squeeze %dma_start3A_506 : memref<1x128x128xf32, #tpu.memory_space<vmem>> -> memref<128x128xf32, #tpu.memory_space<vmem>>
        %dma_start3A_508 = arith.constant 0 : i32
        %dma_start3A_509 = tpu.memref_slice %arg8[%run_scoped3A_228, %dma_start3A_508] : memref<16x128xi32, #tpu.memory_space<vmem>> -> memref<1x128xi32, #tpu.memory_space<vmem>>
        %dma_start3A_510 = tpu.memref_squeeze %dma_start3A_509 : memref<1x128xi32, #tpu.memory_space<vmem>> -> memref<128xi32, #tpu.memory_space<vmem>>
        %dma_start3A_511 = arith.constant 0 : i32
        %dma_start3A_512 = arith.constant 0 : i32
        %dma_start3A_513 = tpu.memref_slice %arg10[%dma_start3A_511, %dma_start3A_512] : memref<10240x128xf32, #tpu.memory_space<vmem_shared>> -> memref<10240x128xf32, #tpu.memory_space<vmem_shared>>
        tpu.enqueue_indirect_dma source(%dma_start3A_507 : memref<128x128xf32, #tpu.memory_space<vmem>>) target(%dma_start3A_513 : memref<10240x128xf32, #tpu.memory_space<vmem_shared>>) offsets(%dma_start3A_510 : memref<128xi32, #tpu.memory_space<vmem>>) semaphore(%run_scoped3A_503 : memref<!tpu.dma_semaphore, #tpu.memory_space<semaphore_mem>>) {add = true}
        %dma_wait3A_514 = arith.constant 0 : i32
        %dma_wait3A_515 = arith.constant 0 : i32
        %dma_wait3A_516 = tpu.memref_slice %arg9[%run_scoped3A_227, %dma_wait3A_514, %dma_wait3A_515] : memref<2x128x128xf32, #tpu.memory_space<vmem>> -> memref<1x128x128xf32, #tpu.memory_space<vmem>>
        %dma_wait3A_517 = tpu.memref_squeeze %dma_wait3A_516 : memref<1x128x128xf32, #tpu.memory_space<vmem>> -> memref<128x128xf32, #tpu.memory_space<vmem>>
        %dma_wait3A_518 = arith.constant 0 : i32
        %dma_wait3A_519 = tpu.memref_slice %arg8[%run_scoped3A_228, %dma_wait3A_518] : memref<16x128xi32, #tpu.memory_space<vmem>> -> memref<1x128xi32, #tpu.memory_space<vmem>>
        %dma_wait3A_520 = tpu.memref_squeeze %dma_wait3A_519 : memref<1x128xi32, #tpu.memory_space<vmem>> -> memref<128xi32, #tpu.memory_space<vmem>>
        %dma_wait3A_521 = arith.constant 0 : i32
        %dma_wait3A_522 = arith.constant 0 : i32
        %dma_wait3A_523 = tpu.memref_slice %arg10[%dma_wait3A_521, %dma_wait3A_522] : memref<10240x128xf32, #tpu.memory_space<vmem_shared>> -> memref<10240x128xf32, #tpu.memory_space<vmem_shared>>
        tpu.wait_indirect_dma semaphore(%run_scoped3A_503 : memref<!tpu.dma_semaphore, #tpu.memory_space<semaphore_mem>>) src(%dma_wait3A_517 : memref<128x128xf32, #tpu.memory_space<vmem>>) dst(%dma_wait3A_523 : memref<10240x128xf32, #tpu.memory_space<vmem_shared>>)
        tpu.yield
      }) : () -> ()
      %dma_start3A_229 = arith.constant 6 : i32
      %dma_start3A_230 = arith.constant 0 : i32
      %dma_start3A_231 = arith.constant 0 : i32
      %dma_start3A_232 = arith.constant 0 : i32
      %dma_start3A_233 = tpu.memref_slice %arg9[%dma_start3A_230, %dma_start3A_231, %dma_start3A_232] : memref<2x128x128xf32, #tpu.memory_space<vmem>> -> memref<1x128x128xf32, #tpu.memory_space<vmem>>
      %dma_start3A_234 = tpu.memref_squeeze %dma_start3A_233 : memref<1x128x128xf32, #tpu.memory_space<vmem>> -> memref<128x128xf32, #tpu.memory_space<vmem>>
      %dma_start3A_235 = arith.constant 0 : i32
      %dma_start3A_236 = tpu.memref_slice %arg7[%dma_start3A_229, %dma_start3A_235] : memref<16x128xi32, #tpu.memory_space<vmem>> -> memref<1x128xi32, #tpu.memory_space<vmem>>
      %dma_start3A_237 = tpu.memref_squeeze %dma_start3A_236 : memref<1x128xi32, #tpu.memory_space<vmem>> -> memref<128xi32, #tpu.memory_space<vmem>>
      %dma_start3A_238 = arith.constant 0 : i32
      %dma_start3A_239 = arith.constant 0 : i32
      %dma_start3A_240 = tpu.memref_slice %arg2[%dma_start3A_238, %dma_start3A_239] : memref<10000x128xf32, #tpu.memory_space<hbm>> -> memref<10000x128xf32, #tpu.memory_space<hbm>>
      tpu.enqueue_indirect_dma source(%dma_start3A_240 : memref<10000x128xf32, #tpu.memory_space<hbm>>) target(%dma_start3A_234 : memref<128x128xf32, #tpu.memory_space<vmem>>) offsets(%dma_start3A_237 : memref<128xi32, #tpu.memory_space<vmem>>) semaphore(%arg11 : memref<!tpu.dma_semaphore, #tpu.memory_space<semaphore_mem>>)
      %dma_wait3A_241 = arith.constant 5 : i32
      %dma_wait3A_242 = arith.constant 1 : i32
      %dma_wait3A_243 = arith.constant 0 : i32
      %dma_wait3A_244 = arith.constant 0 : i32
      %dma_wait3A_245 = tpu.memref_slice %arg9[%dma_wait3A_242, %dma_wait3A_243, %dma_wait3A_244] : memref<2x128x128xf32, #tpu.memory_space<vmem>> -> memref<1x128x128xf32, #tpu.memory_space<vmem>>
      %dma_wait3A_246 = tpu.memref_squeeze %dma_wait3A_245 : memref<1x128x128xf32, #tpu.memory_space<vmem>> -> memref<128x128xf32, #tpu.memory_space<vmem>>
      %dma_wait3A_247 = arith.constant 0 : i32
      %dma_wait3A_248 = tpu.memref_slice %arg7[%dma_wait3A_241, %dma_wait3A_247] : memref<16x128xi32, #tpu.memory_space<vmem>> -> memref<1x128xi32, #tpu.memory_space<vmem>>
      %dma_wait3A_249 = tpu.memref_squeeze %dma_wait3A_248 : memref<1x128xi32, #tpu.memory_space<vmem>> -> memref<128xi32, #tpu.memory_space<vmem>>
      %dma_wait3A_250 = arith.constant 0 : i32
      %dma_wait3A_251 = arith.constant 0 : i32
      %dma_wait3A_252 = tpu.memref_slice %arg2[%dma_wait3A_250, %dma_wait3A_251] : memref<10000x128xf32, #tpu.memory_space<hbm>> -> memref<10000x128xf32, #tpu.memory_space<hbm>>
      tpu.wait_indirect_dma semaphore(%arg12 : memref<!tpu.dma_semaphore, #tpu.memory_space<semaphore_mem>>) src(%dma_wait3A_252 : memref<10000x128xf32, #tpu.memory_space<hbm>>) dst(%dma_wait3A_246 : memref<128x128xf32, #tpu.memory_space<vmem>>)
      %run_scoped3A_253 = arith.constant 1 : i32
      %run_scoped3A_254 = arith.constant 5 : i32
      "tpu.region"() ({
        %run_scoped3A_503 = tpu.sem_alloc : memref<!tpu.dma_semaphore, #tpu.memory_space<semaphore_mem>>
        %dma_start3A_504 = arith.constant 0 : i32
        %dma_start3A_505 = arith.constant 0 : i32
        %dma_start3A_506 = tpu.memref_slice %arg9[%run_scoped3A_253, %dma_start3A_504, %dma_start3A_505] : memref<2x128x128xf32, #tpu.memory_space<vmem>> -> memref<1x128x128xf32, #tpu.memory_space<vmem>>
        %dma_start3A_507 = tpu.memref_squeeze %dma_start3A_506 : memref<1x128x128xf32, #tpu.memory_space<vmem>> -> memref<128x128xf32, #tpu.memory_space<vmem>>
        %dma_start3A_508 = arith.constant 0 : i32
        %dma_start3A_509 = tpu.memref_slice %arg8[%run_scoped3A_254, %dma_start3A_508] : memref<16x128xi32, #tpu.memory_space<vmem>> -> memref<1x128xi32, #tpu.memory_space<vmem>>
        %dma_start3A_510 = tpu.memref_squeeze %dma_start3A_509 : memref<1x128xi32, #tpu.memory_space<vmem>> -> memref<128xi32, #tpu.memory_space<vmem>>
        %dma_start3A_511 = arith.constant 0 : i32
        %dma_start3A_512 = arith.constant 0 : i32
        %dma_start3A_513 = tpu.memref_slice %arg10[%dma_start3A_511, %dma_start3A_512] : memref<10240x128xf32, #tpu.memory_space<vmem_shared>> -> memref<10240x128xf32, #tpu.memory_space<vmem_shared>>
        tpu.enqueue_indirect_dma source(%dma_start3A_507 : memref<128x128xf32, #tpu.memory_space<vmem>>) target(%dma_start3A_513 : memref<10240x128xf32, #tpu.memory_space<vmem_shared>>) offsets(%dma_start3A_510 : memref<128xi32, #tpu.memory_space<vmem>>) semaphore(%run_scoped3A_503 : memref<!tpu.dma_semaphore, #tpu.memory_space<semaphore_mem>>) {add = true}
        %dma_wait3A_514 = arith.constant 0 : i32
        %dma_wait3A_515 = arith.constant 0 : i32
        %dma_wait3A_516 = tpu.memref_slice %arg9[%run_scoped3A_253, %dma_wait3A_514, %dma_wait3A_515] : memref<2x128x128xf32, #tpu.memory_space<vmem>> -> memref<1x128x128xf32, #tpu.memory_space<vmem>>
        %dma_wait3A_517 = tpu.memref_squeeze %dma_wait3A_516 : memref<1x128x128xf32, #tpu.memory_space<vmem>> -> memref<128x128xf32, #tpu.memory_space<vmem>>
        %dma_wait3A_518 = arith.constant 0 : i32
        %dma_wait3A_519 = tpu.memref_slice %arg8[%run_scoped3A_254, %dma_wait3A_518] : memref<16x128xi32, #tpu.memory_space<vmem>> -> memref<1x128xi32, #tpu.memory_space<vmem>>
        %dma_wait3A_520 = tpu.memref_squeeze %dma_wait3A_519 : memref<1x128xi32, #tpu.memory_space<vmem>> -> memref<128xi32, #tpu.memory_space<vmem>>
        %dma_wait3A_521 = arith.constant 0 : i32
        %dma_wait3A_522 = arith.constant 0 : i32
        %dma_wait3A_523 = tpu.memref_slice %arg10[%dma_wait3A_521, %dma_wait3A_522] : memref<10240x128xf32, #tpu.memory_space<vmem_shared>> -> memref<10240x128xf32, #tpu.memory_space<vmem_shared>>
        tpu.wait_indirect_dma semaphore(%run_scoped3A_503 : memref<!tpu.dma_semaphore, #tpu.memory_space<semaphore_mem>>) src(%dma_wait3A_517 : memref<128x128xf32, #tpu.memory_space<vmem>>) dst(%dma_wait3A_523 : memref<10240x128xf32, #tpu.memory_space<vmem_shared>>)
        tpu.yield
      }) : () -> ()
      %dma_start3A_255 = arith.constant 7 : i32
      %dma_start3A_256 = arith.constant 1 : i32
      %dma_start3A_257 = arith.constant 0 : i32
      %dma_start3A_258 = arith.constant 0 : i32
      %dma_start3A_259 = tpu.memref_slice %arg9[%dma_start3A_256, %dma_start3A_257, %dma_start3A_258] : memref<2x128x128xf32, #tpu.memory_space<vmem>> -> memref<1x128x128xf32, #tpu.memory_space<vmem>>
      %dma_start3A_260 = tpu.memref_squeeze %dma_start3A_259 : memref<1x128x128xf32, #tpu.memory_space<vmem>> -> memref<128x128xf32, #tpu.memory_space<vmem>>
      %dma_start3A_261 = arith.constant 0 : i32
      %dma_start3A_262 = tpu.memref_slice %arg7[%dma_start3A_255, %dma_start3A_261] : memref<16x128xi32, #tpu.memory_space<vmem>> -> memref<1x128xi32, #tpu.memory_space<vmem>>
      %dma_start3A_263 = tpu.memref_squeeze %dma_start3A_262 : memref<1x128xi32, #tpu.memory_space<vmem>> -> memref<128xi32, #tpu.memory_space<vmem>>
      %dma_start3A_264 = arith.constant 0 : i32
      %dma_start3A_265 = arith.constant 0 : i32
      %dma_start3A_266 = tpu.memref_slice %arg2[%dma_start3A_264, %dma_start3A_265] : memref<10000x128xf32, #tpu.memory_space<hbm>> -> memref<10000x128xf32, #tpu.memory_space<hbm>>
      tpu.enqueue_indirect_dma source(%dma_start3A_266 : memref<10000x128xf32, #tpu.memory_space<hbm>>) target(%dma_start3A_260 : memref<128x128xf32, #tpu.memory_space<vmem>>) offsets(%dma_start3A_263 : memref<128xi32, #tpu.memory_space<vmem>>) semaphore(%arg12 : memref<!tpu.dma_semaphore, #tpu.memory_space<semaphore_mem>>)
      %dma_wait3A_267 = arith.constant 6 : i32
      %dma_wait3A_268 = arith.constant 0 : i32
      %dma_wait3A_269 = arith.constant 0 : i32
      %dma_wait3A_270 = arith.constant 0 : i32
      %dma_wait3A_271 = tpu.memref_slice %arg9[%dma_wait3A_268, %dma_wait3A_269, %dma_wait3A_270] : memref<2x128x128xf32, #tpu.memory_space<vmem>> -> memref<1x128x128xf32, #tpu.memory_space<vmem>>
      %dma_wait3A_272 = tpu.memref_squeeze %dma_wait3A_271 : memref<1x128x128xf32, #tpu.memory_space<vmem>> -> memref<128x128xf32, #tpu.memory_space<vmem>>
      %dma_wait3A_273 = arith.constant 0 : i32
      %dma_wait3A_274 = tpu.memref_slice %arg7[%dma_wait3A_267, %dma_wait3A_273] : memref<16x128xi32, #tpu.memory_space<vmem>> -> memref<1x128xi32, #tpu.memory_space<vmem>>
      %dma_wait3A_275 = tpu.memref_squeeze %dma_wait3A_274 : memref<1x128xi32, #tpu.memory_space<vmem>> -> memref<128xi32, #tpu.memory_space<vmem>>
      %dma_wait3A_276 = arith.constant 0 : i32
      %dma_wait3A_277 = arith.constant 0 : i32
      %dma_wait3A_278 = tpu.memref_slice %arg2[%dma_wait3A_276, %dma_wait3A_277] : memref<10000x128xf32, #tpu.memory_space<hbm>> -> memref<10000x128xf32, #tpu.memory_space<hbm>>
      tpu.wait_indirect_dma semaphore(%arg11 : memref<!tpu.dma_semaphore, #tpu.memory_space<semaphore_mem>>) src(%dma_wait3A_278 : memref<10000x128xf32, #tpu.memory_space<hbm>>) dst(%dma_wait3A_272 : memref<128x128xf32, #tpu.memory_space<vmem>>)
      %run_scoped3A_279 = arith.constant 0 : i32
      %run_scoped3A_280 = arith.constant 6 : i32
      "tpu.region"() ({
        %run_scoped3A_503 = tpu.sem_alloc : memref<!tpu.dma_semaphore, #tpu.memory_space<semaphore_mem>>
        %dma_start3A_504 = arith.constant 0 : i32
        %dma_start3A_505 = arith.constant 0 : i32
        %dma_start3A_506 = tpu.memref_slice %arg9[%run_scoped3A_279, %dma_start3A_504, %dma_start3A_505] : memref<2x128x128xf32, #tpu.memory_space<vmem>> -> memref<1x128x128xf32, #tpu.memory_space<vmem>>
        %dma_start3A_507 = tpu.memref_squeeze %dma_start3A_506 : memref<1x128x128xf32, #tpu.memory_space<vmem>> -> memref<128x128xf32, #tpu.memory_space<vmem>>
        %dma_start3A_508 = arith.constant 0 : i32
        %dma_start3A_509 = tpu.memref_slice %arg8[%run_scoped3A_280, %dma_start3A_508] : memref<16x128xi32, #tpu.memory_space<vmem>> -> memref<1x128xi32, #tpu.memory_space<vmem>>
        %dma_start3A_510 = tpu.memref_squeeze %dma_start3A_509 : memref<1x128xi32, #tpu.memory_space<vmem>> -> memref<128xi32, #tpu.memory_space<vmem>>
        %dma_start3A_511 = arith.constant 0 : i32
        %dma_start3A_512 = arith.constant 0 : i32
        %dma_start3A_513 = tpu.memref_slice %arg10[%dma_start3A_511, %dma_start3A_512] : memref<10240x128xf32, #tpu.memory_space<vmem_shared>> -> memref<10240x128xf32, #tpu.memory_space<vmem_shared>>
        tpu.enqueue_indirect_dma source(%dma_start3A_507 : memref<128x128xf32, #tpu.memory_space<vmem>>) target(%dma_start3A_513 : memref<10240x128xf32, #tpu.memory_space<vmem_shared>>) offsets(%dma_start3A_510 : memref<128xi32, #tpu.memory_space<vmem>>) semaphore(%run_scoped3A_503 : memref<!tpu.dma_semaphore, #tpu.memory_space<semaphore_mem>>) {add = true}
        %dma_wait3A_514 = arith.constant 0 : i32
        %dma_wait3A_515 = arith.constant 0 : i32
        %dma_wait3A_516 = tpu.memref_slice %arg9[%run_scoped3A_279, %dma_wait3A_514, %dma_wait3A_515] : memref<2x128x128xf32, #tpu.memory_space<vmem>> -> memref<1x128x128xf32, #tpu.memory_space<vmem>>
        %dma_wait3A_517 = tpu.memref_squeeze %dma_wait3A_516 : memref<1x128x128xf32, #tpu.memory_space<vmem>> -> memref<128x128xf32, #tpu.memory_space<vmem>>
        %dma_wait3A_518 = arith.constant 0 : i32
        %dma_wait3A_519 = tpu.memref_slice %arg8[%run_scoped3A_280, %dma_wait3A_518] : memref<16x128xi32, #tpu.memory_space<vmem>> -> memref<1x128xi32, #tpu.memory_space<vmem>>
        %dma_wait3A_520 = tpu.memref_squeeze %dma_wait3A_519 : memref<1x128xi32, #tpu.memory_space<vmem>> -> memref<128xi32, #tpu.memory_space<vmem>>
        %dma_wait3A_521 = arith.constant 0 : i32
        %dma_wait3A_522 = arith.constant 0 : i32
        %dma_wait3A_523 = tpu.memref_slice %arg10[%dma_wait3A_521, %dma_wait3A_522] : memref<10240x128xf32, #tpu.memory_space<vmem_shared>> -> memref<10240x128xf32, #tpu.memory_space<vmem_shared>>
        tpu.wait_indirect_dma semaphore(%run_scoped3A_503 : memref<!tpu.dma_semaphore, #tpu.memory_space<semaphore_mem>>) src(%dma_wait3A_517 : memref<128x128xf32, #tpu.memory_space<vmem>>) dst(%dma_wait3A_523 : memref<10240x128xf32, #tpu.memory_space<vmem_shared>>)
        tpu.yield
      }) : () -> ()
      %dma_start3A_281 = arith.constant 8 : i32
      %dma_start3A_282 = arith.constant 0 : i32
      %dma_start3A_283 = arith.constant 0 : i32
      %dma_start3A_284 = arith.constant 0 : i32
      %dma_start3A_285 = tpu.memref_slice %arg9[%dma_start3A_282, %dma_start3A_283, %dma_start3A_284] : memref<2x128x128xf32, #tpu.memory_space<vmem>> -> memref<1x128x128xf32, #tpu.memory_space<vmem>>
      %dma_start3A_286 = tpu.memref_squeeze %dma_start3A_285 : memref<1x128x128xf32, #tpu.memory_space<vmem>> -> memref<128x128xf32, #tpu.memory_space<vmem>>
      %dma_start3A_287 = arith.constant 0 : i32
      %dma_start3A_288 = tpu.memref_slice %arg7[%dma_start3A_281, %dma_start3A_287] : memref<16x128xi32, #tpu.memory_space<vmem>> -> memref<1x128xi32, #tpu.memory_space<vmem>>
      %dma_start3A_289 = tpu.memref_squeeze %dma_start3A_288 : memref<1x128xi32, #tpu.memory_space<vmem>> -> memref<128xi32, #tpu.memory_space<vmem>>
      %dma_start3A_290 = arith.constant 0 : i32
      %dma_start3A_291 = arith.constant 0 : i32
      %dma_start3A_292 = tpu.memref_slice %arg2[%dma_start3A_290, %dma_start3A_291] : memref<10000x128xf32, #tpu.memory_space<hbm>> -> memref<10000x128xf32, #tpu.memory_space<hbm>>
      tpu.enqueue_indirect_dma source(%dma_start3A_292 : memref<10000x128xf32, #tpu.memory_space<hbm>>) target(%dma_start3A_286 : memref<128x128xf32, #tpu.memory_space<vmem>>) offsets(%dma_start3A_289 : memref<128xi32, #tpu.memory_space<vmem>>) semaphore(%arg11 : memref<!tpu.dma_semaphore, #tpu.memory_space<semaphore_mem>>)
      %dma_wait3A_293 = arith.constant 7 : i32
      %dma_wait3A_294 = arith.constant 1 : i32
      %dma_wait3A_295 = arith.constant 0 : i32
      %dma_wait3A_296 = arith.constant 0 : i32
      %dma_wait3A_297 = tpu.memref_slice %arg9[%dma_wait3A_294, %dma_wait3A_295, %dma_wait3A_296] : memref<2x128x128xf32, #tpu.memory_space<vmem>> -> memref<1x128x128xf32, #tpu.memory_space<vmem>>
      %dma_wait3A_298 = tpu.memref_squeeze %dma_wait3A_297 : memref<1x128x128xf32, #tpu.memory_space<vmem>> -> memref<128x128xf32, #tpu.memory_space<vmem>>
      %dma_wait3A_299 = arith.constant 0 : i32
      %dma_wait3A_300 = tpu.memref_slice %arg7[%dma_wait3A_293, %dma_wait3A_299] : memref<16x128xi32, #tpu.memory_space<vmem>> -> memref<1x128xi32, #tpu.memory_space<vmem>>
      %dma_wait3A_301 = tpu.memref_squeeze %dma_wait3A_300 : memref<1x128xi32, #tpu.memory_space<vmem>> -> memref<128xi32, #tpu.memory_space<vmem>>
      %dma_wait3A_302 = arith.constant 0 : i32
      %dma_wait3A_303 = arith.constant 0 : i32
      %dma_wait3A_304 = tpu.memref_slice %arg2[%dma_wait3A_302, %dma_wait3A_303] : memref<10000x128xf32, #tpu.memory_space<hbm>> -> memref<10000x128xf32, #tpu.memory_space<hbm>>
      tpu.wait_indirect_dma semaphore(%arg12 : memref<!tpu.dma_semaphore, #tpu.memory_space<semaphore_mem>>) src(%dma_wait3A_304 : memref<10000x128xf32, #tpu.memory_space<hbm>>) dst(%dma_wait3A_298 : memref<128x128xf32, #tpu.memory_space<vmem>>)
      %run_scoped3A_305 = arith.constant 1 : i32
      %run_scoped3A_306 = arith.constant 7 : i32
      "tpu.region"() ({
        %run_scoped3A_503 = tpu.sem_alloc : memref<!tpu.dma_semaphore, #tpu.memory_space<semaphore_mem>>
        %dma_start3A_504 = arith.constant 0 : i32
        %dma_start3A_505 = arith.constant 0 : i32
        %dma_start3A_506 = tpu.memref_slice %arg9[%run_scoped3A_305, %dma_start3A_504, %dma_start3A_505] : memref<2x128x128xf32, #tpu.memory_space<vmem>> -> memref<1x128x128xf32, #tpu.memory_space<vmem>>
        %dma_start3A_507 = tpu.memref_squeeze %dma_start3A_506 : memref<1x128x128xf32, #tpu.memory_space<vmem>> -> memref<128x128xf32, #tpu.memory_space<vmem>>
        %dma_start3A_508 = arith.constant 0 : i32
        %dma_start3A_509 = tpu.memref_slice %arg8[%run_scoped3A_306, %dma_start3A_508] : memref<16x128xi32, #tpu.memory_space<vmem>> -> memref<1x128xi32, #tpu.memory_space<vmem>>
        %dma_start3A_510 = tpu.memref_squeeze %dma_start3A_509 : memref<1x128xi32, #tpu.memory_space<vmem>> -> memref<128xi32, #tpu.memory_space<vmem>>
        %dma_start3A_511 = arith.constant 0 : i32
        %dma_start3A_512 = arith.constant 0 : i32
        %dma_start3A_513 = tpu.memref_slice %arg10[%dma_start3A_511, %dma_start3A_512] : memref<10240x128xf32, #tpu.memory_space<vmem_shared>> -> memref<10240x128xf32, #tpu.memory_space<vmem_shared>>
        tpu.enqueue_indirect_dma source(%dma_start3A_507 : memref<128x128xf32, #tpu.memory_space<vmem>>) target(%dma_start3A_513 : memref<10240x128xf32, #tpu.memory_space<vmem_shared>>) offsets(%dma_start3A_510 : memref<128xi32, #tpu.memory_space<vmem>>) semaphore(%run_scoped3A_503 : memref<!tpu.dma_semaphore, #tpu.memory_space<semaphore_mem>>) {add = true}
        %dma_wait3A_514 = arith.constant 0 : i32
        %dma_wait3A_515 = arith.constant 0 : i32
        %dma_wait3A_516 = tpu.memref_slice %arg9[%run_scoped3A_305, %dma_wait3A_514, %dma_wait3A_515] : memref<2x128x128xf32, #tpu.memory_space<vmem>> -> memref<1x128x128xf32, #tpu.memory_space<vmem>>
        %dma_wait3A_517 = tpu.memref_squeeze %dma_wait3A_516 : memref<1x128x128xf32, #tpu.memory_space<vmem>> -> memref<128x128xf32, #tpu.memory_space<vmem>>
        %dma_wait3A_518 = arith.constant 0 : i32
        %dma_wait3A_519 = tpu.memref_slice %arg8[%run_scoped3A_306, %dma_wait3A_518] : memref<16x128xi32, #tpu.memory_space<vmem>> -> memref<1x128xi32, #tpu.memory_space<vmem>>
        %dma_wait3A_520 = tpu.memref_squeeze %dma_wait3A_519 : memref<1x128xi32, #tpu.memory_space<vmem>> -> memref<128xi32, #tpu.memory_space<vmem>>
        %dma_wait3A_521 = arith.constant 0 : i32
        %dma_wait3A_522 = arith.constant 0 : i32
        %dma_wait3A_523 = tpu.memref_slice %arg10[%dma_wait3A_521, %dma_wait3A_522] : memref<10240x128xf32, #tpu.memory_space<vmem_shared>> -> memref<10240x128xf32, #tpu.memory_space<vmem_shared>>
        tpu.wait_indirect_dma semaphore(%run_scoped3A_503 : memref<!tpu.dma_semaphore, #tpu.memory_space<semaphore_mem>>) src(%dma_wait3A_517 : memref<128x128xf32, #tpu.memory_space<vmem>>) dst(%dma_wait3A_523 : memref<10240x128xf32, #tpu.memory_space<vmem_shared>>)
        tpu.yield
      }) : () -> ()
      %dma_start3A_307 = arith.constant 9 : i32
      %dma_start3A_308 = arith.constant 1 : i32
      %dma_start3A_309 = arith.constant 0 : i32
      %dma_start3A_310 = arith.constant 0 : i32
      %dma_start3A_311 = tpu.memref_slice %arg9[%dma_start3A_308, %dma_start3A_309, %dma_start3A_310] : memref<2x128x128xf32, #tpu.memory_space<vmem>> -> memref<1x128x128xf32, #tpu.memory_space<vmem>>
      %dma_start3A_312 = tpu.memref_squeeze %dma_start3A_311 : memref<1x128x128xf32, #tpu.memory_space<vmem>> -> memref<128x128xf32, #tpu.memory_space<vmem>>
      %dma_start3A_313 = arith.constant 0 : i32
      %dma_start3A_314 = tpu.memref_slice %arg7[%dma_start3A_307, %dma_start3A_313] : memref<16x128xi32, #tpu.memory_space<vmem>> -> memref<1x128xi32, #tpu.memory_space<vmem>>
      %dma_start3A_315 = tpu.memref_squeeze %dma_start3A_314 : memref<1x128xi32, #tpu.memory_space<vmem>> -> memref<128xi32, #tpu.memory_space<vmem>>
      %dma_start3A_316 = arith.constant 0 : i32
      %dma_start3A_317 = arith.constant 0 : i32
      %dma_start3A_318 = tpu.memref_slice %arg2[%dma_start3A_316, %dma_start3A_317] : memref<10000x128xf32, #tpu.memory_space<hbm>> -> memref<10000x128xf32, #tpu.memory_space<hbm>>
      tpu.enqueue_indirect_dma source(%dma_start3A_318 : memref<10000x128xf32, #tpu.memory_space<hbm>>) target(%dma_start3A_312 : memref<128x128xf32, #tpu.memory_space<vmem>>) offsets(%dma_start3A_315 : memref<128xi32, #tpu.memory_space<vmem>>) semaphore(%arg12 : memref<!tpu.dma_semaphore, #tpu.memory_space<semaphore_mem>>)
      %dma_wait3A_319 = arith.constant 8 : i32
      %dma_wait3A_320 = arith.constant 0 : i32
      %dma_wait3A_321 = arith.constant 0 : i32
      %dma_wait3A_322 = arith.constant 0 : i32
      %dma_wait3A_323 = tpu.memref_slice %arg9[%dma_wait3A_320, %dma_wait3A_321, %dma_wait3A_322] : memref<2x128x128xf32, #tpu.memory_space<vmem>> -> memref<1x128x128xf32, #tpu.memory_space<vmem>>
      %dma_wait3A_324 = tpu.memref_squeeze %dma_wait3A_323 : memref<1x128x128xf32, #tpu.memory_space<vmem>> -> memref<128x128xf32, #tpu.memory_space<vmem>>
      %dma_wait3A_325 = arith.constant 0 : i32
      %dma_wait3A_326 = tpu.memref_slice %arg7[%dma_wait3A_319, %dma_wait3A_325] : memref<16x128xi32, #tpu.memory_space<vmem>> -> memref<1x128xi32, #tpu.memory_space<vmem>>
      %dma_wait3A_327 = tpu.memref_squeeze %dma_wait3A_326 : memref<1x128xi32, #tpu.memory_space<vmem>> -> memref<128xi32, #tpu.memory_space<vmem>>
      %dma_wait3A_328 = arith.constant 0 : i32
      %dma_wait3A_329 = arith.constant 0 : i32
      %dma_wait3A_330 = tpu.memref_slice %arg2[%dma_wait3A_328, %dma_wait3A_329] : memref<10000x128xf32, #tpu.memory_space<hbm>> -> memref<10000x128xf32, #tpu.memory_space<hbm>>
      tpu.wait_indirect_dma semaphore(%arg11 : memref<!tpu.dma_semaphore, #tpu.memory_space<semaphore_mem>>) src(%dma_wait3A_330 : memref<10000x128xf32, #tpu.memory_space<hbm>>) dst(%dma_wait3A_324 : memref<128x128xf32, #tpu.memory_space<vmem>>)
      %run_scoped3A_331 = arith.constant 0 : i32
      %run_scoped3A_332 = arith.constant 8 : i32
      "tpu.region"() ({
        %run_scoped3A_503 = tpu.sem_alloc : memref<!tpu.dma_semaphore, #tpu.memory_space<semaphore_mem>>
        %dma_start3A_504 = arith.constant 0 : i32
        %dma_start3A_505 = arith.constant 0 : i32
        %dma_start3A_506 = tpu.memref_slice %arg9[%run_scoped3A_331, %dma_start3A_504, %dma_start3A_505] : memref<2x128x128xf32, #tpu.memory_space<vmem>> -> memref<1x128x128xf32, #tpu.memory_space<vmem>>
        %dma_start3A_507 = tpu.memref_squeeze %dma_start3A_506 : memref<1x128x128xf32, #tpu.memory_space<vmem>> -> memref<128x128xf32, #tpu.memory_space<vmem>>
        %dma_start3A_508 = arith.constant 0 : i32
        %dma_start3A_509 = tpu.memref_slice %arg8[%run_scoped3A_332, %dma_start3A_508] : memref<16x128xi32, #tpu.memory_space<vmem>> -> memref<1x128xi32, #tpu.memory_space<vmem>>
        %dma_start3A_510 = tpu.memref_squeeze %dma_start3A_509 : memref<1x128xi32, #tpu.memory_space<vmem>> -> memref<128xi32, #tpu.memory_space<vmem>>
        %dma_start3A_511 = arith.constant 0 : i32
        %dma_start3A_512 = arith.constant 0 : i32
        %dma_start3A_513 = tpu.memref_slice %arg10[%dma_start3A_511, %dma_start3A_512] : memref<10240x128xf32, #tpu.memory_space<vmem_shared>> -> memref<10240x128xf32, #tpu.memory_space<vmem_shared>>
        tpu.enqueue_indirect_dma source(%dma_start3A_507 : memref<128x128xf32, #tpu.memory_space<vmem>>) target(%dma_start3A_513 : memref<10240x128xf32, #tpu.memory_space<vmem_shared>>) offsets(%dma_start3A_510 : memref<128xi32, #tpu.memory_space<vmem>>) semaphore(%run_scoped3A_503 : memref<!tpu.dma_semaphore, #tpu.memory_space<semaphore_mem>>) {add = true}
        %dma_wait3A_514 = arith.constant 0 : i32
        %dma_wait3A_515 = arith.constant 0 : i32
        %dma_wait3A_516 = tpu.memref_slice %arg9[%run_scoped3A_331, %dma_wait3A_514, %dma_wait3A_515] : memref<2x128x128xf32, #tpu.memory_space<vmem>> -> memref<1x128x128xf32, #tpu.memory_space<vmem>>
        %dma_wait3A_517 = tpu.memref_squeeze %dma_wait3A_516 : memref<1x128x128xf32, #tpu.memory_space<vmem>> -> memref<128x128xf32, #tpu.memory_space<vmem>>
        %dma_wait3A_518 = arith.constant 0 : i32
        %dma_wait3A_519 = tpu.memref_slice %arg8[%run_scoped3A_332, %dma_wait3A_518] : memref<16x128xi32, #tpu.memory_space<vmem>> -> memref<1x128xi32, #tpu.memory_space<vmem>>
        %dma_wait3A_520 = tpu.memref_squeeze %dma_wait3A_519 : memref<1x128xi32, #tpu.memory_space<vmem>> -> memref<128xi32, #tpu.memory_space<vmem>>
        %dma_wait3A_521 = arith.constant 0 : i32
        %dma_wait3A_522 = arith.constant 0 : i32
        %dma_wait3A_523 = tpu.memref_slice %arg10[%dma_wait3A_521, %dma_wait3A_522] : memref<10240x128xf32, #tpu.memory_space<vmem_shared>> -> memref<10240x128xf32, #tpu.memory_space<vmem_shared>>
        tpu.wait_indirect_dma semaphore(%run_scoped3A_503 : memref<!tpu.dma_semaphore, #tpu.memory_space<semaphore_mem>>) src(%dma_wait3A_517 : memref<128x128xf32, #tpu.memory_space<vmem>>) dst(%dma_wait3A_523 : memref<10240x128xf32, #tpu.memory_space<vmem_shared>>)
        tpu.yield
      }) : () -> ()
      %dma_start3A_333 = arith.constant 10 : i32
      %dma_start3A_334 = arith.constant 0 : i32
      %dma_start3A_335 = arith.constant 0 : i32
      %dma_start3A_336 = arith.constant 0 : i32
      %dma_start3A_337 = tpu.memref_slice %arg9[%dma_start3A_334, %dma_start3A_335, %dma_start3A_336] : memref<2x128x128xf32, #tpu.memory_space<vmem>> -> memref<1x128x128xf32, #tpu.memory_space<vmem>>
      %dma_start3A_338 = tpu.memref_squeeze %dma_start3A_337 : memref<1x128x128xf32, #tpu.memory_space<vmem>> -> memref<128x128xf32, #tpu.memory_space<vmem>>
      %dma_start3A_339 = arith.constant 0 : i32
      %dma_start3A_340 = tpu.memref_slice %arg7[%dma_start3A_333, %dma_start3A_339] : memref<16x128xi32, #tpu.memory_space<vmem>> -> memref<1x128xi32, #tpu.memory_space<vmem>>
      %dma_start3A_341 = tpu.memref_squeeze %dma_start3A_340 : memref<1x128xi32, #tpu.memory_space<vmem>> -> memref<128xi32, #tpu.memory_space<vmem>>
      %dma_start3A_342 = arith.constant 0 : i32
      %dma_start3A_343 = arith.constant 0 : i32
      %dma_start3A_344 = tpu.memref_slice %arg2[%dma_start3A_342, %dma_start3A_343] : memref<10000x128xf32, #tpu.memory_space<hbm>> -> memref<10000x128xf32, #tpu.memory_space<hbm>>
      tpu.enqueue_indirect_dma source(%dma_start3A_344 : memref<10000x128xf32, #tpu.memory_space<hbm>>) target(%dma_start3A_338 : memref<128x128xf32, #tpu.memory_space<vmem>>) offsets(%dma_start3A_341 : memref<128xi32, #tpu.memory_space<vmem>>) semaphore(%arg11 : memref<!tpu.dma_semaphore, #tpu.memory_space<semaphore_mem>>)
      %dma_wait3A_345 = arith.constant 9 : i32
      %dma_wait3A_346 = arith.constant 1 : i32
      %dma_wait3A_347 = arith.constant 0 : i32
      %dma_wait3A_348 = arith.constant 0 : i32
      %dma_wait3A_349 = tpu.memref_slice %arg9[%dma_wait3A_346, %dma_wait3A_347, %dma_wait3A_348] : memref<2x128x128xf32, #tpu.memory_space<vmem>> -> memref<1x128x128xf32, #tpu.memory_space<vmem>>
      %dma_wait3A_350 = tpu.memref_squeeze %dma_wait3A_349 : memref<1x128x128xf32, #tpu.memory_space<vmem>> -> memref<128x128xf32, #tpu.memory_space<vmem>>
      %dma_wait3A_351 = arith.constant 0 : i32
      %dma_wait3A_352 = tpu.memref_slice %arg7[%dma_wait3A_345, %dma_wait3A_351] : memref<16x128xi32, #tpu.memory_space<vmem>> -> memref<1x128xi32, #tpu.memory_space<vmem>>
      %dma_wait3A_353 = tpu.memref_squeeze %dma_wait3A_352 : memref<1x128xi32, #tpu.memory_space<vmem>> -> memref<128xi32, #tpu.memory_space<vmem>>
      %dma_wait3A_354 = arith.constant 0 : i32
      %dma_wait3A_355 = arith.constant 0 : i32
      %dma_wait3A_356 = tpu.memref_slice %arg2[%dma_wait3A_354, %dma_wait3A_355] : memref<10000x128xf32, #tpu.memory_space<hbm>> -> memref<10000x128xf32, #tpu.memory_space<hbm>>
      tpu.wait_indirect_dma semaphore(%arg12 : memref<!tpu.dma_semaphore, #tpu.memory_space<semaphore_mem>>) src(%dma_wait3A_356 : memref<10000x128xf32, #tpu.memory_space<hbm>>) dst(%dma_wait3A_350 : memref<128x128xf32, #tpu.memory_space<vmem>>)
      %run_scoped3A_357 = arith.constant 1 : i32
      %run_scoped3A_358 = arith.constant 9 : i32
      "tpu.region"() ({
        %run_scoped3A_503 = tpu.sem_alloc : memref<!tpu.dma_semaphore, #tpu.memory_space<semaphore_mem>>
        %dma_start3A_504 = arith.constant 0 : i32
        %dma_start3A_505 = arith.constant 0 : i32
        %dma_start3A_506 = tpu.memref_slice %arg9[%run_scoped3A_357, %dma_start3A_504, %dma_start3A_505] : memref<2x128x128xf32, #tpu.memory_space<vmem>> -> memref<1x128x128xf32, #tpu.memory_space<vmem>>
        %dma_start3A_507 = tpu.memref_squeeze %dma_start3A_506 : memref<1x128x128xf32, #tpu.memory_space<vmem>> -> memref<128x128xf32, #tpu.memory_space<vmem>>
        %dma_start3A_508 = arith.constant 0 : i32
        %dma_start3A_509 = tpu.memref_slice %arg8[%run_scoped3A_358, %dma_start3A_508] : memref<16x128xi32, #tpu.memory_space<vmem>> -> memref<1x128xi32, #tpu.memory_space<vmem>>
        %dma_start3A_510 = tpu.memref_squeeze %dma_start3A_509 : memref<1x128xi32, #tpu.memory_space<vmem>> -> memref<128xi32, #tpu.memory_space<vmem>>
        %dma_start3A_511 = arith.constant 0 : i32
        %dma_start3A_512 = arith.constant 0 : i32
        %dma_start3A_513 = tpu.memref_slice %arg10[%dma_start3A_511, %dma_start3A_512] : memref<10240x128xf32, #tpu.memory_space<vmem_shared>> -> memref<10240x128xf32, #tpu.memory_space<vmem_shared>>
        tpu.enqueue_indirect_dma source(%dma_start3A_507 : memref<128x128xf32, #tpu.memory_space<vmem>>) target(%dma_start3A_513 : memref<10240x128xf32, #tpu.memory_space<vmem_shared>>) offsets(%dma_start3A_510 : memref<128xi32, #tpu.memory_space<vmem>>) semaphore(%run_scoped3A_503 : memref<!tpu.dma_semaphore, #tpu.memory_space<semaphore_mem>>) {add = true}
        %dma_wait3A_514 = arith.constant 0 : i32
        %dma_wait3A_515 = arith.constant 0 : i32
        %dma_wait3A_516 = tpu.memref_slice %arg9[%run_scoped3A_357, %dma_wait3A_514, %dma_wait3A_515] : memref<2x128x128xf32, #tpu.memory_space<vmem>> -> memref<1x128x128xf32, #tpu.memory_space<vmem>>
        %dma_wait3A_517 = tpu.memref_squeeze %dma_wait3A_516 : memref<1x128x128xf32, #tpu.memory_space<vmem>> -> memref<128x128xf32, #tpu.memory_space<vmem>>
        %dma_wait3A_518 = arith.constant 0 : i32
        %dma_wait3A_519 = tpu.memref_slice %arg8[%run_scoped3A_358, %dma_wait3A_518] : memref<16x128xi32, #tpu.memory_space<vmem>> -> memref<1x128xi32, #tpu.memory_space<vmem>>
        %dma_wait3A_520 = tpu.memref_squeeze %dma_wait3A_519 : memref<1x128xi32, #tpu.memory_space<vmem>> -> memref<128xi32, #tpu.memory_space<vmem>>
        %dma_wait3A_521 = arith.constant 0 : i32
        %dma_wait3A_522 = arith.constant 0 : i32
        %dma_wait3A_523 = tpu.memref_slice %arg10[%dma_wait3A_521, %dma_wait3A_522] : memref<10240x128xf32, #tpu.memory_space<vmem_shared>> -> memref<10240x128xf32, #tpu.memory_space<vmem_shared>>
        tpu.wait_indirect_dma semaphore(%run_scoped3A_503 : memref<!tpu.dma_semaphore, #tpu.memory_space<semaphore_mem>>) src(%dma_wait3A_517 : memref<128x128xf32, #tpu.memory_space<vmem>>) dst(%dma_wait3A_523 : memref<10240x128xf32, #tpu.memory_space<vmem_shared>>)
        tpu.yield
      }) : () -> ()
      %dma_start3A_359 = arith.constant 11 : i32
      %dma_start3A_360 = arith.constant 1 : i32
      %dma_start3A_361 = arith.constant 0 : i32
      %dma_start3A_362 = arith.constant 0 : i32
      %dma_start3A_363 = tpu.memref_slice %arg9[%dma_start3A_360, %dma_start3A_361, %dma_start3A_362] : memref<2x128x128xf32, #tpu.memory_space<vmem>> -> memref<1x128x128xf32, #tpu.memory_space<vmem>>
      %dma_start3A_364 = tpu.memref_squeeze %dma_start3A_363 : memref<1x128x128xf32, #tpu.memory_space<vmem>> -> memref<128x128xf32, #tpu.memory_space<vmem>>
      %dma_start3A_365 = arith.constant 0 : i32
      %dma_start3A_366 = tpu.memref_slice %arg7[%dma_start3A_359, %dma_start3A_365] : memref<16x128xi32, #tpu.memory_space<vmem>> -> memref<1x128xi32, #tpu.memory_space<vmem>>
      %dma_start3A_367 = tpu.memref_squeeze %dma_start3A_366 : memref<1x128xi32, #tpu.memory_space<vmem>> -> memref<128xi32, #tpu.memory_space<vmem>>
      %dma_start3A_368 = arith.constant 0 : i32
      %dma_start3A_369 = arith.constant 0 : i32
      %dma_start3A_370 = tpu.memref_slice %arg2[%dma_start3A_368, %dma_start3A_369] : memref<10000x128xf32, #tpu.memory_space<hbm>> -> memref<10000x128xf32, #tpu.memory_space<hbm>>
      tpu.enqueue_indirect_dma source(%dma_start3A_370 : memref<10000x128xf32, #tpu.memory_space<hbm>>) target(%dma_start3A_364 : memref<128x128xf32, #tpu.memory_space<vmem>>) offsets(%dma_start3A_367 : memref<128xi32, #tpu.memory_space<vmem>>) semaphore(%arg12 : memref<!tpu.dma_semaphore, #tpu.memory_space<semaphore_mem>>)
      %dma_wait3A_371 = arith.constant 10 : i32
      %dma_wait3A_372 = arith.constant 0 : i32
      %dma_wait3A_373 = arith.constant 0 : i32
      %dma_wait3A_374 = arith.constant 0 : i32
      %dma_wait3A_375 = tpu.memref_slice %arg9[%dma_wait3A_372, %dma_wait3A_373, %dma_wait3A_374] : memref<2x128x128xf32, #tpu.memory_space<vmem>> -> memref<1x128x128xf32, #tpu.memory_space<vmem>>
      %dma_wait3A_376 = tpu.memref_squeeze %dma_wait3A_375 : memref<1x128x128xf32, #tpu.memory_space<vmem>> -> memref<128x128xf32, #tpu.memory_space<vmem>>
      %dma_wait3A_377 = arith.constant 0 : i32
      %dma_wait3A_378 = tpu.memref_slice %arg7[%dma_wait3A_371, %dma_wait3A_377] : memref<16x128xi32, #tpu.memory_space<vmem>> -> memref<1x128xi32, #tpu.memory_space<vmem>>
      %dma_wait3A_379 = tpu.memref_squeeze %dma_wait3A_378 : memref<1x128xi32, #tpu.memory_space<vmem>> -> memref<128xi32, #tpu.memory_space<vmem>>
      %dma_wait3A_380 = arith.constant 0 : i32
      %dma_wait3A_381 = arith.constant 0 : i32
      %dma_wait3A_382 = tpu.memref_slice %arg2[%dma_wait3A_380, %dma_wait3A_381] : memref<10000x128xf32, #tpu.memory_space<hbm>> -> memref<10000x128xf32, #tpu.memory_space<hbm>>
      tpu.wait_indirect_dma semaphore(%arg11 : memref<!tpu.dma_semaphore, #tpu.memory_space<semaphore_mem>>) src(%dma_wait3A_382 : memref<10000x128xf32, #tpu.memory_space<hbm>>) dst(%dma_wait3A_376 : memref<128x128xf32, #tpu.memory_space<vmem>>)
      %run_scoped3A_383 = arith.constant 0 : i32
      %run_scoped3A_384 = arith.constant 10 : i32
      "tpu.region"() ({
        %run_scoped3A_503 = tpu.sem_alloc : memref<!tpu.dma_semaphore, #tpu.memory_space<semaphore_mem>>
        %dma_start3A_504 = arith.constant 0 : i32
        %dma_start3A_505 = arith.constant 0 : i32
        %dma_start3A_506 = tpu.memref_slice %arg9[%run_scoped3A_383, %dma_start3A_504, %dma_start3A_505] : memref<2x128x128xf32, #tpu.memory_space<vmem>> -> memref<1x128x128xf32, #tpu.memory_space<vmem>>
        %dma_start3A_507 = tpu.memref_squeeze %dma_start3A_506 : memref<1x128x128xf32, #tpu.memory_space<vmem>> -> memref<128x128xf32, #tpu.memory_space<vmem>>
        %dma_start3A_508 = arith.constant 0 : i32
        %dma_start3A_509 = tpu.memref_slice %arg8[%run_scoped3A_384, %dma_start3A_508] : memref<16x128xi32, #tpu.memory_space<vmem>> -> memref<1x128xi32, #tpu.memory_space<vmem>>
        %dma_start3A_510 = tpu.memref_squeeze %dma_start3A_509 : memref<1x128xi32, #tpu.memory_space<vmem>> -> memref<128xi32, #tpu.memory_space<vmem>>
        %dma_start3A_511 = arith.constant 0 : i32
        %dma_start3A_512 = arith.constant 0 : i32
        %dma_start3A_513 = tpu.memref_slice %arg10[%dma_start3A_511, %dma_start3A_512] : memref<10240x128xf32, #tpu.memory_space<vmem_shared>> -> memref<10240x128xf32, #tpu.memory_space<vmem_shared>>
        tpu.enqueue_indirect_dma source(%dma_start3A_507 : memref<128x128xf32, #tpu.memory_space<vmem>>) target(%dma_start3A_513 : memref<10240x128xf32, #tpu.memory_space<vmem_shared>>) offsets(%dma_start3A_510 : memref<128xi32, #tpu.memory_space<vmem>>) semaphore(%run_scoped3A_503 : memref<!tpu.dma_semaphore, #tpu.memory_space<semaphore_mem>>) {add = true}
        %dma_wait3A_514 = arith.constant 0 : i32
        %dma_wait3A_515 = arith.constant 0 : i32
        %dma_wait3A_516 = tpu.memref_slice %arg9[%run_scoped3A_383, %dma_wait3A_514, %dma_wait3A_515] : memref<2x128x128xf32, #tpu.memory_space<vmem>> -> memref<1x128x128xf32, #tpu.memory_space<vmem>>
        %dma_wait3A_517 = tpu.memref_squeeze %dma_wait3A_516 : memref<1x128x128xf32, #tpu.memory_space<vmem>> -> memref<128x128xf32, #tpu.memory_space<vmem>>
        %dma_wait3A_518 = arith.constant 0 : i32
        %dma_wait3A_519 = tpu.memref_slice %arg8[%run_scoped3A_384, %dma_wait3A_518] : memref<16x128xi32, #tpu.memory_space<vmem>> -> memref<1x128xi32, #tpu.memory_space<vmem>>
        %dma_wait3A_520 = tpu.memref_squeeze %dma_wait3A_519 : memref<1x128xi32, #tpu.memory_space<vmem>> -> memref<128xi32, #tpu.memory_space<vmem>>
        %dma_wait3A_521 = arith.constant 0 : i32
        %dma_wait3A_522 = arith.constant 0 : i32
        %dma_wait3A_523 = tpu.memref_slice %arg10[%dma_wait3A_521, %dma_wait3A_522] : memref<10240x128xf32, #tpu.memory_space<vmem_shared>> -> memref<10240x128xf32, #tpu.memory_space<vmem_shared>>
        tpu.wait_indirect_dma semaphore(%run_scoped3A_503 : memref<!tpu.dma_semaphore, #tpu.memory_space<semaphore_mem>>) src(%dma_wait3A_517 : memref<128x128xf32, #tpu.memory_space<vmem>>) dst(%dma_wait3A_523 : memref<10240x128xf32, #tpu.memory_space<vmem_shared>>)
        tpu.yield
      }) : () -> ()
      %dma_start3A_385 = arith.constant 12 : i32
      %dma_start3A_386 = arith.constant 0 : i32
      %dma_start3A_387 = arith.constant 0 : i32
      %dma_start3A_388 = arith.constant 0 : i32
      %dma_start3A_389 = tpu.memref_slice %arg9[%dma_start3A_386, %dma_start3A_387, %dma_start3A_388] : memref<2x128x128xf32, #tpu.memory_space<vmem>> -> memref<1x128x128xf32, #tpu.memory_space<vmem>>
      %dma_start3A_390 = tpu.memref_squeeze %dma_start3A_389 : memref<1x128x128xf32, #tpu.memory_space<vmem>> -> memref<128x128xf32, #tpu.memory_space<vmem>>
      %dma_start3A_391 = arith.constant 0 : i32
      %dma_start3A_392 = tpu.memref_slice %arg7[%dma_start3A_385, %dma_start3A_391] : memref<16x128xi32, #tpu.memory_space<vmem>> -> memref<1x128xi32, #tpu.memory_space<vmem>>
      %dma_start3A_393 = tpu.memref_squeeze %dma_start3A_392 : memref<1x128xi32, #tpu.memory_space<vmem>> -> memref<128xi32, #tpu.memory_space<vmem>>
      %dma_start3A_394 = arith.constant 0 : i32
      %dma_start3A_395 = arith.constant 0 : i32
      %dma_start3A_396 = tpu.memref_slice %arg2[%dma_start3A_394, %dma_start3A_395] : memref<10000x128xf32, #tpu.memory_space<hbm>> -> memref<10000x128xf32, #tpu.memory_space<hbm>>
      tpu.enqueue_indirect_dma source(%dma_start3A_396 : memref<10000x128xf32, #tpu.memory_space<hbm>>) target(%dma_start3A_390 : memref<128x128xf32, #tpu.memory_space<vmem>>) offsets(%dma_start3A_393 : memref<128xi32, #tpu.memory_space<vmem>>) semaphore(%arg11 : memref<!tpu.dma_semaphore, #tpu.memory_space<semaphore_mem>>)
      %dma_wait3A_397 = arith.constant 11 : i32
      %dma_wait3A_398 = arith.constant 1 : i32
      %dma_wait3A_399 = arith.constant 0 : i32
      %dma_wait3A_400 = arith.constant 0 : i32
      %dma_wait3A_401 = tpu.memref_slice %arg9[%dma_wait3A_398, %dma_wait3A_399, %dma_wait3A_400] : memref<2x128x128xf32, #tpu.memory_space<vmem>> -> memref<1x128x128xf32, #tpu.memory_space<vmem>>
      %dma_wait3A_402 = tpu.memref_squeeze %dma_wait3A_401 : memref<1x128x128xf32, #tpu.memory_space<vmem>> -> memref<128x128xf32, #tpu.memory_space<vmem>>
      %dma_wait3A_403 = arith.constant 0 : i32
      %dma_wait3A_404 = tpu.memref_slice %arg7[%dma_wait3A_397, %dma_wait3A_403] : memref<16x128xi32, #tpu.memory_space<vmem>> -> memref<1x128xi32, #tpu.memory_space<vmem>>
      %dma_wait3A_405 = tpu.memref_squeeze %dma_wait3A_404 : memref<1x128xi32, #tpu.memory_space<vmem>> -> memref<128xi32, #tpu.memory_space<vmem>>
      %dma_wait3A_406 = arith.constant 0 : i32
      %dma_wait3A_407 = arith.constant 0 : i32
      %dma_wait3A_408 = tpu.memref_slice %arg2[%dma_wait3A_406, %dma_wait3A_407] : memref<10000x128xf32, #tpu.memory_space<hbm>> -> memref<10000x128xf32, #tpu.memory_space<hbm>>
      tpu.wait_indirect_dma semaphore(%arg12 : memref<!tpu.dma_semaphore, #tpu.memory_space<semaphore_mem>>) src(%dma_wait3A_408 : memref<10000x128xf32, #tpu.memory_space<hbm>>) dst(%dma_wait3A_402 : memref<128x128xf32, #tpu.memory_space<vmem>>)
      %run_scoped3A_409 = arith.constant 1 : i32
      %run_scoped3A_410 = arith.constant 11 : i32
      "tpu.region"() ({
        %run_scoped3A_503 = tpu.sem_alloc : memref<!tpu.dma_semaphore, #tpu.memory_space<semaphore_mem>>
        %dma_start3A_504 = arith.constant 0 : i32
        %dma_start3A_505 = arith.constant 0 : i32
        %dma_start3A_506 = tpu.memref_slice %arg9[%run_scoped3A_409, %dma_start3A_504, %dma_start3A_505] : memref<2x128x128xf32, #tpu.memory_space<vmem>> -> memref<1x128x128xf32, #tpu.memory_space<vmem>>
        %dma_start3A_507 = tpu.memref_squeeze %dma_start3A_506 : memref<1x128x128xf32, #tpu.memory_space<vmem>> -> memref<128x128xf32, #tpu.memory_space<vmem>>
        %dma_start3A_508 = arith.constant 0 : i32
        %dma_start3A_509 = tpu.memref_slice %arg8[%run_scoped3A_410, %dma_start3A_508] : memref<16x128xi32, #tpu.memory_space<vmem>> -> memref<1x128xi32, #tpu.memory_space<vmem>>
        %dma_start3A_510 = tpu.memref_squeeze %dma_start3A_509 : memref<1x128xi32, #tpu.memory_space<vmem>> -> memref<128xi32, #tpu.memory_space<vmem>>
        %dma_start3A_511 = arith.constant 0 : i32
        %dma_start3A_512 = arith.constant 0 : i32
        %dma_start3A_513 = tpu.memref_slice %arg10[%dma_start3A_511, %dma_start3A_512] : memref<10240x128xf32, #tpu.memory_space<vmem_shared>> -> memref<10240x128xf32, #tpu.memory_space<vmem_shared>>
        tpu.enqueue_indirect_dma source(%dma_start3A_507 : memref<128x128xf32, #tpu.memory_space<vmem>>) target(%dma_start3A_513 : memref<10240x128xf32, #tpu.memory_space<vmem_shared>>) offsets(%dma_start3A_510 : memref<128xi32, #tpu.memory_space<vmem>>) semaphore(%run_scoped3A_503 : memref<!tpu.dma_semaphore, #tpu.memory_space<semaphore_mem>>) {add = true}
        %dma_wait3A_514 = arith.constant 0 : i32
        %dma_wait3A_515 = arith.constant 0 : i32
        %dma_wait3A_516 = tpu.memref_slice %arg9[%run_scoped3A_409, %dma_wait3A_514, %dma_wait3A_515] : memref<2x128x128xf32, #tpu.memory_space<vmem>> -> memref<1x128x128xf32, #tpu.memory_space<vmem>>
        %dma_wait3A_517 = tpu.memref_squeeze %dma_wait3A_516 : memref<1x128x128xf32, #tpu.memory_space<vmem>> -> memref<128x128xf32, #tpu.memory_space<vmem>>
        %dma_wait3A_518 = arith.constant 0 : i32
        %dma_wait3A_519 = tpu.memref_slice %arg8[%run_scoped3A_410, %dma_wait3A_518] : memref<16x128xi32, #tpu.memory_space<vmem>> -> memref<1x128xi32, #tpu.memory_space<vmem>>
        %dma_wait3A_520 = tpu.memref_squeeze %dma_wait3A_519 : memref<1x128xi32, #tpu.memory_space<vmem>> -> memref<128xi32, #tpu.memory_space<vmem>>
        %dma_wait3A_521 = arith.constant 0 : i32
        %dma_wait3A_522 = arith.constant 0 : i32
        %dma_wait3A_523 = tpu.memref_slice %arg10[%dma_wait3A_521, %dma_wait3A_522] : memref<10240x128xf32, #tpu.memory_space<vmem_shared>> -> memref<10240x128xf32, #tpu.memory_space<vmem_shared>>
        tpu.wait_indirect_dma semaphore(%run_scoped3A_503 : memref<!tpu.dma_semaphore, #tpu.memory_space<semaphore_mem>>) src(%dma_wait3A_517 : memref<128x128xf32, #tpu.memory_space<vmem>>) dst(%dma_wait3A_523 : memref<10240x128xf32, #tpu.memory_space<vmem_shared>>)
        tpu.yield
      }) : () -> ()
      %dma_start3A_411 = arith.constant 13 : i32
      %dma_start3A_412 = arith.constant 1 : i32
      %dma_start3A_413 = arith.constant 0 : i32
      %dma_start3A_414 = arith.constant 0 : i32
      %dma_start3A_415 = tpu.memref_slice %arg9[%dma_start3A_412, %dma_start3A_413, %dma_start3A_414] : memref<2x128x128xf32, #tpu.memory_space<vmem>> -> memref<1x128x128xf32, #tpu.memory_space<vmem>>
      %dma_start3A_416 = tpu.memref_squeeze %dma_start3A_415 : memref<1x128x128xf32, #tpu.memory_space<vmem>> -> memref<128x128xf32, #tpu.memory_space<vmem>>
      %dma_start3A_417 = arith.constant 0 : i32
      %dma_start3A_418 = tpu.memref_slice %arg7[%dma_start3A_411, %dma_start3A_417] : memref<16x128xi32, #tpu.memory_space<vmem>> -> memref<1x128xi32, #tpu.memory_space<vmem>>
      %dma_start3A_419 = tpu.memref_squeeze %dma_start3A_418 : memref<1x128xi32, #tpu.memory_space<vmem>> -> memref<128xi32, #tpu.memory_space<vmem>>
      %dma_start3A_420 = arith.constant 0 : i32
      %dma_start3A_421 = arith.constant 0 : i32
      %dma_start3A_422 = tpu.memref_slice %arg2[%dma_start3A_420, %dma_start3A_421] : memref<10000x128xf32, #tpu.memory_space<hbm>> -> memref<10000x128xf32, #tpu.memory_space<hbm>>
      tpu.enqueue_indirect_dma source(%dma_start3A_422 : memref<10000x128xf32, #tpu.memory_space<hbm>>) target(%dma_start3A_416 : memref<128x128xf32, #tpu.memory_space<vmem>>) offsets(%dma_start3A_419 : memref<128xi32, #tpu.memory_space<vmem>>) semaphore(%arg12 : memref<!tpu.dma_semaphore, #tpu.memory_space<semaphore_mem>>)
      %dma_wait3A_423 = arith.constant 12 : i32
      %dma_wait3A_424 = arith.constant 0 : i32
      %dma_wait3A_425 = arith.constant 0 : i32
      %dma_wait3A_426 = arith.constant 0 : i32
      %dma_wait3A_427 = tpu.memref_slice %arg9[%dma_wait3A_424, %dma_wait3A_425, %dma_wait3A_426] : memref<2x128x128xf32, #tpu.memory_space<vmem>> -> memref<1x128x128xf32, #tpu.memory_space<vmem>>
      %dma_wait3A_428 = tpu.memref_squeeze %dma_wait3A_427 : memref<1x128x128xf32, #tpu.memory_space<vmem>> -> memref<128x128xf32, #tpu.memory_space<vmem>>
      %dma_wait3A_429 = arith.constant 0 : i32
      %dma_wait3A_430 = tpu.memref_slice %arg7[%dma_wait3A_423, %dma_wait3A_429] : memref<16x128xi32, #tpu.memory_space<vmem>> -> memref<1x128xi32, #tpu.memory_space<vmem>>
      %dma_wait3A_431 = tpu.memref_squeeze %dma_wait3A_430 : memref<1x128xi32, #tpu.memory_space<vmem>> -> memref<128xi32, #tpu.memory_space<vmem>>
      %dma_wait3A_432 = arith.constant 0 : i32
      %dma_wait3A_433 = arith.constant 0 : i32
      %dma_wait3A_434 = tpu.memref_slice %arg2[%dma_wait3A_432, %dma_wait3A_433] : memref<10000x128xf32, #tpu.memory_space<hbm>> -> memref<10000x128xf32, #tpu.memory_space<hbm>>
      tpu.wait_indirect_dma semaphore(%arg11 : memref<!tpu.dma_semaphore, #tpu.memory_space<semaphore_mem>>) src(%dma_wait3A_434 : memref<10000x128xf32, #tpu.memory_space<hbm>>) dst(%dma_wait3A_428 : memref<128x128xf32, #tpu.memory_space<vmem>>)
      %run_scoped3A_435 = arith.constant 0 : i32
      %run_scoped3A_436 = arith.constant 12 : i32
      "tpu.region"() ({
        %run_scoped3A_503 = tpu.sem_alloc : memref<!tpu.dma_semaphore, #tpu.memory_space<semaphore_mem>>
        %dma_start3A_504 = arith.constant 0 : i32
        %dma_start3A_505 = arith.constant 0 : i32
        %dma_start3A_506 = tpu.memref_slice %arg9[%run_scoped3A_435, %dma_start3A_504, %dma_start3A_505] : memref<2x128x128xf32, #tpu.memory_space<vmem>> -> memref<1x128x128xf32, #tpu.memory_space<vmem>>
        %dma_start3A_507 = tpu.memref_squeeze %dma_start3A_506 : memref<1x128x128xf32, #tpu.memory_space<vmem>> -> memref<128x128xf32, #tpu.memory_space<vmem>>
        %dma_start3A_508 = arith.constant 0 : i32
        %dma_start3A_509 = tpu.memref_slice %arg8[%run_scoped3A_436, %dma_start3A_508] : memref<16x128xi32, #tpu.memory_space<vmem>> -> memref<1x128xi32, #tpu.memory_space<vmem>>
        %dma_start3A_510 = tpu.memref_squeeze %dma_start3A_509 : memref<1x128xi32, #tpu.memory_space<vmem>> -> memref<128xi32, #tpu.memory_space<vmem>>
        %dma_start3A_511 = arith.constant 0 : i32
        %dma_start3A_512 = arith.constant 0 : i32
        %dma_start3A_513 = tpu.memref_slice %arg10[%dma_start3A_511, %dma_start3A_512] : memref<10240x128xf32, #tpu.memory_space<vmem_shared>> -> memref<10240x128xf32, #tpu.memory_space<vmem_shared>>
        tpu.enqueue_indirect_dma source(%dma_start3A_507 : memref<128x128xf32, #tpu.memory_space<vmem>>) target(%dma_start3A_513 : memref<10240x128xf32, #tpu.memory_space<vmem_shared>>) offsets(%dma_start3A_510 : memref<128xi32, #tpu.memory_space<vmem>>) semaphore(%run_scoped3A_503 : memref<!tpu.dma_semaphore, #tpu.memory_space<semaphore_mem>>) {add = true}
        %dma_wait3A_514 = arith.constant 0 : i32
        %dma_wait3A_515 = arith.constant 0 : i32
        %dma_wait3A_516 = tpu.memref_slice %arg9[%run_scoped3A_435, %dma_wait3A_514, %dma_wait3A_515] : memref<2x128x128xf32, #tpu.memory_space<vmem>> -> memref<1x128x128xf32, #tpu.memory_space<vmem>>
        %dma_wait3A_517 = tpu.memref_squeeze %dma_wait3A_516 : memref<1x128x128xf32, #tpu.memory_space<vmem>> -> memref<128x128xf32, #tpu.memory_space<vmem>>
        %dma_wait3A_518 = arith.constant 0 : i32
        %dma_wait3A_519 = tpu.memref_slice %arg8[%run_scoped3A_436, %dma_wait3A_518] : memref<16x128xi32, #tpu.memory_space<vmem>> -> memref<1x128xi32, #tpu.memory_space<vmem>>
        %dma_wait3A_520 = tpu.memref_squeeze %dma_wait3A_519 : memref<1x128xi32, #tpu.memory_space<vmem>> -> memref<128xi32, #tpu.memory_space<vmem>>
        %dma_wait3A_521 = arith.constant 0 : i32
        %dma_wait3A_522 = arith.constant 0 : i32
        %dma_wait3A_523 = tpu.memref_slice %arg10[%dma_wait3A_521, %dma_wait3A_522] : memref<10240x128xf32, #tpu.memory_space<vmem_shared>> -> memref<10240x128xf32, #tpu.memory_space<vmem_shared>>
        tpu.wait_indirect_dma semaphore(%run_scoped3A_503 : memref<!tpu.dma_semaphore, #tpu.memory_space<semaphore_mem>>) src(%dma_wait3A_517 : memref<128x128xf32, #tpu.memory_space<vmem>>) dst(%dma_wait3A_523 : memref<10240x128xf32, #tpu.memory_space<vmem_shared>>)
        tpu.yield
      }) : () -> ()
      %dma_start3A_437 = arith.constant 14 : i32
      %dma_start3A_438 = arith.constant 0 : i32
      %dma_start3A_439 = arith.constant 0 : i32
      %dma_start3A_440 = arith.constant 0 : i32
      %dma_start3A_441 = tpu.memref_slice %arg9[%dma_start3A_438, %dma_start3A_439, %dma_start3A_440] : memref<2x128x128xf32, #tpu.memory_space<vmem>> -> memref<1x128x128xf32, #tpu.memory_space<vmem>>
      %dma_start3A_442 = tpu.memref_squeeze %dma_start3A_441 : memref<1x128x128xf32, #tpu.memory_space<vmem>> -> memref<128x128xf32, #tpu.memory_space<vmem>>
      %dma_start3A_443 = arith.constant 0 : i32
      %dma_start3A_444 = tpu.memref_slice %arg7[%dma_start3A_437, %dma_start3A_443] : memref<16x128xi32, #tpu.memory_space<vmem>> -> memref<1x128xi32, #tpu.memory_space<vmem>>
      %dma_start3A_445 = tpu.memref_squeeze %dma_start3A_444 : memref<1x128xi32, #tpu.memory_space<vmem>> -> memref<128xi32, #tpu.memory_space<vmem>>
      %dma_start3A_446 = arith.constant 0 : i32
      %dma_start3A_447 = arith.constant 0 : i32
      %dma_start3A_448 = tpu.memref_slice %arg2[%dma_start3A_446, %dma_start3A_447] : memref<10000x128xf32, #tpu.memory_space<hbm>> -> memref<10000x128xf32, #tpu.memory_space<hbm>>
      tpu.enqueue_indirect_dma source(%dma_start3A_448 : memref<10000x128xf32, #tpu.memory_space<hbm>>) target(%dma_start3A_442 : memref<128x128xf32, #tpu.memory_space<vmem>>) offsets(%dma_start3A_445 : memref<128xi32, #tpu.memory_space<vmem>>) semaphore(%arg11 : memref<!tpu.dma_semaphore, #tpu.memory_space<semaphore_mem>>)
      %dma_wait3A_449 = arith.constant 13 : i32
      %dma_wait3A_450 = arith.constant 1 : i32
      %dma_wait3A_451 = arith.constant 0 : i32
      %dma_wait3A_452 = arith.constant 0 : i32
      %dma_wait3A_453 = tpu.memref_slice %arg9[%dma_wait3A_450, %dma_wait3A_451, %dma_wait3A_452] : memref<2x128x128xf32, #tpu.memory_space<vmem>> -> memref<1x128x128xf32, #tpu.memory_space<vmem>>
      %dma_wait3A_454 = tpu.memref_squeeze %dma_wait3A_453 : memref<1x128x128xf32, #tpu.memory_space<vmem>> -> memref<128x128xf32, #tpu.memory_space<vmem>>
      %dma_wait3A_455 = arith.constant 0 : i32
      %dma_wait3A_456 = tpu.memref_slice %arg7[%dma_wait3A_449, %dma_wait3A_455] : memref<16x128xi32, #tpu.memory_space<vmem>> -> memref<1x128xi32, #tpu.memory_space<vmem>>
      %dma_wait3A_457 = tpu.memref_squeeze %dma_wait3A_456 : memref<1x128xi32, #tpu.memory_space<vmem>> -> memref<128xi32, #tpu.memory_space<vmem>>
      %dma_wait3A_458 = arith.constant 0 : i32
      %dma_wait3A_459 = arith.constant 0 : i32
      %dma_wait3A_460 = tpu.memref_slice %arg2[%dma_wait3A_458, %dma_wait3A_459] : memref<10000x128xf32, #tpu.memory_space<hbm>> -> memref<10000x128xf32, #tpu.memory_space<hbm>>
      tpu.wait_indirect_dma semaphore(%arg12 : memref<!tpu.dma_semaphore, #tpu.memory_space<semaphore_mem>>) src(%dma_wait3A_460 : memref<10000x128xf32, #tpu.memory_space<hbm>>) dst(%dma_wait3A_454 : memref<128x128xf32, #tpu.memory_space<vmem>>)
      %run_scoped3A_461 = arith.constant 1 : i32
      %run_scoped3A_462 = arith.constant 13 : i32
      "tpu.region"() ({
        %run_scoped3A_503 = tpu.sem_alloc : memref<!tpu.dma_semaphore, #tpu.memory_space<semaphore_mem>>
        %dma_start3A_504 = arith.constant 0 : i32
        %dma_start3A_505 = arith.constant 0 : i32
        %dma_start3A_506 = tpu.memref_slice %arg9[%run_scoped3A_461, %dma_start3A_504, %dma_start3A_505] : memref<2x128x128xf32, #tpu.memory_space<vmem>> -> memref<1x128x128xf32, #tpu.memory_space<vmem>>
        %dma_start3A_507 = tpu.memref_squeeze %dma_start3A_506 : memref<1x128x128xf32, #tpu.memory_space<vmem>> -> memref<128x128xf32, #tpu.memory_space<vmem>>
        %dma_start3A_508 = arith.constant 0 : i32
        %dma_start3A_509 = tpu.memref_slice %arg8[%run_scoped3A_462, %dma_start3A_508] : memref<16x128xi32, #tpu.memory_space<vmem>> -> memref<1x128xi32, #tpu.memory_space<vmem>>
        %dma_start3A_510 = tpu.memref_squeeze %dma_start3A_509 : memref<1x128xi32, #tpu.memory_space<vmem>> -> memref<128xi32, #tpu.memory_space<vmem>>
        %dma_start3A_511 = arith.constant 0 : i32
        %dma_start3A_512 = arith.constant 0 : i32
        %dma_start3A_513 = tpu.memref_slice %arg10[%dma_start3A_511, %dma_start3A_512] : memref<10240x128xf32, #tpu.memory_space<vmem_shared>> -> memref<10240x128xf32, #tpu.memory_space<vmem_shared>>
        tpu.enqueue_indirect_dma source(%dma_start3A_507 : memref<128x128xf32, #tpu.memory_space<vmem>>) target(%dma_start3A_513 : memref<10240x128xf32, #tpu.memory_space<vmem_shared>>) offsets(%dma_start3A_510 : memref<128xi32, #tpu.memory_space<vmem>>) semaphore(%run_scoped3A_503 : memref<!tpu.dma_semaphore, #tpu.memory_space<semaphore_mem>>) {add = true}
        %dma_wait3A_514 = arith.constant 0 : i32
        %dma_wait3A_515 = arith.constant 0 : i32
        %dma_wait3A_516 = tpu.memref_slice %arg9[%run_scoped3A_461, %dma_wait3A_514, %dma_wait3A_515] : memref<2x128x128xf32, #tpu.memory_space<vmem>> -> memref<1x128x128xf32, #tpu.memory_space<vmem>>
        %dma_wait3A_517 = tpu.memref_squeeze %dma_wait3A_516 : memref<1x128x128xf32, #tpu.memory_space<vmem>> -> memref<128x128xf32, #tpu.memory_space<vmem>>
        %dma_wait3A_518 = arith.constant 0 : i32
        %dma_wait3A_519 = tpu.memref_slice %arg8[%run_scoped3A_462, %dma_wait3A_518] : memref<16x128xi32, #tpu.memory_space<vmem>> -> memref<1x128xi32, #tpu.memory_space<vmem>>
        %dma_wait3A_520 = tpu.memref_squeeze %dma_wait3A_519 : memref<1x128xi32, #tpu.memory_space<vmem>> -> memref<128xi32, #tpu.memory_space<vmem>>
        %dma_wait3A_521 = arith.constant 0 : i32
        %dma_wait3A_522 = arith.constant 0 : i32
        %dma_wait3A_523 = tpu.memref_slice %arg10[%dma_wait3A_521, %dma_wait3A_522] : memref<10240x128xf32, #tpu.memory_space<vmem_shared>> -> memref<10240x128xf32, #tpu.memory_space<vmem_shared>>
        tpu.wait_indirect_dma semaphore(%run_scoped3A_503 : memref<!tpu.dma_semaphore, #tpu.memory_space<semaphore_mem>>) src(%dma_wait3A_517 : memref<128x128xf32, #tpu.memory_space<vmem>>) dst(%dma_wait3A_523 : memref<10240x128xf32, #tpu.memory_space<vmem_shared>>)
        tpu.yield
      }) : () -> ()
      %dma_start3A_463 = arith.constant 15 : i32
      %dma_start3A_464 = arith.constant 1 : i32
      %dma_start3A_465 = arith.constant 0 : i32
      %dma_start3A_466 = arith.constant 0 : i32
      %dma_start3A_467 = tpu.memref_slice %arg9[%dma_start3A_464, %dma_start3A_465, %dma_start3A_466] : memref<2x128x128xf32, #tpu.memory_space<vmem>> -> memref<1x128x128xf32, #tpu.memory_space<vmem>>
      %dma_start3A_468 = tpu.memref_squeeze %dma_start3A_467 : memref<1x128x128xf32, #tpu.memory_space<vmem>> -> memref<128x128xf32, #tpu.memory_space<vmem>>
      %dma_start3A_469 = arith.constant 0 : i32
      %dma_start3A_470 = tpu.memref_slice %arg7[%dma_start3A_463, %dma_start3A_469] : memref<16x128xi32, #tpu.memory_space<vmem>> -> memref<1x128xi32, #tpu.memory_space<vmem>>
      %dma_start3A_471 = tpu.memref_squeeze %dma_start3A_470 : memref<1x128xi32, #tpu.memory_space<vmem>> -> memref<128xi32, #tpu.memory_space<vmem>>
      %dma_start3A_472 = arith.constant 0 : i32
      %dma_start3A_473 = arith.constant 0 : i32
      %dma_start3A_474 = tpu.memref_slice %arg2[%dma_start3A_472, %dma_start3A_473] : memref<10000x128xf32, #tpu.memory_space<hbm>> -> memref<10000x128xf32, #tpu.memory_space<hbm>>
      tpu.enqueue_indirect_dma source(%dma_start3A_474 : memref<10000x128xf32, #tpu.memory_space<hbm>>) target(%dma_start3A_468 : memref<128x128xf32, #tpu.memory_space<vmem>>) offsets(%dma_start3A_471 : memref<128xi32, #tpu.memory_space<vmem>>) semaphore(%arg12 : memref<!tpu.dma_semaphore, #tpu.memory_space<semaphore_mem>>)
      %dma_wait3A_475 = arith.constant 14 : i32
      %dma_wait3A_476 = arith.constant 0 : i32
      %dma_wait3A_477 = arith.constant 0 : i32
      %dma_wait3A_478 = arith.constant 0 : i32
      %dma_wait3A_479 = tpu.memref_slice %arg9[%dma_wait3A_476, %dma_wait3A_477, %dma_wait3A_478] : memref<2x128x128xf32, #tpu.memory_space<vmem>> -> memref<1x128x128xf32, #tpu.memory_space<vmem>>
      %dma_wait3A_480 = tpu.memref_squeeze %dma_wait3A_479 : memref<1x128x128xf32, #tpu.memory_space<vmem>> -> memref<128x128xf32, #tpu.memory_space<vmem>>
      %dma_wait3A_481 = arith.constant 0 : i32
      %dma_wait3A_482 = tpu.memref_slice %arg7[%dma_wait3A_475, %dma_wait3A_481] : memref<16x128xi32, #tpu.memory_space<vmem>> -> memref<1x128xi32, #tpu.memory_space<vmem>>
      %dma_wait3A_483 = tpu.memref_squeeze %dma_wait3A_482 : memref<1x128xi32, #tpu.memory_space<vmem>> -> memref<128xi32, #tpu.memory_space<vmem>>
      %dma_wait3A_484 = arith.constant 0 : i32
      %dma_wait3A_485 = arith.constant 0 : i32
      %dma_wait3A_486 = tpu.memref_slice %arg2[%dma_wait3A_484, %dma_wait3A_485] : memref<10000x128xf32, #tpu.memory_space<hbm>> -> memref<10000x128xf32, #tpu.memory_space<hbm>>
      tpu.wait_indirect_dma semaphore(%arg11 : memref<!tpu.dma_semaphore, #tpu.memory_space<semaphore_mem>>) src(%dma_wait3A_486 : memref<10000x128xf32, #tpu.memory_space<hbm>>) dst(%dma_wait3A_480 : memref<128x128xf32, #tpu.memory_space<vmem>>)
      %run_scoped3A_487 = arith.constant 0 : i32
      %run_scoped3A_488 = arith.constant 14 : i32
      "tpu.region"() ({
        %run_scoped3A_503 = tpu.sem_alloc : memref<!tpu.dma_semaphore, #tpu.memory_space<semaphore_mem>>
        %dma_start3A_504 = arith.constant 0 : i32
        %dma_start3A_505 = arith.constant 0 : i32
        %dma_start3A_506 = tpu.memref_slice %arg9[%run_scoped3A_487, %dma_start3A_504, %dma_start3A_505] : memref<2x128x128xf32, #tpu.memory_space<vmem>> -> memref<1x128x128xf32, #tpu.memory_space<vmem>>
        %dma_start3A_507 = tpu.memref_squeeze %dma_start3A_506 : memref<1x128x128xf32, #tpu.memory_space<vmem>> -> memref<128x128xf32, #tpu.memory_space<vmem>>
        %dma_start3A_508 = arith.constant 0 : i32
        %dma_start3A_509 = tpu.memref_slice %arg8[%run_scoped3A_488, %dma_start3A_508] : memref<16x128xi32, #tpu.memory_space<vmem>> -> memref<1x128xi32, #tpu.memory_space<vmem>>
        %dma_start3A_510 = tpu.memref_squeeze %dma_start3A_509 : memref<1x128xi32, #tpu.memory_space<vmem>> -> memref<128xi32, #tpu.memory_space<vmem>>
        %dma_start3A_511 = arith.constant 0 : i32
        %dma_start3A_512 = arith.constant 0 : i32
        %dma_start3A_513 = tpu.memref_slice %arg10[%dma_start3A_511, %dma_start3A_512] : memref<10240x128xf32, #tpu.memory_space<vmem_shared>> -> memref<10240x128xf32, #tpu.memory_space<vmem_shared>>
        tpu.enqueue_indirect_dma source(%dma_start3A_507 : memref<128x128xf32, #tpu.memory_space<vmem>>) target(%dma_start3A_513 : memref<10240x128xf32, #tpu.memory_space<vmem_shared>>) offsets(%dma_start3A_510 : memref<128xi32, #tpu.memory_space<vmem>>) semaphore(%run_scoped3A_503 : memref<!tpu.dma_semaphore, #tpu.memory_space<semaphore_mem>>) {add = true}
        %dma_wait3A_514 = arith.constant 0 : i32
        %dma_wait3A_515 = arith.constant 0 : i32
        %dma_wait3A_516 = tpu.memref_slice %arg9[%run_scoped3A_487, %dma_wait3A_514, %dma_wait3A_515] : memref<2x128x128xf32, #tpu.memory_space<vmem>> -> memref<1x128x128xf32, #tpu.memory_space<vmem>>
        %dma_wait3A_517 = tpu.memref_squeeze %dma_wait3A_516 : memref<1x128x128xf32, #tpu.memory_space<vmem>> -> memref<128x128xf32, #tpu.memory_space<vmem>>
        %dma_wait3A_518 = arith.constant 0 : i32
        %dma_wait3A_519 = tpu.memref_slice %arg8[%run_scoped3A_488, %dma_wait3A_518] : memref<16x128xi32, #tpu.memory_space<vmem>> -> memref<1x128xi32, #tpu.memory_space<vmem>>
        %dma_wait3A_520 = tpu.memref_squeeze %dma_wait3A_519 : memref<1x128xi32, #tpu.memory_space<vmem>> -> memref<128xi32, #tpu.memory_space<vmem>>
        %dma_wait3A_521 = arith.constant 0 : i32
        %dma_wait3A_522 = arith.constant 0 : i32
        %dma_wait3A_523 = tpu.memref_slice %arg10[%dma_wait3A_521, %dma_wait3A_522] : memref<10240x128xf32, #tpu.memory_space<vmem_shared>> -> memref<10240x128xf32, #tpu.memory_space<vmem_shared>>
        tpu.wait_indirect_dma semaphore(%run_scoped3A_503 : memref<!tpu.dma_semaphore, #tpu.memory_space<semaphore_mem>>) src(%dma_wait3A_517 : memref<128x128xf32, #tpu.memory_space<vmem>>) dst(%dma_wait3A_523 : memref<10240x128xf32, #tpu.memory_space<vmem_shared>>)
        tpu.yield
      }) : () -> ()
      %dma_wait3A_489 = arith.constant 15 : i32
      %dma_wait3A_490 = arith.constant 1 : i32
      %dma_wait3A_491 = arith.constant 0 : i32
      %dma_wait3A_492 = arith.constant 0 : i32
      %dma_wait3A_493 = tpu.memref_slice %arg9[%dma_wait3A_490, %dma_wait3A_491, %dma_wait3A_492] : memref<2x128x128xf32, #tpu.memory_space<vmem>> -> memref<1x128x128xf32, #tpu.memory_space<vmem>>
      %dma_wait3A_494 = tpu.memref_squeeze %dma_wait3A_493 : memref<1x128x128xf32, #tpu.memory_space<vmem>> -> memref<128x128xf32, #tpu.memory_space<vmem>>
      %dma_wait3A_495 = arith.constant 0 : i32
      %dma_wait3A_496 = tpu.memref_slice %arg7[%dma_wait3A_489, %dma_wait3A_495] : memref<16x128xi32, #tpu.memory_space<vmem>> -> memref<1x128xi32, #tpu.memory_space<vmem>>
      %dma_wait3A_497 = tpu.memref_squeeze %dma_wait3A_496 : memref<1x128xi32, #tpu.memory_space<vmem>> -> memref<128xi32, #tpu.memory_space<vmem>>
      %dma_wait3A_498 = arith.constant 0 : i32
      %dma_wait3A_499 = arith.constant 0 : i32
      %dma_wait3A_500 = tpu.memref_slice %arg2[%dma_wait3A_498, %dma_wait3A_499] : memref<10000x128xf32, #tpu.memory_space<hbm>> -> memref<10000x128xf32, #tpu.memory_space<hbm>>
      tpu.wait_indirect_dma semaphore(%arg12 : memref<!tpu.dma_semaphore, #tpu.memory_space<semaphore_mem>>) src(%dma_wait3A_500 : memref<10000x128xf32, #tpu.memory_space<hbm>>) dst(%dma_wait3A_494 : memref<128x128xf32, #tpu.memory_space<vmem>>)
      %run_scoped3A_501 = arith.constant 1 : i32
      %run_scoped3A_502 = arith.constant 15 : i32
      "tpu.region"() ({
        %run_scoped3A_503 = tpu.sem_alloc : memref<!tpu.dma_semaphore, #tpu.memory_space<semaphore_mem>>
        %dma_start3A_504 = arith.constant 0 : i32
        %dma_start3A_505 = arith.constant 0 : i32
        %dma_start3A_506 = tpu.memref_slice %arg9[%run_scoped3A_501, %dma_start3A_504, %dma_start3A_505] : memref<2x128x128xf32, #tpu.memory_space<vmem>> -> memref<1x128x128xf32, #tpu.memory_space<vmem>>
        %dma_start3A_507 = tpu.memref_squeeze %dma_start3A_506 : memref<1x128x128xf32, #tpu.memory_space<vmem>> -> memref<128x128xf32, #tpu.memory_space<vmem>>
        %dma_start3A_508 = arith.constant 0 : i32
        %dma_start3A_509 = tpu.memref_slice %arg8[%run_scoped3A_502, %dma_start3A_508] : memref<16x128xi32, #tpu.memory_space<vmem>> -> memref<1x128xi32, #tpu.memory_space<vmem>>
        %dma_start3A_510 = tpu.memref_squeeze %dma_start3A_509 : memref<1x128xi32, #tpu.memory_space<vmem>> -> memref<128xi32, #tpu.memory_space<vmem>>
        %dma_start3A_511 = arith.constant 0 : i32
        %dma_start3A_512 = arith.constant 0 : i32
        %dma_start3A_513 = tpu.memref_slice %arg10[%dma_start3A_511, %dma_start3A_512] : memref<10240x128xf32, #tpu.memory_space<vmem_shared>> -> memref<10240x128xf32, #tpu.memory_space<vmem_shared>>
        tpu.enqueue_indirect_dma source(%dma_start3A_507 : memref<128x128xf32, #tpu.memory_space<vmem>>) target(%dma_start3A_513 : memref<10240x128xf32, #tpu.memory_space<vmem_shared>>) offsets(%dma_start3A_510 : memref<128xi32, #tpu.memory_space<vmem>>) semaphore(%run_scoped3A_503 : memref<!tpu.dma_semaphore, #tpu.memory_space<semaphore_mem>>) {add = true}
        %dma_wait3A_514 = arith.constant 0 : i32
        %dma_wait3A_515 = arith.constant 0 : i32
        %dma_wait3A_516 = tpu.memref_slice %arg9[%run_scoped3A_501, %dma_wait3A_514, %dma_wait3A_515] : memref<2x128x128xf32, #tpu.memory_space<vmem>> -> memref<1x128x128xf32, #tpu.memory_space<vmem>>
        %dma_wait3A_517 = tpu.memref_squeeze %dma_wait3A_516 : memref<1x128x128xf32, #tpu.memory_space<vmem>> -> memref<128x128xf32, #tpu.memory_space<vmem>>
        %dma_wait3A_518 = arith.constant 0 : i32
        %dma_wait3A_519 = tpu.memref_slice %arg8[%run_scoped3A_502, %dma_wait3A_518] : memref<16x128xi32, #tpu.memory_space<vmem>> -> memref<1x128xi32, #tpu.memory_space<vmem>>
        %dma_wait3A_520 = tpu.memref_squeeze %dma_wait3A_519 : memref<1x128xi32, #tpu.memory_space<vmem>> -> memref<128xi32, #tpu.memory_space<vmem>>
        %dma_wait3A_521 = arith.constant 0 : i32
        %dma_wait3A_522 = arith.constant 0 : i32
        %dma_wait3A_523 = tpu.memref_slice %arg10[%dma_wait3A_521, %dma_wait3A_522] : memref<10240x128xf32, #tpu.memory_space<vmem_shared>> -> memref<10240x128xf32, #tpu.memory_space<vmem_shared>>
        tpu.wait_indirect_dma semaphore(%run_scoped3A_503 : memref<!tpu.dma_semaphore, #tpu.memory_space<semaphore_mem>>) src(%dma_wait3A_517 : memref<128x128xf32, #tpu.memory_space<vmem>>) dst(%dma_wait3A_523 : memref<10240x128xf32, #tpu.memory_space<vmem_shared>>)
        tpu.yield
      }) : () -> ()
    }
    %scan3A_31 = arith.constant 5 : i32
    %barrier3A_32 = arith.constant 0 : index
    tpu.barrier barrier_id(%barrier3A_32)
    %mul3A_33 = arith.constant 640 : i32
    %mul3A_34 = arith.muli %arg1, %mul3A_33 : i32
    %add3A_35 = arith.constant 0 : i32
    %add3A_36 = arith.addi %mul3A_34, %add3A_35 : i32
    %run_scoped3A_37 = arith.constant 0 : i32
    "tpu.region"() ({
      %run_scoped3A_83 = tpu.sem_alloc : memref<!tpu.dma_semaphore, #tpu.memory_space<semaphore_mem>>
      %dma_start3A = arith.constant 0 : i32
      %dma_start3A_84 = arith.constant 0 : i32
      %dma_start3A_85 = tpu.memref_slice %arg9[%run_scoped3A_37, %dma_start3A, %dma_start3A_84] : memref<2x128x128xf32, #tpu.memory_space<vmem>> -> memref<1x128x128xf32, #tpu.memory_space<vmem>>
      %dma_start3A_86 = tpu.memref_squeeze %dma_start3A_85 : memref<1x128x128xf32, #tpu.memory_space<vmem>> -> memref<128x128xf32, #tpu.memory_space<vmem>>
      %dma_start3A_87 = arith.constant 0 : i32
      %dma_start3A_88 = tpu.memref_slice %arg10[%add3A_36, %dma_start3A_87] : memref<10240x128xf32, #tpu.memory_space<vmem_shared>> -> memref<128x128xf32, #tpu.memory_space<vmem_shared>>
      %dma_start3A_89 = arith.constant 0 : i32
      %dma_start3A_90 = arith.constant 0 : i32
      %dma_start3A_91 = tpu.memref_slice %arg9[%run_scoped3A_37, %dma_start3A_89, %dma_start3A_90] : memref<2x128x128xf32, #tpu.memory_space<vmem>> -> memref<1x128x128xf32, #tpu.memory_space<vmem>>
      %dma_start3A_92 = tpu.memref_squeeze %dma_start3A_91 : memref<1x128x128xf32, #tpu.memory_space<vmem>> -> memref<128x128xf32, #tpu.memory_space<vmem>>
      %dma_start3A_93 = arith.constant 0 : i32
      %dma_start3A_94 = tpu.memref_slice %arg10[%add3A_36, %dma_start3A_93] : memref<10240x128xf32, #tpu.memory_space<vmem_shared>> -> memref<128x128xf32, #tpu.memory_space<vmem_shared>>
      tpu.enqueue_dma source(%dma_start3A_94 : memref<128x128xf32, #tpu.memory_space<vmem_shared>>) target(%dma_start3A_92 : memref<128x128xf32, #tpu.memory_space<vmem>>) target_semaphore(%run_scoped3A_83 : memref<!tpu.dma_semaphore, #tpu.memory_space<semaphore_mem>>)
      %dma_wait3A = arith.constant 0 : i32
      %dma_wait3A_95 = arith.constant 0 : i32
      %dma_wait3A_96 = tpu.memref_slice %arg9[%run_scoped3A_37, %dma_wait3A, %dma_wait3A_95] : memref<2x128x128xf32, #tpu.memory_space<vmem>> -> memref<1x128x128xf32, #tpu.memory_space<vmem>>
      %dma_wait3A_97 = tpu.memref_squeeze %dma_wait3A_96 : memref<1x128x128xf32, #tpu.memory_space<vmem>> -> memref<128x128xf32, #tpu.memory_space<vmem>>
      %dma_wait3A_98 = arith.constant 0 : i32
      %dma_wait3A_99 = tpu.memref_slice %arg10[%add3A_36, %dma_wait3A_98] : memref<10240x128xf32, #tpu.memory_space<vmem_shared>> -> memref<128x128xf32, #tpu.memory_space<vmem_shared>>
      %dma_wait3A_100 = arith.constant 0 : i32
      %dma_wait3A_101 = arith.constant 0 : i32
      %dma_wait3A_102 = tpu.memref_slice %arg9[%run_scoped3A_37, %dma_wait3A_100, %dma_wait3A_101] : memref<2x128x128xf32, #tpu.memory_space<vmem>> -> memref<1x128x128xf32, #tpu.memory_space<vmem>>
      %dma_wait3A_103 = tpu.memref_squeeze %dma_wait3A_102 : memref<1x128x128xf32, #tpu.memory_space<vmem>> -> memref<128x128xf32, #tpu.memory_space<vmem>>
      %dma_wait3A_104 = arith.constant 0 : i32
      %dma_wait3A_105 = tpu.memref_slice %arg10[%add3A_36, %dma_wait3A_104] : memref<10240x128xf32, #tpu.memory_space<vmem_shared>> -> memref<128x128xf32, #tpu.memory_space<vmem_shared>>
      tpu.wait_dma2 semaphore(%run_scoped3A_83 : memref<!tpu.dma_semaphore, #tpu.memory_space<semaphore_mem>>) src(%dma_wait3A_105 : memref<128x128xf32, #tpu.memory_space<vmem_shared>>) dst(%dma_wait3A_103 : memref<128x128xf32, #tpu.memory_space<vmem>>)
      tpu.yield
    }) : () -> ()
    %mul3A_38 = arith.constant 640 : i32
    %mul3A_39 = arith.muli %arg1, %mul3A_38 : i32
    %add3A_40 = arith.constant 0 : i32
    %add3A_41 = arith.addi %mul3A_39, %add3A_40 : i32
    %run_scoped3A_42 = arith.constant 0 : i32
    "tpu.region"() ({
      %run_scoped3A_83 = tpu.sem_alloc : memref<!tpu.dma_semaphore, #tpu.memory_space<semaphore_mem>>
      %dma_start3A = arith.constant 0 : i32
      %dma_start3A_84 = arith.constant 0 : i32
      %dma_start3A_85 = tpu.memref_slice %arg9[%run_scoped3A_42, %dma_start3A, %dma_start3A_84] : memref<2x128x128xf32, #tpu.memory_space<vmem>> -> memref<1x128x128xf32, #tpu.memory_space<vmem>>
      %dma_start3A_86 = tpu.memref_squeeze %dma_start3A_85 : memref<1x128x128xf32, #tpu.memory_space<vmem>> -> memref<128x128xf32, #tpu.memory_space<vmem>>
      %dma_start3A_87 = arith.constant 0 : i32
      %dma_start3A_88 = tpu.memref_slice %arg6[%arg0, %add3A_41, %dma_start3A_87] : memref<2x10240x128xf32, #tpu.memory_space<hbm>> -> memref<1x128x128xf32, #tpu.memory_space<hbm>>
      %dma_start3A_89 = tpu.memref_squeeze %dma_start3A_88 : memref<1x128x128xf32, #tpu.memory_space<hbm>> -> memref<128x128xf32, #tpu.memory_space<hbm>>
      %dma_start3A_90 = arith.constant 0 : i32
      %dma_start3A_91 = tpu.memref_slice %arg6[%arg0, %add3A_41, %dma_start3A_90] : memref<2x10240x128xf32, #tpu.memory_space<hbm>> -> memref<1x128x128xf32, #tpu.memory_space<hbm>>
      %dma_start3A_92 = tpu.memref_squeeze %dma_start3A_91 : memref<1x128x128xf32, #tpu.memory_space<hbm>> -> memref<128x128xf32, #tpu.memory_space<hbm>>
      %dma_start3A_93 = arith.constant 0 : i32
      %dma_start3A_94 = arith.constant 0 : i32
      %dma_start3A_95 = tpu.memref_slice %arg9[%run_scoped3A_42, %dma_start3A_93, %dma_start3A_94] : memref<2x128x128xf32, #tpu.memory_space<vmem>> -> memref<1x128x128xf32, #tpu.memory_space<vmem>>
      %dma_start3A_96 = tpu.memref_squeeze %dma_start3A_95 : memref<1x128x128xf32, #tpu.memory_space<vmem>> -> memref<128x128xf32, #tpu.memory_space<vmem>>
      tpu.enqueue_dma source(%dma_start3A_96 : memref<128x128xf32, #tpu.memory_space<vmem>>) target(%dma_start3A_92 : memref<128x128xf32, #tpu.memory_space<hbm>>) target_semaphore(%run_scoped3A_83 : memref<!tpu.dma_semaphore, #tpu.memory_space<semaphore_mem>>)
      %dma_wait3A = arith.constant 0 : i32
      %dma_wait3A_97 = arith.constant 0 : i32
      %dma_wait3A_98 = tpu.memref_slice %arg9[%run_scoped3A_42, %dma_wait3A, %dma_wait3A_97] : memref<2x128x128xf32, #tpu.memory_space<vmem>> -> memref<1x128x128xf32, #tpu.memory_space<vmem>>
      %dma_wait3A_99 = tpu.memref_squeeze %dma_wait3A_98 : memref<1x128x128xf32, #tpu.memory_space<vmem>> -> memref<128x128xf32, #tpu.memory_space<vmem>>
      %dma_wait3A_100 = arith.constant 0 : i32
      %dma_wait3A_101 = tpu.memref_slice %arg6[%arg0, %add3A_41, %dma_wait3A_100] : memref<2x10240x128xf32, #tpu.memory_space<hbm>> -> memref<1x128x128xf32, #tpu.memory_space<hbm>>
      %dma_wait3A_102 = tpu.memref_squeeze %dma_wait3A_101 : memref<1x128x128xf32, #tpu.memory_space<hbm>> -> memref<128x128xf32, #tpu.memory_space<hbm>>
      %dma_wait3A_103 = arith.constant 0 : i32
      %dma_wait3A_104 = tpu.memref_slice %arg6[%arg0, %add3A_41, %dma_wait3A_103] : memref<2x10240x128xf32, #tpu.memory_space<hbm>> -> memref<1x128x128xf32, #tpu.memory_space<hbm>>
      %dma_wait3A_105 = tpu.memref_squeeze %dma_wait3A_104 : memref<1x128x128xf32, #tpu.memory_space<hbm>> -> memref<128x128xf32, #tpu.memory_space<hbm>>
      %dma_wait3A_106 = arith.constant 0 : i32
      %dma_wait3A_107 = arith.constant 0 : i32
      %dma_wait3A_108 = tpu.memref_slice %arg9[%run_scoped3A_42, %dma_wait3A_106, %dma_wait3A_107] : memref<2x128x128xf32, #tpu.memory_space<vmem>> -> memref<1x128x128xf32, #tpu.memory_space<vmem>>
      %dma_wait3A_109 = tpu.memref_squeeze %dma_wait3A_108 : memref<1x128x128xf32, #tpu.memory_space<vmem>> -> memref<128x128xf32, #tpu.memory_space<vmem>>
      tpu.wait_dma2 semaphore(%run_scoped3A_83 : memref<!tpu.dma_semaphore, #tpu.memory_space<semaphore_mem>>) src(%dma_wait3A_109 : memref<128x128xf32, #tpu.memory_space<vmem>>) dst(%dma_wait3A_105 : memref<128x128xf32, #tpu.memory_space<hbm>>)
      tpu.yield
    }) : () -> ()
    %mul3A_43 = arith.constant 640 : i32
    %mul3A_44 = arith.muli %arg1, %mul3A_43 : i32
    %add3A_45 = arith.constant 128 : i32
    %add3A_46 = arith.addi %mul3A_44, %add3A_45 : i32
    %run_scoped3A_47 = arith.constant 0 : i32
    "tpu.region"() ({
      %run_scoped3A_83 = tpu.sem_alloc : memref<!tpu.dma_semaphore, #tpu.memory_space<semaphore_mem>>
      %dma_start3A = arith.constant 0 : i32
      %dma_start3A_84 = arith.constant 0 : i32
      %dma_start3A_85 = tpu.memref_slice %arg9[%run_scoped3A_47, %dma_start3A, %dma_start3A_84] : memref<2x128x128xf32, #tpu.memory_space<vmem>> -> memref<1x128x128xf32, #tpu.memory_space<vmem>>
      %dma_start3A_86 = tpu.memref_squeeze %dma_start3A_85 : memref<1x128x128xf32, #tpu.memory_space<vmem>> -> memref<128x128xf32, #tpu.memory_space<vmem>>
      %dma_start3A_87 = arith.constant 0 : i32
      %dma_start3A_88 = tpu.memref_slice %arg10[%add3A_46, %dma_start3A_87] : memref<10240x128xf32, #tpu.memory_space<vmem_shared>> -> memref<128x128xf32, #tpu.memory_space<vmem_shared>>
      %dma_start3A_89 = arith.constant 0 : i32
      %dma_start3A_90 = arith.constant 0 : i32
      %dma_start3A_91 = tpu.memref_slice %arg9[%run_scoped3A_47, %dma_start3A_89, %dma_start3A_90] : memref<2x128x128xf32, #tpu.memory_space<vmem>> -> memref<1x128x128xf32, #tpu.memory_space<vmem>>
      %dma_start3A_92 = tpu.memref_squeeze %dma_start3A_91 : memref<1x128x128xf32, #tpu.memory_space<vmem>> -> memref<128x128xf32, #tpu.memory_space<vmem>>
      %dma_start3A_93 = arith.constant 0 : i32
      %dma_start3A_94 = tpu.memref_slice %arg10[%add3A_46, %dma_start3A_93] : memref<10240x128xf32, #tpu.memory_space<vmem_shared>> -> memref<128x128xf32, #tpu.memory_space<vmem_shared>>
      tpu.enqueue_dma source(%dma_start3A_94 : memref<128x128xf32, #tpu.memory_space<vmem_shared>>) target(%dma_start3A_92 : memref<128x128xf32, #tpu.memory_space<vmem>>) target_semaphore(%run_scoped3A_83 : memref<!tpu.dma_semaphore, #tpu.memory_space<semaphore_mem>>)
      %dma_wait3A = arith.constant 0 : i32
      %dma_wait3A_95 = arith.constant 0 : i32
      %dma_wait3A_96 = tpu.memref_slice %arg9[%run_scoped3A_47, %dma_wait3A, %dma_wait3A_95] : memref<2x128x128xf32, #tpu.memory_space<vmem>> -> memref<1x128x128xf32, #tpu.memory_space<vmem>>
      %dma_wait3A_97 = tpu.memref_squeeze %dma_wait3A_96 : memref<1x128x128xf32, #tpu.memory_space<vmem>> -> memref<128x128xf32, #tpu.memory_space<vmem>>
      %dma_wait3A_98 = arith.constant 0 : i32
      %dma_wait3A_99 = tpu.memref_slice %arg10[%add3A_46, %dma_wait3A_98] : memref<10240x128xf32, #tpu.memory_space<vmem_shared>> -> memref<128x128xf32, #tpu.memory_space<vmem_shared>>
      %dma_wait3A_100 = arith.constant 0 : i32
      %dma_wait3A_101 = arith.constant 0 : i32
      %dma_wait3A_102 = tpu.memref_slice %arg9[%run_scoped3A_47, %dma_wait3A_100, %dma_wait3A_101] : memref<2x128x128xf32, #tpu.memory_space<vmem>> -> memref<1x128x128xf32, #tpu.memory_space<vmem>>
      %dma_wait3A_103 = tpu.memref_squeeze %dma_wait3A_102 : memref<1x128x128xf32, #tpu.memory_space<vmem>> -> memref<128x128xf32, #tpu.memory_space<vmem>>
      %dma_wait3A_104 = arith.constant 0 : i32
      %dma_wait3A_105 = tpu.memref_slice %arg10[%add3A_46, %dma_wait3A_104] : memref<10240x128xf32, #tpu.memory_space<vmem_shared>> -> memref<128x128xf32, #tpu.memory_space<vmem_shared>>
      tpu.wait_dma2 semaphore(%run_scoped3A_83 : memref<!tpu.dma_semaphore, #tpu.memory_space<semaphore_mem>>) src(%dma_wait3A_105 : memref<128x128xf32, #tpu.memory_space<vmem_shared>>) dst(%dma_wait3A_103 : memref<128x128xf32, #tpu.memory_space<vmem>>)
      tpu.yield
    }) : () -> ()
    %mul3A_48 = arith.constant 640 : i32
    %mul3A_49 = arith.muli %arg1, %mul3A_48 : i32
    %add3A_50 = arith.constant 128 : i32
    %add3A_51 = arith.addi %mul3A_49, %add3A_50 : i32
    %run_scoped3A_52 = arith.constant 0 : i32
    "tpu.region"() ({
      %run_scoped3A_83 = tpu.sem_alloc : memref<!tpu.dma_semaphore, #tpu.memory_space<semaphore_mem>>
      %dma_start3A = arith.constant 0 : i32
      %dma_start3A_84 = arith.constant 0 : i32
      %dma_start3A_85 = tpu.memref_slice %arg9[%run_scoped3A_52, %dma_start3A, %dma_start3A_84] : memref<2x128x128xf32, #tpu.memory_space<vmem>> -> memref<1x128x128xf32, #tpu.memory_space<vmem>>
      %dma_start3A_86 = tpu.memref_squeeze %dma_start3A_85 : memref<1x128x128xf32, #tpu.memory_space<vmem>> -> memref<128x128xf32, #tpu.memory_space<vmem>>
      %dma_start3A_87 = arith.constant 0 : i32
      %dma_start3A_88 = tpu.memref_slice %arg6[%arg0, %add3A_51, %dma_start3A_87] : memref<2x10240x128xf32, #tpu.memory_space<hbm>> -> memref<1x128x128xf32, #tpu.memory_space<hbm>>
      %dma_start3A_89 = tpu.memref_squeeze %dma_start3A_88 : memref<1x128x128xf32, #tpu.memory_space<hbm>> -> memref<128x128xf32, #tpu.memory_space<hbm>>
      %dma_start3A_90 = arith.constant 0 : i32
      %dma_start3A_91 = tpu.memref_slice %arg6[%arg0, %add3A_51, %dma_start3A_90] : memref<2x10240x128xf32, #tpu.memory_space<hbm>> -> memref<1x128x128xf32, #tpu.memory_space<hbm>>
      %dma_start3A_92 = tpu.memref_squeeze %dma_start3A_91 : memref<1x128x128xf32, #tpu.memory_space<hbm>> -> memref<128x128xf32, #tpu.memory_space<hbm>>
      %dma_start3A_93 = arith.constant 0 : i32
      %dma_start3A_94 = arith.constant 0 : i32
      %dma_start3A_95 = tpu.memref_slice %arg9[%run_scoped3A_52, %dma_start3A_93, %dma_start3A_94] : memref<2x128x128xf32, #tpu.memory_space<vmem>> -> memref<1x128x128xf32, #tpu.memory_space<vmem>>
      %dma_start3A_96 = tpu.memref_squeeze %dma_start3A_95 : memref<1x128x128xf32, #tpu.memory_space<vmem>> -> memref<128x128xf32, #tpu.memory_space<vmem>>
      tpu.enqueue_dma source(%dma_start3A_96 : memref<128x128xf32, #tpu.memory_space<vmem>>) target(%dma_start3A_92 : memref<128x128xf32, #tpu.memory_space<hbm>>) target_semaphore(%run_scoped3A_83 : memref<!tpu.dma_semaphore, #tpu.memory_space<semaphore_mem>>)
      %dma_wait3A = arith.constant 0 : i32
      %dma_wait3A_97 = arith.constant 0 : i32
      %dma_wait3A_98 = tpu.memref_slice %arg9[%run_scoped3A_52, %dma_wait3A, %dma_wait3A_97] : memref<2x128x128xf32, #tpu.memory_space<vmem>> -> memref<1x128x128xf32, #tpu.memory_space<vmem>>
      %dma_wait3A_99 = tpu.memref_squeeze %dma_wait3A_98 : memref<1x128x128xf32, #tpu.memory_space<vmem>> -> memref<128x128xf32, #tpu.memory_space<vmem>>
      %dma_wait3A_100 = arith.constant 0 : i32
      %dma_wait3A_101 = tpu.memref_slice %arg6[%arg0, %add3A_51, %dma_wait3A_100] : memref<2x10240x128xf32, #tpu.memory_space<hbm>> -> memref<1x128x128xf32, #tpu.memory_space<hbm>>
      %dma_wait3A_102 = tpu.memref_squeeze %dma_wait3A_101 : memref<1x128x128xf32, #tpu.memory_space<hbm>> -> memref<128x128xf32, #tpu.memory_space<hbm>>
      %dma_wait3A_103 = arith.constant 0 : i32
      %dma_wait3A_104 = tpu.memref_slice %arg6[%arg0, %add3A_51, %dma_wait3A_103] : memref<2x10240x128xf32, #tpu.memory_space<hbm>> -> memref<1x128x128xf32, #tpu.memory_space<hbm>>
      %dma_wait3A_105 = tpu.memref_squeeze %dma_wait3A_104 : memref<1x128x128xf32, #tpu.memory_space<hbm>> -> memref<128x128xf32, #tpu.memory_space<hbm>>
      %dma_wait3A_106 = arith.constant 0 : i32
      %dma_wait3A_107 = arith.constant 0 : i32
      %dma_wait3A_108 = tpu.memref_slice %arg9[%run_scoped3A_52, %dma_wait3A_106, %dma_wait3A_107] : memref<2x128x128xf32, #tpu.memory_space<vmem>> -> memref<1x128x128xf32, #tpu.memory_space<vmem>>
      %dma_wait3A_109 = tpu.memref_squeeze %dma_wait3A_108 : memref<1x128x128xf32, #tpu.memory_space<vmem>> -> memref<128x128xf32, #tpu.memory_space<vmem>>
      tpu.wait_dma2 semaphore(%run_scoped3A_83 : memref<!tpu.dma_semaphore, #tpu.memory_space<semaphore_mem>>) src(%dma_wait3A_109 : memref<128x128xf32, #tpu.memory_space<vmem>>) dst(%dma_wait3A_105 : memref<128x128xf32, #tpu.memory_space<hbm>>)
      tpu.yield
    }) : () -> ()
    %mul3A_53 = arith.constant 640 : i32
    %mul3A_54 = arith.muli %arg1, %mul3A_53 : i32
    %add3A_55 = arith.constant 256 : i32
    %add3A_56 = arith.addi %mul3A_54, %add3A_55 : i32
    %run_scoped3A_57 = arith.constant 0 : i32
    "tpu.region"() ({
      %run_scoped3A_83 = tpu.sem_alloc : memref<!tpu.dma_semaphore, #tpu.memory_space<semaphore_mem>>
      %dma_start3A = arith.constant 0 : i32
      %dma_start3A_84 = arith.constant 0 : i32
      %dma_start3A_85 = tpu.memref_slice %arg9[%run_scoped3A_57, %dma_start3A, %dma_start3A_84] : memref<2x128x128xf32, #tpu.memory_space<vmem>> -> memref<1x128x128xf32, #tpu.memory_space<vmem>>
      %dma_start3A_86 = tpu.memref_squeeze %dma_start3A_85 : memref<1x128x128xf32, #tpu.memory_space<vmem>> -> memref<128x128xf32, #tpu.memory_space<vmem>>
      %dma_start3A_87 = arith.constant 0 : i32
      %dma_start3A_88 = tpu.memref_slice %arg10[%add3A_56, %dma_start3A_87] : memref<10240x128xf32, #tpu.memory_space<vmem_shared>> -> memref<128x128xf32, #tpu.memory_space<vmem_shared>>
      %dma_start3A_89 = arith.constant 0 : i32
      %dma_start3A_90 = arith.constant 0 : i32
      %dma_start3A_91 = tpu.memref_slice %arg9[%run_scoped3A_57, %dma_start3A_89, %dma_start3A_90] : memref<2x128x128xf32, #tpu.memory_space<vmem>> -> memref<1x128x128xf32, #tpu.memory_space<vmem>>
      %dma_start3A_92 = tpu.memref_squeeze %dma_start3A_91 : memref<1x128x128xf32, #tpu.memory_space<vmem>> -> memref<128x128xf32, #tpu.memory_space<vmem>>
      %dma_start3A_93 = arith.constant 0 : i32
      %dma_start3A_94 = tpu.memref_slice %arg10[%add3A_56, %dma_start3A_93] : memref<10240x128xf32, #tpu.memory_space<vmem_shared>> -> memref<128x128xf32, #tpu.memory_space<vmem_shared>>
      tpu.enqueue_dma source(%dma_start3A_94 : memref<128x128xf32, #tpu.memory_space<vmem_shared>>) target(%dma_start3A_92 : memref<128x128xf32, #tpu.memory_space<vmem>>) target_semaphore(%run_scoped3A_83 : memref<!tpu.dma_semaphore, #tpu.memory_space<semaphore_mem>>)
      %dma_wait3A = arith.constant 0 : i32
      %dma_wait3A_95 = arith.constant 0 : i32
      %dma_wait3A_96 = tpu.memref_slice %arg9[%run_scoped3A_57, %dma_wait3A, %dma_wait3A_95] : memref<2x128x128xf32, #tpu.memory_space<vmem>> -> memref<1x128x128xf32, #tpu.memory_space<vmem>>
      %dma_wait3A_97 = tpu.memref_squeeze %dma_wait3A_96 : memref<1x128x128xf32, #tpu.memory_space<vmem>> -> memref<128x128xf32, #tpu.memory_space<vmem>>
      %dma_wait3A_98 = arith.constant 0 : i32
      %dma_wait3A_99 = tpu.memref_slice %arg10[%add3A_56, %dma_wait3A_98] : memref<10240x128xf32, #tpu.memory_space<vmem_shared>> -> memref<128x128xf32, #tpu.memory_space<vmem_shared>>
      %dma_wait3A_100 = arith.constant 0 : i32
      %dma_wait3A_101 = arith.constant 0 : i32
      %dma_wait3A_102 = tpu.memref_slice %arg9[%run_scoped3A_57, %dma_wait3A_100, %dma_wait3A_101] : memref<2x128x128xf32, #tpu.memory_space<vmem>> -> memref<1x128x128xf32, #tpu.memory_space<vmem>>
      %dma_wait3A_103 = tpu.memref_squeeze %dma_wait3A_102 : memref<1x128x128xf32, #tpu.memory_space<vmem>> -> memref<128x128xf32, #tpu.memory_space<vmem>>
      %dma_wait3A_104 = arith.constant 0 : i32
      %dma_wait3A_105 = tpu.memref_slice %arg10[%add3A_56, %dma_wait3A_104] : memref<10240x128xf32, #tpu.memory_space<vmem_shared>> -> memref<128x128xf32, #tpu.memory_space<vmem_shared>>
      tpu.wait_dma2 semaphore(%run_scoped3A_83 : memref<!tpu.dma_semaphore, #tpu.memory_space<semaphore_mem>>) src(%dma_wait3A_105 : memref<128x128xf32, #tpu.memory_space<vmem_shared>>) dst(%dma_wait3A_103 : memref<128x128xf32, #tpu.memory_space<vmem>>)
      tpu.yield
    }) : () -> ()
    %mul3A_58 = arith.constant 640 : i32
    %mul3A_59 = arith.muli %arg1, %mul3A_58 : i32
    %add3A_60 = arith.constant 256 : i32
    %add3A_61 = arith.addi %mul3A_59, %add3A_60 : i32
    %run_scoped3A_62 = arith.constant 0 : i32
    "tpu.region"() ({
      %run_scoped3A_83 = tpu.sem_alloc : memref<!tpu.dma_semaphore, #tpu.memory_space<semaphore_mem>>
      %dma_start3A = arith.constant 0 : i32
      %dma_start3A_84 = arith.constant 0 : i32
      %dma_start3A_85 = tpu.memref_slice %arg9[%run_scoped3A_62, %dma_start3A, %dma_start3A_84] : memref<2x128x128xf32, #tpu.memory_space<vmem>> -> memref<1x128x128xf32, #tpu.memory_space<vmem>>
      %dma_start3A_86 = tpu.memref_squeeze %dma_start3A_85 : memref<1x128x128xf32, #tpu.memory_space<vmem>> -> memref<128x128xf32, #tpu.memory_space<vmem>>
      %dma_start3A_87 = arith.constant 0 : i32
      %dma_start3A_88 = tpu.memref_slice %arg6[%arg0, %add3A_61, %dma_start3A_87] : memref<2x10240x128xf32, #tpu.memory_space<hbm>> -> memref<1x128x128xf32, #tpu.memory_space<hbm>>
      %dma_start3A_89 = tpu.memref_squeeze %dma_start3A_88 : memref<1x128x128xf32, #tpu.memory_space<hbm>> -> memref<128x128xf32, #tpu.memory_space<hbm>>
      %dma_start3A_90 = arith.constant 0 : i32
      %dma_start3A_91 = tpu.memref_slice %arg6[%arg0, %add3A_61, %dma_start3A_90] : memref<2x10240x128xf32, #tpu.memory_space<hbm>> -> memref<1x128x128xf32, #tpu.memory_space<hbm>>
      %dma_start3A_92 = tpu.memref_squeeze %dma_start3A_91 : memref<1x128x128xf32, #tpu.memory_space<hbm>> -> memref<128x128xf32, #tpu.memory_space<hbm>>
      %dma_start3A_93 = arith.constant 0 : i32
      %dma_start3A_94 = arith.constant 0 : i32
      %dma_start3A_95 = tpu.memref_slice %arg9[%run_scoped3A_62, %dma_start3A_93, %dma_start3A_94] : memref<2x128x128xf32, #tpu.memory_space<vmem>> -> memref<1x128x128xf32, #tpu.memory_space<vmem>>
      %dma_start3A_96 = tpu.memref_squeeze %dma_start3A_95 : memref<1x128x128xf32, #tpu.memory_space<vmem>> -> memref<128x128xf32, #tpu.memory_space<vmem>>
      tpu.enqueue_dma source(%dma_start3A_96 : memref<128x128xf32, #tpu.memory_space<vmem>>) target(%dma_start3A_92 : memref<128x128xf32, #tpu.memory_space<hbm>>) target_semaphore(%run_scoped3A_83 : memref<!tpu.dma_semaphore, #tpu.memory_space<semaphore_mem>>)
      %dma_wait3A = arith.constant 0 : i32
      %dma_wait3A_97 = arith.constant 0 : i32
      %dma_wait3A_98 = tpu.memref_slice %arg9[%run_scoped3A_62, %dma_wait3A, %dma_wait3A_97] : memref<2x128x128xf32, #tpu.memory_space<vmem>> -> memref<1x128x128xf32, #tpu.memory_space<vmem>>
      %dma_wait3A_99 = tpu.memref_squeeze %dma_wait3A_98 : memref<1x128x128xf32, #tpu.memory_space<vmem>> -> memref<128x128xf32, #tpu.memory_space<vmem>>
      %dma_wait3A_100 = arith.constant 0 : i32
      %dma_wait3A_101 = tpu.memref_slice %arg6[%arg0, %add3A_61, %dma_wait3A_100] : memref<2x10240x128xf32, #tpu.memory_space<hbm>> -> memref<1x128x128xf32, #tpu.memory_space<hbm>>
      %dma_wait3A_102 = tpu.memref_squeeze %dma_wait3A_101 : memref<1x128x128xf32, #tpu.memory_space<hbm>> -> memref<128x128xf32, #tpu.memory_space<hbm>>
      %dma_wait3A_103 = arith.constant 0 : i32
      %dma_wait3A_104 = tpu.memref_slice %arg6[%arg0, %add3A_61, %dma_wait3A_103] : memref<2x10240x128xf32, #tpu.memory_space<hbm>> -> memref<1x128x128xf32, #tpu.memory_space<hbm>>
      %dma_wait3A_105 = tpu.memref_squeeze %dma_wait3A_104 : memref<1x128x128xf32, #tpu.memory_space<hbm>> -> memref<128x128xf32, #tpu.memory_space<hbm>>
      %dma_wait3A_106 = arith.constant 0 : i32
      %dma_wait3A_107 = arith.constant 0 : i32
      %dma_wait3A_108 = tpu.memref_slice %arg9[%run_scoped3A_62, %dma_wait3A_106, %dma_wait3A_107] : memref<2x128x128xf32, #tpu.memory_space<vmem>> -> memref<1x128x128xf32, #tpu.memory_space<vmem>>
      %dma_wait3A_109 = tpu.memref_squeeze %dma_wait3A_108 : memref<1x128x128xf32, #tpu.memory_space<vmem>> -> memref<128x128xf32, #tpu.memory_space<vmem>>
      tpu.wait_dma2 semaphore(%run_scoped3A_83 : memref<!tpu.dma_semaphore, #tpu.memory_space<semaphore_mem>>) src(%dma_wait3A_109 : memref<128x128xf32, #tpu.memory_space<vmem>>) dst(%dma_wait3A_105 : memref<128x128xf32, #tpu.memory_space<hbm>>)
      tpu.yield
    }) : () -> ()
    %mul3A_63 = arith.constant 640 : i32
    %mul3A_64 = arith.muli %arg1, %mul3A_63 : i32
    %add3A_65 = arith.constant 384 : i32
    %add3A_66 = arith.addi %mul3A_64, %add3A_65 : i32
    %run_scoped3A_67 = arith.constant 0 : i32
    "tpu.region"() ({
      %run_scoped3A_83 = tpu.sem_alloc : memref<!tpu.dma_semaphore, #tpu.memory_space<semaphore_mem>>
      %dma_start3A = arith.constant 0 : i32
      %dma_start3A_84 = arith.constant 0 : i32
      %dma_start3A_85 = tpu.memref_slice %arg9[%run_scoped3A_67, %dma_start3A, %dma_start3A_84] : memref<2x128x128xf32, #tpu.memory_space<vmem>> -> memref<1x128x128xf32, #tpu.memory_space<vmem>>
      %dma_start3A_86 = tpu.memref_squeeze %dma_start3A_85 : memref<1x128x128xf32, #tpu.memory_space<vmem>> -> memref<128x128xf32, #tpu.memory_space<vmem>>
      %dma_start3A_87 = arith.constant 0 : i32
      %dma_start3A_88 = tpu.memref_slice %arg10[%add3A_66, %dma_start3A_87] : memref<10240x128xf32, #tpu.memory_space<vmem_shared>> -> memref<128x128xf32, #tpu.memory_space<vmem_shared>>
      %dma_start3A_89 = arith.constant 0 : i32
      %dma_start3A_90 = arith.constant 0 : i32
      %dma_start3A_91 = tpu.memref_slice %arg9[%run_scoped3A_67, %dma_start3A_89, %dma_start3A_90] : memref<2x128x128xf32, #tpu.memory_space<vmem>> -> memref<1x128x128xf32, #tpu.memory_space<vmem>>
      %dma_start3A_92 = tpu.memref_squeeze %dma_start3A_91 : memref<1x128x128xf32, #tpu.memory_space<vmem>> -> memref<128x128xf32, #tpu.memory_space<vmem>>
      %dma_start3A_93 = arith.constant 0 : i32
      %dma_start3A_94 = tpu.memref_slice %arg10[%add3A_66, %dma_start3A_93] : memref<10240x128xf32, #tpu.memory_space<vmem_shared>> -> memref<128x128xf32, #tpu.memory_space<vmem_shared>>
      tpu.enqueue_dma source(%dma_start3A_94 : memref<128x128xf32, #tpu.memory_space<vmem_shared>>) target(%dma_start3A_92 : memref<128x128xf32, #tpu.memory_space<vmem>>) target_semaphore(%run_scoped3A_83 : memref<!tpu.dma_semaphore, #tpu.memory_space<semaphore_mem>>)
      %dma_wait3A = arith.constant 0 : i32
      %dma_wait3A_95 = arith.constant 0 : i32
      %dma_wait3A_96 = tpu.memref_slice %arg9[%run_scoped3A_67, %dma_wait3A, %dma_wait3A_95] : memref<2x128x128xf32, #tpu.memory_space<vmem>> -> memref<1x128x128xf32, #tpu.memory_space<vmem>>
      %dma_wait3A_97 = tpu.memref_squeeze %dma_wait3A_96 : memref<1x128x128xf32, #tpu.memory_space<vmem>> -> memref<128x128xf32, #tpu.memory_space<vmem>>
      %dma_wait3A_98 = arith.constant 0 : i32
      %dma_wait3A_99 = tpu.memref_slice %arg10[%add3A_66, %dma_wait3A_98] : memref<10240x128xf32, #tpu.memory_space<vmem_shared>> -> memref<128x128xf32, #tpu.memory_space<vmem_shared>>
      %dma_wait3A_100 = arith.constant 0 : i32
      %dma_wait3A_101 = arith.constant 0 : i32
      %dma_wait3A_102 = tpu.memref_slice %arg9[%run_scoped3A_67, %dma_wait3A_100, %dma_wait3A_101] : memref<2x128x128xf32, #tpu.memory_space<vmem>> -> memref<1x128x128xf32, #tpu.memory_space<vmem>>
      %dma_wait3A_103 = tpu.memref_squeeze %dma_wait3A_102 : memref<1x128x128xf32, #tpu.memory_space<vmem>> -> memref<128x128xf32, #tpu.memory_space<vmem>>
      %dma_wait3A_104 = arith.constant 0 : i32
      %dma_wait3A_105 = tpu.memref_slice %arg10[%add3A_66, %dma_wait3A_104] : memref<10240x128xf32, #tpu.memory_space<vmem_shared>> -> memref<128x128xf32, #tpu.memory_space<vmem_shared>>
      tpu.wait_dma2 semaphore(%run_scoped3A_83 : memref<!tpu.dma_semaphore, #tpu.memory_space<semaphore_mem>>) src(%dma_wait3A_105 : memref<128x128xf32, #tpu.memory_space<vmem_shared>>) dst(%dma_wait3A_103 : memref<128x128xf32, #tpu.memory_space<vmem>>)
      tpu.yield
    }) : () -> ()
    %mul3A_68 = arith.constant 640 : i32
    %mul3A_69 = arith.muli %arg1, %mul3A_68 : i32
    %add3A_70 = arith.constant 384 : i32
    %add3A_71 = arith.addi %mul3A_69, %add3A_70 : i32
    %run_scoped3A_72 = arith.constant 0 : i32
    "tpu.region"() ({
      %run_scoped3A_83 = tpu.sem_alloc : memref<!tpu.dma_semaphore, #tpu.memory_space<semaphore_mem>>
      %dma_start3A = arith.constant 0 : i32
      %dma_start3A_84 = arith.constant 0 : i32
      %dma_start3A_85 = tpu.memref_slice %arg9[%run_scoped3A_72, %dma_start3A, %dma_start3A_84] : memref<2x128x128xf32, #tpu.memory_space<vmem>> -> memref<1x128x128xf32, #tpu.memory_space<vmem>>
      %dma_start3A_86 = tpu.memref_squeeze %dma_start3A_85 : memref<1x128x128xf32, #tpu.memory_space<vmem>> -> memref<128x128xf32, #tpu.memory_space<vmem>>
      %dma_start3A_87 = arith.constant 0 : i32
      %dma_start3A_88 = tpu.memref_slice %arg6[%arg0, %add3A_71, %dma_start3A_87] : memref<2x10240x128xf32, #tpu.memory_space<hbm>> -> memref<1x128x128xf32, #tpu.memory_space<hbm>>
      %dma_start3A_89 = tpu.memref_squeeze %dma_start3A_88 : memref<1x128x128xf32, #tpu.memory_space<hbm>> -> memref<128x128xf32, #tpu.memory_space<hbm>>
      %dma_start3A_90 = arith.constant 0 : i32
      %dma_start3A_91 = tpu.memref_slice %arg6[%arg0, %add3A_71, %dma_start3A_90] : memref<2x10240x128xf32, #tpu.memory_space<hbm>> -> memref<1x128x128xf32, #tpu.memory_space<hbm>>
      %dma_start3A_92 = tpu.memref_squeeze %dma_start3A_91 : memref<1x128x128xf32, #tpu.memory_space<hbm>> -> memref<128x128xf32, #tpu.memory_space<hbm>>
      %dma_start3A_93 = arith.constant 0 : i32
      %dma_start3A_94 = arith.constant 0 : i32
      %dma_start3A_95 = tpu.memref_slice %arg9[%run_scoped3A_72, %dma_start3A_93, %dma_start3A_94] : memref<2x128x128xf32, #tpu.memory_space<vmem>> -> memref<1x128x128xf32, #tpu.memory_space<vmem>>
      %dma_start3A_96 = tpu.memref_squeeze %dma_start3A_95 : memref<1x128x128xf32, #tpu.memory_space<vmem>> -> memref<128x128xf32, #tpu.memory_space<vmem>>
      tpu.enqueue_dma source(%dma_start3A_96 : memref<128x128xf32, #tpu.memory_space<vmem>>) target(%dma_start3A_92 : memref<128x128xf32, #tpu.memory_space<hbm>>) target_semaphore(%run_scoped3A_83 : memref<!tpu.dma_semaphore, #tpu.memory_space<semaphore_mem>>)
      %dma_wait3A = arith.constant 0 : i32
      %dma_wait3A_97 = arith.constant 0 : i32
      %dma_wait3A_98 = tpu.memref_slice %arg9[%run_scoped3A_72, %dma_wait3A, %dma_wait3A_97] : memref<2x128x128xf32, #tpu.memory_space<vmem>> -> memref<1x128x128xf32, #tpu.memory_space<vmem>>
      %dma_wait3A_99 = tpu.memref_squeeze %dma_wait3A_98 : memref<1x128x128xf32, #tpu.memory_space<vmem>> -> memref<128x128xf32, #tpu.memory_space<vmem>>
      %dma_wait3A_100 = arith.constant 0 : i32
      %dma_wait3A_101 = tpu.memref_slice %arg6[%arg0, %add3A_71, %dma_wait3A_100] : memref<2x10240x128xf32, #tpu.memory_space<hbm>> -> memref<1x128x128xf32, #tpu.memory_space<hbm>>
      %dma_wait3A_102 = tpu.memref_squeeze %dma_wait3A_101 : memref<1x128x128xf32, #tpu.memory_space<hbm>> -> memref<128x128xf32, #tpu.memory_space<hbm>>
      %dma_wait3A_103 = arith.constant 0 : i32
      %dma_wait3A_104 = tpu.memref_slice %arg6[%arg0, %add3A_71, %dma_wait3A_103] : memref<2x10240x128xf32, #tpu.memory_space<hbm>> -> memref<1x128x128xf32, #tpu.memory_space<hbm>>
      %dma_wait3A_105 = tpu.memref_squeeze %dma_wait3A_104 : memref<1x128x128xf32, #tpu.memory_space<hbm>> -> memref<128x128xf32, #tpu.memory_space<hbm>>
      %dma_wait3A_106 = arith.constant 0 : i32
      %dma_wait3A_107 = arith.constant 0 : i32
      %dma_wait3A_108 = tpu.memref_slice %arg9[%run_scoped3A_72, %dma_wait3A_106, %dma_wait3A_107] : memref<2x128x128xf32, #tpu.memory_space<vmem>> -> memref<1x128x128xf32, #tpu.memory_space<vmem>>
      %dma_wait3A_109 = tpu.memref_squeeze %dma_wait3A_108 : memref<1x128x128xf32, #tpu.memory_space<vmem>> -> memref<128x128xf32, #tpu.memory_space<vmem>>
      tpu.wait_dma2 semaphore(%run_scoped3A_83 : memref<!tpu.dma_semaphore, #tpu.memory_space<semaphore_mem>>) src(%dma_wait3A_109 : memref<128x128xf32, #tpu.memory_space<vmem>>) dst(%dma_wait3A_105 : memref<128x128xf32, #tpu.memory_space<hbm>>)
      tpu.yield
    }) : () -> ()
    %mul3A_73 = arith.constant 640 : i32
    %mul3A_74 = arith.muli %arg1, %mul3A_73 : i32
    %add3A_75 = arith.constant 512 : i32
    %add3A_76 = arith.addi %mul3A_74, %add3A_75 : i32
    %run_scoped3A_77 = arith.constant 0 : i32
    "tpu.region"() ({
      %run_scoped3A_83 = tpu.sem_alloc : memref<!tpu.dma_semaphore, #tpu.memory_space<semaphore_mem>>
      %dma_start3A = arith.constant 0 : i32
      %dma_start3A_84 = arith.constant 0 : i32
      %dma_start3A_85 = tpu.memref_slice %arg9[%run_scoped3A_77, %dma_start3A, %dma_start3A_84] : memref<2x128x128xf32, #tpu.memory_space<vmem>> -> memref<1x128x128xf32, #tpu.memory_space<vmem>>
      %dma_start3A_86 = tpu.memref_squeeze %dma_start3A_85 : memref<1x128x128xf32, #tpu.memory_space<vmem>> -> memref<128x128xf32, #tpu.memory_space<vmem>>
      %dma_start3A_87 = arith.constant 0 : i32
      %dma_start3A_88 = tpu.memref_slice %arg10[%add3A_76, %dma_start3A_87] : memref<10240x128xf32, #tpu.memory_space<vmem_shared>> -> memref<128x128xf32, #tpu.memory_space<vmem_shared>>
      %dma_start3A_89 = arith.constant 0 : i32
      %dma_start3A_90 = arith.constant 0 : i32
      %dma_start3A_91 = tpu.memref_slice %arg9[%run_scoped3A_77, %dma_start3A_89, %dma_start3A_90] : memref<2x128x128xf32, #tpu.memory_space<vmem>> -> memref<1x128x128xf32, #tpu.memory_space<vmem>>
      %dma_start3A_92 = tpu.memref_squeeze %dma_start3A_91 : memref<1x128x128xf32, #tpu.memory_space<vmem>> -> memref<128x128xf32, #tpu.memory_space<vmem>>
      %dma_start3A_93 = arith.constant 0 : i32
      %dma_start3A_94 = tpu.memref_slice %arg10[%add3A_76, %dma_start3A_93] : memref<10240x128xf32, #tpu.memory_space<vmem_shared>> -> memref<128x128xf32, #tpu.memory_space<vmem_shared>>
      tpu.enqueue_dma source(%dma_start3A_94 : memref<128x128xf32, #tpu.memory_space<vmem_shared>>) target(%dma_start3A_92 : memref<128x128xf32, #tpu.memory_space<vmem>>) target_semaphore(%run_scoped3A_83 : memref<!tpu.dma_semaphore, #tpu.memory_space<semaphore_mem>>)
      %dma_wait3A = arith.constant 0 : i32
      %dma_wait3A_95 = arith.constant 0 : i32
      %dma_wait3A_96 = tpu.memref_slice %arg9[%run_scoped3A_77, %dma_wait3A, %dma_wait3A_95] : memref<2x128x128xf32, #tpu.memory_space<vmem>> -> memref<1x128x128xf32, #tpu.memory_space<vmem>>
      %dma_wait3A_97 = tpu.memref_squeeze %dma_wait3A_96 : memref<1x128x128xf32, #tpu.memory_space<vmem>> -> memref<128x128xf32, #tpu.memory_space<vmem>>
      %dma_wait3A_98 = arith.constant 0 : i32
      %dma_wait3A_99 = tpu.memref_slice %arg10[%add3A_76, %dma_wait3A_98] : memref<10240x128xf32, #tpu.memory_space<vmem_shared>> -> memref<128x128xf32, #tpu.memory_space<vmem_shared>>
      %dma_wait3A_100 = arith.constant 0 : i32
      %dma_wait3A_101 = arith.constant 0 : i32
      %dma_wait3A_102 = tpu.memref_slice %arg9[%run_scoped3A_77, %dma_wait3A_100, %dma_wait3A_101] : memref<2x128x128xf32, #tpu.memory_space<vmem>> -> memref<1x128x128xf32, #tpu.memory_space<vmem>>
      %dma_wait3A_103 = tpu.memref_squeeze %dma_wait3A_102 : memref<1x128x128xf32, #tpu.memory_space<vmem>> -> memref<128x128xf32, #tpu.memory_space<vmem>>
      %dma_wait3A_104 = arith.constant 0 : i32
      %dma_wait3A_105 = tpu.memref_slice %arg10[%add3A_76, %dma_wait3A_104] : memref<10240x128xf32, #tpu.memory_space<vmem_shared>> -> memref<128x128xf32, #tpu.memory_space<vmem_shared>>
      tpu.wait_dma2 semaphore(%run_scoped3A_83 : memref<!tpu.dma_semaphore, #tpu.memory_space<semaphore_mem>>) src(%dma_wait3A_105 : memref<128x128xf32, #tpu.memory_space<vmem_shared>>) dst(%dma_wait3A_103 : memref<128x128xf32, #tpu.memory_space<vmem>>)
      tpu.yield
    }) : () -> ()
    %mul3A_78 = arith.constant 640 : i32
    %mul3A_79 = arith.muli %arg1, %mul3A_78 : i32
    %add3A_80 = arith.constant 512 : i32
    %add3A_81 = arith.addi %mul3A_79, %add3A_80 : i32
    %run_scoped3A_82 = arith.constant 0 : i32
    "tpu.region"() ({
      %run_scoped3A_83 = tpu.sem_alloc : memref<!tpu.dma_semaphore, #tpu.memory_space<semaphore_mem>>
      %dma_start3A = arith.constant 0 : i32
      %dma_start3A_84 = arith.constant 0 : i32
      %dma_start3A_85 = tpu.memref_slice %arg9[%run_scoped3A_82, %dma_start3A, %dma_start3A_84] : memref<2x128x128xf32, #tpu.memory_space<vmem>> -> memref<1x128x128xf32, #tpu.memory_space<vmem>>
      %dma_start3A_86 = tpu.memref_squeeze %dma_start3A_85 : memref<1x128x128xf32, #tpu.memory_space<vmem>> -> memref<128x128xf32, #tpu.memory_space<vmem>>
      %dma_start3A_87 = arith.constant 0 : i32
      %dma_start3A_88 = tpu.memref_slice %arg6[%arg0, %add3A_81, %dma_start3A_87] : memref<2x10240x128xf32, #tpu.memory_space<hbm>> -> memref<1x128x128xf32, #tpu.memory_space<hbm>>
      %dma_start3A_89 = tpu.memref_squeeze %dma_start3A_88 : memref<1x128x128xf32, #tpu.memory_space<hbm>> -> memref<128x128xf32, #tpu.memory_space<hbm>>
      %dma_start3A_90 = arith.constant 0 : i32
      %dma_start3A_91 = tpu.memref_slice %arg6[%arg0, %add3A_81, %dma_start3A_90] : memref<2x10240x128xf32, #tpu.memory_space<hbm>> -> memref<1x128x128xf32, #tpu.memory_space<hbm>>
      %dma_start3A_92 = tpu.memref_squeeze %dma_start3A_91 : memref<1x128x128xf32, #tpu.memory_space<hbm>> -> memref<128x128xf32, #tpu.memory_space<hbm>>
      %dma_start3A_93 = arith.constant 0 : i32
      %dma_start3A_94 = arith.constant 0 : i32
      %dma_start3A_95 = tpu.memref_slice %arg9[%run_scoped3A_82, %dma_start3A_93, %dma_start3A_94] : memref<2x128x128xf32, #tpu.memory_space<vmem>> -> memref<1x128x128xf32, #tpu.memory_space<vmem>>
      %dma_start3A_96 = tpu.memref_squeeze %dma_start3A_95 : memref<1x128x128xf32, #tpu.memory_space<vmem>> -> memref<128x128xf32, #tpu.memory_space<vmem>>
      tpu.enqueue_dma source(%dma_start3A_96 : memref<128x128xf32, #tpu.memory_space<vmem>>) target(%dma_start3A_92 : memref<128x128xf32, #tpu.memory_space<hbm>>) target_semaphore(%run_scoped3A_83 : memref<!tpu.dma_semaphore, #tpu.memory_space<semaphore_mem>>)
      %dma_wait3A = arith.constant 0 : i32
      %dma_wait3A_97 = arith.constant 0 : i32
      %dma_wait3A_98 = tpu.memref_slice %arg9[%run_scoped3A_82, %dma_wait3A, %dma_wait3A_97] : memref<2x128x128xf32, #tpu.memory_space<vmem>> -> memref<1x128x128xf32, #tpu.memory_space<vmem>>
      %dma_wait3A_99 = tpu.memref_squeeze %dma_wait3A_98 : memref<1x128x128xf32, #tpu.memory_space<vmem>> -> memref<128x128xf32, #tpu.memory_space<vmem>>
      %dma_wait3A_100 = arith.constant 0 : i32
      %dma_wait3A_101 = tpu.memref_slice %arg6[%arg0, %add3A_81, %dma_wait3A_100] : memref<2x10240x128xf32, #tpu.memory_space<hbm>> -> memref<1x128x128xf32, #tpu.memory_space<hbm>>
      %dma_wait3A_102 = tpu.memref_squeeze %dma_wait3A_101 : memref<1x128x128xf32, #tpu.memory_space<hbm>> -> memref<128x128xf32, #tpu.memory_space<hbm>>
      %dma_wait3A_103 = arith.constant 0 : i32
      %dma_wait3A_104 = tpu.memref_slice %arg6[%arg0, %add3A_81, %dma_wait3A_103] : memref<2x10240x128xf32, #tpu.memory_space<hbm>> -> memref<1x128x128xf32, #tpu.memory_space<hbm>>
      %dma_wait3A_105 = tpu.memref_squeeze %dma_wait3A_104 : memref<1x128x128xf32, #tpu.memory_space<hbm>> -> memref<128x128xf32, #tpu.memory_space<hbm>>
      %dma_wait3A_106 = arith.constant 0 : i32
      %dma_wait3A_107 = arith.constant 0 : i32
      %dma_wait3A_108 = tpu.memref_slice %arg9[%run_scoped3A_82, %dma_wait3A_106, %dma_wait3A_107] : memref<2x128x128xf32, #tpu.memory_space<vmem>> -> memref<1x128x128xf32, #tpu.memory_space<vmem>>
      %dma_wait3A_109 = tpu.memref_squeeze %dma_wait3A_108 : memref<1x128x128xf32, #tpu.memory_space<vmem>> -> memref<128x128xf32, #tpu.memory_space<vmem>>
      tpu.wait_dma2 semaphore(%run_scoped3A_83 : memref<!tpu.dma_semaphore, #tpu.memory_space<semaphore_mem>>) src(%dma_wait3A_109 : memref<128x128xf32, #tpu.memory_space<vmem>>) dst(%dma_wait3A_105 : memref<128x128xf32, #tpu.memory_space<hbm>>)
      tpu.yield
    }) : () -> ()
    return
  }
}

module attributes {stable_mosaic.version = 14 : i64} {
  func.func @_lin_body(%arg0: i32, %arg1: memref<2000x128xf32, #tpu.memory_space<vmem>>, %arg2: memref<128x128xf32, #tpu.memory_space<vmem>>, %arg3: memref<2000x1xf32, #tpu.memory_space<vmem>>, %arg4: memref<2000x1xf32, #tpu.memory_space<vmem>>, %arg5: memref<2000x128xf32, #tpu.memory_space<vmem>>) attributes {dimension_semantics = [#tpu.dimension_semantics<arbitrary>], iteration_bounds = array<i64: 5>, scalar_prefetch = 0 : i64, scratch_operands = 0 : i64, tpu.core_type = #tpu.core_type<tc>, window_params = [{transform_indices = @transform_0, window_bounds = array<i64: 2000, 128>}, {pipeline_mode = #tpu.pipeline_mode<synchronous>, transform_indices = @transform_1, window_bounds = array<i64: 128, 128>}, {transform_indices = @transform_2, window_bounds = array<i64: 2000, 1>}, {transform_indices = @transform_3, window_bounds = array<i64: 2000, 1>}, {transform_indices = @transform_4, window_bounds = array<i64: 2000, 128>}]} {
    %get3A = arith.constant 0 : index
    %get3A_0 = arith.constant 0 : index
    %get3A_1 = vector.load %arg1[%get3A, %get3A_0] : memref<2000x128xf32, #tpu.memory_space<vmem>>, vector<2000x128xf32>
    %get3A_2 = arith.constant 0 : index
    %get3A_3 = arith.constant 0 : index
    %get3A_4 = vector.load %arg2[%get3A_2, %get3A_3] : memref<128x128xf32, #tpu.memory_space<vmem>>, vector<128x128xf32>
    %dot_general3A = arith.constant dense<0.000000e+00> : vector<2000x128xf32>
    %dot_general3A_5 = tpu.matmul %get3A_1, %get3A_4, %dot_general3A {dimension_numbers = #tpu.dot_dimension_numbers<[1], [0], [0], [1], [0, 0, 1, 1], [], []>, transpose_lhs_hint = false} : vector<2000x128xf32>, vector<128x128xf32>, vector<2000x128xf32> -> vector<2000x128xf32>
    %get3A_6 = arith.constant 0 : index
    %get3A_7 = arith.constant 0 : index
    %get3A_8 = vector.load %arg3[%get3A_6, %get3A_7] : memref<2000x1xf32, #tpu.memory_space<vmem>>, vector<2000x1xf32>
    %get3A_9 = arith.constant 0 : index
    %get3A_10 = arith.constant 0 : index
    %get3A_11 = vector.load %arg4[%get3A_9, %get3A_10] : memref<2000x1xf32, #tpu.memory_space<vmem>>, vector<2000x1xf32>
    %add3A = arith.addf %get3A_8, %get3A_11 : vector<2000x1xf32>
    %add3A_12 = arith.constant 1.000000e+00 : f32
    %add3A_13 = vector.broadcast %add3A_12 : f32 to vector<2000x1xf32>
    %add3A_14 = arith.addf %add3A, %add3A_13 : vector<2000x1xf32>
    %rsqrt3A = math.rsqrt %add3A_14 : vector<2000x1xf32>
    %mul3A = vector.broadcast %rsqrt3A : vector<2000x1xf32> to vector<2000x128xf32>
    %mul3A_15 = arith.mulf %dot_general3A_5, %mul3A : vector<2000x128xf32>
    %swap3A = arith.constant 0 : index
    %swap3A_16 = arith.constant 0 : index
    %swap3A_17 = vector.load %arg5[%swap3A, %swap3A_16] : memref<2000x128xf32, #tpu.memory_space<vmem>>, vector<2000x128xf32>
    tpu.vector_store %arg5[%swap3A, %swap3A_16], %mul3A_15 {strides = array<i32>} : memref<2000x128xf32, #tpu.memory_space<vmem>>, vector<2000x128xf32>,
    return
  }
  func.func @transform_0(%arg0: i32) -> (i32, i32) {
    %c0_i32 = arith.constant 0 : i32
    %c0_i32_0 = arith.constant 0 : i32
    return %arg0, %c0_i32 : i32, i32
  }
  func.func @transform_1(%arg0: i32) -> (i32, i32) {
    %c0_i32 = arith.constant 0 : i32
    %c0_i32_0 = arith.constant 0 : i32
    %c0_i32_1 = arith.constant 0 : i32
    return %c0_i32, %c0_i32_0 : i32, i32
  }
  func.func @transform_2(%arg0: i32) -> (i32, i32) {
    %c0_i32 = arith.constant 0 : i32
    %c0_i32_0 = arith.constant 0 : i32
    return %arg0, %c0_i32 : i32, i32
  }
  func.func @transform_3(%arg0: i32) -> (i32, i32) {
    %c0_i32 = arith.constant 0 : i32
    %c0_i32_0 = arith.constant 0 : i32
    return %arg0, %c0_i32 : i32, i32
  }
  func.func @transform_4(%arg0: i32) -> (i32, i32) {
    %c0_i32 = arith.constant 0 : i32
    %c0_i32_0 = arith.constant 0 : i32
    return %arg0, %c0_i32 : i32, i32
  }
}

module attributes {stable_mosaic.version = 14 : i64} {
  func.func @_mid_body(%arg0: i32, %arg1: memref<2x2000x128xf32, #tpu.memory_space<vmem>>, %arg2: memref<2000x128xf32, #tpu.memory_space<vmem>>, %arg3: memref<2000x1xf32, #tpu.memory_space<vmem>>, %arg4: memref<2000x1xf32, #tpu.memory_space<vmem>>, %arg5: memref<1x128xf32, #tpu.memory_space<vmem>>, %arg6: memref<128x128xf32, #tpu.memory_space<vmem>>, %arg7: memref<2000x128xf32, #tpu.memory_space<vmem>>) attributes {dimension_semantics = [#tpu.dimension_semantics<arbitrary>], iteration_bounds = array<i64: 5>, scalar_prefetch = 0 : i64, scratch_operands = 0 : i64, tpu.core_type = #tpu.core_type<tc>, window_params = [{transform_indices = @transform_0, window_bounds = array<i64: 2, 2000, 128>}, {transform_indices = @transform_1, window_bounds = array<i64: 2000, 128>}, {transform_indices = @transform_2, window_bounds = array<i64: 2000, 1>}, {transform_indices = @transform_3, window_bounds = array<i64: 2000, 1>}, {pipeline_mode = #tpu.pipeline_mode<synchronous>, transform_indices = @transform_4, window_bounds = array<i64: 1, 128>}, {pipeline_mode = #tpu.pipeline_mode<synchronous>, transform_indices = @transform_5, window_bounds = array<i64: 128, 128>}, {transform_indices = @transform_6, window_bounds = array<i64: 2000, 128>}]} {
    %get3A = arith.constant 0 : index
    %get3A_0 = arith.constant 0 : index
    %get3A_1 = vector.load %arg3[%get3A, %get3A_0] : memref<2000x1xf32, #tpu.memory_space<vmem>>, vector<2000x1xf32>
    %get3A_2 = arith.constant 0 : index
    %get3A_3 = arith.constant 0 : index
    %get3A_4 = vector.load %arg4[%get3A_2, %get3A_3] : memref<2000x1xf32, #tpu.memory_space<vmem>>, vector<2000x1xf32>
    %add3A = arith.addf %get3A_1, %get3A_4 : vector<2000x1xf32>
    %add3A_5 = arith.constant 1.000000e+00 : f32
    %add3A_6 = vector.broadcast %add3A_5 : f32 to vector<2000x1xf32>
    %add3A_7 = arith.addf %add3A, %add3A_6 : vector<2000x1xf32>
    %rsqrt3A = math.rsqrt %add3A_7 : vector<2000x1xf32>
    %get3A_8 = arith.constant 0 : index
    %get3A_9 = arith.constant 0 : index
    %get3A_10 = arith.constant 0 : index
    %get3A_11 = vector.load %arg1[%get3A_8, %get3A_9, %get3A_10] : memref<2x2000x128xf32, #tpu.memory_space<vmem>>, vector<1x2000x128xf32>
    %get3A_12 = vector.shape_cast %get3A_11 : vector<1x2000x128xf32> to vector<2000x128xf32>
    %get3A_13 = arith.constant 1 : index
    %get3A_14 = arith.constant 0 : index
    %get3A_15 = arith.constant 0 : index
    %get3A_16 = vector.load %arg1[%get3A_13, %get3A_14, %get3A_15] : memref<2x2000x128xf32, #tpu.memory_space<vmem>>, vector<1x2000x128xf32>
    %get3A_17 = vector.shape_cast %get3A_16 : vector<1x2000x128xf32> to vector<2000x128xf32>
    %add3A_18 = arith.addf %get3A_12, %get3A_17 : vector<2000x128xf32>
    %get3A_19 = arith.constant 0 : index
    %get3A_20 = arith.constant 0 : index
    %get3A_21 = vector.load %arg2[%get3A_19, %get3A_20] : memref<2000x128xf32, #tpu.memory_space<vmem>>, vector<2000x128xf32>
    %add3A_22 = arith.addf %add3A_18, %get3A_21 : vector<2000x128xf32>
    %mul3A = vector.broadcast %rsqrt3A : vector<2000x1xf32> to vector<2000x128xf32>
    %mul3A_23 = arith.mulf %add3A_22, %mul3A : vector<2000x128xf32>
    %get3A_24 = arith.constant 0 : index
    %get3A_25 = arith.constant 0 : index
    %get3A_26 = vector.load %arg5[%get3A_24, %get3A_25] : memref<1x128xf32, #tpu.memory_space<vmem>>, vector<1x128xf32>
    %add3A_27 = vector.broadcast %get3A_26 : vector<1x128xf32> to vector<2000x128xf32>
    %add3A_28 = arith.addf %mul3A_23, %add3A_27 : vector<2000x128xf32>
    %max3A = arith.constant 0.000000e+00 : f32
    %max3A_29 = vector.broadcast %max3A : f32 to vector<2000x128xf32>
    %max3A_30 = arith.maximumf %add3A_28, %max3A_29 : vector<2000x128xf32>
    %get3A_31 = arith.constant 0 : index
    %get3A_32 = arith.constant 0 : index
    %get3A_33 = vector.load %arg6[%get3A_31, %get3A_32] : memref<128x128xf32, #tpu.memory_space<vmem>>, vector<128x128xf32>
    %dot_general3A = arith.constant dense<0.000000e+00> : vector<2000x128xf32>
    %dot_general3A_34 = tpu.matmul %max3A_30, %get3A_33, %dot_general3A {dimension_numbers = #tpu.dot_dimension_numbers<[1], [0], [0], [1], [0, 0, 1, 1], [], []>, transpose_lhs_hint = false} : vector<2000x128xf32>, vector<128x128xf32>, vector<2000x128xf32> -> vector<2000x128xf32>
    %mul3A_35 = vector.broadcast %rsqrt3A : vector<2000x1xf32> to vector<2000x128xf32>
    %mul3A_36 = arith.mulf %dot_general3A_34, %mul3A_35 : vector<2000x128xf32>
    %swap3A = arith.constant 0 : index
    %swap3A_37 = arith.constant 0 : index
    %swap3A_38 = vector.load %arg7[%swap3A, %swap3A_37] : memref<2000x128xf32, #tpu.memory_space<vmem>>, vector<2000x128xf32>
    tpu.vector_store %arg7[%swap3A, %swap3A_37], %mul3A_36 {strides = array<i32>} : memref<2000x128xf32, #tpu.memory_space<vmem>>, vector<2000x128xf32>,
    return
  }
  func.func @transform_0(%arg0: i32) -> (i32, i32, i32) {
    %c0_i32 = arith.constant 0 : i32
    %c0_i32_0 = arith.constant 0 : i32
    %c0_i32_1 = arith.constant 0 : i32
    return %c0_i32, %arg0, %c0_i32_0 : i32, i32, i32
  }
  func.func @transform_1(%arg0: i32) -> (i32, i32) {
    %c0_i32 = arith.constant 0 : i32
    %c0_i32_0 = arith.constant 0 : i32
    return %arg0, %c0_i32 : i32, i32
  }
  func.func @transform_2(%arg0: i32) -> (i32, i32) {
    %c0_i32 = arith.constant 0 : i32
    %c0_i32_0 = arith.constant 0 : i32
    return %arg0, %c0_i32 : i32, i32
  }
  func.func @transform_3(%arg0: i32) -> (i32, i32) {
    %c0_i32 = arith.constant 0 : i32
    %c0_i32_0 = arith.constant 0 : i32
    return %arg0, %c0_i32 : i32, i32
  }
  func.func @transform_4(%arg0: i32) -> (i32, i32) {
    %c0_i32 = arith.constant 0 : i32
    %c0_i32_0 = arith.constant 0 : i32
    %c0_i32_1 = arith.constant 0 : i32
    return %c0_i32, %c0_i32_0 : i32, i32
  }
  func.func @transform_5(%arg0: i32) -> (i32, i32) {
    %c0_i32 = arith.constant 0 : i32
    %c0_i32_0 = arith.constant 0 : i32
    %c0_i32_1 = arith.constant 0 : i32
    return %c0_i32, %c0_i32_0 : i32, i32
  }
  func.func @transform_6(%arg0: i32) -> (i32, i32) {
    %c0_i32 = arith.constant 0 : i32
    %c0_i32_0 = arith.constant 0 : i32
    return %arg0, %c0_i32 : i32, i32
  }
}

module attributes {stable_mosaic.version = 14 : i64} {
  func.func @_out_body(%arg0: i32, %arg1: memref<2x2000x128xf32, #tpu.memory_space<vmem>>, %arg2: memref<2000x128xf32, #tpu.memory_space<vmem>>, %arg3: memref<2000x1xf32, #tpu.memory_space<vmem>>, %arg4: memref<2000x1xf32, #tpu.memory_space<vmem>>, %arg5: memref<1x40xf32, #tpu.memory_space<vmem>>, %arg6: memref<2000x40xf32, #tpu.memory_space<vmem>>) attributes {dimension_semantics = [#tpu.dimension_semantics<arbitrary>], iteration_bounds = array<i64: 5>, scalar_prefetch = 0 : i64, scratch_operands = 0 : i64, tpu.core_type = #tpu.core_type<tc>, window_params = [{transform_indices = @transform_0, window_bounds = array<i64: 2, 2000, 128>}, {transform_indices = @transform_1, window_bounds = array<i64: 2000, 128>}, {transform_indices = @transform_2, window_bounds = array<i64: 2000, 1>}, {transform_indices = @transform_3, window_bounds = array<i64: 2000, 1>}, {pipeline_mode = #tpu.pipeline_mode<synchronous>, transform_indices = @transform_4, window_bounds = array<i64: 1, 40>}, {transform_indices = @transform_5, window_bounds = array<i64: 2000, 40>}]} {
    %get3A = arith.constant 0 : index
    %get3A_0 = arith.constant 0 : index
    %get3A_1 = vector.load %arg3[%get3A, %get3A_0] : memref<2000x1xf32, #tpu.memory_space<vmem>>, vector<2000x1xf32>
    %get3A_2 = arith.constant 0 : index
    %get3A_3 = arith.constant 0 : index
    %get3A_4 = vector.load %arg4[%get3A_2, %get3A_3] : memref<2000x1xf32, #tpu.memory_space<vmem>>, vector<2000x1xf32>
    %add3A = arith.addf %get3A_1, %get3A_4 : vector<2000x1xf32>
    %add3A_5 = arith.constant 1.000000e+00 : f32
    %add3A_6 = vector.broadcast %add3A_5 : f32 to vector<2000x1xf32>
    %add3A_7 = arith.addf %add3A, %add3A_6 : vector<2000x1xf32>
    %rsqrt3A = math.rsqrt %add3A_7 : vector<2000x1xf32>
    %get3A_8 = arith.constant 0 : index
    %get3A_9 = arith.constant 0 : index
    %get3A_10 = arith.constant 0 : index
    %get3A_11 = vector.load %arg1[%get3A_8, %get3A_9, %get3A_10] : memref<2x2000x128xf32, #tpu.memory_space<vmem>>, vector<1x2000x40xf32>
    %get3A_12 = vector.shape_cast %get3A_11 : vector<1x2000x40xf32> to vector<2000x40xf32>
    %get3A_13 = arith.constant 1 : index
    %get3A_14 = arith.constant 0 : index
    %get3A_15 = arith.constant 0 : index
    %get3A_16 = vector.load %arg1[%get3A_13, %get3A_14, %get3A_15] : memref<2x2000x128xf32, #tpu.memory_space<vmem>>, vector<1x2000x40xf32>
    %get3A_17 = vector.shape_cast %get3A_16 : vector<1x2000x40xf32> to vector<2000x40xf32>
    %add3A_18 = arith.addf %get3A_12, %get3A_17 : vector<2000x40xf32>
    %get3A_19 = arith.constant 0 : index
    %get3A_20 = arith.constant 0 : index
    %get3A_21 = vector.load %arg2[%get3A_19, %get3A_20] : memref<2000x128xf32, #tpu.memory_space<vmem>>, vector<2000x40xf32>
    %add3A_22 = arith.addf %add3A_18, %get3A_21 : vector<2000x40xf32>
    %mul3A = vector.broadcast %rsqrt3A : vector<2000x1xf32> to vector<2000x40xf32>
    %mul3A_23 = arith.mulf %add3A_22, %mul3A : vector<2000x40xf32>
    %get3A_24 = arith.constant 0 : index
    %get3A_25 = arith.constant 0 : index
    %get3A_26 = vector.load %arg5[%get3A_24, %get3A_25] : memref<1x40xf32, #tpu.memory_space<vmem>>, vector<1x40xf32>
    %add3A_27 = vector.broadcast %get3A_26 : vector<1x40xf32> to vector<2000x40xf32>
    %add3A_28 = arith.addf %mul3A_23, %add3A_27 : vector<2000x40xf32>
    %reduce_max3A = arith.constant dense<0xFF800000> : vector<2000xf32>
    %reduce_max3A_29 = vector.multi_reduction <maximumf>, %add3A_28, %reduce_max3A [1] : vector<2000x40xf32> to vector<2000xf32>
    %broadcast_in_dim3A = vector.shape_cast %reduce_max3A_29 : vector<2000xf32> to vector<2000x1xf32>
    %sub3A = vector.broadcast %broadcast_in_dim3A : vector<2000x1xf32> to vector<2000x40xf32>
    %sub3A_30 = arith.subf %add3A_28, %sub3A : vector<2000x40xf32>
    %exp3A = math.exp %sub3A_30 : vector<2000x40xf32>
    %sub3A_31 = vector.broadcast %broadcast_in_dim3A : vector<2000x1xf32> to vector<2000x40xf32>
    %sub3A_32 = arith.subf %add3A_28, %sub3A_31 : vector<2000x40xf32>
    %reduce_sum3A = arith.constant dense<0.000000e+00> : vector<2000xf32>
    %reduce_sum3A_33 = vector.multi_reduction <add>, %exp3A, %reduce_sum3A [1] : vector<2000x40xf32> to vector<2000xf32>
    %broadcast_in_dim3A_34 = vector.shape_cast %reduce_sum3A_33 : vector<2000xf32> to vector<2000x1xf32>
    %log3A = math.log %broadcast_in_dim3A_34 : vector<2000x1xf32>
    %sub3A_35 = vector.broadcast %log3A : vector<2000x1xf32> to vector<2000x40xf32>
    %sub3A_36 = arith.subf %sub3A_32, %sub3A_35 : vector<2000x40xf32>
    %swap3A = arith.constant 0 : index
    %swap3A_37 = arith.constant 0 : index
    %swap3A_38 = vector.load %arg6[%swap3A, %swap3A_37] : memref<2000x40xf32, #tpu.memory_space<vmem>>, vector<2000x40xf32>
    tpu.vector_store %arg6[%swap3A, %swap3A_37], %sub3A_36 {strides = array<i32>} : memref<2000x40xf32, #tpu.memory_space<vmem>>, vector<2000x40xf32>,
    return
  }
  func.func @transform_0(%arg0: i32) -> (i32, i32, i32) {
    %c0_i32 = arith.constant 0 : i32
    %c0_i32_0 = arith.constant 0 : i32
    %c0_i32_1 = arith.constant 0 : i32
    return %c0_i32, %arg0, %c0_i32_0 : i32, i32, i32
  }
  func.func @transform_1(%arg0: i32) -> (i32, i32) {
    %c0_i32 = arith.constant 0 : i32
    %c0_i32_0 = arith.constant 0 : i32
    return %arg0, %c0_i32 : i32, i32
  }
  func.func @transform_2(%arg0: i32) -> (i32, i32) {
    %c0_i32 = arith.constant 0 : i32
    %c0_i32_0 = arith.constant 0 : i32
    return %arg0, %c0_i32 : i32, i32
  }
  func.func @transform_3(%arg0: i32) -> (i32, i32) {
    %c0_i32 = arith.constant 0 : i32
    %c0_i32_0 = arith.constant 0 : i32
    return %arg0, %c0_i32 : i32, i32
  }
  func.func @transform_4(%arg0: i32) -> (i32, i32) {
    %c0_i32 = arith.constant 0 : i32
    %c0_i32_0 = arith.constant 0 : i32
    %c0_i32_1 = arith.constant 0 : i32
    return %c0_i32, %c0_i32_0 : i32, i32
  }
  func.func @transform_5(%arg0: i32) -> (i32, i32) {
    %c0_i32 = arith.constant 0 : i32
    %c0_i32_0 = arith.constant 0 : i32
    return %arg0, %c0_i32 : i32, i32
  }
}

</mosaic_0001>

<sc_bundles>
// kernel: kernel.11.cloned.1.call-start
scs
__scs_entry_jumppad:
0x0: {  	(pc) =	sbr.rel $0x88, $3  }
0x1: {  	(tag) =	ssettag $0x0;
	lr =	simm.s32 $0x1  }
0x2: {  	[smem:$0x3F9B] =	sst lr;
	_ =	strace $0xD0000000  }
0x3: {  	_ = 	snop  }
0x4: {  	_ = 	snop  }
0x5: {  	_ = 	snop  }
0x6: {  	_ = 	snop  }
0x7: {  	_ = 	snop  }
__scs_overlays_trampoline_lowered:
0x8: {  	[smem:$0x3FAA] =	sst s0  }
0x9: {  	[smem:$0x3FAB] =	sst s1  }
0xa: {  	[smem:$0x3FAC] =	sst s2  }
0xb: {  	[smem:$0x3FAD] =	sst s3  }
0xc: {  	[smem:$0x3FAE] =	sst s4  }
0xd: {  	[smem:$0x3FAF] =	sst s5  }
0xe: {  	[smem:$0x3FB0] =	sst s6  }
0xf: {  	[smem:$0x3FB1] =	sst s7  }
0x10: {  	[smem:$0x3FB2] =	sst s8  }
0x11: {  	[smem:$0x3FB3] =	sst s9;
	s0 =	simm.s32 @!p0 $0x0  }
0x12: {  	s1 =	sld [smem:$0x3F99];
	s0 =	simm.s32 @p0 $0x1  }
0x13: {  	[smem:$0x3FB4] =	sst s0;
	s0 =	simm.s32 @!p1 $0x0  }
0x14: {  	s2 =	sld [smem:$0x3F98];
	s0 =	simm.s32 @p1 $0x1  }
0x15: {  	[smem:$0x3FB5] =	sst s0;
	s0 =	simm.s32 @!p2 $0x0  }
0x16: {  	s3 =	sld [smem:$0x3FDB];
	s0 =	simm.s32 @p2 $0x1  }
0x17: {  	s4 =	simm.s32 $0x1BF5;
	[smem:$0x3FB7] =	sst s0  }
0x18: {  	s0 =	sld [smem:$0x3F9A];
	_ =	swait.ge [sflag:s4], $0x0  }
0x19: {  	s7 =	sld [smem:$0x3F9B]  }
0x1a: {  	s8 =	sadd.s32 $0xFFFFE003, lr  }
0x1b: {  	s9 =	sadd.s32 $0xFFFFFEF7, lr;
	s5 =	simm.s32 $0xFFFFFFFF;
	p2 =	slt.u32 s8, $0xFFFFF086  }
0x1c: {  	p1 =	slt.u32 s9, $0xF7A;
	s5 =	simm.s32 @!p2 $0x0  }
0x1d: {  	s5 =	simm.s32 @p1 $0x1;
	p0 =	seq.s32 s7, s2  }
0x1e: {  	s7 =	smul.u32 @!p0 $0xF7A, s2;
	p2 =	seq.s32 @!p0 s5, $0x0  }
0x1f: {  	s9 =	smul.u32 $0xF7A, s1;
	s8 =	simm.s32 @!p0 $0x1BF5;
	p2 =	por !p2, p0  }
0x20: {  	[sflag:s8] =	ssyncset.s32 @!p0 $0xFFFFF086;
	s6 =	sadd.s32 @!p0 s3, s7;
	s7 =	simm.s32 @!p0 $0x108  }
0x21: {  	s3 =	sadd.s32 s3, s9;
	s6 =	sadd.s32 @!p0 $0x88, s6;
	s7 =	simm.s32 @p2 $0x1082  }
0x22: {  	[simem:s7], [sflag:s8] =	dma.local @!p0 [hbm:s6], $0xF7A  }
0x23: {  	s9 =	sor.u32 $0xD0000000, s2;
	s6 =	simm.s32 $0x108;
	_ =	swait.ge @!p0 [sflag:s8], $0x0  }
0x24: {  	s3 =	sadd.s32 $0x88, s3;
	s6 =	simm.s32 @!p1 $0x1082;
	[sflag:s4] =	ssyncset.s32 $0xFFFFF086  }
0x25: {  	[simem:s6], [sflag:s4] =	dma.local [hbm:s3], $0xF7A  }
0x26: {  	[smem:$0x3F9B] =	sst s1;
	(tag) =	ssettag s2;
	_ =	strace s9  }
0x27: {  	s1 =	sld [smem:$0x3FAB]  }
0x28: {  	s2 =	sld [smem:$0x3FAC]  }
0x29: {  	s4 =	sld [smem:$0x3FAE]  }
0x2a: {  	p0 =	seq.s32 s5, $0x0;
	s5 =	sld [smem:$0x3FAF]  }
0x2b: {  	s6 =	sld [smem:$0x3FB0]  }
0x2c: {  	s7 =	sld [smem:$0x3FB1]  }
0x2d: {  	s3 =	simm.s32 $0x108;
	s8 =	sld [smem:$0x3FB2]  }
0x2e: {  	s3 =	simm.s32 @!p0 $0x1082;
	s9 =	sld [smem:$0x3FB3]  }
0x2f: {  	lr =	sadd.s32 s0, s3;
	s0 =	sld [smem:$0x3FAA]  }
0x30: {  	s3 =	sld [smem:$0x3FAD]  }
0x31: {  	[smem:$0x3FB6] =	sst s10  }
0x32: {  	s10 =	sld [smem:$0x3FB4];
	_ =	sdelay $0x3  }
0x33: {  	p0 =	seq.s32 s10, $0x1;
	s10 =	sld [smem:$0x3FB6];
	_ =	sdelay $0x3  }
0x34: {  	[smem:$0x3FB6] =	sst s10  }
0x35: {  	s10 =	sld [smem:$0x3FB5];
	_ =	sdelay $0x3  }
0x36: {  	p1 =	seq.s32 s10, $0x1;
	s10 =	sld [smem:$0x3FB6];
	_ =	sdelay $0x3  }
0x37: {  	[smem:$0x3FB6] =	sst s10  }
0x38: {  	s10 =	sld [smem:$0x3FB7]  }
0x39: {  	_ = 	snop;
	(pc) =	sbr.ind lr, $3  }
0x3a: {  	_ = 	snop  }
0x3b: {  	_ = 	snop  }
0x3c: {  	p2 =	seq.s32 s10, $0x1;
	s10 =	sld [smem:$0x3FB6]  }
0x3d: {  	_ =	shalt  }
0x3e: {  	_ =	shalt  }
0x3f: {  	_ =	shalt  }
0x40: {  	_ =	shalt  }
0x41: {  	_ =	shalt  }
0x42: {  	_ =	shalt  }
0x43: {  	_ =	shalt  }
0x44: {  	_ =	shalt  }
0x45: {  	_ =	shalt  }
0x46: {  	_ =	shalt  }
0x47: {  	_ =	shalt  }
0x48: {  	_ =	shalt  }
0x49: {  	_ =	shalt  }
0x4a: {  	_ =	shalt  }
0x4b: {  	_ =	shalt  }
0x4c: {  	_ =	shalt  }
0x4d: {  	_ =	shalt  }
0x4e: {  	_ =	shalt  }
0x4f: {  	_ =	shalt  }
0x50: {  	_ =	shalt  }
0x51: {  	_ =	shalt  }
0x52: {  	_ =	shalt  }
0x53: {  	_ =	shalt  }
0x54: {  	_ =	shalt  }
0x55: {  	_ =	shalt  }
0x56: {  	_ =	shalt  }
0x57: {  	_ =	shalt  }
0x58: {  	_ =	shalt  }
0x59: {  	_ =	shalt  }
0x5a: {  	_ =	shalt  }
0x5b: {  	_ =	shalt  }
0x5c: {  	_ =	shalt  }
0x5d: {  	_ =	shalt  }
0x5e: {  	_ =	shalt  }
0x5f: {  	_ =	shalt  }
0x60: {  	_ =	shalt  }
0x61: {  	_ =	shalt  }
0x62: {  	_ =	shalt  }
0x63: {  	_ =	shalt  }
0x64: {  	_ =	shalt  }
0x65: {  	_ =	shalt  }
0x66: {  	_ =	shalt  }
0x67: {  	_ =	shalt  }
0x68: {  	_ =	shalt  }
0x69: {  	_ =	shalt  }
0x6a: {  	_ =	shalt  }
0x6b: {  	_ =	shalt  }
0x6c: {  	_ =	shalt  }
0x6d: {  	_ =	shalt  }
0x6e: {  	_ =	shalt  }
0x6f: {  	_ =	shalt  }
0x70: {  	_ =	shalt  }
0x71: {  	_ =	shalt  }
0x72: {  	_ =	shalt  }
0x73: {  	_ =	shalt  }
0x74: {  	_ =	shalt  }
0x75: {  	_ =	shalt  }
0x76: {  	_ =	shalt  }
0x77: {  	_ =	shalt  }
0x78: {  	_ =	shalt  }
0x79: {  	_ =	shalt  }
0x7a: {  	_ =	shalt  }
0x7b: {  	_ =	shalt  }
0x7c: {  	_ =	shalt  }
0x7d: {  	_ =	shalt  }
0x7e: {  	_ =	shalt  }
0x7f: {  	_ =	shalt  }
0x80: {  	_ =	shalt  }
0x81: {  	_ =	shalt  }
0x82: {  	_ =	shalt  }
0x83: {  	_ =	shalt  }
0x84: {  	_ =	shalt  }
0x85: {  	_ =	shalt  }
0x86: {  	_ =	shalt  }
0x87: {  	_ =	shalt  }
.Lfunc_end0:
.L_simem_size_0:
called_computation.1_lowered:
.L_overlay_start_0:
0x88: {  	s2 =	sld [smem:$0x3FD9]  }
0x89: {  	s3 =	sld [smem:$0x3FFE];
	_ =	sdelay $0x1  }
0x8a: {  	s1 =	srdreg.scid  }
0x8b: {  	s0 =	sand.u32 $0x1, s1  }
0x8c: {  	s17 =	sshll.u32 s0, $0xA;
	s2 =	sadd.s32 s3, s2  }
0x8d: {  	s2 =	sadd.s32 s2, s17  }
0x8e: {  	[smem:$0x3FC2] =	sst s2  }
0x8f: {  	_ = 	snop  }
0x90: {  	s2 =	sld [smem:$0x3FD0];
	(tm) =	ssettm $0x1  }
0x91: {  	s18 =	sld [smem:$0x3FFB];
	_ =	sdelay $0x3  }
0x92: {  	_ =	strace s18  }
0x93: {  	s3 =	sld [smem:$0x3FFC];
	_ =	sdelay $0x3  }
0x94: {  	_ =	strace s3  }
0x95: {  	s3 =	sld [smem:$0x3FFD];
	_ =	sdelay $0x3  }
0x96: {  	_ =	strace s3  }
0x97: {  	_ =	strace $0x8FFFFFFF  }
0x98: {  	s19 =	sld [smem:$0x3FDB];
	_ =	sdelay $0x1  }
0x99: {  	s4 =	simm.s32 $_scs_section_size  }
0x9a: {  	s5 =	simm.s32 $_size__tile_overlayer_lowered;
	s6 =	simm.s32 $_tile_overlayer_lowered  }
0x9b: {  	s22 =	simm.s32 $0x1BFF;
	s21 =	sshll.u32 s6, $0x1;
	s3 =	sadd.s32 s4, s19  }
0x9c: {  	s7 =	simm.s32 $0x0;
	s20 =	sshll.u32 s5, $0x1;
	s5 =	sadd.s32 s21, s3  }
0x9d: {  	[timem:s7], [sflag:s22] =	dma.local [hbm:s5], s20  }
0x9e: {  	_ =	swait.ge [sflag:s22], s20  }
0x9f: {  	s4 =	ssub.s32 $0x0, s20;
	[sflag:s22] =	ssyncset.done $0x0  }
0xa0: {  	[sflag:s22] =	ssyncadd.s32 s4;
	_ =	sdelay $0x1  }
0xa1: {  	s23 =	simm.s32 $0x1B8B  }
0xa2: {  	_ =	swait.ge [sflag:s23], $0x1  }
0xa3: {  	[sflag:s23] =	ssyncset.done $0x0  }
0xa4: {  	s25 =	simm.s32 $0x1B8E;
	s24 =	sld [smem:$0x3FFE];
	[sflag:s23] =	ssyncadd.s32 $0xFFFFFFFF  }
0xa5: {  	s26 =	simm.s32 $execute0_lowered;
	[smem:$0x3FD2] =	sst s25  }
0xa6: {  	s5 =	sshll.u32 s26, $0x1;
	_ =	strace $0x80000049;
	[dreg:$0x1] =	wrdreg $0xFFFFFFFF  }
0xa7: {  	s28 =	simm.s32 $_size_execute0_lowered;
	s3 =	sadd.s32 s3, s5;
	[dreg:$0x0] =	wrdreg $0x0  }
0xa8: {  	s5 =	sshll.u32 s28, $0x1;
	[dreg:$0x2] =	wrdreg s3  }
0xa9: {  	[dreg:$0x3] =	wrdreg s5  }
0xaa: {  	[dreg:$0x4] =	wrdreg $0xC0  }
0xab: {  	_ =	task [dreg:s7], $0x5FFFF  }
0xac: {  	[dreg:$0x1] =	wrdreg $0xFFFFFFFF  }
0xad: {  	[dreg:$0x0] =	wrdreg $0x60  }
0xae: {  	[dreg:$0x2] =	wrdreg s24  }
0xaf: {  	[dreg:$0x3] =	wrdreg s2  }
0xb0: {  	[dreg:$0x4] =	wrdreg $0x90000  }
0xb1: {  	[dreg:$0x5] =	wrdreg $0x9  }
0xb2: {  	_ =	task.clear_ibuf [dreg:s7], $0x6FFFF;
	_ =	strace $0x90000049  }
0xb3: {  	s29 =	simm.s32 $0x9;
	_ =	strace $0x8000004B  }
0xb4: {  	_ =	swait.ge [sflag:s29], $0x1  }
0xb5: {  	[sflag:s29] =	ssyncadd.s32 $0xFFFFFFFF  }
0xb6: {  	_ =	strace $0x9000004B  }
0xb7: {  	_ =	sfence  }
0xb8: {  	s30 =	sld [smem:$0x0];
	_ =	sdelay $0x2  }
0xb9: {  	s31 =	sshll.u32 s1, $0xD;
	s1 =	sshrl.u32 s1, $0x2  }
0xba: {  	s3 =	sand.u32 $0x4000, s31;
	s1 =	sadd.s32 s1, s30  }
0xbb: {  	s0 =	sor.u32 s3, s0;
	s1 =	sshll.u32 s1, $0x11  }
0xbc: {  	s0 =	sor.u32 s1, s0  }
0xbd: {  	s0 =	sadd.s32 $0x8F2B, s0  }
0xbe: {  	[sflag:s0] =	ssyncadd.remote.s32 $0x1  }
0xbf: {  	_ =	sfence.sel $0xFFFF  }
0xc0: {  	[dreg:$0x0] =	wrdreg $0xFFFFFFFF;
	(pc) =	sbr.abs _section_cstart, $3  }
0xc1: {  	[dreg:$0x1] =	wrdreg $0xFFFFFFFF  }
0xc2: {  	_ =	task.clear_ibuf [dreg:s7], $0x2FFFF;
	_ =	strace $0x9FFFFFFF  }
0xc3: {  	(tm) =	ssettm $0x7FFFFFFF  }
tec
execute0_lowered:
.L_overlay_start_1:
0x0: {  	(tag) =	ssettag $0x1  }
0x1: {  	s0 =	rddreg [dreg:$0x0];
	s1 =	srdreg.scid  }
0x2: {  	s11 =	stileid.u32;
	s5 =	rddreg [dreg:$0x1]  }
0x3: {  	s2 =	rddreg [dreg:$0x2];
	s3 =	simm.s32 $0x0;
	s16 =	simm.s32 $0x180  }
0x4: {  	s18 =	simm.s32 $0x200;
	s19 =	simm.s32 $0x980;
	s28 =	simm.s32 $0xC00  }
0x5: {  	s29 =	simm.s32 $0x500;
	s30 =	simm.s32 $0xC80;
	s31 =	simm.s32 $0x580  }
0x6: {  	s4 =	smul.u32 $0x2800, s11;
	[smem:$0x7FF] =	sst s3;
	s9 =	sadd.s32 $0x33800, s0  }
0x7: {  	s7 =	smul.u32 $0x50000, s11;
	_ =	strace $0x8000004A;
	[dreg:$0x12] =	wrdreg s9  }
0x8: {  	s1 =	sand.u32 $0x1, s1;
	s11 =	smul.u32 $0x14000, s11;
	[dreg:$0x8] =	wrdreg s16  }
0x9: {  	s6 =	smul.u32 $0x28000, s1;
	s21 =	ssub.s32 $0x2, s1;
	[dreg:$0xa] =	wrdreg s18  }
0xa: {  	s1 =	smul.u32 $0x140000, s1;
	[dreg:$0xb] =	wrdreg s19;
	s18 =	simm.s32 $0x3  }
0xb: {  	s19 =	simm.s32 $0x800;
	s16 =	simm.s32 $0xF00;
	s10 =	sshrl.u32 s21, $0x1  }
0xc: {  	s7 =	sshrl.u32 s7, $0x2;
	s22 =	sadd.s32 $0x4000, s11;
	s23 =	sadd.s32 $0x8000, s11  }
0xd: {  	s12 =	sadd.s32 $0xC000, s11;
	s13 =	sadd.s32 $0x10000, s11;
	s4 =	ssub.s32 s4, s6  }
0xe: {  	s9 =	ssub.s32 s21, s10;
	s14 =	sadd.s32 s7, s2;
	s15 =	sadd.s32 s22, s2  }
0xf: {  	s8 =	sadd.s32 s23, s2;
	s24 =	sadd.s32 s12, s2;
	s11 =	sadd.s32 s11, s1  }
0x10: {  	s7 =	sadd.s32 s1, s22;
	s10 =	sadd.s32 s1, s23;
	[dreg:$0x15] =	wrdreg s8  }
0x11: {  	s21 =	simm.s32 $0x280;
	s22 =	simm.s32 $0xA00;
	[dreg:$0x16] =	wrdreg s24  }
0x12: {  	s23 =	simm.s32 $0x300;
	s6 =	sadd.s32 $0x28000, s4;
	[dreg:$0xc] =	wrdreg s21  }
0x13: {  	s4 =	sadd.s32 $0xC600, s0;
	s25 =	sshrl.u32 s10, $0x3;
	[dreg:$0xd] =	wrdreg s22  }
0x14: {  	s10 =	smov.u32 s14;
	s14 =	simm.s32 $0x880;
	[dreg:$0xe] =	wrdreg s23  }
0x15: {  	s8 =	sadd.s32 s13, s2;
	s20 =	smax.u32 s9, $0x1;
	[dreg:$0x7] =	wrdreg s14  }
0x16: {  	s11 =	sshrl.u32 s11, $0x3;
	s24 =	simm.s32 $0xA80;
	[dreg:$0x1d] =	wrdreg s20  }
0x17: {  	s7 =	sshrl.u32 s7, $0x3;
	s9 =	smov.u32 s15;
	[dreg:$0xf] =	wrdreg s24  }
0x18: {  	s21 =	simm.s32 $0x5000;
	s22 =	simm.s32 $0x1;
	[dreg:$0x13] =	wrdreg s10  }
0x19: {  	s23 =	simm.s32 $0x2;
	s15 =	simm.s32 $0x780;
	[dreg:$0x14] =	wrdreg s9  }
0x1a: {  	s6 =	sshrl.u32 s6, $0x3;
	s20 =	simm.s32 $0x80;
	[dreg:$0x17] =	wrdreg s8  }
0x1b: {  	s17 =	sadd.s32 s6, s0;
	s0 =	sadd.s32 $0x34000, s0;
	s5 =	sadd.s32 s6, s5  }
0x1c: {  	s24 =	simm.s32 $0x400;
	s11 =	sadd.s32 s0, s11;
	[dreg:$0x4] =	wrdreg s5  }
0x1d: {  	s14 =	simm.s32 $0xE80;
	s7 =	sadd.s32 s0, s7;
	[dreg:$0x18] =	wrdreg s11  }
0x1e: {  	s26 =	sadd.s32 s0, s25;
	s25 =	simm.s32 $0x380;
	[dreg:$0x19] =	wrdreg s7  }
0x1f: {  	s5 =	simm.s32 $0xD80;
	[dreg:$0x1a] =	wrdreg s26;
	s7 =	sadd.s32 $0x2600, s17  }
0x20: {  	s11 =	sadd.s32 s1, s12;
	s12 =	simm.s32 $0x100;
	[dreg:$0x10] =	wrdreg s25  }
0x21: {  	s1 =	sadd.s32 s1, s13;
	s17 =	simm.s32 $0x900;
	[dreg:$0x5] =	wrdreg s7  }
0x22: {  	s26 =	simm.s32 $0xB00;
	s25 =	simm.s32 $0xB80;
	[dreg:$0x6] =	wrdreg s12  }
0x23: {  	s13 =	simm.s32 $0x700;
	s6 =	sshrl.u32 s11, $0x3;
	[dreg:$0x9] =	wrdreg s17  }
0x24: {  	s1 =	sshrl.u32 s1, $0x3;
	s17 =	simm.s32 $0x1000;
	[dreg:$0x11] =	wrdreg s26  }
0x25: {  	s26 =	simm.s32 $0x480;
	s11 =	simm.s32 $0x680;
	s7 =	simm.s32 $0x0  }
0x26: {  	s12 =	simm.s32 $0xE00;
	s6 =	sadd.s32 s0, s6;
	[dreg:$0x1e] =	wrdreg s7  }
0x27: {  	s0 =	sadd.s32 s0, s1;
	s1 =	simm.s32 $0xD00;
	[dreg:$0x1b] =	wrdreg s6  }
0x28: {  	[dreg:$0x1c] =	wrdreg s0;
	s0 =	simm.s32 $0x600;
	s6 =	simm.s32 $0xF80  }
.LBB2_1:
0x29: {  	s7 =	rddreg [dreg:$0x12]  }
0x2a: {  	[tilespmem:s17], [sflag:$0x3] =	stream.linear.gather [hbm4b:s7+s3], $0x4000, $0x38;
	[tilespmem:$0x1D000] =	vst v63  }
0x2b: {  	_ =	swait.ge [sflag:s18], $0x4000  }
0x2c: {  	[sflag:s18] =	ssyncset.done $0x0  }
0x2d: {  	[sflag:s18] =	ssyncadd.s32 $0xFFFFC000  }
0x2e: {  	[spmem:s10] =	stream.linear.scatter [tilespmem:s17], [sflag:$0x3], $0x4000, $0x38;
	[tilespmem:$0x1D000] =	vst v63  }
0x2f: {  	_ =	swait.ge [sflag:s18], $0x4000  }
0x30: {  	[sflag:s18] =	ssyncset.done $0x0  }
0x31: {  	[sflag:s18] =	ssyncadd.s32 $0xFFFFC000  }
0x32: {  	[spmem:s9] =	stream.linear.scatter [tilespmem:s17], [sflag:$0x3], $0x4000, $0x38;
	[tilespmem:$0x1D000] =	vst v63  }
0x33: {  	_ =	swait.ge [sflag:s18], $0x4000  }
0x34: {  	[sflag:s18] =	ssyncset.done $0x0  }
0x35: {  	s9 =	rddreg [dreg:$0x15];
	[sflag:s18] =	ssyncadd.s32 $0xFFFFC000  }
0x36: {  	[spmem:s9] =	stream.linear.scatter [tilespmem:s17], [sflag:$0x3], $0x4000, $0x38;
	[tilespmem:$0x1D000] =	vst v63  }
0x37: {  	_ =	swait.ge [sflag:s18], $0x4000  }
0x38: {  	[sflag:s18] =	ssyncset.done $0x0  }
0x39: {  	s10 =	rddreg [dreg:$0x16];
	[sflag:s18] =	ssyncadd.s32 $0xFFFFC000  }
0x3a: {  	[spmem:s10] =	stream.linear.scatter [tilespmem:s17], [sflag:$0x3], $0x4000, $0x38;
	[tilespmem:$0x1D000] =	vst v63  }
0x3b: {  	_ =	swait.ge [sflag:s18], $0x4000  }
0x3c: {  	[sflag:s18] =	ssyncset.done $0x0  }
0x3d: {  	[sflag:s18] =	ssyncadd.s32 $0xFFFFC000  }
0x3e: {  	[spmem:s8] =	stream.linear.scatter [tilespmem:s17], [sflag:$0x3], $0x4000, $0x38;
	[tilespmem:$0x1D000] =	vst v63  }
0x3f: {  	_ =	swait.ge [sflag:s18], $0x4000  }
0x40: {  	[sflag:s18] =	ssyncset.done $0x0  }
0x41: {  	[sflag:s18] =	ssyncadd.s32 $0xFFFFC000  }
0x42: {  	[bflag:$0x0] =	sbarrier.arrive $0xFFFF  }
0x43: {  	s9 =	rddreg [dreg:$0x5]  }
0x44: {  	s8 =	sadd.s32 $0x0, s9  }
0x45: {  	[tilespmem:s3], [sflag:$0x3] =	stream.linear.gather [hbm4b:s8+s3], $0x800, $0x38;
	[tilespmem:$0x1D000] =	vst v63  }
0x46: {  	_ =	swait.ge [sflag:s18], $0x800  }
0x47: {  	s10 =	rddreg [dreg:$0x4];
	[sflag:s18] =	ssyncset.done $0x0  }
0x48: {  	[sflag:s18] =	ssyncadd.s32 $0xFFFFF800;
	s8 =	sadd.s32 $0x0, s10  }
0x49: {  	[tilespmem:s19], [sflag:$0x3] =	stream.linear.gather [hbm4b:s8+s3], $0x800, $0x38;
	[tilespmem:$0x1D000] =	vst v63  }
0x4a: {  	_ =	swait.ge [sflag:s18], $0x800  }
0x4b: {  	[sflag:s18] =	ssyncset.done $0x0  }
0x4c: {  	[sflag:s18] =	ssyncadd.s32 $0xFFFFF800  }
0x4d: {  	[tilespmem:s17], [sflag:$0x1] =	stream.indirect.gather [hbm4b:s4+s20], $0x80, s3, s20, $0xb8;
	[tilespmem:$0x1D000] =	vst v63  }
0x4e: {  	_ = 	snop  }
0x4f: {  	[tilespmem:s21], [sflag:$0x2] =	stream.indirect.gather [hbm4b:s4+s20], $0x80, s20, s20, $0xb8;
	[tilespmem:$0x1D000] =	vst v63  }
0x50: {  	_ =	swait.ge [sflag:s22], $0x4000  }
0x51: {  	[sflag:s22] =	ssyncset.done $0x0  }
0x52: {  	[sflag:s22] =	ssyncadd.s32 $0xFFFFC000  }
0x53: {  	[spmem:s2] =	stream.indirect.scatter.add.f32 [tilespmem:s17], [sflag:$0x3], $0x80, s19, s20, $0xb8;
	[tilespmem:$0x1D000] =	vst v63  }
0x54: {  	_ =	swait.ge [sflag:s18], $0x4000  }
0x55: {  	[sflag:s18] =	ssyncset.done $0x0  }
0x56: {  	s7 =	rddreg [dreg:$0x6];
	[sflag:s18] =	ssyncadd.s32 $0xFFFFC000  }
0x57: {  	[tilespmem:s17], [sflag:$0x1] =	stream.indirect.gather [hbm4b:s4+s20], $0x80, s7, s20, $0xb8;
	[tilespmem:$0x1D000] =	vst v63  }
0x58: {  	_ =	swait.ge [sflag:s23], $0x4000  }
0x59: {  	[sflag:s23] =	ssyncset.done $0x0  }
0x5a: {  	s9 =	rddreg [dreg:$0x7];
	[sflag:s23] =	ssyncadd.s32 $0xFFFFC000  }
0x5b: {  	[spmem:s2] =	stream.indirect.scatter.add.f32 [tilespmem:s21], [sflag:$0x3], $0x80, s9, s20, $0xb8;
	[tilespmem:$0x1D000] =	vst v63  }
0x5c: {  	_ =	swait.ge [sflag:s18], $0x4000  }
0x5d: {  	[sflag:s18] =	ssyncset.done $0x0  }
0x5e: {  	s10 =	rddreg [dreg:$0x8];
	[sflag:s18] =	ssyncadd.s32 $0xFFFFC000  }
0x5f: {  	[tilespmem:s21], [sflag:$0x2] =	stream.indirect.gather [hbm4b:s4+s20], $0x80, s10, s20, $0xb8;
	[tilespmem:$0x1D000] =	vst v63  }
0x60: {  	_ =	swait.ge [sflag:s22], $0x4000  }
0x61: {  	[sflag:s22] =	ssyncset.done $0x0  }
0x62: {  	s7 =	rddreg [dreg:$0x9];
	[sflag:s22] =	ssyncadd.s32 $0xFFFFC000  }
0x63: {  	[spmem:s2] =	stream.indirect.scatter.add.f32 [tilespmem:s17], [sflag:$0x3], $0x80, s7, s20, $0xb8;
	[tilespmem:$0x1D000] =	vst v63  }
0x64: {  	_ =	swait.ge [sflag:s18], $0x4000  }
0x65: {  	[sflag:s18] =	ssyncset.done $0x0  }
0x66: {  	s9 =	rddreg [dreg:$0xa];
	[sflag:s18] =	ssyncadd.s32 $0xFFFFC000  }
0x67: {  	[tilespmem:s17], [sflag:$0x1] =	stream.indirect.gather [hbm4b:s4+s20], $0x80, s9, s20, $0xb8;
	[tilespmem:$0x1D000] =	vst v63  }
0x68: {  	_ =	swait.ge [sflag:s23], $0x4000  }
0x69: {  	[sflag:s23] =	ssyncset.done $0x0  }
0x6a: {  	s10 =	rddreg [dreg:$0xb];
	[sflag:s23] =	ssyncadd.s32 $0xFFFFC000  }
0x6b: {  	[spmem:s2] =	stream.indirect.scatter.add.f32 [tilespmem:s21], [sflag:$0x3], $0x80, s10, s20, $0xb8;
	[tilespmem:$0x1D000] =	vst v63  }
0x6c: {  	_ =	swait.ge [sflag:s18], $0x4000  }
0x6d: {  	[sflag:s18] =	ssyncset.done $0x0  }
0x6e: {  	s7 =	rddreg [dreg:$0xc];
	[sflag:s18] =	ssyncadd.s32 $0xFFFFC000  }
0x6f: {  	[tilespmem:s21], [sflag:$0x2] =	stream.indirect.gather [hbm4b:s4+s20], $0x80, s7, s20, $0xb8;
	[tilespmem:$0x1D000] =	vst v63  }
0x70: {  	_ =	swait.ge [sflag:s22], $0x4000  }
0x71: {  	[sflag:s22] =	ssyncset.done $0x0  }
0x72: {  	s9 =	rddreg [dreg:$0xd];
	[sflag:s22] =	ssyncadd.s32 $0xFFFFC000  }
0x73: {  	[spmem:s2] =	stream.indirect.scatter.add.f32 [tilespmem:s17], [sflag:$0x3], $0x80, s9, s20, $0xb8;
	[tilespmem:$0x1D000] =	vst v63  }
0x74: {  	_ =	swait.ge [sflag:s18], $0x4000  }
0x75: {  	[sflag:s18] =	ssyncset.done $0x0  }
0x76: {  	s10 =	rddreg [dreg:$0xe];
	[sflag:s18] =	ssyncadd.s32 $0xFFFFC000  }
0x77: {  	[tilespmem:s17], [sflag:$0x1] =	stream.indirect.gather [hbm4b:s4+s20], $0x80, s10, s20, $0xb8;
	[tilespmem:$0x1D000] =	vst v63  }
0x78: {  	_ =	swait.ge [sflag:s23], $0x4000  }
0x79: {  	[sflag:s23] =	ssyncset.done $0x0  }
0x7a: {  	s7 =	rddreg [dreg:$0xf];
	[sflag:s23] =	ssyncadd.s32 $0xFFFFC000  }
0x7b: {  	[spmem:s2] =	stream.indirect.scatter.add.f32 [tilespmem:s21], [sflag:$0x3], $0x80, s7, s20, $0xb8;
	[tilespmem:$0x1D000] =	vst v63  }
0x7c: {  	_ =	swait.ge [sflag:s18], $0x4000  }
0x7d: {  	[sflag:s18] =	ssyncset.done $0x0  }
0x7e: {  	s9 =	rddreg [dreg:$0x10];
	[sflag:s18] =	ssyncadd.s32 $0xFFFFC000  }
0x7f: {  	[tilespmem:s21], [sflag:$0x2] =	stream.indirect.gather [hbm4b:s4+s20], $0x80, s9, s20, $0xb8;
	[tilespmem:$0x1D000] =	vst v63  }
0x80: {  	_ =	swait.ge [sflag:s22], $0x4000  }
0x81: {  	[sflag:s22] =	ssyncset.done $0x0  }
0x82: {  	s10 =	rddreg [dreg:$0x11];
	[sflag:s22] =	ssyncadd.s32 $0xFFFFC000  }
0x83: {  	[spmem:s2] =	stream.indirect.scatter.add.f32 [tilespmem:s17], [sflag:$0x3], $0x80, s10, s20, $0xb8;
	[tilespmem:$0x1D000] =	vst v63  }
0x84: {  	_ =	swait.ge [sflag:s18], $0x4000  }
0x85: {  	[sflag:s18] =	ssyncset.done $0x0  }
0x86: {  	[sflag:s18] =	ssyncadd.s32 $0xFFFFC000  }
0x87: {  	[tilespmem:s17], [sflag:$0x1] =	stream.indirect.gather [hbm4b:s4+s20], $0x80, s24, s20, $0xb8;
	[tilespmem:$0x1D000] =	vst v63  }
0x88: {  	_ =	swait.ge [sflag:s23], $0x4000  }
0x89: {  	[sflag:s23] =	ssyncset.done $0x0  }
0x8a: {  	[sflag:s23] =	ssyncadd.s32 $0xFFFFC000  }
0x8b: {  	[spmem:s2] =	stream.indirect.scatter.add.f32 [tilespmem:s21], [sflag:$0x3], $0x80, s25, s20, $0xb8;
	[tilespmem:$0x1D000] =	vst v63  }
0x8c: {  	_ =	swait.ge [sflag:s18], $0x4000  }
0x8d: {  	[sflag:s18] =	ssyncset.done $0x0  }
0x8e: {  	[sflag:s18] =	ssyncadd.s32 $0xFFFFC000  }
0x8f: {  	[tilespmem:s21], [sflag:$0x2] =	stream.indirect.gather [hbm4b:s4+s20], $0x80, s26, s20, $0xb8;
	[tilespmem:$0x1D000] =	vst v63  }
0x90: {  	_ =	swait.ge [sflag:s22], $0x4000  }
0x91: {  	[sflag:s22] =	ssyncset.done $0x0  }
0x92: {  	[sflag:s22] =	ssyncadd.s32 $0xFFFFC000  }
0x93: {  	[spmem:s2] =	stream.indirect.scatter.add.f32 [tilespmem:s17], [sflag:$0x3], $0x80, s28, s20, $0xb8;
	[tilespmem:$0x1D000] =	vst v63  }
0x94: {  	_ =	swait.ge [sflag:s18], $0x4000  }
0x95: {  	[sflag:s18] =	ssyncset.done $0x0  }
0x96: {  	[sflag:s18] =	ssyncadd.s32 $0xFFFFC000  }
0x97: {  	[tilespmem:s17], [sflag:$0x1] =	stream.indirect.gather [hbm4b:s4+s20], $0x80, s29, s20, $0xb8;
	[tilespmem:$0x1D000] =	vst v63  }
0x98: {  	_ =	swait.ge [sflag:s23], $0x4000  }
0x99: {  	[sflag:s23] =	ssyncset.done $0x0  }
0x9a: {  	[sflag:s23] =	ssyncadd.s32 $0xFFFFC000  }
0x9b: {  	[spmem:s2] =	stream.indirect.scatter.add.f32 [tilespmem:s21], [sflag:$0x3], $0x80, s30, s20, $0xb8;
	[tilespmem:$0x1D000] =	vst v63  }
0x9c: {  	_ =	swait.ge [sflag:s18], $0x4000  }
0x9d: {  	[sflag:s18] =	ssyncset.done $0x0  }
0x9e: {  	[sflag:s18] =	ssyncadd.s32 $0xFFFFC000  }
0x9f: {  	[tilespmem:s21], [sflag:$0x2] =	stream.indirect.gather [hbm4b:s4+s20], $0x80, s31, s20, $0xb8;
	[tilespmem:$0x1D000] =	vst v63  }
0xa0: {  	_ =	swait.ge [sflag:s22], $0x4000  }
0xa1: {  	[sflag:s22] =	ssyncset.done $0x0  }
0xa2: {  	[sflag:s22] =	ssyncadd.s32 $0xFFFFC000  }
0xa3: {  	[spmem:s2] =	stream.indirect.scatter.add.f32 [tilespmem:s17], [sflag:$0x3], $0x80, s1, s20, $0xb8;
	[tilespmem:$0x1D000] =	vst v63  }
0xa4: {  	_ =	swait.ge [sflag:s18], $0x4000  }
0xa5: {  	[sflag:s18] =	ssyncset.done $0x0  }
0xa6: {  	[sflag:s18] =	ssyncadd.s32 $0xFFFFC000  }
0xa7: {  	[tilespmem:s17], [sflag:$0x1] =	stream.indirect.gather [hbm4b:s4+s20], $0x80, s0, s20, $0xb8;
	[tilespmem:$0x1D000] =	vst v63  }
0xa8: {  	_ =	swait.ge [sflag:s23], $0x4000  }
0xa9: {  	[sflag:s23] =	ssyncset.done $0x0  }
0xaa: {  	[sflag:s23] =	ssyncadd.s32 $0xFFFFC000  }
0xab: {  	[spmem:s2] =	stream.indirect.scatter.add.f32 [tilespmem:s21], [sflag:$0x3], $0x80, s5, s20, $0xb8;
	[tilespmem:$0x1D000] =	vst v63  }
0xac: {  	_ =	swait.ge [sflag:s18], $0x4000  }
0xad: {  	[sflag:s18] =	ssyncset.done $0x0  }
0xae: {  	[sflag:s18] =	ssyncadd.s32 $0xFFFFC000  }
0xaf: {  	[tilespmem:s21], [sflag:$0x2] =	stream.indirect.gather [hbm4b:s4+s20], $0x80, s11, s20, $0xb8;
	[tilespmem:$0x1D000] =	vst v63  }
0xb0: {  	_ =	swait.ge [sflag:s22], $0x4000  }
0xb1: {  	[sflag:s22] =	ssyncset.done $0x0  }
0xb2: {  	[sflag:s22] =	ssyncadd.s32 $0xFFFFC000  }
0xb3: {  	[spmem:s2] =	stream.indirect.scatter.add.f32 [tilespmem:s17], [sflag:$0x3], $0x80, s12, s20, $0xb8;
	[tilespmem:$0x1D000] =	vst v63  }
0xb4: {  	_ =	swait.ge [sflag:s18], $0x4000  }
0xb5: {  	[sflag:s18] =	ssyncset.done $0x0  }
0xb6: {  	[sflag:s18] =	ssyncadd.s32 $0xFFFFC000  }
0xb7: {  	[tilespmem:s17], [sflag:$0x1] =	stream.indirect.gather [hbm4b:s4+s20], $0x80, s13, s20, $0xb8;
	[tilespmem:$0x1D000] =	vst v63  }
0xb8: {  	_ =	swait.ge [sflag:s23], $0x4000  }
0xb9: {  	[sflag:s23] =	ssyncset.done $0x0  }
0xba: {  	[sflag:s23] =	ssyncadd.s32 $0xFFFFC000  }
0xbb: {  	[spmem:s2] =	stream.indirect.scatter.add.f32 [tilespmem:s21], [sflag:$0x3], $0x80, s14, s20, $0xb8;
	[tilespmem:$0x1D000] =	vst v63  }
0xbc: {  	_ =	swait.ge [sflag:s18], $0x4000  }
0xbd: {  	[sflag:s18] =	ssyncset.done $0x0  }
0xbe: {  	[sflag:s18] =	ssyncadd.s32 $0xFFFFC000  }
0xbf: {  	[tilespmem:s21], [sflag:$0x2] =	stream.indirect.gather [hbm4b:s4+s20], $0x80, s15, s20, $0xb8;
	[tilespmem:$0x1D000] =	vst v63  }
0xc0: {  	_ =	swait.ge [sflag:s22], $0x4000  }
0xc1: {  	[sflag:s22] =	ssyncset.done $0x0  }
0xc2: {  	[sflag:s22] =	ssyncadd.s32 $0xFFFFC000  }
0xc3: {  	[spmem:s2] =	stream.indirect.scatter.add.f32 [tilespmem:s17], [sflag:$0x3], $0x80, s16, s20, $0xb8;
	[tilespmem:$0x1D000] =	vst v63  }
0xc4: {  	_ =	swait.ge [sflag:s18], $0x4000  }
0xc5: {  	[sflag:s18] =	ssyncset.done $0x0  }
0xc6: {  	[sflag:s18] =	ssyncadd.s32 $0xFFFFC000  }
0xc7: {  	_ =	swait.ge [sflag:s23], $0x4000  }
0xc8: {  	[sflag:s23] =	ssyncset.done $0x0  }
0xc9: {  	[sflag:s23] =	ssyncadd.s32 $0xFFFFC000  }
0xca: {  	[spmem:s2] =	stream.indirect.scatter.add.f32 [tilespmem:s21], [sflag:$0x3], $0x80, s6, s20, $0xb8;
	[tilespmem:$0x1D000] =	vst v63  }
0xcb: {  	s8 =	simm.s32 $0x100;
	_ =	swait.ge [sflag:s18], $0x4000  }
0xcc: {  	s9 =	simm.s32 $0x200;
	s10 =	rddreg [dreg:$0x5];
	[sflag:s18] =	ssyncset.done $0x0  }
.LBB2_2:
0xcd: {  	[sflag:s18] =	ssyncadd.s32 $0xFFFFC000;
	s10 =	sadd.s32 s8, s10  }
0xce: {  	[tilespmem:s3], [sflag:$0x3] =	stream.linear.gather [hbm4b:s10+s3], $0x800, $0x38;
	[tilespmem:$0x1D000] =	vst v63  }
0xcf: {  	_ =	swait.ge [sflag:s18], $0x800  }
0xd0: {  	s10 =	rddreg [dreg:$0x4];
	[sflag:s18] =	ssyncset.done $0x0  }
0xd1: {  	[sflag:s18] =	ssyncadd.s32 $0xFFFFF800;
	s10 =	sadd.s32 s8, s10  }
0xd2: {  	[tilespmem:s19], [sflag:$0x3] =	stream.linear.gather [hbm4b:s10+s3], $0x800, $0x38;
	[tilespmem:$0x1D000] =	vst v63  }
0xd3: {  	_ =	swait.ge [sflag:s18], $0x800  }
0xd4: {  	[sflag:s18] =	ssyncset.done $0x0  }
0xd5: {  	[sflag:s18] =	ssyncadd.s32 $0xFFFFF800  }
0xd6: {  	[tilespmem:s17], [sflag:$0x1] =	stream.indirect.gather [hbm4b:s4+s20], $0x80, s3, s20, $0xb8;
	[tilespmem:$0x1D000] =	vst v63  }
0xd7: {  	_ = 	snop  }
0xd8: {  	[tilespmem:s21], [sflag:$0x2] =	stream.indirect.gather [hbm4b:s4+s20], $0x80, s20, s20, $0xb8;
	[tilespmem:$0x1D000] =	vst v63  }
0xd9: {  	_ =	swait.ge [sflag:s22], $0x4000  }
0xda: {  	[sflag:s22] =	ssyncset.done $0x0  }
0xdb: {  	[sflag:s22] =	ssyncadd.s32 $0xFFFFC000  }
0xdc: {  	[spmem:s2] =	stream.indirect.scatter.add.f32 [tilespmem:s17], [sflag:$0x3], $0x80, s19, s20, $0xb8;
	[tilespmem:$0x1D000] =	vst v63  }
0xdd: {  	_ =	swait.ge [sflag:s18], $0x4000  }
0xde: {  	[sflag:s18] =	ssyncset.done $0x0  }
0xdf: {  	s10 =	rddreg [dreg:$0x6];
	[sflag:s18] =	ssyncadd.s32 $0xFFFFC000  }
0xe0: {  	[tilespmem:s17], [sflag:$0x1] =	stream.indirect.gather [hbm4b:s4+s20], $0x80, s10, s20, $0xb8;
	[tilespmem:$0x1D000] =	vst v63  }
0xe1: {  	_ =	swait.ge [sflag:s23], $0x4000  }
0xe2: {  	[sflag:s23] =	ssyncset.done $0x0  }
0xe3: {  	s10 =	rddreg [dreg:$0x7];
	[sflag:s23] =	ssyncadd.s32 $0xFFFFC000  }
0xe4: {  	[spmem:s2] =	stream.indirect.scatter.add.f32 [tilespmem:s21], [sflag:$0x3], $0x80, s10, s20, $0xb8;
	[tilespmem:$0x1D000] =	vst v63  }
0xe5: {  	_ =	swait.ge [sflag:s18], $0x4000  }
0xe6: {  	[sflag:s18] =	ssyncset.done $0x0  }
0xe7: {  	s10 =	rddreg [dreg:$0x8];
	[sflag:s18] =	ssyncadd.s32 $0xFFFFC000  }
0xe8: {  	[tilespmem:s21], [sflag:$0x2] =	stream.indirect.gather [hbm4b:s4+s20], $0x80, s10, s20, $0xb8;
	[tilespmem:$0x1D000] =	vst v63  }
0xe9: {  	_ =	swait.ge [sflag:s22], $0x4000  }
0xea: {  	[sflag:s22] =	ssyncset.done $0x0  }
0xeb: {  	s10 =	rddreg [dreg:$0x9];
	[sflag:s22] =	ssyncadd.s32 $0xFFFFC000  }
0xec: {  	[spmem:s2] =	stream.indirect.scatter.add.f32 [tilespmem:s17], [sflag:$0x3], $0x80, s10, s20, $0xb8;
	[tilespmem:$0x1D000] =	vst v63  }
0xed: {  	_ =	swait.ge [sflag:s18], $0x4000  }
0xee: {  	[sflag:s18] =	ssyncset.done $0x0  }
0xef: {  	s10 =	rddreg [dreg:$0xa];
	[sflag:s18] =	ssyncadd.s32 $0xFFFFC000  }
0xf0: {  	[tilespmem:s17], [sflag:$0x1] =	stream.indirect.gather [hbm4b:s4+s20], $0x80, s10, s20, $0xb8;
	[tilespmem:$0x1D000] =	vst v63  }
0xf1: {  	_ =	swait.ge [sflag:s23], $0x4000  }
0xf2: {  	[sflag:s23] =	ssyncset.done $0x0  }
0xf3: {  	s10 =	rddreg [dreg:$0xb];
	[sflag:s23] =	ssyncadd.s32 $0xFFFFC000  }
0xf4: {  	[spmem:s2] =	stream.indirect.scatter.add.f32 [tilespmem:s21], [sflag:$0x3], $0x80, s10, s20, $0xb8;
	[tilespmem:$0x1D000] =	vst v63  }
0xf5: {  	_ =	swait.ge [sflag:s18], $0x4000  }
0xf6: {  	[sflag:s18] =	ssyncset.done $0x0  }
0xf7: {  	s10 =	rddreg [dreg:$0xc];
	[sflag:s18] =	ssyncadd.s32 $0xFFFFC000  }
0xf8: {  	[tilespmem:s21], [sflag:$0x2] =	stream.indirect.gather [hbm4b:s4+s20], $0x80, s10, s20, $0xb8;
	[tilespmem:$0x1D000] =	vst v63  }
0xf9: {  	_ =	swait.ge [sflag:s22], $0x4000  }
0xfa: {  	[sflag:s22] =	ssyncset.done $0x0  }
0xfb: {  	s10 =	rddreg [dreg:$0xd];
	[sflag:s22] =	ssyncadd.s32 $0xFFFFC000  }
0xfc: {  	[spmem:s2] =	stream.indirect.scatter.add.f32 [tilespmem:s17], [sflag:$0x3], $0x80, s10, s20, $0xb8;
	[tilespmem:$0x1D000] =	vst v63  }
0xfd: {  	_ =	swait.ge [sflag:s18], $0x4000  }
0xfe: {  	[sflag:s18] =	ssyncset.done $0x0  }
0xff: {  	s10 =	rddreg [dreg:$0xe];
	[sflag:s18] =	ssyncadd.s32 $0xFFFFC000  }
0x100: {  	[tilespmem:s17], [sflag:$0x1] =	stream.indirect.gather [hbm4b:s4+s20], $0x80, s10, s20, $0xb8;
	[tilespmem:$0x1D000] =	vst v63  }
0x101: {  	_ =	swait.ge [sflag:s23], $0x4000  }
0x102: {  	[sflag:s23] =	ssyncset.done $0x0  }
0x103: {  	s10 =	rddreg [dreg:$0xf];
	[sflag:s23] =	ssyncadd.s32 $0xFFFFC000  }
0x104: {  	[spmem:s2] =	stream.indirect.scatter.add.f32 [tilespmem:s21], [sflag:$0x3], $0x80, s10, s20, $0xb8;
	[tilespmem:$0x1D000] =	vst v63  }
0x105: {  	_ =	swait.ge [sflag:s18], $0x4000  }
0x106: {  	[sflag:s18] =	ssyncset.done $0x0  }
0x107: {  	s10 =	rddreg [dreg:$0x10];
	[sflag:s18] =	ssyncadd.s32 $0xFFFFC000  }
0x108: {  	[tilespmem:s21], [sflag:$0x2] =	stream.indirect.gather [hbm4b:s4+s20], $0x80, s10, s20, $0xb8;
	[tilespmem:$0x1D000] =	vst v63  }
0x109: {  	_ =	swait.ge [sflag:s22], $0x4000  }
0x10a: {  	[sflag:s22] =	ssyncset.done $0x0  }
0x10b: {  	s10 =	rddreg [dreg:$0x11];
	[sflag:s22] =	ssyncadd.s32 $0xFFFFC000  }
0x10c: {  	[spmem:s2] =	stream.indirect.scatter.add.f32 [tilespmem:s17], [sflag:$0x3], $0x80, s10, s20, $0xb8;
	[tilespmem:$0x1D000] =	vst v63  }
0x10d: {  	_ =	swait.ge [sflag:s18], $0x4000  }
0x10e: {  	[sflag:s18] =	ssyncset.done $0x0  }
0x10f: {  	[sflag:s18] =	ssyncadd.s32 $0xFFFFC000  }
0x110: {  	[tilespmem:s17], [sflag:$0x1] =	stream.indirect.gather [hbm4b:s4+s20], $0x80, s24, s20, $0xb8;
	[tilespmem:$0x1D000] =	vst v63  }
0x111: {  	_ =	swait.ge [sflag:s23], $0x4000  }
0x112: {  	[sflag:s23] =	ssyncset.done $0x0  }
0x113: {  	[sflag:s23] =	ssyncadd.s32 $0xFFFFC000  }
0x114: {  	[spmem:s2] =	stream.indirect.scatter.add.f32 [tilespmem:s21], [sflag:$0x3], $0x80, s25, s20, $0xb8;
	[tilespmem:$0x1D000] =	vst v63  }
0x115: {  	_ =	swait.ge [sflag:s18], $0x4000  }
0x116: {  	[sflag:s18] =	ssyncset.done $0x0  }
0x117: {  	[sflag:s18] =	ssyncadd.s32 $0xFFFFC000  }
0x118: {  	[tilespmem:s21], [sflag:$0x2] =	stream.indirect.gather [hbm4b:s4+s20], $0x80, s26, s20, $0xb8;
	[tilespmem:$0x1D000] =	vst v63  }
0x119: {  	_ =	swait.ge [sflag:s22], $0x4000  }
0x11a: {  	[sflag:s22] =	ssyncset.done $0x0  }
0x11b: {  	[sflag:s22] =	ssyncadd.s32 $0xFFFFC000  }
0x11c: {  	[spmem:s2] =	stream.indirect.scatter.add.f32 [tilespmem:s17], [sflag:$0x3], $0x80, s28, s20, $0xb8;
	[tilespmem:$0x1D000] =	vst v63  }
0x11d: {  	_ =	swait.ge [sflag:s18], $0x4000  }
0x11e: {  	[sflag:s18] =	ssyncset.done $0x0  }
0x11f: {  	[sflag:s18] =	ssyncadd.s32 $0xFFFFC000  }
0x120: {  	[tilespmem:s17], [sflag:$0x1] =	stream.indirect.gather [hbm4b:s4+s20], $0x80, s29, s20, $0xb8;
	[tilespmem:$0x1D000] =	vst v63  }
0x121: {  	_ =	swait.ge [sflag:s23], $0x4000  }
0x122: {  	[sflag:s23] =	ssyncset.done $0x0  }
0x123: {  	[sflag:s23] =	ssyncadd.s32 $0xFFFFC000  }
0x124: {  	[spmem:s2] =	stream.indirect.scatter.add.f32 [tilespmem:s21], [sflag:$0x3], $0x80, s30, s20, $0xb8;
	[tilespmem:$0x1D000] =	vst v63  }
0x125: {  	_ =	swait.ge [sflag:s18], $0x4000  }
0x126: {  	[sflag:s18] =	ssyncset.done $0x0  }
0x127: {  	[sflag:s18] =	ssyncadd.s32 $0xFFFFC000  }
0x128: {  	[tilespmem:s21], [sflag:$0x2] =	stream.indirect.gather [hbm4b:s4+s20], $0x80, s31, s20, $0xb8;
	[tilespmem:$0x1D000] =	vst v63  }
0x129: {  	_ =	swait.ge [sflag:s22], $0x4000  }
0x12a: {  	[sflag:s22] =	ssyncset.done $0x0  }
0x12b: {  	[sflag:s22] =	ssyncadd.s32 $0xFFFFC000  }
0x12c: {  	[spmem:s2] =	stream.indirect.scatter.add.f32 [tilespmem:s17], [sflag:$0x3], $0x80, s1, s20, $0xb8;
	[tilespmem:$0x1D000] =	vst v63  }
0x12d: {  	_ =	swait.ge [sflag:s18], $0x4000  }
0x12e: {  	[sflag:s18] =	ssyncset.done $0x0  }
0x12f: {  	[sflag:s18] =	ssyncadd.s32 $0xFFFFC000  }
0x130: {  	[tilespmem:s17], [sflag:$0x1] =	stream.indirect.gather [hbm4b:s4+s20], $0x80, s0, s20, $0xb8;
	[tilespmem:$0x1D000] =	vst v63  }
0x131: {  	_ =	swait.ge [sflag:s23], $0x4000  }
0x132: {  	[sflag:s23] =	ssyncset.done $0x0  }
0x133: {  	[sflag:s23] =	ssyncadd.s32 $0xFFFFC000  }
0x134: {  	[spmem:s2] =	stream.indirect.scatter.add.f32 [tilespmem:s21], [sflag:$0x3], $0x80, s5, s20, $0xb8;
	[tilespmem:$0x1D000] =	vst v63  }
0x135: {  	_ =	swait.ge [sflag:s18], $0x4000  }
0x136: {  	[sflag:s18] =	ssyncset.done $0x0  }
0x137: {  	[sflag:s18] =	ssyncadd.s32 $0xFFFFC000  }
0x138: {  	[tilespmem:s21], [sflag:$0x2] =	stream.indirect.gather [hbm4b:s4+s20], $0x80, s11, s20, $0xb8;
	[tilespmem:$0x1D000] =	vst v63  }
0x139: {  	_ =	swait.ge [sflag:s22], $0x4000  }
0x13a: {  	[sflag:s22] =	ssyncset.done $0x0  }
0x13b: {  	[sflag:s22] =	ssyncadd.s32 $0xFFFFC000  }
0x13c: {  	[spmem:s2] =	stream.indirect.scatter.add.f32 [tilespmem:s17], [sflag:$0x3], $0x80, s12, s20, $0xb8;
	[tilespmem:$0x1D000] =	vst v63  }
0x13d: {  	_ =	swait.ge [sflag:s18], $0x4000  }
0x13e: {  	[sflag:s18] =	ssyncset.done $0x0  }
0x13f: {  	[sflag:s18] =	ssyncadd.s32 $0xFFFFC000  }
0x140: {  	[tilespmem:s17], [sflag:$0x1] =	stream.indirect.gather [hbm4b:s4+s20], $0x80, s13, s20, $0xb8;
	[tilespmem:$0x1D000] =	vst v63  }
0x141: {  	_ =	swait.ge [sflag:s23], $0x4000  }
0x142: {  	[sflag:s23] =	ssyncset.done $0x0  }
0x143: {  	[sflag:s23] =	ssyncadd.s32 $0xFFFFC000  }
0x144: {  	[spmem:s2] =	stream.indirect.scatter.add.f32 [tilespmem:s21], [sflag:$0x3], $0x80, s14, s20, $0xb8;
	[tilespmem:$0x1D000] =	vst v63  }
0x145: {  	_ =	swait.ge [sflag:s18], $0x4000  }
0x146: {  	[sflag:s18] =	ssyncset.done $0x0  }
0x147: {  	[sflag:s18] =	ssyncadd.s32 $0xFFFFC000  }
0x148: {  	[tilespmem:s21], [sflag:$0x2] =	stream.indirect.gather [hbm4b:s4+s20], $0x80, s15, s20, $0xb8;
	[tilespmem:$0x1D000] =	vst v63  }
0x149: {  	_ =	swait.ge [sflag:s22], $0x4000  }
0x14a: {  	[sflag:s22] =	ssyncset.done $0x0  }
0x14b: {  	[sflag:s22] =	ssyncadd.s32 $0xFFFFC000  }
0x14c: {  	[spmem:s2] =	stream.indirect.scatter.add.f32 [tilespmem:s17], [sflag:$0x3], $0x80, s16, s20, $0xb8;
	[tilespmem:$0x1D000] =	vst v63  }
0x14d: {  	_ =	swait.ge [sflag:s18], $0x4000  }
0x14e: {  	[sflag:s18] =	ssyncset.done $0x0  }
0x14f: {  	[sflag:s18] =	ssyncadd.s32 $0xFFFFC000  }
0x150: {  	p0 =	sne.s32 s9, $0x400;
	_ =	swait.ge [sflag:s23], $0x4000  }
.Ltmp0:
0x151: {  	[sflag:s23] =	ssyncset.done $0x0;
	(pc) =	sbr.rel @p0 .LBB2_2-.Ltmp0, $4  }
0x152: {  	[sflag:s23] =	ssyncadd.s32 $0xFFFFC000  }
0x153: {  	[spmem:s2] =	stream.indirect.scatter.add.f32 [tilespmem:s21], [sflag:$0x3], $0x80, s6, s20, $0xb8;
	[tilespmem:$0x1D000] =	vst v63  }
0x154: {  	s7 =	smov.u32 s9;
	s9 =	sadd.s32 $0x100, s9;
	_ =	swait.ge [sflag:s18], $0x4000  }
0x155: {  	s8 =	smov.u32 s7;
	s10 =	rddreg [dreg:$0x5];
	[sflag:s18] =	ssyncset.done $0x0  }
0x156: {  	[sflag:s18] =	ssyncadd.s32 $0xFFFFC000;
	s7 =	sadd.s32 s8, s10  }
0x157: {  	[tilespmem:s3], [sflag:$0x3] =	stream.linear.gather [hbm4b:s7+s3], $0x800, $0x38;
	[tilespmem:$0x1D000] =	vst v63  }
0x158: {  	_ =	swait.ge [sflag:s18], $0x800  }
0x159: {  	s10 =	rddreg [dreg:$0x4];
	[sflag:s18] =	ssyncset.done $0x0  }
0x15a: {  	s7 =	sadd.s32 s8, s10;
	[sflag:s18] =	ssyncadd.s32 $0xFFFFF800  }
0x15b: {  	[tilespmem:s19], [sflag:$0x3] =	stream.linear.gather [hbm4b:s7+s3], $0x800, $0x38;
	[tilespmem:$0x1D000] =	vst v63  }
0x15c: {  	_ =	swait.ge [sflag:s18], $0x800  }
0x15d: {  	[sflag:s18] =	ssyncset.done $0x0  }
0x15e: {  	[sflag:s18] =	ssyncadd.s32 $0xFFFFF800  }
0x15f: {  	[tilespmem:s17], [sflag:$0x1] =	stream.indirect.gather [hbm4b:s4+s20], $0x80, s3, s20, $0xb8;
	[tilespmem:$0x1D000] =	vst v63  }
0x160: {  	_ = 	snop  }
0x161: {  	[tilespmem:s21], [sflag:$0x2] =	stream.indirect.gather [hbm4b:s4+s20], $0x80, s20, s20, $0xb8;
	[tilespmem:$0x1D000] =	vst v63  }
0x162: {  	_ =	swait.ge [sflag:s22], $0x4000  }
0x163: {  	[sflag:s22] =	ssyncset.done $0x0  }
0x164: {  	[sflag:s22] =	ssyncadd.s32 $0xFFFFC000  }
0x165: {  	[spmem:s2] =	stream.indirect.scatter.add.f32 [tilespmem:s17], [sflag:$0x3], $0x80, s19, s20, $0xb8;
	[tilespmem:$0x1D000] =	vst v63  }
0x166: {  	_ =	swait.ge [sflag:s18], $0x4000  }
0x167: {  	[sflag:s18] =	ssyncset.done $0x0  }
0x168: {  	s9 =	rddreg [dreg:$0x6];
	[sflag:s18] =	ssyncadd.s32 $0xFFFFC000  }
0x169: {  	[tilespmem:s17], [sflag:$0x1] =	stream.indirect.gather [hbm4b:s4+s20], $0x80, s9, s20, $0xb8;
	[tilespmem:$0x1D000] =	vst v63  }
0x16a: {  	_ =	swait.ge [sflag:s23], $0x4000  }
0x16b: {  	[sflag:s23] =	ssyncset.done $0x0  }
0x16c: {  	s10 =	rddreg [dreg:$0x7];
	[sflag:s23] =	ssyncadd.s32 $0xFFFFC000  }
0x16d: {  	[spmem:s2] =	stream.indirect.scatter.add.f32 [tilespmem:s21], [sflag:$0x3], $0x80, s10, s20, $0xb8;
	[tilespmem:$0x1D000] =	vst v63  }
0x16e: {  	_ =	swait.ge [sflag:s18], $0x4000  }
0x16f: {  	[sflag:s18] =	ssyncset.done $0x0  }
0x170: {  	s8 =	rddreg [dreg:$0x8];
	[sflag:s18] =	ssyncadd.s32 $0xFFFFC000  }
0x171: {  	[tilespmem:s21], [sflag:$0x2] =	stream.indirect.gather [hbm4b:s4+s20], $0x80, s8, s20, $0xb8;
	[tilespmem:$0x1D000] =	vst v63  }
0x172: {  	_ =	swait.ge [sflag:s22], $0x4000  }
0x173: {  	[sflag:s22] =	ssyncset.done $0x0  }
0x174: {  	s9 =	rddreg [dreg:$0x9];
	[sflag:s22] =	ssyncadd.s32 $0xFFFFC000  }
0x175: {  	[spmem:s2] =	stream.indirect.scatter.add.f32 [tilespmem:s17], [sflag:$0x3], $0x80, s9, s20, $0xb8;
	[tilespmem:$0x1D000] =	vst v63  }
0x176: {  	_ =	swait.ge [sflag:s18], $0x4000  }
0x177: {  	[sflag:s18] =	ssyncset.done $0x0  }
0x178: {  	s10 =	rddreg [dreg:$0xa];
	[sflag:s18] =	ssyncadd.s32 $0xFFFFC000  }
0x179: {  	[tilespmem:s17], [sflag:$0x1] =	stream.indirect.gather [hbm4b:s4+s20], $0x80, s10, s20, $0xb8;
	[tilespmem:$0x1D000] =	vst v63  }
0x17a: {  	_ =	swait.ge [sflag:s23], $0x4000  }
0x17b: {  	[sflag:s23] =	ssyncset.done $0x0  }
0x17c: {  	s8 =	rddreg [dreg:$0xb];
	[sflag:s23] =	ssyncadd.s32 $0xFFFFC000  }
0x17d: {  	[spmem:s2] =	stream.indirect.scatter.add.f32 [tilespmem:s21], [sflag:$0x3], $0x80, s8, s20, $0xb8;
	[tilespmem:$0x1D000] =	vst v63  }
0x17e: {  	_ =	swait.ge [sflag:s18], $0x4000  }
0x17f: {  	[sflag:s18] =	ssyncset.done $0x0  }
0x180: {  	s9 =	rddreg [dreg:$0xc];
	[sflag:s18] =	ssyncadd.s32 $0xFFFFC000  }
0x181: {  	[tilespmem:s21], [sflag:$0x2] =	stream.indirect.gather [hbm4b:s4+s20], $0x80, s9, s20, $0xb8;
	[tilespmem:$0x1D000] =	vst v63  }
0x182: {  	_ =	swait.ge [sflag:s22], $0x4000  }
0x183: {  	[sflag:s22] =	ssyncset.done $0x0  }
0x184: {  	s10 =	rddreg [dreg:$0xd];
	[sflag:s22] =	ssyncadd.s32 $0xFFFFC000  }
0x185: {  	[spmem:s2] =	stream.indirect.scatter.add.f32 [tilespmem:s17], [sflag:$0x3], $0x80, s10, s20, $0xb8;
	[tilespmem:$0x1D000] =	vst v63  }
0x186: {  	_ =	swait.ge [sflag:s18], $0x4000  }
0x187: {  	[sflag:s18] =	ssyncset.done $0x0  }
0x188: {  	s8 =	rddreg [dreg:$0xe];
	[sflag:s18] =	ssyncadd.s32 $0xFFFFC000  }
0x189: {  	[tilespmem:s17], [sflag:$0x1] =	stream.indirect.gather [hbm4b:s4+s20], $0x80, s8, s20, $0xb8;
	[tilespmem:$0x1D000] =	vst v63  }
0x18a: {  	_ =	swait.ge [sflag:s23], $0x4000  }
0x18b: {  	[sflag:s23] =	ssyncset.done $0x0  }
0x18c: {  	s9 =	rddreg [dreg:$0xf];
	[sflag:s23] =	ssyncadd.s32 $0xFFFFC000  }
0x18d: {  	[spmem:s2] =	stream.indirect.scatter.add.f32 [tilespmem:s21], [sflag:$0x3], $0x80, s9, s20, $0xb8;
	[tilespmem:$0x1D000] =	vst v63  }
0x18e: {  	_ =	swait.ge [sflag:s18], $0x4000  }
0x18f: {  	[sflag:s18] =	ssyncset.done $0x0  }
0x190: {  	s10 =	rddreg [dreg:$0x10];
	[sflag:s18] =	ssyncadd.s32 $0xFFFFC000  }
0x191: {  	[tilespmem:s21], [sflag:$0x2] =	stream.indirect.gather [hbm4b:s4+s20], $0x80, s10, s20, $0xb8;
	[tilespmem:$0x1D000] =	vst v63  }
0x192: {  	_ =	swait.ge [sflag:s22], $0x4000  }
0x193: {  	[sflag:s22] =	ssyncset.done $0x0  }
0x194: {  	s8 =	rddreg [dreg:$0x11];
	[sflag:s22] =	ssyncadd.s32 $0xFFFFC000  }
0x195: {  	[spmem:s2] =	stream.indirect.scatter.add.f32 [tilespmem:s17], [sflag:$0x3], $0x80, s8, s20, $0xb8;
	[tilespmem:$0x1D000] =	vst v63  }
0x196: {  	_ =	swait.ge [sflag:s18], $0x4000  }
0x197: {  	[sflag:s18] =	ssyncset.done $0x0  }
0x198: {  	[sflag:s18] =	ssyncadd.s32 $0xFFFFC000  }
0x199: {  	[tilespmem:s17], [sflag:$0x1] =	stream.indirect.gather [hbm4b:s4+s20], $0x80, s24, s20, $0xb8;
	[tilespmem:$0x1D000] =	vst v63  }
0x19a: {  	_ =	swait.ge [sflag:s23], $0x4000  }
0x19b: {  	[sflag:s23] =	ssyncset.done $0x0  }
0x19c: {  	[sflag:s23] =	ssyncadd.s32 $0xFFFFC000  }
0x19d: {  	[spmem:s2] =	stream.indirect.scatter.add.f32 [tilespmem:s21], [sflag:$0x3], $0x80, s25, s20, $0xb8;
	[tilespmem:$0x1D000] =	vst v63  }
0x19e: {  	_ =	swait.ge [sflag:s18], $0x4000  }
0x19f: {  	[sflag:s18] =	ssyncset.done $0x0  }
0x1a0: {  	[sflag:s18] =	ssyncadd.s32 $0xFFFFC000  }
0x1a1: {  	[tilespmem:s21], [sflag:$0x2] =	stream.indirect.gather [hbm4b:s4+s20], $0x80, s26, s20, $0xb8;
	[tilespmem:$0x1D000] =	vst v63  }
0x1a2: {  	_ =	swait.ge [sflag:s22], $0x4000  }
0x1a3: {  	[sflag:s22] =	ssyncset.done $0x0  }
0x1a4: {  	[sflag:s22] =	ssyncadd.s32 $0xFFFFC000  }
0x1a5: {  	[spmem:s2] =	stream.indirect.scatter.add.f32 [tilespmem:s17], [sflag:$0x3], $0x80, s28, s20, $0xb8;
	[tilespmem:$0x1D000] =	vst v63  }
0x1a6: {  	_ =	swait.ge [sflag:s18], $0x4000  }
0x1a7: {  	[sflag:s18] =	ssyncset.done $0x0  }
0x1a8: {  	[sflag:s18] =	ssyncadd.s32 $0xFFFFC000  }
0x1a9: {  	[tilespmem:s17], [sflag:$0x1] =	stream.indirect.gather [hbm4b:s4+s20], $0x80, s29, s20, $0xb8;
	[tilespmem:$0x1D000] =	vst v63  }
0x1aa: {  	_ =	swait.ge [sflag:s23], $0x4000  }
0x1ab: {  	[sflag:s23] =	ssyncset.done $0x0  }
0x1ac: {  	[sflag:s23] =	ssyncadd.s32 $0xFFFFC000  }
0x1ad: {  	[spmem:s2] =	stream.indirect.scatter.add.f32 [tilespmem:s21], [sflag:$0x3], $0x80, s30, s20, $0xb8;
	[tilespmem:$0x1D000] =	vst v63  }
0x1ae: {  	_ =	swait.ge [sflag:s18], $0x4000  }
0x1af: {  	[sflag:s18] =	ssyncset.done $0x0  }
0x1b0: {  	[sflag:s18] =	ssyncadd.s32 $0xFFFFC000  }
0x1b1: {  	[tilespmem:s21], [sflag:$0x2] =	stream.indirect.gather [hbm4b:s4+s20], $0x80, s31, s20, $0xb8;
	[tilespmem:$0x1D000] =	vst v63  }
0x1b2: {  	_ =	swait.ge [sflag:s22], $0x4000  }
0x1b3: {  	[sflag:s22] =	ssyncset.done $0x0  }
0x1b4: {  	[sflag:s22] =	ssyncadd.s32 $0xFFFFC000  }
0x1b5: {  	[spmem:s2] =	stream.indirect.scatter.add.f32 [tilespmem:s17], [sflag:$0x3], $0x80, s1, s20, $0xb8;
	[tilespmem:$0x1D000] =	vst v63  }
0x1b6: {  	_ =	swait.ge [sflag:s18], $0x4000  }
0x1b7: {  	[sflag:s18] =	ssyncset.done $0x0  }
0x1b8: {  	[sflag:s18] =	ssyncadd.s32 $0xFFFFC000  }
0x1b9: {  	[tilespmem:s17], [sflag:$0x1] =	stream.indirect.gather [hbm4b:s4+s20], $0x80, s0, s20, $0xb8;
	[tilespmem:$0x1D000] =	vst v63  }
0x1ba: {  	_ =	swait.ge [sflag:s23], $0x4000  }
0x1bb: {  	[sflag:s23] =	ssyncset.done $0x0  }
0x1bc: {  	[sflag:s23] =	ssyncadd.s32 $0xFFFFC000  }
0x1bd: {  	[spmem:s2] =	stream.indirect.scatter.add.f32 [tilespmem:s21], [sflag:$0x3], $0x80, s5, s20, $0xb8;
	[tilespmem:$0x1D000] =	vst v63  }
0x1be: {  	_ =	swait.ge [sflag:s18], $0x4000  }
0x1bf: {  	[sflag:s18] =	ssyncset.done $0x0  }
0x1c0: {  	[sflag:s18] =	ssyncadd.s32 $0xFFFFC000  }
0x1c1: {  	[tilespmem:s21], [sflag:$0x2] =	stream.indirect.gather [hbm4b:s4+s20], $0x80, s11, s20, $0xb8;
	[tilespmem:$0x1D000] =	vst v63  }
0x1c2: {  	_ =	swait.ge [sflag:s22], $0x4000  }
0x1c3: {  	[sflag:s22] =	ssyncset.done $0x0  }
0x1c4: {  	[sflag:s22] =	ssyncadd.s32 $0xFFFFC000  }
0x1c5: {  	[spmem:s2] =	stream.indirect.scatter.add.f32 [tilespmem:s17], [sflag:$0x3], $0x80, s12, s20, $0xb8;
	[tilespmem:$0x1D000] =	vst v63  }
0x1c6: {  	_ =	swait.ge [sflag:s18], $0x4000  }
0x1c7: {  	[sflag:s18] =	ssyncset.done $0x0  }
0x1c8: {  	[sflag:s18] =	ssyncadd.s32 $0xFFFFC000  }
0x1c9: {  	[tilespmem:s17], [sflag:$0x1] =	stream.indirect.gather [hbm4b:s4+s20], $0x80, s13, s20, $0xb8;
	[tilespmem:$0x1D000] =	vst v63  }
0x1ca: {  	_ =	swait.ge [sflag:s23], $0x4000  }
0x1cb: {  	[sflag:s23] =	ssyncset.done $0x0  }
0x1cc: {  	[sflag:s23] =	ssyncadd.s32 $0xFFFFC000  }
0x1cd: {  	[spmem:s2] =	stream.indirect.scatter.add.f32 [tilespmem:s21], [sflag:$0x3], $0x80, s14, s20, $0xb8;
	[tilespmem:$0x1D000] =	vst v63  }
0x1ce: {  	_ =	swait.ge [sflag:s18], $0x4000  }
0x1cf: {  	[sflag:s18] =	ssyncset.done $0x0  }
0x1d0: {  	[sflag:s18] =	ssyncadd.s32 $0xFFFFC000  }
0x1d1: {  	[tilespmem:s21], [sflag:$0x2] =	stream.indirect.gather [hbm4b:s4+s20], $0x80, s15, s20, $0xb8;
	[tilespmem:$0x1D000] =	vst v63  }
0x1d2: {  	_ =	swait.ge [sflag:s22], $0x4000  }
0x1d3: {  	[sflag:s22] =	ssyncset.done $0x0  }
0x1d4: {  	[sflag:s22] =	ssyncadd.s32 $0xFFFFC000  }
0x1d5: {  	[spmem:s2] =	stream.indirect.scatter.add.f32 [tilespmem:s17], [sflag:$0x3], $0x80, s16, s20, $0xb8;
	[tilespmem:$0x1D000] =	vst v63  }
0x1d6: {  	_ =	swait.ge [sflag:s18], $0x4000  }
0x1d7: {  	[sflag:s18] =	ssyncset.done $0x0  }
0x1d8: {  	[sflag:s18] =	ssyncadd.s32 $0xFFFFC000  }
0x1d9: {  	_ =	swait.ge [sflag:s23], $0x4000  }
0x1da: {  	[sflag:s23] =	ssyncset.done $0x0  }
0x1db: {  	[sflag:s23] =	ssyncadd.s32 $0xFFFFC000  }
0x1dc: {  	[spmem:s2] =	stream.indirect.scatter.add.f32 [tilespmem:s21], [sflag:$0x3], $0x80, s6, s20, $0xb8;
	[tilespmem:$0x1D000] =	vst v63  }
0x1dd: {  	_ =	swait.ge [sflag:s18], $0x4000  }
0x1de: {  	[sflag:s18] =	ssyncset.done $0x0  }
0x1df: {  	[sflag:s18] =	ssyncadd.s32 $0xFFFFC000  }
0x1e0: {  	[bflag:$0x0] =	sbarrier.arrive $0xFFFF  }
0x1e1: {  	s9 =	rddreg [dreg:$0x13]  }
0x1e2: {  	[tilespmem:s17], [sflag:$0x3] =	stream.linear.gather [spmem:s9], $0x4000, $0x38;
	[tilespmem:$0x1D000] =	vst v63  }
0x1e3: {  	_ =	swait.ge [sflag:s18], $0x4000  }
0x1e4: {  	[sflag:s18] =	ssyncset.done $0x0  }
0x1e5: {  	s10 =	rddreg [dreg:$0x18];
	[sflag:s18] =	ssyncadd.s32 $0xFFFFC000  }
0x1e6: {  	[hbm4b:s10+s3] =	stream.linear.scatter [tilespmem:s17], [sflag:$0x3], $0x4000, $0x38;
	[tilespmem:$0x1D000] =	vst v63  }
0x1e7: {  	_ =	swait.ge [sflag:s18], $0x4000  }
0x1e8: {  	[sflag:s18] =	ssyncset.done $0x0  }
0x1e9: {  	s9 =	rddreg [dreg:$0x14];
	[sflag:s18] =	ssyncadd.s32 $0xFFFFC000  }
0x1ea: {  	[tilespmem:s17], [sflag:$0x3] =	stream.linear.gather [spmem:s9], $0x4000, $0x38;
	[tilespmem:$0x1D000] =	vst v63  }
0x1eb: {  	_ =	swait.ge [sflag:s18], $0x4000  }
0x1ec: {  	[sflag:s18] =	ssyncset.done $0x0  }
0x1ed: {  	s8 =	rddreg [dreg:$0x19];
	[sflag:s18] =	ssyncadd.s32 $0xFFFFC000  }
0x1ee: {  	[hbm4b:s8+s3] =	stream.linear.scatter [tilespmem:s17], [sflag:$0x3], $0x4000, $0x38;
	[tilespmem:$0x1D000] =	vst v63  }
0x1ef: {  	_ =	swait.ge [sflag:s18], $0x4000  }
0x1f0: {  	[sflag:s18] =	ssyncset.done $0x0  }
0x1f1: {  	s10 =	rddreg [dreg:$0x15];
	[sflag:s18] =	ssyncadd.s32 $0xFFFFC000  }
0x1f2: {  	[tilespmem:s17], [sflag:$0x3] =	stream.linear.gather [spmem:s10], $0x4000, $0x38;
	[tilespmem:$0x1D000] =	vst v63  }
0x1f3: {  	_ =	swait.ge [sflag:s18], $0x4000  }
0x1f4: {  	[sflag:s18] =	ssyncset.done $0x0  }
0x1f5: {  	s8 =	rddreg [dreg:$0x1a];
	[sflag:s18] =	ssyncadd.s32 $0xFFFFC000  }
0x1f6: {  	[hbm4b:s8+s3] =	stream.linear.scatter [tilespmem:s17], [sflag:$0x3], $0x4000, $0x38;
	[tilespmem:$0x1D000] =	vst v63  }
0x1f7: {  	_ =	swait.ge [sflag:s18], $0x4000  }
0x1f8: {  	[sflag:s18] =	ssyncset.done $0x0  }
0x1f9: {  	s10 =	rddreg [dreg:$0x16];
	[sflag:s18] =	ssyncadd.s32 $0xFFFFC000  }
0x1fa: {  	[tilespmem:s17], [sflag:$0x3] =	stream.linear.gather [spmem:s10], $0x4000, $0x38;
	[tilespmem:$0x1D000] =	vst v63  }
0x1fb: {  	_ =	swait.ge [sflag:s18], $0x4000  }
0x1fc: {  	[sflag:s18] =	ssyncset.done $0x0  }
0x1fd: {  	s8 =	rddreg [dreg:$0x1b];
	[sflag:s18] =	ssyncadd.s32 $0xFFFFC000  }
0x1fe: {  	[hbm4b:s8+s3] =	stream.linear.scatter [tilespmem:s17], [sflag:$0x3], $0x4000, $0x38;
	[tilespmem:$0x1D000] =	vst v63  }
0x1ff: {  	_ =	swait.ge [sflag:s18], $0x4000  }
0x200: {  	[sflag:s18] =	ssyncset.done $0x0  }
0x201: {  	s8 =	rddreg [dreg:$0x17];
	[sflag:s18] =	ssyncadd.s32 $0xFFFFC000  }
0x202: {  	[tilespmem:s17], [sflag:$0x3] =	stream.linear.gather [spmem:s8], $0x4000, $0x38;
	[tilespmem:$0x1D000] =	vst v63  }
0x203: {  	_ =	swait.ge [sflag:s18], $0x4000  }
0x204: {  	[sflag:s18] =	ssyncset.done $0x0  }
0x205: {  	s10 =	rddreg [dreg:$0x1c];
	[sflag:s18] =	ssyncadd.s32 $0xFFFFC000  }
0x206: {  	[hbm4b:s10+s3] =	stream.linear.scatter [tilespmem:s17], [sflag:$0x3], $0x4000, $0x38;
	[tilespmem:$0x1D000] =	vst v63  }
0x207: {  	_ =	swait.ge [sflag:s18], $0x4000  }
0x208: {  	s7 =	rddreg [dreg:$0x1e]  }
0x209: {  	s10 =	sadd.s32 $0x1, s7;
	s7 =	rddreg [dreg:$0x1d]  }
0x20a: {  	p0 =	sne.s32 s10, s7  }
.Ltmp1:
0x20b: {  	_ = 	snop;
	(pc) =	sbr.rel @p0 .LBB2_1-.Ltmp1, $3  }
0x20c: {  	_ =	sdelay $0x1  }
0x20d: {  	[sflag:s18] =	ssyncset.done $0x0;
	[dreg:$0x1e] =	wrdreg s10  }
0x20e: {  	[sflag:s18] =	ssyncadd.s32 $0xFFFFC000;
	s10 =	rddreg [dreg:$0x13]  }
0x20f: {  	_ =	sfence.sel $0x180000  }
0x210: {  	[bflag:$0x0] =	sbarrier.arrive $0xFFFF  }
0x211: {  	_ =	strace $0x9000004A  }
0x212: {  	s0 =	stileid.u32;
	[bflag:$0x2] =	sbarrier.arrive $0xFFFF  }
0x213: {  	p0 =	sne.s32 s0, $0x0;
	s0 =	rddreg [dreg:$0x3]  }
0x214: {  	s0 =	sadd.s32 @!p0 $0x100000, s0  }
0x215: {  	[sflag:s0] =	ssyncadd.tile.s32 @!p0 $0x1;
	_ =	shalt  }
.Lfunc_end2:
_tile_overlayer_lowered:
.L_overlay_start_2:
0x216: {  	(tag) =	ssettag $0x2  }
0x217: {  	s0 =	rddreg [dreg:$0x0];
	s2 =	stileid.u32  }
0x218: {  	s1 =	rddreg [dreg:$0x1];
	p0 =	sne.s32 s2, $0x0  }
0x219: {  	s3 =	rddreg [dreg:$0x2];
	[bflag:$0x3] =	sbarrier.arrive $0xFFFF;
	s2 =	simm.s32 @!p0 $0x1C03  }
0x21a: {  	[timem:s3], [sflag:s2] =	dma.local @!p0 [hbm:s0], s1  }
0x21b: {  	s0 =	simm.s32 @!p0 $0x3  }
0x21c: {  	_ =	swait.ge @!p0 [sflag:s0], s1  }
0x21d: {  	s1 =	ssub.s32 @!p0 $0x0, s1;
	[sflag:s0] =	ssyncset.done @!p0 $0x0  }
0x21e: {  	[sflag:s0] =	ssyncadd.s32 @!p0 s1  }
0x21f: {  	[bflag:$0x3] =	sbarrier.arrive $0xFFFF  }
0x220: {  	_ =	shalt  }

// kernel: kernel.14.cloned.1.call-start
scs
__scs_entry_jumppad:
0x0: {  	(pc) =	sbr.rel $0x88, $3  }
0x1: {  	(tag) =	ssettag $0x0;
	lr =	simm.s32 $0x1  }
0x2: {  	[smem:$0x3F9B] =	sst lr;
	_ =	strace $0xD0000000  }
0x3: {  	_ = 	snop  }
0x4: {  	_ = 	snop  }
0x5: {  	_ = 	snop  }
0x6: {  	_ = 	snop  }
0x7: {  	_ = 	snop  }
__scs_overlays_trampoline_lowered:
0x8: {  	[smem:$0x3FAA] =	sst s0  }
0x9: {  	[smem:$0x3FAB] =	sst s1  }
0xa: {  	[smem:$0x3FAC] =	sst s2  }
0xb: {  	[smem:$0x3FAD] =	sst s3  }
0xc: {  	[smem:$0x3FAE] =	sst s4  }
0xd: {  	[smem:$0x3FAF] =	sst s5  }
0xe: {  	[smem:$0x3FB0] =	sst s6  }
0xf: {  	[smem:$0x3FB1] =	sst s7  }
0x10: {  	[smem:$0x3FB2] =	sst s8  }
0x11: {  	[smem:$0x3FB3] =	sst s9;
	s0 =	simm.s32 @!p0 $0x0  }
0x12: {  	s1 =	sld [smem:$0x3F99];
	s0 =	simm.s32 @p0 $0x1  }
0x13: {  	[smem:$0x3FB4] =	sst s0;
	s0 =	simm.s32 @!p1 $0x0  }
0x14: {  	s2 =	sld [smem:$0x3F98];
	s0 =	simm.s32 @p1 $0x1  }
0x15: {  	[smem:$0x3FB5] =	sst s0;
	s0 =	simm.s32 @!p2 $0x0  }
0x16: {  	s3 =	sld [smem:$0x3FDB];
	s0 =	simm.s32 @p2 $0x1  }
0x17: {  	s4 =	simm.s32 $0x1BF5;
	[smem:$0x3FB7] =	sst s0  }
0x18: {  	s0 =	sld [smem:$0x3F9A];
	_ =	swait.ge [sflag:s4], $0x0  }
0x19: {  	s7 =	sld [smem:$0x3F9B]  }
0x1a: {  	s8 =	sadd.s32 $0xFFFFE003, lr  }
0x1b: {  	s9 =	sadd.s32 $0xFFFFFEF7, lr;
	s5 =	simm.s32 $0xFFFFFFFF;
	p2 =	slt.u32 s8, $0xFFFFF086  }
0x1c: {  	p1 =	slt.u32 s9, $0xF7A;
	s5 =	simm.s32 @!p2 $0x0  }
0x1d: {  	s5 =	simm.s32 @p1 $0x1;
	p0 =	seq.s32 s7, s2  }
0x1e: {  	s7 =	smul.u32 @!p0 $0xF7A, s2;
	p2 =	seq.s32 @!p0 s5, $0x0  }
0x1f: {  	s9 =	smul.u32 $0xF7A, s1;
	s8 =	simm.s32 @!p0 $0x1BF5;
	p2 =	por !p2, p0  }
0x20: {  	[sflag:s8] =	ssyncset.s32 @!p0 $0xFFFFF086;
	s6 =	sadd.s32 @!p0 s3, s7;
	s7 =	simm.s32 @!p0 $0x108  }
0x21: {  	s3 =	sadd.s32 s3, s9;
	s6 =	sadd.s32 @!p0 $0x88, s6;
	s7 =	simm.s32 @p2 $0x1082  }
0x22: {  	[simem:s7], [sflag:s8] =	dma.local @!p0 [hbm:s6], $0xF7A  }
0x23: {  	s9 =	sor.u32 $0xD0000000, s2;
	s6 =	simm.s32 $0x108;
	_ =	swait.ge @!p0 [sflag:s8], $0x0  }
0x24: {  	s3 =	sadd.s32 $0x88, s3;
	s6 =	simm.s32 @!p1 $0x1082;
	[sflag:s4] =	ssyncset.s32 $0xFFFFF086  }
0x25: {  	[simem:s6], [sflag:s4] =	dma.local [hbm:s3], $0xF7A  }
0x26: {  	[smem:$0x3F9B] =	sst s1;
	(tag) =	ssettag s2;
	_ =	strace s9  }
0x27: {  	s1 =	sld [smem:$0x3FAB]  }
0x28: {  	s2 =	sld [smem:$0x3FAC]  }
0x29: {  	s4 =	sld [smem:$0x3FAE]  }
0x2a: {  	p0 =	seq.s32 s5, $0x0;
	s5 =	sld [smem:$0x3FAF]  }
0x2b: {  	s6 =	sld [smem:$0x3FB0]  }
0x2c: {  	s7 =	sld [smem:$0x3FB1]  }
0x2d: {  	s3 =	simm.s32 $0x108;
	s8 =	sld [smem:$0x3FB2]  }
0x2e: {  	s3 =	simm.s32 @!p0 $0x1082;
	s9 =	sld [smem:$0x3FB3]  }
0x2f: {  	lr =	sadd.s32 s0, s3;
	s0 =	sld [smem:$0x3FAA]  }
0x30: {  	s3 =	sld [smem:$0x3FAD]  }
0x31: {  	[smem:$0x3FB6] =	sst s10  }
0x32: {  	s10 =	sld [smem:$0x3FB4];
	_ =	sdelay $0x3  }
0x33: {  	p0 =	seq.s32 s10, $0x1;
	s10 =	sld [smem:$0x3FB6];
	_ =	sdelay $0x3  }
0x34: {  	[smem:$0x3FB6] =	sst s10  }
0x35: {  	s10 =	sld [smem:$0x3FB5];
	_ =	sdelay $0x3  }
0x36: {  	p1 =	seq.s32 s10, $0x1;
	s10 =	sld [smem:$0x3FB6];
	_ =	sdelay $0x3  }
0x37: {  	[smem:$0x3FB6] =	sst s10  }
0x38: {  	s10 =	sld [smem:$0x3FB7]  }
0x39: {  	_ = 	snop;
	(pc) =	sbr.ind lr, $3  }
0x3a: {  	_ = 	snop  }
0x3b: {  	_ = 	snop  }
0x3c: {  	p2 =	seq.s32 s10, $0x1;
	s10 =	sld [smem:$0x3FB6]  }
0x3d: {  	_ =	shalt  }
0x3e: {  	_ =	shalt  }
0x3f: {  	_ =	shalt  }
0x40: {  	_ =	shalt  }
0x41: {  	_ =	shalt  }
0x42: {  	_ =	shalt  }
0x43: {  	_ =	shalt  }
0x44: {  	_ =	shalt  }
0x45: {  	_ =	shalt  }
0x46: {  	_ =	shalt  }
0x47: {  	_ =	shalt  }
0x48: {  	_ =	shalt  }
0x49: {  	_ =	shalt  }
0x4a: {  	_ =	shalt  }
0x4b: {  	_ =	shalt  }
0x4c: {  	_ =	shalt  }
0x4d: {  	_ =	shalt  }
0x4e: {  	_ =	shalt  }
0x4f: {  	_ =	shalt  }
0x50: {  	_ =	shalt  }
0x51: {  	_ =	shalt  }
0x52: {  	_ =	shalt  }
0x53: {  	_ =	shalt  }
0x54: {  	_ =	shalt  }
0x55: {  	_ =	shalt  }
0x56: {  	_ =	shalt  }
0x57: {  	_ =	shalt  }
0x58: {  	_ =	shalt  }
0x59: {  	_ =	shalt  }
0x5a: {  	_ =	shalt  }
0x5b: {  	_ =	shalt  }
0x5c: {  	_ =	shalt  }
0x5d: {  	_ =	shalt  }
0x5e: {  	_ =	shalt  }
0x5f: {  	_ =	shalt  }
0x60: {  	_ =	shalt  }
0x61: {  	_ =	shalt  }
0x62: {  	_ =	shalt  }
0x63: {  	_ =	shalt  }
0x64: {  	_ =	shalt  }
0x65: {  	_ =	shalt  }
0x66: {  	_ =	shalt  }
0x67: {  	_ =	shalt  }
0x68: {  	_ =	shalt  }
0x69: {  	_ =	shalt  }
0x6a: {  	_ =	shalt  }
0x6b: {  	_ =	shalt  }
0x6c: {  	_ =	shalt  }
0x6d: {  	_ =	shalt  }
0x6e: {  	_ =	shalt  }
0x6f: {  	_ =	shalt  }
0x70: {  	_ =	shalt  }
0x71: {  	_ =	shalt  }
0x72: {  	_ =	shalt  }
0x73: {  	_ =	shalt  }
0x74: {  	_ =	shalt  }
0x75: {  	_ =	shalt  }
0x76: {  	_ =	shalt  }
0x77: {  	_ =	shalt  }
0x78: {  	_ =	shalt  }
0x79: {  	_ =	shalt  }
0x7a: {  	_ =	shalt  }
0x7b: {  	_ =	shalt  }
0x7c: {  	_ =	shalt  }
0x7d: {  	_ =	shalt  }
0x7e: {  	_ =	shalt  }
0x7f: {  	_ =	shalt  }
0x80: {  	_ =	shalt  }
0x81: {  	_ =	shalt  }
0x82: {  	_ =	shalt  }
0x83: {  	_ =	shalt  }
0x84: {  	_ =	shalt  }
0x85: {  	_ =	shalt  }
0x86: {  	_ =	shalt  }
0x87: {  	_ =	shalt  }
.Lfunc_end0:
.L_simem_size_0:
called_computation.2_lowered:
.L_overlay_start_0:
0x88: {  	s2 =	sld [smem:$0x3FD9]  }
0x89: {  	s3 =	sld [smem:$0x3FFE];
	_ =	sdelay $0x1  }
0x8a: {  	s1 =	srdreg.scid  }
0x8b: {  	s0 =	sand.u32 $0x1, s1  }
0x8c: {  	s17 =	sshll.u32 s0, $0xA;
	s2 =	sadd.s32 s3, s2  }
0x8d: {  	s2 =	sadd.s32 s2, s17  }
0x8e: {  	[smem:$0x3FC2] =	sst s2  }
0x8f: {  	_ = 	snop  }
0x90: {  	s2 =	sld [smem:$0x3FD0];
	(tm) =	ssettm $0x1  }
0x91: {  	s18 =	sld [smem:$0x3FFB];
	_ =	sdelay $0x3  }
0x92: {  	_ =	strace s18  }
0x93: {  	s3 =	sld [smem:$0x3FFC];
	_ =	sdelay $0x3  }
0x94: {  	_ =	strace s3  }
0x95: {  	s3 =	sld [smem:$0x3FFD];
	_ =	sdelay $0x3  }
0x96: {  	_ =	strace s3  }
0x97: {  	_ =	strace $0x8FFFFFFF  }
0x98: {  	s19 =	sld [smem:$0x3FDB];
	_ =	sdelay $0x1  }
0x99: {  	s4 =	simm.s32 $_scs_section_size  }
0x9a: {  	s5 =	simm.s32 $_size__tile_overlayer_lowered;
	s6 =	simm.s32 $_tile_overlayer_lowered  }
0x9b: {  	s22 =	simm.s32 $0x1BFF;
	s21 =	sshll.u32 s6, $0x1;
	s3 =	sadd.s32 s4, s19  }
0x9c: {  	s7 =	simm.s32 $0x0;
	s20 =	sshll.u32 s5, $0x1;
	s5 =	sadd.s32 s21, s3  }
0x9d: {  	[timem:s7], [sflag:s22] =	dma.local [hbm:s5], s20  }
0x9e: {  	_ =	swait.ge [sflag:s22], s20  }
0x9f: {  	s4 =	ssub.s32 $0x0, s20;
	[sflag:s22] =	ssyncset.done $0x0  }
0xa0: {  	[sflag:s22] =	ssyncadd.s32 s4;
	_ =	sdelay $0x1  }
0xa1: {  	s23 =	simm.s32 $0x1B8B  }
0xa2: {  	_ =	swait.ge [sflag:s23], $0x1  }
0xa3: {  	[sflag:s23] =	ssyncset.done $0x0  }
0xa4: {  	s25 =	simm.s32 $0x1B8E;
	s24 =	sld [smem:$0x3FFE];
	[sflag:s23] =	ssyncadd.s32 $0xFFFFFFFF  }
0xa5: {  	s26 =	simm.s32 $execute0_lowered;
	[smem:$0x3FD2] =	sst s25  }
0xa6: {  	s5 =	sshll.u32 s26, $0x1;
	_ =	strace $0x8000004C;
	[dreg:$0x1] =	wrdreg $0xFFFFFFFF  }
0xa7: {  	s28 =	simm.s32 $_size_execute0_lowered;
	s3 =	sadd.s32 s3, s5;
	[dreg:$0x0] =	wrdreg $0x0  }
0xa8: {  	s5 =	sshll.u32 s28, $0x1;
	[dreg:$0x2] =	wrdreg s3  }
0xa9: {  	[dreg:$0x3] =	wrdreg s5  }
0xaa: {  	[dreg:$0x4] =	wrdreg $0xC0  }
0xab: {  	_ =	task [dreg:s7], $0x5FFFF  }
0xac: {  	[dreg:$0x1] =	wrdreg $0xFFFFFFFF  }
0xad: {  	[dreg:$0x0] =	wrdreg $0x60  }
0xae: {  	[dreg:$0x2] =	wrdreg s24  }
0xaf: {  	[dreg:$0x3] =	wrdreg s2  }
0xb0: {  	[dreg:$0x4] =	wrdreg $0x90000  }
0xb1: {  	[dreg:$0x5] =	wrdreg $0x9  }
0xb2: {  	_ =	task.clear_ibuf [dreg:s7], $0x6FFFF;
	_ =	strace $0x9000004C  }
0xb3: {  	s29 =	simm.s32 $0x9;
	_ =	strace $0x8000004E  }
0xb4: {  	_ =	swait.ge [sflag:s29], $0x1  }
0xb5: {  	[sflag:s29] =	ssyncadd.s32 $0xFFFFFFFF  }
0xb6: {  	_ =	strace $0x9000004E  }
0xb7: {  	_ =	sfence  }
0xb8: {  	s30 =	sld [smem:$0x0];
	_ =	sdelay $0x2  }
0xb9: {  	s31 =	sshll.u32 s1, $0xD;
	s1 =	sshrl.u32 s1, $0x2  }
0xba: {  	s3 =	sand.u32 $0x4000, s31;
	s1 =	sadd.s32 s1, s30  }
0xbb: {  	s0 =	sor.u32 s3, s0;
	s1 =	sshll.u32 s1, $0x11  }
0xbc: {  	s0 =	sor.u32 s1, s0  }
0xbd: {  	s0 =	sadd.s32 $0x8F2B, s0  }
0xbe: {  	[sflag:s0] =	ssyncadd.remote.s32 $0x1  }
0xbf: {  	_ =	sfence.sel $0xFFFF  }
0xc0: {  	[dreg:$0x0] =	wrdreg $0xFFFFFFFF;
	(pc) =	sbr.abs _section_cstart, $3  }
0xc1: {  	[dreg:$0x1] =	wrdreg $0xFFFFFFFF  }
0xc2: {  	_ =	task.clear_ibuf [dreg:s7], $0x2FFFF;
	_ =	strace $0x9FFFFFFF  }
0xc3: {  	(tm) =	ssettm $0x7FFFFFFF  }
tec
execute0_lowered:
.L_overlay_start_1:
0x0: {  	(tag) =	ssettag $0x1  }
0x1: {  	s0 =	rddreg [dreg:$0x0];
	s1 =	srdreg.scid  }
0x2: {  	s11 =	stileid.u32;
	s5 =	rddreg [dreg:$0x1]  }
0x3: {  	s2 =	rddreg [dreg:$0x2];
	s3 =	simm.s32 $0x0;
	s16 =	simm.s32 $0x180  }
0x4: {  	s18 =	simm.s32 $0x200;
	s19 =	simm.s32 $0x980;
	s28 =	simm.s32 $0xC00  }
0x5: {  	s29 =	simm.s32 $0x500;
	s30 =	simm.s32 $0xC80;
	s31 =	simm.s32 $0x580  }
0x6: {  	s4 =	smul.u32 $0x2800, s11;
	[smem:$0x7FF] =	sst s3;
	s9 =	sadd.s32 $0x33800, s0  }
0x7: {  	s7 =	smul.u32 $0x50000, s11;
	_ =	strace $0x8000004D;
	[dreg:$0x12] =	wrdreg s9  }
0x8: {  	s1 =	sand.u32 $0x1, s1;
	s11 =	smul.u32 $0x14000, s11;
	[dreg:$0x8] =	wrdreg s16  }
0x9: {  	s6 =	smul.u32 $0x28000, s1;
	s21 =	ssub.s32 $0x2, s1;
	[dreg:$0xa] =	wrdreg s18  }
0xa: {  	s1 =	smul.u32 $0x140000, s1;
	[dreg:$0xb] =	wrdreg s19;
	s18 =	simm.s32 $0x3  }
0xb: {  	s19 =	simm.s32 $0x800;
	s16 =	simm.s32 $0xF00;
	s10 =	sshrl.u32 s21, $0x1  }
0xc: {  	s7 =	sshrl.u32 s7, $0x2;
	s22 =	sadd.s32 $0x4000, s11;
	s23 =	sadd.s32 $0x8000, s11  }
0xd: {  	s12 =	sadd.s32 $0xC000, s11;
	s13 =	sadd.s32 $0x10000, s11;
	s4 =	ssub.s32 s4, s6  }
0xe: {  	s9 =	ssub.s32 s21, s10;
	s14 =	sadd.s32 s7, s2;
	s15 =	sadd.s32 s22, s2  }
0xf: {  	s8 =	sadd.s32 s23, s2;
	s24 =	sadd.s32 s12, s2;
	s11 =	sadd.s32 s11, s1  }
0x10: {  	s7 =	sadd.s32 s1, s22;
	s10 =	sadd.s32 s1, s23;
	[dreg:$0x15] =	wrdreg s8  }
0x11: {  	s21 =	simm.s32 $0x280;
	s22 =	simm.s32 $0xA00;
	[dreg:$0x16] =	wrdreg s24  }
0x12: {  	s23 =	simm.s32 $0x300;
	s6 =	sadd.s32 $0x28000, s4;
	[dreg:$0xc] =	wrdreg s21  }
0x13: {  	s4 =	sadd.s32 $0xC600, s0;
	s25 =	sshrl.u32 s10, $0x3;
	[dreg:$0xd] =	wrdreg s22  }
0x14: {  	s10 =	smov.u32 s14;
	s14 =	simm.s32 $0x880;
	[dreg:$0xe] =	wrdreg s23  }
0x15: {  	s8 =	sadd.s32 s13, s2;
	s20 =	smax.u32 s9, $0x1;
	[dreg:$0x7] =	wrdreg s14  }
0x16: {  	s11 =	sshrl.u32 s11, $0x3;
	s24 =	simm.s32 $0xA80;
	[dreg:$0x1d] =	wrdreg s20  }
0x17: {  	s7 =	sshrl.u32 s7, $0x3;
	s9 =	smov.u32 s15;
	[dreg:$0xf] =	wrdreg s24  }
0x18: {  	s21 =	simm.s32 $0x5000;
	s22 =	simm.s32 $0x1;
	[dreg:$0x13] =	wrdreg s10  }
0x19: {  	s23 =	simm.s32 $0x2;
	s15 =	simm.s32 $0x780;
	[dreg:$0x14] =	wrdreg s9  }
0x1a: {  	s6 =	sshrl.u32 s6, $0x3;
	s20 =	simm.s32 $0x80;
	[dreg:$0x17] =	wrdreg s8  }
0x1b: {  	s17 =	sadd.s32 s6, s0;
	s0 =	sadd.s32 $0x34000, s0;
	s5 =	sadd.s32 s6, s5  }
0x1c: {  	s24 =	simm.s32 $0x400;
	s11 =	sadd.s32 s0, s11;
	[dreg:$0x4] =	wrdreg s5  }
0x1d: {  	s14 =	simm.s32 $0xE80;
	s7 =	sadd.s32 s0, s7;
	[dreg:$0x18] =	wrdreg s11  }
0x1e: {  	s26 =	sadd.s32 s0, s25;
	s25 =	simm.s32 $0x380;
	[dreg:$0x19] =	wrdreg s7  }
0x1f: {  	s5 =	simm.s32 $0xD80;
	[dreg:$0x1a] =	wrdreg s26;
	s7 =	sadd.s32 $0x2600, s17  }
0x20: {  	s11 =	sadd.s32 s1, s12;
	s12 =	simm.s32 $0x100;
	[dreg:$0x10] =	wrdreg s25  }
0x21: {  	s1 =	sadd.s32 s1, s13;
	s17 =	simm.s32 $0x900;
	[dreg:$0x5] =	wrdreg s7  }
0x22: {  	s26 =	simm.s32 $0xB00;
	s25 =	simm.s32 $0xB80;
	[dreg:$0x6] =	wrdreg s12  }
0x23: {  	s13 =	simm.s32 $0x700;
	s6 =	sshrl.u32 s11, $0x3;
	[dreg:$0x9] =	wrdreg s17  }
0x24: {  	s1 =	sshrl.u32 s1, $0x3;
	s17 =	simm.s32 $0x1000;
	[dreg:$0x11] =	wrdreg s26  }
0x25: {  	s26 =	simm.s32 $0x480;
	s11 =	simm.s32 $0x680;
	s7 =	simm.s32 $0x0  }
0x26: {  	s12 =	simm.s32 $0xE00;
	s6 =	sadd.s32 s0, s6;
	[dreg:$0x1e] =	wrdreg s7  }
0x27: {  	s0 =	sadd.s32 s0, s1;
	s1 =	simm.s32 $0xD00;
	[dreg:$0x1b] =	wrdreg s6  }
0x28: {  	[dreg:$0x1c] =	wrdreg s0;
	s0 =	simm.s32 $0x600;
	s6 =	simm.s32 $0xF80  }
.LBB2_1:
0x29: {  	s7 =	rddreg [dreg:$0x12]  }
0x2a: {  	[tilespmem:s17], [sflag:$0x3] =	stream.linear.gather [hbm4b:s7+s3], $0x4000, $0x38;
	[tilespmem:$0x1D000] =	vst v63  }
0x2b: {  	_ =	swait.ge [sflag:s18], $0x4000  }
0x2c: {  	[sflag:s18] =	ssyncset.done $0x0  }
0x2d: {  	[sflag:s18] =	ssyncadd.s32 $0xFFFFC000  }
0x2e: {  	[spmem:s10] =	stream.linear.scatter [tilespmem:s17], [sflag:$0x3], $0x4000, $0x38;
	[tilespmem:$0x1D000] =	vst v63  }
0x2f: {  	_ =	swait.ge [sflag:s18], $0x4000  }
0x30: {  	[sflag:s18] =	ssyncset.done $0x0  }
0x31: {  	[sflag:s18] =	ssyncadd.s32 $0xFFFFC000  }
0x32: {  	[spmem:s9] =	stream.linear.scatter [tilespmem:s17], [sflag:$0x3], $0x4000, $0x38;
	[tilespmem:$0x1D000] =	vst v63  }
0x33: {  	_ =	swait.ge [sflag:s18], $0x4000  }
0x34: {  	[sflag:s18] =	ssyncset.done $0x0  }
0x35: {  	s9 =	rddreg [dreg:$0x15];
	[sflag:s18] =	ssyncadd.s32 $0xFFFFC000  }
0x36: {  	[spmem:s9] =	stream.linear.scatter [tilespmem:s17], [sflag:$0x3], $0x4000, $0x38;
	[tilespmem:$0x1D000] =	vst v63  }
0x37: {  	_ =	swait.ge [sflag:s18], $0x4000  }
0x38: {  	[sflag:s18] =	ssyncset.done $0x0  }
0x39: {  	s10 =	rddreg [dreg:$0x16];
	[sflag:s18] =	ssyncadd.s32 $0xFFFFC000  }
0x3a: {  	[spmem:s10] =	stream.linear.scatter [tilespmem:s17], [sflag:$0x3], $0x4000, $0x38;
	[tilespmem:$0x1D000] =	vst v63  }
0x3b: {  	_ =	swait.ge [sflag:s18], $0x4000  }
0x3c: {  	[sflag:s18] =	ssyncset.done $0x0  }
0x3d: {  	[sflag:s18] =	ssyncadd.s32 $0xFFFFC000  }
0x3e: {  	[spmem:s8] =	stream.linear.scatter [tilespmem:s17], [sflag:$0x3], $0x4000, $0x38;
	[tilespmem:$0x1D000] =	vst v63  }
0x3f: {  	_ =	swait.ge [sflag:s18], $0x4000  }
0x40: {  	[sflag:s18] =	ssyncset.done $0x0  }
0x41: {  	[sflag:s18] =	ssyncadd.s32 $0xFFFFC000  }
0x42: {  	[bflag:$0x0] =	sbarrier.arrive $0xFFFF  }
0x43: {  	s9 =	rddreg [dreg:$0x5]  }
0x44: {  	s8 =	sadd.s32 $0x0, s9  }
0x45: {  	[tilespmem:s3], [sflag:$0x3] =	stream.linear.gather [hbm4b:s8+s3], $0x800, $0x38;
	[tilespmem:$0x1D000] =	vst v63  }
0x46: {  	_ =	swait.ge [sflag:s18], $0x800  }
0x47: {  	s10 =	rddreg [dreg:$0x4];
	[sflag:s18] =	ssyncset.done $0x0  }
0x48: {  	[sflag:s18] =	ssyncadd.s32 $0xFFFFF800;
	s8 =	sadd.s32 $0x0, s10  }
0x49: {  	[tilespmem:s19], [sflag:$0x3] =	stream.linear.gather [hbm4b:s8+s3], $0x800, $0x38;
	[tilespmem:$0x1D000] =	vst v63  }
0x4a: {  	_ =	swait.ge [sflag:s18], $0x800  }
0x4b: {  	[sflag:s18] =	ssyncset.done $0x0  }
0x4c: {  	[sflag:s18] =	ssyncadd.s32 $0xFFFFF800  }
0x4d: {  	[tilespmem:s17], [sflag:$0x1] =	stream.indirect.gather [hbm4b:s4+s20], $0x80, s3, s20, $0xb8;
	[tilespmem:$0x1D000] =	vst v63  }
0x4e: {  	_ = 	snop  }
0x4f: {  	[tilespmem:s21], [sflag:$0x2] =	stream.indirect.gather [hbm4b:s4+s20], $0x80, s20, s20, $0xb8;
	[tilespmem:$0x1D000] =	vst v63  }
0x50: {  	_ =	swait.ge [sflag:s22], $0x4000  }
0x51: {  	[sflag:s22] =	ssyncset.done $0x0  }
0x52: {  	[sflag:s22] =	ssyncadd.s32 $0xFFFFC000  }
0x53: {  	[spmem:s2] =	stream.indirect.scatter.add.f32 [tilespmem:s17], [sflag:$0x3], $0x80, s19, s20, $0xb8;
	[tilespmem:$0x1D000] =	vst v63  }
0x54: {  	_ =	swait.ge [sflag:s18], $0x4000  }
0x55: {  	[sflag:s18] =	ssyncset.done $0x0  }
0x56: {  	s7 =	rddreg [dreg:$0x6];
	[sflag:s18] =	ssyncadd.s32 $0xFFFFC000  }
0x57: {  	[tilespmem:s17], [sflag:$0x1] =	stream.indirect.gather [hbm4b:s4+s20], $0x80, s7, s20, $0xb8;
	[tilespmem:$0x1D000] =	vst v63  }
0x58: {  	_ =	swait.ge [sflag:s23], $0x4000  }
0x59: {  	[sflag:s23] =	ssyncset.done $0x0  }
0x5a: {  	s9 =	rddreg [dreg:$0x7];
	[sflag:s23] =	ssyncadd.s32 $0xFFFFC000  }
0x5b: {  	[spmem:s2] =	stream.indirect.scatter.add.f32 [tilespmem:s21], [sflag:$0x3], $0x80, s9, s20, $0xb8;
	[tilespmem:$0x1D000] =	vst v63  }
0x5c: {  	_ =	swait.ge [sflag:s18], $0x4000  }
0x5d: {  	[sflag:s18] =	ssyncset.done $0x0  }
0x5e: {  	s10 =	rddreg [dreg:$0x8];
	[sflag:s18] =	ssyncadd.s32 $0xFFFFC000  }
0x5f: {  	[tilespmem:s21], [sflag:$0x2] =	stream.indirect.gather [hbm4b:s4+s20], $0x80, s10, s20, $0xb8;
	[tilespmem:$0x1D000] =	vst v63  }
0x60: {  	_ =	swait.ge [sflag:s22], $0x4000  }
0x61: {  	[sflag:s22] =	ssyncset.done $0x0  }
0x62: {  	s7 =	rddreg [dreg:$0x9];
	[sflag:s22] =	ssyncadd.s32 $0xFFFFC000  }
0x63: {  	[spmem:s2] =	stream.indirect.scatter.add.f32 [tilespmem:s17], [sflag:$0x3], $0x80, s7, s20, $0xb8;
	[tilespmem:$0x1D000] =	vst v63  }
0x64: {  	_ =	swait.ge [sflag:s18], $0x4000  }
0x65: {  	[sflag:s18] =	ssyncset.done $0x0  }
0x66: {  	s9 =	rddreg [dreg:$0xa];
	[sflag:s18] =	ssyncadd.s32 $0xFFFFC000  }
0x67: {  	[tilespmem:s17], [sflag:$0x1] =	stream.indirect.gather [hbm4b:s4+s20], $0x80, s9, s20, $0xb8;
	[tilespmem:$0x1D000] =	vst v63  }
0x68: {  	_ =	swait.ge [sflag:s23], $0x4000  }
0x69: {  	[sflag:s23] =	ssyncset.done $0x0  }
0x6a: {  	s10 =	rddreg [dreg:$0xb];
	[sflag:s23] =	ssyncadd.s32 $0xFFFFC000  }
0x6b: {  	[spmem:s2] =	stream.indirect.scatter.add.f32 [tilespmem:s21], [sflag:$0x3], $0x80, s10, s20, $0xb8;
	[tilespmem:$0x1D000] =	vst v63  }
0x6c: {  	_ =	swait.ge [sflag:s18], $0x4000  }
0x6d: {  	[sflag:s18] =	ssyncset.done $0x0  }
0x6e: {  	s7 =	rddreg [dreg:$0xc];
	[sflag:s18] =	ssyncadd.s32 $0xFFFFC000  }
0x6f: {  	[tilespmem:s21], [sflag:$0x2] =	stream.indirect.gather [hbm4b:s4+s20], $0x80, s7, s20, $0xb8;
	[tilespmem:$0x1D000] =	vst v63  }
0x70: {  	_ =	swait.ge [sflag:s22], $0x4000  }
0x71: {  	[sflag:s22] =	ssyncset.done $0x0  }
0x72: {  	s9 =	rddreg [dreg:$0xd];
	[sflag:s22] =	ssyncadd.s32 $0xFFFFC000  }
0x73: {  	[spmem:s2] =	stream.indirect.scatter.add.f32 [tilespmem:s17], [sflag:$0x3], $0x80, s9, s20, $0xb8;
	[tilespmem:$0x1D000] =	vst v63  }
0x74: {  	_ =	swait.ge [sflag:s18], $0x4000  }
0x75: {  	[sflag:s18] =	ssyncset.done $0x0  }
0x76: {  	s10 =	rddreg [dreg:$0xe];
	[sflag:s18] =	ssyncadd.s32 $0xFFFFC000  }
0x77: {  	[tilespmem:s17], [sflag:$0x1] =	stream.indirect.gather [hbm4b:s4+s20], $0x80, s10, s20, $0xb8;
	[tilespmem:$0x1D000] =	vst v63  }
0x78: {  	_ =	swait.ge [sflag:s23], $0x4000  }
0x79: {  	[sflag:s23] =	ssyncset.done $0x0  }
0x7a: {  	s7 =	rddreg [dreg:$0xf];
	[sflag:s23] =	ssyncadd.s32 $0xFFFFC000  }
0x7b: {  	[spmem:s2] =	stream.indirect.scatter.add.f32 [tilespmem:s21], [sflag:$0x3], $0x80, s7, s20, $0xb8;
	[tilespmem:$0x1D000] =	vst v63  }
0x7c: {  	_ =	swait.ge [sflag:s18], $0x4000  }
0x7d: {  	[sflag:s18] =	ssyncset.done $0x0  }
0x7e: {  	s9 =	rddreg [dreg:$0x10];
	[sflag:s18] =	ssyncadd.s32 $0xFFFFC000  }
0x7f: {  	[tilespmem:s21], [sflag:$0x2] =	stream.indirect.gather [hbm4b:s4+s20], $0x80, s9, s20, $0xb8;
	[tilespmem:$0x1D000] =	vst v63  }
0x80: {  	_ =	swait.ge [sflag:s22], $0x4000  }
0x81: {  	[sflag:s22] =	ssyncset.done $0x0  }
0x82: {  	s10 =	rddreg [dreg:$0x11];
	[sflag:s22] =	ssyncadd.s32 $0xFFFFC000  }
0x83: {  	[spmem:s2] =	stream.indirect.scatter.add.f32 [tilespmem:s17], [sflag:$0x3], $0x80, s10, s20, $0xb8;
	[tilespmem:$0x1D000] =	vst v63  }
0x84: {  	_ =	swait.ge [sflag:s18], $0x4000  }
0x85: {  	[sflag:s18] =	ssyncset.done $0x0  }
0x86: {  	[sflag:s18] =	ssyncadd.s32 $0xFFFFC000  }
0x87: {  	[tilespmem:s17], [sflag:$0x1] =	stream.indirect.gather [hbm4b:s4+s20], $0x80, s24, s20, $0xb8;
	[tilespmem:$0x1D000] =	vst v63  }
0x88: {  	_ =	swait.ge [sflag:s23], $0x4000  }
0x89: {  	[sflag:s23] =	ssyncset.done $0x0  }
0x8a: {  	[sflag:s23] =	ssyncadd.s32 $0xFFFFC000  }
0x8b: {  	[spmem:s2] =	stream.indirect.scatter.add.f32 [tilespmem:s21], [sflag:$0x3], $0x80, s25, s20, $0xb8;
	[tilespmem:$0x1D000] =	vst v63  }
0x8c: {  	_ =	swait.ge [sflag:s18], $0x4000  }
0x8d: {  	[sflag:s18] =	ssyncset.done $0x0  }
0x8e: {  	[sflag:s18] =	ssyncadd.s32 $0xFFFFC000  }
0x8f: {  	[tilespmem:s21], [sflag:$0x2] =	stream.indirect.gather [hbm4b:s4+s20], $0x80, s26, s20, $0xb8;
	[tilespmem:$0x1D000] =	vst v63  }
0x90: {  	_ =	swait.ge [sflag:s22], $0x4000  }
0x91: {  	[sflag:s22] =	ssyncset.done $0x0  }
0x92: {  	[sflag:s22] =	ssyncadd.s32 $0xFFFFC000  }
0x93: {  	[spmem:s2] =	stream.indirect.scatter.add.f32 [tilespmem:s17], [sflag:$0x3], $0x80, s28, s20, $0xb8;
	[tilespmem:$0x1D000] =	vst v63  }
0x94: {  	_ =	swait.ge [sflag:s18], $0x4000  }
0x95: {  	[sflag:s18] =	ssyncset.done $0x0  }
0x96: {  	[sflag:s18] =	ssyncadd.s32 $0xFFFFC000  }
0x97: {  	[tilespmem:s17], [sflag:$0x1] =	stream.indirect.gather [hbm4b:s4+s20], $0x80, s29, s20, $0xb8;
	[tilespmem:$0x1D000] =	vst v63  }
0x98: {  	_ =	swait.ge [sflag:s23], $0x4000  }
0x99: {  	[sflag:s23] =	ssyncset.done $0x0  }
0x9a: {  	[sflag:s23] =	ssyncadd.s32 $0xFFFFC000  }
0x9b: {  	[spmem:s2] =	stream.indirect.scatter.add.f32 [tilespmem:s21], [sflag:$0x3], $0x80, s30, s20, $0xb8;
	[tilespmem:$0x1D000] =	vst v63  }
0x9c: {  	_ =	swait.ge [sflag:s18], $0x4000  }
0x9d: {  	[sflag:s18] =	ssyncset.done $0x0  }
0x9e: {  	[sflag:s18] =	ssyncadd.s32 $0xFFFFC000  }
0x9f: {  	[tilespmem:s21], [sflag:$0x2] =	stream.indirect.gather [hbm4b:s4+s20], $0x80, s31, s20, $0xb8;
	[tilespmem:$0x1D000] =	vst v63  }
0xa0: {  	_ =	swait.ge [sflag:s22], $0x4000  }
0xa1: {  	[sflag:s22] =	ssyncset.done $0x0  }
0xa2: {  	[sflag:s22] =	ssyncadd.s32 $0xFFFFC000  }
0xa3: {  	[spmem:s2] =	stream.indirect.scatter.add.f32 [tilespmem:s17], [sflag:$0x3], $0x80, s1, s20, $0xb8;
	[tilespmem:$0x1D000] =	vst v63  }
0xa4: {  	_ =	swait.ge [sflag:s18], $0x4000  }
0xa5: {  	[sflag:s18] =	ssyncset.done $0x0  }
0xa6: {  	[sflag:s18] =	ssyncadd.s32 $0xFFFFC000  }
0xa7: {  	[tilespmem:s17], [sflag:$0x1] =	stream.indirect.gather [hbm4b:s4+s20], $0x80, s0, s20, $0xb8;
	[tilespmem:$0x1D000] =	vst v63  }
0xa8: {  	_ =	swait.ge [sflag:s23], $0x4000  }
0xa9: {  	[sflag:s23] =	ssyncset.done $0x0  }
0xaa: {  	[sflag:s23] =	ssyncadd.s32 $0xFFFFC000  }
0xab: {  	[spmem:s2] =	stream.indirect.scatter.add.f32 [tilespmem:s21], [sflag:$0x3], $0x80, s5, s20, $0xb8;
	[tilespmem:$0x1D000] =	vst v63  }
0xac: {  	_ =	swait.ge [sflag:s18], $0x4000  }
0xad: {  	[sflag:s18] =	ssyncset.done $0x0  }
0xae: {  	[sflag:s18] =	ssyncadd.s32 $0xFFFFC000  }
0xaf: {  	[tilespmem:s21], [sflag:$0x2] =	stream.indirect.gather [hbm4b:s4+s20], $0x80, s11, s20, $0xb8;
	[tilespmem:$0x1D000] =	vst v63  }
0xb0: {  	_ =	swait.ge [sflag:s22], $0x4000  }
0xb1: {  	[sflag:s22] =	ssyncset.done $0x0  }
0xb2: {  	[sflag:s22] =	ssyncadd.s32 $0xFFFFC000  }
0xb3: {  	[spmem:s2] =	stream.indirect.scatter.add.f32 [tilespmem:s17], [sflag:$0x3], $0x80, s12, s20, $0xb8;
	[tilespmem:$0x1D000] =	vst v63  }
0xb4: {  	_ =	swait.ge [sflag:s18], $0x4000  }
0xb5: {  	[sflag:s18] =	ssyncset.done $0x0  }
0xb6: {  	[sflag:s18] =	ssyncadd.s32 $0xFFFFC000  }
0xb7: {  	[tilespmem:s17], [sflag:$0x1] =	stream.indirect.gather [hbm4b:s4+s20], $0x80, s13, s20, $0xb8;
	[tilespmem:$0x1D000] =	vst v63  }
0xb8: {  	_ =	swait.ge [sflag:s23], $0x4000  }
0xb9: {  	[sflag:s23] =	ssyncset.done $0x0  }
0xba: {  	[sflag:s23] =	ssyncadd.s32 $0xFFFFC000  }
0xbb: {  	[spmem:s2] =	stream.indirect.scatter.add.f32 [tilespmem:s21], [sflag:$0x3], $0x80, s14, s20, $0xb8;
	[tilespmem:$0x1D000] =	vst v63  }
0xbc: {  	_ =	swait.ge [sflag:s18], $0x4000  }
0xbd: {  	[sflag:s18] =	ssyncset.done $0x0  }
0xbe: {  	[sflag:s18] =	ssyncadd.s32 $0xFFFFC000  }
0xbf: {  	[tilespmem:s21], [sflag:$0x2] =	stream.indirect.gather [hbm4b:s4+s20], $0x80, s15, s20, $0xb8;
	[tilespmem:$0x1D000] =	vst v63  }
0xc0: {  	_ =	swait.ge [sflag:s22], $0x4000  }
0xc1: {  	[sflag:s22] =	ssyncset.done $0x0  }
0xc2: {  	[sflag:s22] =	ssyncadd.s32 $0xFFFFC000  }
0xc3: {  	[spmem:s2] =	stream.indirect.scatter.add.f32 [tilespmem:s17], [sflag:$0x3], $0x80, s16, s20, $0xb8;
	[tilespmem:$0x1D000] =	vst v63  }
0xc4: {  	_ =	swait.ge [sflag:s18], $0x4000  }
0xc5: {  	[sflag:s18] =	ssyncset.done $0x0  }
0xc6: {  	[sflag:s18] =	ssyncadd.s32 $0xFFFFC000  }
0xc7: {  	_ =	swait.ge [sflag:s23], $0x4000  }
0xc8: {  	[sflag:s23] =	ssyncset.done $0x0  }
0xc9: {  	[sflag:s23] =	ssyncadd.s32 $0xFFFFC000  }
0xca: {  	[spmem:s2] =	stream.indirect.scatter.add.f32 [tilespmem:s21], [sflag:$0x3], $0x80, s6, s20, $0xb8;
	[tilespmem:$0x1D000] =	vst v63  }
0xcb: {  	s8 =	simm.s32 $0x100;
	_ =	swait.ge [sflag:s18], $0x4000  }
0xcc: {  	s9 =	simm.s32 $0x200;
	s10 =	rddreg [dreg:$0x5];
	[sflag:s18] =	ssyncset.done $0x0  }
.LBB2_2:
0xcd: {  	[sflag:s18] =	ssyncadd.s32 $0xFFFFC000;
	s10 =	sadd.s32 s8, s10  }
0xce: {  	[tilespmem:s3], [sflag:$0x3] =	stream.linear.gather [hbm4b:s10+s3], $0x800, $0x38;
	[tilespmem:$0x1D000] =	vst v63  }
0xcf: {  	_ =	swait.ge [sflag:s18], $0x800  }
0xd0: {  	s10 =	rddreg [dreg:$0x4];
	[sflag:s18] =	ssyncset.done $0x0  }
0xd1: {  	[sflag:s18] =	ssyncadd.s32 $0xFFFFF800;
	s10 =	sadd.s32 s8, s10  }
0xd2: {  	[tilespmem:s19], [sflag:$0x3] =	stream.linear.gather [hbm4b:s10+s3], $0x800, $0x38;
	[tilespmem:$0x1D000] =	vst v63  }
0xd3: {  	_ =	swait.ge [sflag:s18], $0x800  }
0xd4: {  	[sflag:s18] =	ssyncset.done $0x0  }
0xd5: {  	[sflag:s18] =	ssyncadd.s32 $0xFFFFF800  }
0xd6: {  	[tilespmem:s17], [sflag:$0x1] =	stream.indirect.gather [hbm4b:s4+s20], $0x80, s3, s20, $0xb8;
	[tilespmem:$0x1D000] =	vst v63  }
0xd7: {  	_ = 	snop  }
0xd8: {  	[tilespmem:s21], [sflag:$0x2] =	stream.indirect.gather [hbm4b:s4+s20], $0x80, s20, s20, $0xb8;
	[tilespmem:$0x1D000] =	vst v63  }
0xd9: {  	_ =	swait.ge [sflag:s22], $0x4000  }
0xda: {  	[sflag:s22] =	ssyncset.done $0x0  }
0xdb: {  	[sflag:s22] =	ssyncadd.s32 $0xFFFFC000  }
0xdc: {  	[spmem:s2] =	stream.indirect.scatter.add.f32 [tilespmem:s17], [sflag:$0x3], $0x80, s19, s20, $0xb8;
	[tilespmem:$0x1D000] =	vst v63  }
0xdd: {  	_ =	swait.ge [sflag:s18], $0x4000  }
0xde: {  	[sflag:s18] =	ssyncset.done $0x0  }
0xdf: {  	s10 =	rddreg [dreg:$0x6];
	[sflag:s18] =	ssyncadd.s32 $0xFFFFC000  }
0xe0: {  	[tilespmem:s17], [sflag:$0x1] =	stream.indirect.gather [hbm4b:s4+s20], $0x80, s10, s20, $0xb8;
	[tilespmem:$0x1D000] =	vst v63  }
0xe1: {  	_ =	swait.ge [sflag:s23], $0x4000  }
0xe2: {  	[sflag:s23] =	ssyncset.done $0x0  }
0xe3: {  	s10 =	rddreg [dreg:$0x7];
	[sflag:s23] =	ssyncadd.s32 $0xFFFFC000  }
0xe4: {  	[spmem:s2] =	stream.indirect.scatter.add.f32 [tilespmem:s21], [sflag:$0x3], $0x80, s10, s20, $0xb8;
	[tilespmem:$0x1D000] =	vst v63  }
0xe5: {  	_ =	swait.ge [sflag:s18], $0x4000  }
0xe6: {  	[sflag:s18] =	ssyncset.done $0x0  }
0xe7: {  	s10 =	rddreg [dreg:$0x8];
	[sflag:s18] =	ssyncadd.s32 $0xFFFFC000  }
0xe8: {  	[tilespmem:s21], [sflag:$0x2] =	stream.indirect.gather [hbm4b:s4+s20], $0x80, s10, s20, $0xb8;
	[tilespmem:$0x1D000] =	vst v63  }
0xe9: {  	_ =	swait.ge [sflag:s22], $0x4000  }
0xea: {  	[sflag:s22] =	ssyncset.done $0x0  }
0xeb: {  	s10 =	rddreg [dreg:$0x9];
	[sflag:s22] =	ssyncadd.s32 $0xFFFFC000  }
0xec: {  	[spmem:s2] =	stream.indirect.scatter.add.f32 [tilespmem:s17], [sflag:$0x3], $0x80, s10, s20, $0xb8;
	[tilespmem:$0x1D000] =	vst v63  }
0xed: {  	_ =	swait.ge [sflag:s18], $0x4000  }
0xee: {  	[sflag:s18] =	ssyncset.done $0x0  }
0xef: {  	s10 =	rddreg [dreg:$0xa];
	[sflag:s18] =	ssyncadd.s32 $0xFFFFC000  }
0xf0: {  	[tilespmem:s17], [sflag:$0x1] =	stream.indirect.gather [hbm4b:s4+s20], $0x80, s10, s20, $0xb8;
	[tilespmem:$0x1D000] =	vst v63  }
0xf1: {  	_ =	swait.ge [sflag:s23], $0x4000  }
0xf2: {  	[sflag:s23] =	ssyncset.done $0x0  }
0xf3: {  	s10 =	rddreg [dreg:$0xb];
	[sflag:s23] =	ssyncadd.s32 $0xFFFFC000  }
0xf4: {  	[spmem:s2] =	stream.indirect.scatter.add.f32 [tilespmem:s21], [sflag:$0x3], $0x80, s10, s20, $0xb8;
	[tilespmem:$0x1D000] =	vst v63  }
0xf5: {  	_ =	swait.ge [sflag:s18], $0x4000  }
0xf6: {  	[sflag:s18] =	ssyncset.done $0x0  }
0xf7: {  	s10 =	rddreg [dreg:$0xc];
	[sflag:s18] =	ssyncadd.s32 $0xFFFFC000  }
0xf8: {  	[tilespmem:s21], [sflag:$0x2] =	stream.indirect.gather [hbm4b:s4+s20], $0x80, s10, s20, $0xb8;
	[tilespmem:$0x1D000] =	vst v63  }
0xf9: {  	_ =	swait.ge [sflag:s22], $0x4000  }
0xfa: {  	[sflag:s22] =	ssyncset.done $0x0  }
0xfb: {  	s10 =	rddreg [dreg:$0xd];
	[sflag:s22] =	ssyncadd.s32 $0xFFFFC000  }
0xfc: {  	[spmem:s2] =	stream.indirect.scatter.add.f32 [tilespmem:s17], [sflag:$0x3], $0x80, s10, s20, $0xb8;
	[tilespmem:$0x1D000] =	vst v63  }
0xfd: {  	_ =	swait.ge [sflag:s18], $0x4000  }
0xfe: {  	[sflag:s18] =	ssyncset.done $0x0  }
0xff: {  	s10 =	rddreg [dreg:$0xe];
	[sflag:s18] =	ssyncadd.s32 $0xFFFFC000  }
0x100: {  	[tilespmem:s17], [sflag:$0x1] =	stream.indirect.gather [hbm4b:s4+s20], $0x80, s10, s20, $0xb8;
	[tilespmem:$0x1D000] =	vst v63  }
0x101: {  	_ =	swait.ge [sflag:s23], $0x4000  }
0x102: {  	[sflag:s23] =	ssyncset.done $0x0  }
0x103: {  	s10 =	rddreg [dreg:$0xf];
	[sflag:s23] =	ssyncadd.s32 $0xFFFFC000  }
0x104: {  	[spmem:s2] =	stream.indirect.scatter.add.f32 [tilespmem:s21], [sflag:$0x3], $0x80, s10, s20, $0xb8;
	[tilespmem:$0x1D000] =	vst v63  }
0x105: {  	_ =	swait.ge [sflag:s18], $0x4000  }
0x106: {  	[sflag:s18] =	ssyncset.done $0x0  }
0x107: {  	s10 =	rddreg [dreg:$0x10];
	[sflag:s18] =	ssyncadd.s32 $0xFFFFC000  }
0x108: {  	[tilespmem:s21], [sflag:$0x2] =	stream.indirect.gather [hbm4b:s4+s20], $0x80, s10, s20, $0xb8;
	[tilespmem:$0x1D000] =	vst v63  }
0x109: {  	_ =	swait.ge [sflag:s22], $0x4000  }
0x10a: {  	[sflag:s22] =	ssyncset.done $0x0  }
0x10b: {  	s10 =	rddreg [dreg:$0x11];
	[sflag:s22] =	ssyncadd.s32 $0xFFFFC000  }
0x10c: {  	[spmem:s2] =	stream.indirect.scatter.add.f32 [tilespmem:s17], [sflag:$0x3], $0x80, s10, s20, $0xb8;
	[tilespmem:$0x1D000] =	vst v63  }
0x10d: {  	_ =	swait.ge [sflag:s18], $0x4000  }
0x10e: {  	[sflag:s18] =	ssyncset.done $0x0  }
0x10f: {  	[sflag:s18] =	ssyncadd.s32 $0xFFFFC000  }
0x110: {  	[tilespmem:s17], [sflag:$0x1] =	stream.indirect.gather [hbm4b:s4+s20], $0x80, s24, s20, $0xb8;
	[tilespmem:$0x1D000] =	vst v63  }
0x111: {  	_ =	swait.ge [sflag:s23], $0x4000  }
0x112: {  	[sflag:s23] =	ssyncset.done $0x0  }
0x113: {  	[sflag:s23] =	ssyncadd.s32 $0xFFFFC000  }
0x114: {  	[spmem:s2] =	stream.indirect.scatter.add.f32 [tilespmem:s21], [sflag:$0x3], $0x80, s25, s20, $0xb8;
	[tilespmem:$0x1D000] =	vst v63  }
0x115: {  	_ =	swait.ge [sflag:s18], $0x4000  }
0x116: {  	[sflag:s18] =	ssyncset.done $0x0  }
0x117: {  	[sflag:s18] =	ssyncadd.s32 $0xFFFFC000  }
0x118: {  	[tilespmem:s21], [sflag:$0x2] =	stream.indirect.gather [hbm4b:s4+s20], $0x80, s26, s20, $0xb8;
	[tilespmem:$0x1D000] =	vst v63  }
0x119: {  	_ =	swait.ge [sflag:s22], $0x4000  }
0x11a: {  	[sflag:s22] =	ssyncset.done $0x0  }
0x11b: {  	[sflag:s22] =	ssyncadd.s32 $0xFFFFC000  }
0x11c: {  	[spmem:s2] =	stream.indirect.scatter.add.f32 [tilespmem:s17], [sflag:$0x3], $0x80, s28, s20, $0xb8;
	[tilespmem:$0x1D000] =	vst v63  }
0x11d: {  	_ =	swait.ge [sflag:s18], $0x4000  }
0x11e: {  	[sflag:s18] =	ssyncset.done $0x0  }
0x11f: {  	[sflag:s18] =	ssyncadd.s32 $0xFFFFC000  }
0x120: {  	[tilespmem:s17], [sflag:$0x1] =	stream.indirect.gather [hbm4b:s4+s20], $0x80, s29, s20, $0xb8;
	[tilespmem:$0x1D000] =	vst v63  }
0x121: {  	_ =	swait.ge [sflag:s23], $0x4000  }
0x122: {  	[sflag:s23] =	ssyncset.done $0x0  }
0x123: {  	[sflag:s23] =	ssyncadd.s32 $0xFFFFC000  }
0x124: {  	[spmem:s2] =	stream.indirect.scatter.add.f32 [tilespmem:s21], [sflag:$0x3], $0x80, s30, s20, $0xb8;
	[tilespmem:$0x1D000] =	vst v63  }
0x125: {  	_ =	swait.ge [sflag:s18], $0x4000  }
0x126: {  	[sflag:s18] =	ssyncset.done $0x0  }
0x127: {  	[sflag:s18] =	ssyncadd.s32 $0xFFFFC000  }
0x128: {  	[tilespmem:s21], [sflag:$0x2] =	stream.indirect.gather [hbm4b:s4+s20], $0x80, s31, s20, $0xb8;
	[tilespmem:$0x1D000] =	vst v63  }
0x129: {  	_ =	swait.ge [sflag:s22], $0x4000  }
0x12a: {  	[sflag:s22] =	ssyncset.done $0x0  }
0x12b: {  	[sflag:s22] =	ssyncadd.s32 $0xFFFFC000  }
0x12c: {  	[spmem:s2] =	stream.indirect.scatter.add.f32 [tilespmem:s17], [sflag:$0x3], $0x80, s1, s20, $0xb8;
	[tilespmem:$0x1D000] =	vst v63  }
0x12d: {  	_ =	swait.ge [sflag:s18], $0x4000  }
0x12e: {  	[sflag:s18] =	ssyncset.done $0x0  }
0x12f: {  	[sflag:s18] =	ssyncadd.s32 $0xFFFFC000  }
0x130: {  	[tilespmem:s17], [sflag:$0x1] =	stream.indirect.gather [hbm4b:s4+s20], $0x80, s0, s20, $0xb8;
	[tilespmem:$0x1D000] =	vst v63  }
0x131: {  	_ =	swait.ge [sflag:s23], $0x4000  }
0x132: {  	[sflag:s23] =	ssyncset.done $0x0  }
0x133: {  	[sflag:s23] =	ssyncadd.s32 $0xFFFFC000  }
0x134: {  	[spmem:s2] =	stream.indirect.scatter.add.f32 [tilespmem:s21], [sflag:$0x3], $0x80, s5, s20, $0xb8;
	[tilespmem:$0x1D000] =	vst v63  }
0x135: {  	_ =	swait.ge [sflag:s18], $0x4000  }
0x136: {  	[sflag:s18] =	ssyncset.done $0x0  }
0x137: {  	[sflag:s18] =	ssyncadd.s32 $0xFFFFC000  }
0x138: {  	[tilespmem:s21], [sflag:$0x2] =	stream.indirect.gather [hbm4b:s4+s20], $0x80, s11, s20, $0xb8;
	[tilespmem:$0x1D000] =	vst v63  }
0x139: {  	_ =	swait.ge [sflag:s22], $0x4000  }
0x13a: {  	[sflag:s22] =	ssyncset.done $0x0  }
0x13b: {  	[sflag:s22] =	ssyncadd.s32 $0xFFFFC000  }
0x13c: {  	[spmem:s2] =	stream.indirect.scatter.add.f32 [tilespmem:s17], [sflag:$0x3], $0x80, s12, s20, $0xb8;
	[tilespmem:$0x1D000] =	vst v63  }
0x13d: {  	_ =	swait.ge [sflag:s18], $0x4000  }
0x13e: {  	[sflag:s18] =	ssyncset.done $0x0  }
0x13f: {  	[sflag:s18] =	ssyncadd.s32 $0xFFFFC000  }
0x140: {  	[tilespmem:s17], [sflag:$0x1] =	stream.indirect.gather [hbm4b:s4+s20], $0x80, s13, s20, $0xb8;
	[tilespmem:$0x1D000] =	vst v63  }
0x141: {  	_ =	swait.ge [sflag:s23], $0x4000  }
0x142: {  	[sflag:s23] =	ssyncset.done $0x0  }
0x143: {  	[sflag:s23] =	ssyncadd.s32 $0xFFFFC000  }
0x144: {  	[spmem:s2] =	stream.indirect.scatter.add.f32 [tilespmem:s21], [sflag:$0x3], $0x80, s14, s20, $0xb8;
	[tilespmem:$0x1D000] =	vst v63  }
0x145: {  	_ =	swait.ge [sflag:s18], $0x4000  }
0x146: {  	[sflag:s18] =	ssyncset.done $0x0  }
0x147: {  	[sflag:s18] =	ssyncadd.s32 $0xFFFFC000  }
0x148: {  	[tilespmem:s21], [sflag:$0x2] =	stream.indirect.gather [hbm4b:s4+s20], $0x80, s15, s20, $0xb8;
	[tilespmem:$0x1D000] =	vst v63  }
0x149: {  	_ =	swait.ge [sflag:s22], $0x4000  }
0x14a: {  	[sflag:s22] =	ssyncset.done $0x0  }
0x14b: {  	[sflag:s22] =	ssyncadd.s32 $0xFFFFC000  }
0x14c: {  	[spmem:s2] =	stream.indirect.scatter.add.f32 [tilespmem:s17], [sflag:$0x3], $0x80, s16, s20, $0xb8;
	[tilespmem:$0x1D000] =	vst v63  }
0x14d: {  	_ =	swait.ge [sflag:s18], $0x4000  }
0x14e: {  	[sflag:s18] =	ssyncset.done $0x0  }
0x14f: {  	[sflag:s18] =	ssyncadd.s32 $0xFFFFC000  }
0x150: {  	p0 =	sne.s32 s9, $0x400;
	_ =	swait.ge [sflag:s23], $0x4000  }
.Ltmp0:
0x151: {  	[sflag:s23] =	ssyncset.done $0x0;
	(pc) =	sbr.rel @p0 .LBB2_2-.Ltmp0, $4  }
0x152: {  	[sflag:s23] =	ssyncadd.s32 $0xFFFFC000  }
0x153: {  	[spmem:s2] =	stream.indirect.scatter.add.f32 [tilespmem:s21], [sflag:$0x3], $0x80, s6, s20, $0xb8;
	[tilespmem:$0x1D000] =	vst v63  }
0x154: {  	s7 =	smov.u32 s9;
	s9 =	sadd.s32 $0x100, s9;
	_ =	swait.ge [sflag:s18], $0x4000  }
0x155: {  	s8 =	smov.u32 s7;
	s10 =	rddreg [dreg:$0x5];
	[sflag:s18] =	ssyncset.done $0x0  }
0x156: {  	[sflag:s18] =	ssyncadd.s32 $0xFFFFC000;
	s7 =	sadd.s32 s8, s10  }
0x157: {  	[tilespmem:s3], [sflag:$0x3] =	stream.linear.gather [hbm4b:s7+s3], $0x800, $0x38;
	[tilespmem:$0x1D000] =	vst v63  }
0x158: {  	_ =	swait.ge [sflag:s18], $0x800  }
0x159: {  	s10 =	rddreg [dreg:$0x4];
	[sflag:s18] =	ssyncset.done $0x0  }
0x15a: {  	s7 =	sadd.s32 s8, s10;
	[sflag:s18] =	ssyncadd.s32 $0xFFFFF800  }
0x15b: {  	[tilespmem:s19], [sflag:$0x3] =	stream.linear.gather [hbm4b:s7+s3], $0x800, $0x38;
	[tilespmem:$0x1D000] =	vst v63  }
0x15c: {  	_ =	swait.ge [sflag:s18], $0x800  }
0x15d: {  	[sflag:s18] =	ssyncset.done $0x0  }
0x15e: {  	[sflag:s18] =	ssyncadd.s32 $0xFFFFF800  }
0x15f: {  	[tilespmem:s17], [sflag:$0x1] =	stream.indirect.gather [hbm4b:s4+s20], $0x80, s3, s20, $0xb8;
	[tilespmem:$0x1D000] =	vst v63  }
0x160: {  	_ = 	snop  }
0x161: {  	[tilespmem:s21], [sflag:$0x2] =	stream.indirect.gather [hbm4b:s4+s20], $0x80, s20, s20, $0xb8;
	[tilespmem:$0x1D000] =	vst v63  }
0x162: {  	_ =	swait.ge [sflag:s22], $0x4000  }
0x163: {  	[sflag:s22] =	ssyncset.done $0x0  }
0x164: {  	[sflag:s22] =	ssyncadd.s32 $0xFFFFC000  }
0x165: {  	[spmem:s2] =	stream.indirect.scatter.add.f32 [tilespmem:s17], [sflag:$0x3], $0x80, s19, s20, $0xb8;
	[tilespmem:$0x1D000] =	vst v63  }
0x166: {  	_ =	swait.ge [sflag:s18], $0x4000  }
0x167: {  	[sflag:s18] =	ssyncset.done $0x0  }
0x168: {  	s9 =	rddreg [dreg:$0x6];
	[sflag:s18] =	ssyncadd.s32 $0xFFFFC000  }
0x169: {  	[tilespmem:s17], [sflag:$0x1] =	stream.indirect.gather [hbm4b:s4+s20], $0x80, s9, s20, $0xb8;
	[tilespmem:$0x1D000] =	vst v63  }
0x16a: {  	_ =	swait.ge [sflag:s23], $0x4000  }
0x16b: {  	[sflag:s23] =	ssyncset.done $0x0  }
0x16c: {  	s10 =	rddreg [dreg:$0x7];
	[sflag:s23] =	ssyncadd.s32 $0xFFFFC000  }
0x16d: {  	[spmem:s2] =	stream.indirect.scatter.add.f32 [tilespmem:s21], [sflag:$0x3], $0x80, s10, s20, $0xb8;
	[tilespmem:$0x1D000] =	vst v63  }
0x16e: {  	_ =	swait.ge [sflag:s18], $0x4000  }
0x16f: {  	[sflag:s18] =	ssyncset.done $0x0  }
0x170: {  	s8 =	rddreg [dreg:$0x8];
	[sflag:s18] =	ssyncadd.s32 $0xFFFFC000  }
0x171: {  	[tilespmem:s21], [sflag:$0x2] =	stream.indirect.gather [hbm4b:s4+s20], $0x80, s8, s20, $0xb8;
	[tilespmem:$0x1D000] =	vst v63  }
0x172: {  	_ =	swait.ge [sflag:s22], $0x4000  }
0x173: {  	[sflag:s22] =	ssyncset.done $0x0  }
0x174: {  	s9 =	rddreg [dreg:$0x9];
	[sflag:s22] =	ssyncadd.s32 $0xFFFFC000  }
0x175: {  	[spmem:s2] =	stream.indirect.scatter.add.f32 [tilespmem:s17], [sflag:$0x3], $0x80, s9, s20, $0xb8;
	[tilespmem:$0x1D000] =	vst v63  }
0x176: {  	_ =	swait.ge [sflag:s18], $0x4000  }
0x177: {  	[sflag:s18] =	ssyncset.done $0x0  }
0x178: {  	s10 =	rddreg [dreg:$0xa];
	[sflag:s18] =	ssyncadd.s32 $0xFFFFC000  }
0x179: {  	[tilespmem:s17], [sflag:$0x1] =	stream.indirect.gather [hbm4b:s4+s20], $0x80, s10, s20, $0xb8;
	[tilespmem:$0x1D000] =	vst v63  }
0x17a: {  	_ =	swait.ge [sflag:s23], $0x4000  }
0x17b: {  	[sflag:s23] =	ssyncset.done $0x0  }
0x17c: {  	s8 =	rddreg [dreg:$0xb];
	[sflag:s23] =	ssyncadd.s32 $0xFFFFC000  }
0x17d: {  	[spmem:s2] =	stream.indirect.scatter.add.f32 [tilespmem:s21], [sflag:$0x3], $0x80, s8, s20, $0xb8;
	[tilespmem:$0x1D000] =	vst v63  }
0x17e: {  	_ =	swait.ge [sflag:s18], $0x4000  }
0x17f: {  	[sflag:s18] =	ssyncset.done $0x0  }
0x180: {  	s9 =	rddreg [dreg:$0xc];
	[sflag:s18] =	ssyncadd.s32 $0xFFFFC000  }
0x181: {  	[tilespmem:s21], [sflag:$0x2] =	stream.indirect.gather [hbm4b:s4+s20], $0x80, s9, s20, $0xb8;
	[tilespmem:$0x1D000] =	vst v63  }
0x182: {  	_ =	swait.ge [sflag:s22], $0x4000  }
0x183: {  	[sflag:s22] =	ssyncset.done $0x0  }
0x184: {  	s10 =	rddreg [dreg:$0xd];
	[sflag:s22] =	ssyncadd.s32 $0xFFFFC000  }
0x185: {  	[spmem:s2] =	stream.indirect.scatter.add.f32 [tilespmem:s17], [sflag:$0x3], $0x80, s10, s20, $0xb8;
	[tilespmem:$0x1D000] =	vst v63  }
0x186: {  	_ =	swait.ge [sflag:s18], $0x4000  }
0x187: {  	[sflag:s18] =	ssyncset.done $0x0  }
0x188: {  	s8 =	rddreg [dreg:$0xe];
	[sflag:s18] =	ssyncadd.s32 $0xFFFFC000  }
0x189: {  	[tilespmem:s17], [sflag:$0x1] =	stream.indirect.gather [hbm4b:s4+s20], $0x80, s8, s20, $0xb8;
	[tilespmem:$0x1D000] =	vst v63  }
0x18a: {  	_ =	swait.ge [sflag:s23], $0x4000  }
0x18b: {  	[sflag:s23] =	ssyncset.done $0x0  }
0x18c: {  	s9 =	rddreg [dreg:$0xf];
	[sflag:s23] =	ssyncadd.s32 $0xFFFFC000  }
0x18d: {  	[spmem:s2] =	stream.indirect.scatter.add.f32 [tilespmem:s21], [sflag:$0x3], $0x80, s9, s20, $0xb8;
	[tilespmem:$0x1D000] =	vst v63  }
0x18e: {  	_ =	swait.ge [sflag:s18], $0x4000  }
0x18f: {  	[sflag:s18] =	ssyncset.done $0x0  }
0x190: {  	s10 =	rddreg [dreg:$0x10];
	[sflag:s18] =	ssyncadd.s32 $0xFFFFC000  }
0x191: {  	[tilespmem:s21], [sflag:$0x2] =	stream.indirect.gather [hbm4b:s4+s20], $0x80, s10, s20, $0xb8;
	[tilespmem:$0x1D000] =	vst v63  }
0x192: {  	_ =	swait.ge [sflag:s22], $0x4000  }
0x193: {  	[sflag:s22] =	ssyncset.done $0x0  }
0x194: {  	s8 =	rddreg [dreg:$0x11];
	[sflag:s22] =	ssyncadd.s32 $0xFFFFC000  }
0x195: {  	[spmem:s2] =	stream.indirect.scatter.add.f32 [tilespmem:s17], [sflag:$0x3], $0x80, s8, s20, $0xb8;
	[tilespmem:$0x1D000] =	vst v63  }
0x196: {  	_ =	swait.ge [sflag:s18], $0x4000  }
0x197: {  	[sflag:s18] =	ssyncset.done $0x0  }
0x198: {  	[sflag:s18] =	ssyncadd.s32 $0xFFFFC000  }
0x199: {  	[tilespmem:s17], [sflag:$0x1] =	stream.indirect.gather [hbm4b:s4+s20], $0x80, s24, s20, $0xb8;
	[tilespmem:$0x1D000] =	vst v63  }
0x19a: {  	_ =	swait.ge [sflag:s23], $0x4000  }
0x19b: {  	[sflag:s23] =	ssyncset.done $0x0  }
0x19c: {  	[sflag:s23] =	ssyncadd.s32 $0xFFFFC000  }
0x19d: {  	[spmem:s2] =	stream.indirect.scatter.add.f32 [tilespmem:s21], [sflag:$0x3], $0x80, s25, s20, $0xb8;
	[tilespmem:$0x1D000] =	vst v63  }
0x19e: {  	_ =	swait.ge [sflag:s18], $0x4000  }
0x19f: {  	[sflag:s18] =	ssyncset.done $0x0  }
0x1a0: {  	[sflag:s18] =	ssyncadd.s32 $0xFFFFC000  }
0x1a1: {  	[tilespmem:s21], [sflag:$0x2] =	stream.indirect.gather [hbm4b:s4+s20], $0x80, s26, s20, $0xb8;
	[tilespmem:$0x1D000] =	vst v63  }
0x1a2: {  	_ =	swait.ge [sflag:s22], $0x4000  }
0x1a3: {  	[sflag:s22] =	ssyncset.done $0x0  }
0x1a4: {  	[sflag:s22] =	ssyncadd.s32 $0xFFFFC000  }
0x1a5: {  	[spmem:s2] =	stream.indirect.scatter.add.f32 [tilespmem:s17], [sflag:$0x3], $0x80, s28, s20, $0xb8;
	[tilespmem:$0x1D000] =	vst v63  }
0x1a6: {  	_ =	swait.ge [sflag:s18], $0x4000  }
0x1a7: {  	[sflag:s18] =	ssyncset.done $0x0  }
0x1a8: {  	[sflag:s18] =	ssyncadd.s32 $0xFFFFC000  }
0x1a9: {  	[tilespmem:s17], [sflag:$0x1] =	stream.indirect.gather [hbm4b:s4+s20], $0x80, s29, s20, $0xb8;
	[tilespmem:$0x1D000] =	vst v63  }
0x1aa: {  	_ =	swait.ge [sflag:s23], $0x4000  }
0x1ab: {  	[sflag:s23] =	ssyncset.done $0x0  }
0x1ac: {  	[sflag:s23] =	ssyncadd.s32 $0xFFFFC000  }
0x1ad: {  	[spmem:s2] =	stream.indirect.scatter.add.f32 [tilespmem:s21], [sflag:$0x3], $0x80, s30, s20, $0xb8;
	[tilespmem:$0x1D000] =	vst v63  }
0x1ae: {  	_ =	swait.ge [sflag:s18], $0x4000  }
0x1af: {  	[sflag:s18] =	ssyncset.done $0x0  }
0x1b0: {  	[sflag:s18] =	ssyncadd.s32 $0xFFFFC000  }
0x1b1: {  	[tilespmem:s21], [sflag:$0x2] =	stream.indirect.gather [hbm4b:s4+s20], $0x80, s31, s20, $0xb8;
	[tilespmem:$0x1D000] =	vst v63  }
0x1b2: {  	_ =	swait.ge [sflag:s22], $0x4000  }
0x1b3: {  	[sflag:s22] =	ssyncset.done $0x0  }
0x1b4: {  	[sflag:s22] =	ssyncadd.s32 $0xFFFFC000  }
0x1b5: {  	[spmem:s2] =	stream.indirect.scatter.add.f32 [tilespmem:s17], [sflag:$0x3], $0x80, s1, s20, $0xb8;
	[tilespmem:$0x1D000] =	vst v63  }
0x1b6: {  	_ =	swait.ge [sflag:s18], $0x4000  }
0x1b7: {  	[sflag:s18] =	ssyncset.done $0x0  }
0x1b8: {  	[sflag:s18] =	ssyncadd.s32 $0xFFFFC000  }
0x1b9: {  	[tilespmem:s17], [sflag:$0x1] =	stream.indirect.gather [hbm4b:s4+s20], $0x80, s0, s20, $0xb8;
	[tilespmem:$0x1D000] =	vst v63  }
0x1ba: {  	_ =	swait.ge [sflag:s23], $0x4000  }
0x1bb: {  	[sflag:s23] =	ssyncset.done $0x0  }
0x1bc: {  	[sflag:s23] =	ssyncadd.s32 $0xFFFFC000  }
0x1bd: {  	[spmem:s2] =	stream.indirect.scatter.add.f32 [tilespmem:s21], [sflag:$0x3], $0x80, s5, s20, $0xb8;
	[tilespmem:$0x1D000] =	vst v63  }
0x1be: {  	_ =	swait.ge [sflag:s18], $0x4000  }
0x1bf: {  	[sflag:s18] =	ssyncset.done $0x0  }
0x1c0: {  	[sflag:s18] =	ssyncadd.s32 $0xFFFFC000  }
0x1c1: {  	[tilespmem:s21], [sflag:$0x2] =	stream.indirect.gather [hbm4b:s4+s20], $0x80, s11, s20, $0xb8;
	[tilespmem:$0x1D000] =	vst v63  }
0x1c2: {  	_ =	swait.ge [sflag:s22], $0x4000  }
0x1c3: {  	[sflag:s22] =	ssyncset.done $0x0  }
0x1c4: {  	[sflag:s22] =	ssyncadd.s32 $0xFFFFC000  }
0x1c5: {  	[spmem:s2] =	stream.indirect.scatter.add.f32 [tilespmem:s17], [sflag:$0x3], $0x80, s12, s20, $0xb8;
	[tilespmem:$0x1D000] =	vst v63  }
0x1c6: {  	_ =	swait.ge [sflag:s18], $0x4000  }
0x1c7: {  	[sflag:s18] =	ssyncset.done $0x0  }
0x1c8: {  	[sflag:s18] =	ssyncadd.s32 $0xFFFFC000  }
0x1c9: {  	[tilespmem:s17], [sflag:$0x1] =	stream.indirect.gather [hbm4b:s4+s20], $0x80, s13, s20, $0xb8;
	[tilespmem:$0x1D000] =	vst v63  }
0x1ca: {  	_ =	swait.ge [sflag:s23], $0x4000  }
0x1cb: {  	[sflag:s23] =	ssyncset.done $0x0  }
0x1cc: {  	[sflag:s23] =	ssyncadd.s32 $0xFFFFC000  }
0x1cd: {  	[spmem:s2] =	stream.indirect.scatter.add.f32 [tilespmem:s21], [sflag:$0x3], $0x80, s14, s20, $0xb8;
	[tilespmem:$0x1D000] =	vst v63  }
0x1ce: {  	_ =	swait.ge [sflag:s18], $0x4000  }
0x1cf: {  	[sflag:s18] =	ssyncset.done $0x0  }
0x1d0: {  	[sflag:s18] =	ssyncadd.s32 $0xFFFFC000  }
0x1d1: {  	[tilespmem:s21], [sflag:$0x2] =	stream.indirect.gather [hbm4b:s4+s20], $0x80, s15, s20, $0xb8;
	[tilespmem:$0x1D000] =	vst v63  }
0x1d2: {  	_ =	swait.ge [sflag:s22], $0x4000  }
0x1d3: {  	[sflag:s22] =	ssyncset.done $0x0  }
0x1d4: {  	[sflag:s22] =	ssyncadd.s32 $0xFFFFC000  }
0x1d5: {  	[spmem:s2] =	stream.indirect.scatter.add.f32 [tilespmem:s17], [sflag:$0x3], $0x80, s16, s20, $0xb8;
	[tilespmem:$0x1D000] =	vst v63  }
0x1d6: {  	_ =	swait.ge [sflag:s18], $0x4000  }
0x1d7: {  	[sflag:s18] =	ssyncset.done $0x0  }
0x1d8: {  	[sflag:s18] =	ssyncadd.s32 $0xFFFFC000  }
0x1d9: {  	_ =	swait.ge [sflag:s23], $0x4000  }
0x1da: {  	[sflag:s23] =	ssyncset.done $0x0  }
0x1db: {  	[sflag:s23] =	ssyncadd.s32 $0xFFFFC000  }
0x1dc: {  	[spmem:s2] =	stream.indirect.scatter.add.f32 [tilespmem:s21], [sflag:$0x3], $0x80, s6, s20, $0xb8;
	[tilespmem:$0x1D000] =	vst v63  }
0x1dd: {  	_ =	swait.ge [sflag:s18], $0x4000  }
0x1de: {  	[sflag:s18] =	ssyncset.done $0x0  }
0x1df: {  	[sflag:s18] =	ssyncadd.s32 $0xFFFFC000  }
0x1e0: {  	[bflag:$0x0] =	sbarrier.arrive $0xFFFF  }
0x1e1: {  	s9 =	rddreg [dreg:$0x13]  }
0x1e2: {  	[tilespmem:s17], [sflag:$0x3] =	stream.linear.gather [spmem:s9], $0x4000, $0x38;
	[tilespmem:$0x1D000] =	vst v63  }
0x1e3: {  	_ =	swait.ge [sflag:s18], $0x4000  }
0x1e4: {  	[sflag:s18] =	ssyncset.done $0x0  }
0x1e5: {  	s10 =	rddreg [dreg:$0x18];
	[sflag:s18] =	ssyncadd.s32 $0xFFFFC000  }
0x1e6: {  	[hbm4b:s10+s3] =	stream.linear.scatter [tilespmem:s17], [sflag:$0x3], $0x4000, $0x38;
	[tilespmem:$0x1D000] =	vst v63  }
0x1e7: {  	_ =	swait.ge [sflag:s18], $0x4000  }
0x1e8: {  	[sflag:s18] =	ssyncset.done $0x0  }
0x1e9: {  	s9 =	rddreg [dreg:$0x14];
	[sflag:s18] =	ssyncadd.s32 $0xFFFFC000  }
0x1ea: {  	[tilespmem:s17], [sflag:$0x3] =	stream.linear.gather [spmem:s9], $0x4000, $0x38;
	[tilespmem:$0x1D000] =	vst v63  }
0x1eb: {  	_ =	swait.ge [sflag:s18], $0x4000  }
0x1ec: {  	[sflag:s18] =	ssyncset.done $0x0  }
0x1ed: {  	s8 =	rddreg [dreg:$0x19];
	[sflag:s18] =	ssyncadd.s32 $0xFFFFC000  }
0x1ee: {  	[hbm4b:s8+s3] =	stream.linear.scatter [tilespmem:s17], [sflag:$0x3], $0x4000, $0x38;
	[tilespmem:$0x1D000] =	vst v63  }
0x1ef: {  	_ =	swait.ge [sflag:s18], $0x4000  }
0x1f0: {  	[sflag:s18] =	ssyncset.done $0x0  }
0x1f1: {  	s10 =	rddreg [dreg:$0x15];
	[sflag:s18] =	ssyncadd.s32 $0xFFFFC000  }
0x1f2: {  	[tilespmem:s17], [sflag:$0x3] =	stream.linear.gather [spmem:s10], $0x4000, $0x38;
	[tilespmem:$0x1D000] =	vst v63  }
0x1f3: {  	_ =	swait.ge [sflag:s18], $0x4000  }
0x1f4: {  	[sflag:s18] =	ssyncset.done $0x0  }
0x1f5: {  	s8 =	rddreg [dreg:$0x1a];
	[sflag:s18] =	ssyncadd.s32 $0xFFFFC000  }
0x1f6: {  	[hbm4b:s8+s3] =	stream.linear.scatter [tilespmem:s17], [sflag:$0x3], $0x4000, $0x38;
	[tilespmem:$0x1D000] =	vst v63  }
0x1f7: {  	_ =	swait.ge [sflag:s18], $0x4000  }
0x1f8: {  	[sflag:s18] =	ssyncset.done $0x0  }
0x1f9: {  	s10 =	rddreg [dreg:$0x16];
	[sflag:s18] =	ssyncadd.s32 $0xFFFFC000  }
0x1fa: {  	[tilespmem:s17], [sflag:$0x3] =	stream.linear.gather [spmem:s10], $0x4000, $0x38;
	[tilespmem:$0x1D000] =	vst v63  }
0x1fb: {  	_ =	swait.ge [sflag:s18], $0x4000  }
0x1fc: {  	[sflag:s18] =	ssyncset.done $0x0  }
0x1fd: {  	s8 =	rddreg [dreg:$0x1b];
	[sflag:s18] =	ssyncadd.s32 $0xFFFFC000  }
0x1fe: {  	[hbm4b:s8+s3] =	stream.linear.scatter [tilespmem:s17], [sflag:$0x3], $0x4000, $0x38;
	[tilespmem:$0x1D000] =	vst v63  }
0x1ff: {  	_ =	swait.ge [sflag:s18], $0x4000  }
0x200: {  	[sflag:s18] =	ssyncset.done $0x0  }
0x201: {  	s8 =	rddreg [dreg:$0x17];
	[sflag:s18] =	ssyncadd.s32 $0xFFFFC000  }
0x202: {  	[tilespmem:s17], [sflag:$0x3] =	stream.linear.gather [spmem:s8], $0x4000, $0x38;
	[tilespmem:$0x1D000] =	vst v63  }
0x203: {  	_ =	swait.ge [sflag:s18], $0x4000  }
0x204: {  	[sflag:s18] =	ssyncset.done $0x0  }
0x205: {  	s10 =	rddreg [dreg:$0x1c];
	[sflag:s18] =	ssyncadd.s32 $0xFFFFC000  }
0x206: {  	[hbm4b:s10+s3] =	stream.linear.scatter [tilespmem:s17], [sflag:$0x3], $0x4000, $0x38;
	[tilespmem:$0x1D000] =	vst v63  }
0x207: {  	_ =	swait.ge [sflag:s18], $0x4000  }
0x208: {  	s7 =	rddreg [dreg:$0x1e]  }
0x209: {  	s10 =	sadd.s32 $0x1, s7;
	s7 =	rddreg [dreg:$0x1d]  }
0x20a: {  	p0 =	sne.s32 s10, s7  }
.Ltmp1:
0x20b: {  	_ = 	snop;
	(pc) =	sbr.rel @p0 .LBB2_1-.Ltmp1, $3  }
0x20c: {  	_ =	sdelay $0x1  }
0x20d: {  	[sflag:s18] =	ssyncset.done $0x0;
	[dreg:$0x1e] =	wrdreg s10  }
0x20e: {  	[sflag:s18] =	ssyncadd.s32 $0xFFFFC000;
	s10 =	rddreg [dreg:$0x13]  }
0x20f: {  	_ =	sfence.sel $0x180000  }
0x210: {  	[bflag:$0x0] =	sbarrier.arrive $0xFFFF  }
0x211: {  	_ =	strace $0x9000004D  }
0x212: {  	s0 =	stileid.u32;
	[bflag:$0x2] =	sbarrier.arrive $0xFFFF  }
0x213: {  	p0 =	sne.s32 s0, $0x0;
	s0 =	rddreg [dreg:$0x3]  }
0x214: {  	s0 =	sadd.s32 @!p0 $0x100000, s0  }
0x215: {  	[sflag:s0] =	ssyncadd.tile.s32 @!p0 $0x1;
	_ =	shalt  }
.Lfunc_end2:
_tile_overlayer_lowered:
.L_overlay_start_2:
0x216: {  	(tag) =	ssettag $0x2  }
0x217: {  	s0 =	rddreg [dreg:$0x0];
	s2 =	stileid.u32  }
0x218: {  	s1 =	rddreg [dreg:$0x1];
	p0 =	sne.s32 s2, $0x0  }
0x219: {  	s3 =	rddreg [dreg:$0x2];
	[bflag:$0x3] =	sbarrier.arrive $0xFFFF;
	s2 =	simm.s32 @!p0 $0x1C03  }
0x21a: {  	[timem:s3], [sflag:s2] =	dma.local @!p0 [hbm:s0], s1  }
0x21b: {  	s0 =	simm.s32 @!p0 $0x3  }
0x21c: {  	_ =	swait.ge @!p0 [sflag:s0], s1  }
0x21d: {  	s1 =	ssub.s32 @!p0 $0x0, s1;
	[sflag:s0] =	ssyncset.done @!p0 $0x0  }
0x21e: {  	[sflag:s0] =	ssyncadd.s32 @!p0 s1  }
0x21f: {  	[bflag:$0x3] =	sbarrier.arrive $0xFFFF  }
0x220: {  	_ =	shalt  }

// kernel: kernel.8.cloned.1.call-start
scs
__scs_entry_jumppad:
0x0: {  	(pc) =	sbr.rel $0x88, $3  }
0x1: {  	(tag) =	ssettag $0x0;
	lr =	simm.s32 $0x1  }
0x2: {  	[smem:$0x3F9B] =	sst lr;
	_ =	strace $0xD0000000  }
0x3: {  	_ = 	snop  }
0x4: {  	_ = 	snop  }
0x5: {  	_ = 	snop  }
0x6: {  	_ = 	snop  }
0x7: {  	_ = 	snop  }
__scs_overlays_trampoline_lowered:
0x8: {  	[smem:$0x3FAA] =	sst s0  }
0x9: {  	[smem:$0x3FAB] =	sst s1  }
0xa: {  	[smem:$0x3FAC] =	sst s2  }
0xb: {  	[smem:$0x3FAD] =	sst s3  }
0xc: {  	[smem:$0x3FAE] =	sst s4  }
0xd: {  	[smem:$0x3FAF] =	sst s5  }
0xe: {  	[smem:$0x3FB0] =	sst s6  }
0xf: {  	[smem:$0x3FB1] =	sst s7  }
0x10: {  	[smem:$0x3FB2] =	sst s8  }
0x11: {  	[smem:$0x3FB3] =	sst s9;
	s0 =	simm.s32 @!p0 $0x0  }
0x12: {  	s1 =	sld [smem:$0x3F99];
	s0 =	simm.s32 @p0 $0x1  }
0x13: {  	[smem:$0x3FB4] =	sst s0;
	s0 =	simm.s32 @!p1 $0x0  }
0x14: {  	s2 =	sld [smem:$0x3F98];
	s0 =	simm.s32 @p1 $0x1  }
0x15: {  	[smem:$0x3FB5] =	sst s0;
	s0 =	simm.s32 @!p2 $0x0  }
0x16: {  	s3 =	sld [smem:$0x3FDB];
	s0 =	simm.s32 @p2 $0x1  }
0x17: {  	s4 =	simm.s32 $0x1BF5;
	[smem:$0x3FB7] =	sst s0  }
0x18: {  	s0 =	sld [smem:$0x3F9A];
	_ =	swait.ge [sflag:s4], $0x0  }
0x19: {  	s7 =	sld [smem:$0x3F9B]  }
0x1a: {  	s8 =	sadd.s32 $0xFFFFE003, lr  }
0x1b: {  	s9 =	sadd.s32 $0xFFFFFEF7, lr;
	s5 =	simm.s32 $0xFFFFFFFF;
	p2 =	slt.u32 s8, $0xFFFFF086  }
0x1c: {  	p1 =	slt.u32 s9, $0xF7A;
	s5 =	simm.s32 @!p2 $0x0  }
0x1d: {  	s5 =	simm.s32 @p1 $0x1;
	p0 =	seq.s32 s7, s2  }
0x1e: {  	s7 =	smul.u32 @!p0 $0xF7A, s2;
	p2 =	seq.s32 @!p0 s5, $0x0  }
0x1f: {  	s9 =	smul.u32 $0xF7A, s1;
	s8 =	simm.s32 @!p0 $0x1BF5;
	p2 =	por !p2, p0  }
0x20: {  	[sflag:s8] =	ssyncset.s32 @!p0 $0xFFFFF086;
	s6 =	sadd.s32 @!p0 s3, s7;
	s7 =	simm.s32 @!p0 $0x108  }
0x21: {  	s3 =	sadd.s32 s3, s9;
	s6 =	sadd.s32 @!p0 $0x88, s6;
	s7 =	simm.s32 @p2 $0x1082  }
0x22: {  	[simem:s7], [sflag:s8] =	dma.local @!p0 [hbm:s6], $0xF7A  }
0x23: {  	s9 =	sor.u32 $0xD0000000, s2;
	s6 =	simm.s32 $0x108;
	_ =	swait.ge @!p0 [sflag:s8], $0x0  }
0x24: {  	s3 =	sadd.s32 $0x88, s3;
	s6 =	simm.s32 @!p1 $0x1082;
	[sflag:s4] =	ssyncset.s32 $0xFFFFF086  }
0x25: {  	[simem:s6], [sflag:s4] =	dma.local [hbm:s3], $0xF7A  }
0x26: {  	[smem:$0x3F9B] =	sst s1;
	(tag) =	ssettag s2;
	_ =	strace s9  }
0x27: {  	s1 =	sld [smem:$0x3FAB]  }
0x28: {  	s2 =	sld [smem:$0x3FAC]  }
0x29: {  	s4 =	sld [smem:$0x3FAE]  }
0x2a: {  	p0 =	seq.s32 s5, $0x0;
	s5 =	sld [smem:$0x3FAF]  }
0x2b: {  	s6 =	sld [smem:$0x3FB0]  }
0x2c: {  	s7 =	sld [smem:$0x3FB1]  }
0x2d: {  	s3 =	simm.s32 $0x108;
	s8 =	sld [smem:$0x3FB2]  }
0x2e: {  	s3 =	simm.s32 @!p0 $0x1082;
	s9 =	sld [smem:$0x3FB3]  }
0x2f: {  	lr =	sadd.s32 s0, s3;
	s0 =	sld [smem:$0x3FAA]  }
0x30: {  	s3 =	sld [smem:$0x3FAD]  }
0x31: {  	[smem:$0x3FB6] =	sst s10  }
0x32: {  	s10 =	sld [smem:$0x3FB4];
	_ =	sdelay $0x3  }
0x33: {  	p0 =	seq.s32 s10, $0x1;
	s10 =	sld [smem:$0x3FB6];
	_ =	sdelay $0x3  }
0x34: {  	[smem:$0x3FB6] =	sst s10  }
0x35: {  	s10 =	sld [smem:$0x3FB5];
	_ =	sdelay $0x3  }
0x36: {  	p1 =	seq.s32 s10, $0x1;
	s10 =	sld [smem:$0x3FB6];
	_ =	sdelay $0x3  }
0x37: {  	[smem:$0x3FB6] =	sst s10  }
0x38: {  	s10 =	sld [smem:$0x3FB7]  }
0x39: {  	_ = 	snop;
	(pc) =	sbr.ind lr, $3  }
0x3a: {  	_ = 	snop  }
0x3b: {  	_ = 	snop  }
0x3c: {  	p2 =	seq.s32 s10, $0x1;
	s10 =	sld [smem:$0x3FB6]  }
0x3d: {  	_ =	shalt  }
0x3e: {  	_ =	shalt  }
0x3f: {  	_ =	shalt  }
0x40: {  	_ =	shalt  }
0x41: {  	_ =	shalt  }
0x42: {  	_ =	shalt  }
0x43: {  	_ =	shalt  }
0x44: {  	_ =	shalt  }
0x45: {  	_ =	shalt  }
0x46: {  	_ =	shalt  }
0x47: {  	_ =	shalt  }
0x48: {  	_ =	shalt  }
0x49: {  	_ =	shalt  }
0x4a: {  	_ =	shalt  }
0x4b: {  	_ =	shalt  }
0x4c: {  	_ =	shalt  }
0x4d: {  	_ =	shalt  }
0x4e: {  	_ =	shalt  }
0x4f: {  	_ =	shalt  }
0x50: {  	_ =	shalt  }
0x51: {  	_ =	shalt  }
0x52: {  	_ =	shalt  }
0x53: {  	_ =	shalt  }
0x54: {  	_ =	shalt  }
0x55: {  	_ =	shalt  }
0x56: {  	_ =	shalt  }
0x57: {  	_ =	shalt  }
0x58: {  	_ =	shalt  }
0x59: {  	_ =	shalt  }
0x5a: {  	_ =	shalt  }
0x5b: {  	_ =	shalt  }
0x5c: {  	_ =	shalt  }
0x5d: {  	_ =	shalt  }
0x5e: {  	_ =	shalt  }
0x5f: {  	_ =	shalt  }
0x60: {  	_ =	shalt  }
0x61: {  	_ =	shalt  }
0x62: {  	_ =	shalt  }
0x63: {  	_ =	shalt  }
0x64: {  	_ =	shalt  }
0x65: {  	_ =	shalt  }
0x66: {  	_ =	shalt  }
0x67: {  	_ =	shalt  }
0x68: {  	_ =	shalt  }
0x69: {  	_ =	shalt  }
0x6a: {  	_ =	shalt  }
0x6b: {  	_ =	shalt  }
0x6c: {  	_ =	shalt  }
0x6d: {  	_ =	shalt  }
0x6e: {  	_ =	shalt  }
0x6f: {  	_ =	shalt  }
0x70: {  	_ =	shalt  }
0x71: {  	_ =	shalt  }
0x72: {  	_ =	shalt  }
0x73: {  	_ =	shalt  }
0x74: {  	_ =	shalt  }
0x75: {  	_ =	shalt  }
0x76: {  	_ =	shalt  }
0x77: {  	_ =	shalt  }
0x78: {  	_ =	shalt  }
0x79: {  	_ =	shalt  }
0x7a: {  	_ =	shalt  }
0x7b: {  	_ =	shalt  }
0x7c: {  	_ =	shalt  }
0x7d: {  	_ =	shalt  }
0x7e: {  	_ =	shalt  }
0x7f: {  	_ =	shalt  }
0x80: {  	_ =	shalt  }
0x81: {  	_ =	shalt  }
0x82: {  	_ =	shalt  }
0x83: {  	_ =	shalt  }
0x84: {  	_ =	shalt  }
0x85: {  	_ =	shalt  }
0x86: {  	_ =	shalt  }
0x87: {  	_ =	shalt  }
.Lfunc_end0:
.L_simem_size_0:
called_computation_lowered:
.L_overlay_start_0:
0x88: {  	s2 =	sld [smem:$0x3FD9]  }
0x89: {  	s3 =	sld [smem:$0x3FFE];
	_ =	sdelay $0x1  }
0x8a: {  	s1 =	srdreg.scid  }
0x8b: {  	s0 =	sand.u32 $0x1, s1  }
0x8c: {  	s17 =	sshll.u32 s0, $0xA;
	s2 =	sadd.s32 s3, s2  }
0x8d: {  	s2 =	sadd.s32 s2, s17  }
0x8e: {  	[smem:$0x3FC2] =	sst s2  }
0x8f: {  	_ = 	snop  }
0x90: {  	s2 =	sld [smem:$0x3FD0];
	(tm) =	ssettm $0x1  }
0x91: {  	s18 =	sld [smem:$0x3FFB];
	_ =	sdelay $0x3  }
0x92: {  	_ =	strace s18  }
0x93: {  	s3 =	sld [smem:$0x3FFC];
	_ =	sdelay $0x3  }
0x94: {  	_ =	strace s3  }
0x95: {  	s3 =	sld [smem:$0x3FFD];
	_ =	sdelay $0x3  }
0x96: {  	_ =	strace s3  }
0x97: {  	_ =	strace $0x8FFFFFFF  }
0x98: {  	s19 =	sld [smem:$0x3FDB];
	_ =	sdelay $0x1  }
0x99: {  	s4 =	simm.s32 $_scs_section_size  }
0x9a: {  	s5 =	simm.s32 $_size__tile_overlayer_lowered;
	s6 =	simm.s32 $_tile_overlayer_lowered  }
0x9b: {  	s22 =	simm.s32 $0x1BFF;
	s21 =	sshll.u32 s6, $0x1;
	s3 =	sadd.s32 s4, s19  }
0x9c: {  	s7 =	simm.s32 $0x0;
	s20 =	sshll.u32 s5, $0x1;
	s5 =	sadd.s32 s21, s3  }
0x9d: {  	[timem:s7], [sflag:s22] =	dma.local [hbm:s5], s20  }
0x9e: {  	_ =	swait.ge [sflag:s22], s20  }
0x9f: {  	s4 =	ssub.s32 $0x0, s20;
	[sflag:s22] =	ssyncset.done $0x0  }
0xa0: {  	[sflag:s22] =	ssyncadd.s32 s4;
	_ =	sdelay $0x1  }
0xa1: {  	s23 =	simm.s32 $0x1B8B  }
0xa2: {  	_ =	swait.ge [sflag:s23], $0x1  }
0xa3: {  	[sflag:s23] =	ssyncset.done $0x0  }
0xa4: {  	s25 =	simm.s32 $0x1B8E;
	s24 =	sld [smem:$0x3FFE];
	[sflag:s23] =	ssyncadd.s32 $0xFFFFFFFF  }
0xa5: {  	s26 =	simm.s32 $execute0_lowered;
	[smem:$0x3FD2] =	sst s25  }
0xa6: {  	s5 =	sshll.u32 s26, $0x1;
	_ =	strace $0x80000046;
	[dreg:$0x1] =	wrdreg $0xFFFFFFFF  }
0xa7: {  	s28 =	simm.s32 $_size_execute0_lowered;
	s3 =	sadd.s32 s3, s5;
	[dreg:$0x0] =	wrdreg $0x0  }
0xa8: {  	s5 =	sshll.u32 s28, $0x1;
	[dreg:$0x2] =	wrdreg s3  }
0xa9: {  	[dreg:$0x3] =	wrdreg s5  }
0xaa: {  	[dreg:$0x4] =	wrdreg $0xC0  }
0xab: {  	_ =	task [dreg:s7], $0x5FFFF  }
0xac: {  	[dreg:$0x1] =	wrdreg $0xFFFFFFFF  }
0xad: {  	[dreg:$0x0] =	wrdreg $0x60  }
0xae: {  	[dreg:$0x2] =	wrdreg s2  }
0xaf: {  	[dreg:$0x3] =	wrdreg s24  }
0xb0: {  	[dreg:$0x4] =	wrdreg $0xB000  }
0xb1: {  	[dreg:$0x5] =	wrdreg $0x9  }
0xb2: {  	_ =	task.clear_ibuf [dreg:s7], $0x6FFFF;
	_ =	strace $0x90000046  }
0xb3: {  	s29 =	simm.s32 $0x9;
	_ =	strace $0x80000048  }
0xb4: {  	_ =	swait.ge [sflag:s29], $0x1  }
0xb5: {  	[sflag:s29] =	ssyncadd.s32 $0xFFFFFFFF  }
0xb6: {  	_ =	strace $0x90000048  }
0xb7: {  	_ =	sfence  }
0xb8: {  	s30 =	sld [smem:$0x0];
	_ =	sdelay $0x2  }
0xb9: {  	s31 =	sshll.u32 s1, $0xD;
	s1 =	sshrl.u32 s1, $0x2  }
0xba: {  	s3 =	sand.u32 $0x4000, s31;
	s1 =	sadd.s32 s1, s30  }
0xbb: {  	s0 =	sor.u32 s3, s0;
	s1 =	sshll.u32 s1, $0x11  }
0xbc: {  	s0 =	sor.u32 s1, s0  }
0xbd: {  	s0 =	sadd.s32 $0x8F2B, s0  }
0xbe: {  	[sflag:s0] =	ssyncadd.remote.s32 $0x1  }
0xbf: {  	_ =	sfence.sel $0xFFFF  }
0xc0: {  	[dreg:$0x0] =	wrdreg $0xFFFFFFFF;
	(pc) =	sbr.abs _section_cstart, $3  }
0xc1: {  	[dreg:$0x1] =	wrdreg $0xFFFFFFFF  }
0xc2: {  	_ =	task.clear_ibuf [dreg:s7], $0x2FFFF;
	_ =	strace $0x9FFFFFFF  }
0xc3: {  	(tm) =	ssettm $0x7FFFFFFF  }
tec
execute0_lowered:
.L_overlay_start_1:
0x0: {  	(tag) =	ssettag $0x1  }
0x1: {  	s0 =	rddreg [dreg:$0x0]  }
0x2: {  	s6 =	rddreg [dreg:$0x1]  }
0x3: {  	s2 =	rddreg [dreg:$0x2];
	s4 =	srdreg.scid  }
0x4: {  	s1 =	stileid.u32;
	s3 =	simm.s32 $0x0;
	s13 =	simm.s32 $0x80  }
0x5: {  	s14 =	simm.s32 $0x100;
	s15 =	simm.s32 $0x180;
	s16 =	simm.s32 $0x200  }
0x6: {  	s17 =	simm.s32 $0x280;
	s18 =	simm.s32 $0x300;
	s19 =	simm.s32 $0x380  }
0x7: {  	s20 =	simm.s32 $0x400;
	s21 =	simm.s32 $0x480;
	s22 =	simm.s32 $0x500  }
0x8: {  	s23 =	simm.s32 $0x580;
	s24 =	simm.s32 $0x600;
	s25 =	simm.s32 $0x680  }
0x9: {  	s26 =	simm.s32 $0x700;
	s28 =	simm.s32 $0x780;
	s7 =	smul.u32 $0x280, s1  }
0xa: {  	s29 =	simm.s32 $0x0;
	s5 =	sand.u32 $0x1, s4;
	s11 =	smul.u32 $0x2800, s1  }
0xb: {  	[smem:$0x7FF] =	sst s3;
	s4 =	sadd.s32 $0xC600, s6;
	s8 =	smul.u32 $0x2800, s5  }
0xc: {  	_ =	strace $0x80000047;
	s9 =	smul.u32 $0x28000, s5;
	s10 =	ssub.s32 $0x2, s5  }
0xd: {  	s5 =	sadd.s32 $0xC800, s6;
	s12 =	sshrl.u32 s10, $0x1;
	s8 =	sadd.s32 s7, s8  }
0xe: {  	s10 =	ssub.s32 s10, s12;
	s9 =	sadd.s32 s11, s9;
	s11 =	simm.s32 $0x1  }
0xf: {  	s12 =	simm.s32 $0x800;
	s8 =	sshrl.u32 s8, $0x3;
	s9 =	sshrl.u32 s9, $0x3  }
0x10: {  	s8 =	sadd.s32 s8, s6;
	s6 =	sadd.s32 s7, s2;
	s9 =	sadd.s32 s9, s0  }
0x11: {  	s7 =	sadd.s32 $0xCA00, s8;
	s8 =	smax.u32 s10, $0x1;
	s10 =	simm.s32 $0x880  }
.LBB2_1:
0x12: {  	[tilespmem:s10], [sflag:$0x1] =	stream.linear.gather [hbm4b:s5+s3], $0x280, $0x38;
	[tilespmem:$0xD80] =	vst v63  }
0x13: {  	_ =	swait.ge [sflag:s11], $0x280  }
0x14: {  	[sflag:s11] =	ssyncset.done $0x0  }
0x15: {  	[sflag:s11] =	ssyncadd.s32 $0xFFFFFD80  }
0x16: {  	[spmem:s6] =	stream.linear.scatter [tilespmem:s10], [sflag:$0x1], $0x280, $0x38;
	[tilespmem:$0xD80] =	vst v63  }
0x17: {  	_ =	swait.ge [sflag:s11], $0x280  }
0x18: {  	[sflag:s11] =	ssyncset.done $0x0  }
0x19: {  	[sflag:s11] =	ssyncadd.s32 $0xFFFFFD80  }
0x1a: {  	[tilespmem:s12], [sflag:$0x1] =	stream.linear.gather [hbm4b:s4+s3], $0x80, $0x38;
	[tilespmem:$0xD80] =	vst v63  }
0x1b: {  	_ =	swait.ge [sflag:s11], $0x80  }
0x1c: {  	[sflag:s11] =	ssyncset.done $0x0  }
0x1d: {  	[sflag:s11] =	ssyncadd.s32 $0xFFFFFF80  }
0x1e: {  	s0 =	sadd.s32 $0x0, s9;
	[bflag:$0x0] =	sbarrier.arrive $0xFFFF  }
0x1f: {  	[tilespmem:s3], [sflag:$0x1] =	stream.linear.gather [hbm4b:s0+s3], $0x800, $0x38;
	[tilespmem:$0xD80] =	vst v63  }
0x20: {  	_ =	swait.ge [sflag:s11], $0x800  }
0x21: {  	[sflag:s11] =	ssyncset.done $0x0  }
0x22: {  	[sflag:s11] =	ssyncadd.s32 $0xFFFFF800  }
0x23: {  	[spmem:s2] =	stream.indirect.scatter.add.f32 [tilespmem:s12], [sflag:$0x1], $0x1, s3, s13, $0xb8;
	[tilespmem:$0xD80] =	vst v63  }
0x24: {  	_ =	swait.ge [sflag:s11], $0x80  }
0x25: {  	[sflag:s11] =	ssyncset.done $0x0  }
0x26: {  	[sflag:s11] =	ssyncadd.s32 $0xFFFFFF80  }
0x27: {  	[spmem:s2] =	stream.indirect.scatter.add.f32 [tilespmem:s12], [sflag:$0x1], $0x1, s13, s13, $0xb8;
	[tilespmem:$0xD80] =	vst v63  }
0x28: {  	_ =	swait.ge [sflag:s11], $0x80  }
0x29: {  	[sflag:s11] =	ssyncset.done $0x0  }
0x2a: {  	[sflag:s11] =	ssyncadd.s32 $0xFFFFFF80  }
0x2b: {  	[spmem:s2] =	stream.indirect.scatter.add.f32 [tilespmem:s12], [sflag:$0x1], $0x1, s14, s13, $0xb8;
	[tilespmem:$0xD80] =	vst v63  }
0x2c: {  	_ =	swait.ge [sflag:s11], $0x80  }
0x2d: {  	[sflag:s11] =	ssyncset.done $0x0  }
0x2e: {  	[sflag:s11] =	ssyncadd.s32 $0xFFFFFF80  }
0x2f: {  	[spmem:s2] =	stream.indirect.scatter.add.f32 [tilespmem:s12], [sflag:$0x1], $0x1, s15, s13, $0xb8;
	[tilespmem:$0xD80] =	vst v63  }
0x30: {  	_ =	swait.ge [sflag:s11], $0x80  }
0x31: {  	[sflag:s11] =	ssyncset.done $0x0  }
0x32: {  	[sflag:s11] =	ssyncadd.s32 $0xFFFFFF80  }
0x33: {  	[spmem:s2] =	stream.indirect.scatter.add.f32 [tilespmem:s12], [sflag:$0x1], $0x1, s16, s13, $0xb8;
	[tilespmem:$0xD80] =	vst v63  }
0x34: {  	_ =	swait.ge [sflag:s11], $0x80  }
0x35: {  	[sflag:s11] =	ssyncset.done $0x0  }
0x36: {  	[sflag:s11] =	ssyncadd.s32 $0xFFFFFF80  }
0x37: {  	[spmem:s2] =	stream.indirect.scatter.add.f32 [tilespmem:s12], [sflag:$0x1], $0x1, s17, s13, $0xb8;
	[tilespmem:$0xD80] =	vst v63  }
0x38: {  	_ =	swait.ge [sflag:s11], $0x80  }
0x39: {  	[sflag:s11] =	ssyncset.done $0x0  }
0x3a: {  	[sflag:s11] =	ssyncadd.s32 $0xFFFFFF80  }
0x3b: {  	[spmem:s2] =	stream.indirect.scatter.add.f32 [tilespmem:s12], [sflag:$0x1], $0x1, s18, s13, $0xb8;
	[tilespmem:$0xD80] =	vst v63  }
0x3c: {  	_ =	swait.ge [sflag:s11], $0x80  }
0x3d: {  	[sflag:s11] =	ssyncset.done $0x0  }
0x3e: {  	[sflag:s11] =	ssyncadd.s32 $0xFFFFFF80  }
0x3f: {  	[spmem:s2] =	stream.indirect.scatter.add.f32 [tilespmem:s12], [sflag:$0x1], $0x1, s19, s13, $0xb8;
	[tilespmem:$0xD80] =	vst v63  }
0x40: {  	_ =	swait.ge [sflag:s11], $0x80  }
0x41: {  	[sflag:s11] =	ssyncset.done $0x0  }
0x42: {  	[sflag:s11] =	ssyncadd.s32 $0xFFFFFF80  }
0x43: {  	[spmem:s2] =	stream.indirect.scatter.add.f32 [tilespmem:s12], [sflag:$0x1], $0x1, s20, s13, $0xb8;
	[tilespmem:$0xD80] =	vst v63  }
0x44: {  	_ =	swait.ge [sflag:s11], $0x80  }
0x45: {  	[sflag:s11] =	ssyncset.done $0x0  }
0x46: {  	[sflag:s11] =	ssyncadd.s32 $0xFFFFFF80  }
0x47: {  	[spmem:s2] =	stream.indirect.scatter.add.f32 [tilespmem:s12], [sflag:$0x1], $0x1, s21, s13, $0xb8;
	[tilespmem:$0xD80] =	vst v63  }
0x48: {  	_ =	swait.ge [sflag:s11], $0x80  }
0x49: {  	[sflag:s11] =	ssyncset.done $0x0  }
0x4a: {  	[sflag:s11] =	ssyncadd.s32 $0xFFFFFF80  }
0x4b: {  	[spmem:s2] =	stream.indirect.scatter.add.f32 [tilespmem:s12], [sflag:$0x1], $0x1, s22, s13, $0xb8;
	[tilespmem:$0xD80] =	vst v63  }
0x4c: {  	_ =	swait.ge [sflag:s11], $0x80  }
0x4d: {  	[sflag:s11] =	ssyncset.done $0x0  }
0x4e: {  	[sflag:s11] =	ssyncadd.s32 $0xFFFFFF80  }
0x4f: {  	[spmem:s2] =	stream.indirect.scatter.add.f32 [tilespmem:s12], [sflag:$0x1], $0x1, s23, s13, $0xb8;
	[tilespmem:$0xD80] =	vst v63  }
0x50: {  	_ =	swait.ge [sflag:s11], $0x80  }
0x51: {  	[sflag:s11] =	ssyncset.done $0x0  }
0x52: {  	[sflag:s11] =	ssyncadd.s32 $0xFFFFFF80  }
0x53: {  	[spmem:s2] =	stream.indirect.scatter.add.f32 [tilespmem:s12], [sflag:$0x1], $0x1, s24, s13, $0xb8;
	[tilespmem:$0xD80] =	vst v63  }
0x54: {  	_ =	swait.ge [sflag:s11], $0x80  }
0x55: {  	[sflag:s11] =	ssyncset.done $0x0  }
0x56: {  	[sflag:s11] =	ssyncadd.s32 $0xFFFFFF80  }
0x57: {  	[spmem:s2] =	stream.indirect.scatter.add.f32 [tilespmem:s12], [sflag:$0x1], $0x1, s25, s13, $0xb8;
	[tilespmem:$0xD80] =	vst v63  }
0x58: {  	_ =	swait.ge [sflag:s11], $0x80  }
0x59: {  	[sflag:s11] =	ssyncset.done $0x0  }
0x5a: {  	[sflag:s11] =	ssyncadd.s32 $0xFFFFFF80  }
0x5b: {  	[spmem:s2] =	stream.indirect.scatter.add.f32 [tilespmem:s12], [sflag:$0x1], $0x1, s26, s13, $0xb8;
	[tilespmem:$0xD80] =	vst v63  }
0x5c: {  	_ =	swait.ge [sflag:s11], $0x80  }
0x5d: {  	[sflag:s11] =	ssyncset.done $0x0  }
0x5e: {  	[sflag:s11] =	ssyncadd.s32 $0xFFFFFF80  }
0x5f: {  	[spmem:s2] =	stream.indirect.scatter.add.f32 [tilespmem:s12], [sflag:$0x1], $0x1, s28, s13, $0xb8;
	[tilespmem:$0xD80] =	vst v63  }
0x60: {  	_ =	swait.ge [sflag:s11], $0x80  }
0x61: {  	s30 =	simm.s32 $0x100;
	s31 =	simm.s32 $0x200;
	[sflag:s11] =	ssyncset.done $0x0  }
.LBB2_2:
0x62: {  	s1 =	sadd.s32 s30, s9  }
0x63: {  	[sflag:s11] =	ssyncadd.s32 $0xFFFFFF80;
	s30 =	smov.u32 s31;
	s0 =	sadd.s32 $0x100, s31  }
0x64: {  	[tilespmem:s3], [sflag:$0x1] =	stream.linear.gather [hbm4b:s1+s3], $0x800, $0x38;
	[tilespmem:$0xD80] =	vst v63  }
0x65: {  	p0 =	sne.s32 s31, $0x400;
	_ =	swait.ge [sflag:s11], $0x800  }
0x66: {  	[sflag:s11] =	ssyncset.done $0x0  }
0x67: {  	[sflag:s11] =	ssyncadd.s32 $0xFFFFF800  }
0x68: {  	[spmem:s2] =	stream.indirect.scatter.add.f32 [tilespmem:s12], [sflag:$0x1], $0x1, s3, s13, $0xb8;
	[tilespmem:$0xD80] =	vst v63  }
0x69: {  	_ =	swait.ge [sflag:s11], $0x80  }
0x6a: {  	[sflag:s11] =	ssyncset.done $0x0  }
0x6b: {  	[sflag:s11] =	ssyncadd.s32 $0xFFFFFF80  }
0x6c: {  	[spmem:s2] =	stream.indirect.scatter.add.f32 [tilespmem:s12], [sflag:$0x1], $0x1, s13, s13, $0xb8;
	[tilespmem:$0xD80] =	vst v63  }
0x6d: {  	_ =	swait.ge [sflag:s11], $0x80  }
0x6e: {  	[sflag:s11] =	ssyncset.done $0x0  }
0x6f: {  	[sflag:s11] =	ssyncadd.s32 $0xFFFFFF80  }
0x70: {  	[spmem:s2] =	stream.indirect.scatter.add.f32 [tilespmem:s12], [sflag:$0x1], $0x1, s14, s13, $0xb8;
	[tilespmem:$0xD80] =	vst v63  }
0x71: {  	_ =	swait.ge [sflag:s11], $0x80  }
0x72: {  	[sflag:s11] =	ssyncset.done $0x0  }
0x73: {  	[sflag:s11] =	ssyncadd.s32 $0xFFFFFF80  }
0x74: {  	[spmem:s2] =	stream.indirect.scatter.add.f32 [tilespmem:s12], [sflag:$0x1], $0x1, s15, s13, $0xb8;
	[tilespmem:$0xD80] =	vst v63  }
0x75: {  	_ =	swait.ge [sflag:s11], $0x80  }
0x76: {  	[sflag:s11] =	ssyncset.done $0x0  }
0x77: {  	[sflag:s11] =	ssyncadd.s32 $0xFFFFFF80  }
0x78: {  	[spmem:s2] =	stream.indirect.scatter.add.f32 [tilespmem:s12], [sflag:$0x1], $0x1, s16, s13, $0xb8;
	[tilespmem:$0xD80] =	vst v63  }
0x79: {  	_ =	swait.ge [sflag:s11], $0x80  }
0x7a: {  	[sflag:s11] =	ssyncset.done $0x0  }
0x7b: {  	[sflag:s11] =	ssyncadd.s32 $0xFFFFFF80  }
0x7c: {  	[spmem:s2] =	stream.indirect.scatter.add.f32 [tilespmem:s12], [sflag:$0x1], $0x1, s17, s13, $0xb8;
	[tilespmem:$0xD80] =	vst v63  }
0x7d: {  	_ =	swait.ge [sflag:s11], $0x80  }
0x7e: {  	[sflag:s11] =	ssyncset.done $0x0  }
0x7f: {  	[sflag:s11] =	ssyncadd.s32 $0xFFFFFF80  }
0x80: {  	[spmem:s2] =	stream.indirect.scatter.add.f32 [tilespmem:s12], [sflag:$0x1], $0x1, s18, s13, $0xb8;
	[tilespmem:$0xD80] =	vst v63  }
0x81: {  	_ =	swait.ge [sflag:s11], $0x80  }
0x82: {  	[sflag:s11] =	ssyncset.done $0x0  }
0x83: {  	[sflag:s11] =	ssyncadd.s32 $0xFFFFFF80  }
0x84: {  	[spmem:s2] =	stream.indirect.scatter.add.f32 [tilespmem:s12], [sflag:$0x1], $0x1, s19, s13, $0xb8;
	[tilespmem:$0xD80] =	vst v63  }
0x85: {  	_ =	swait.ge [sflag:s11], $0x80  }
0x86: {  	[sflag:s11] =	ssyncset.done $0x0  }
0x87: {  	[sflag:s11] =	ssyncadd.s32 $0xFFFFFF80  }
0x88: {  	[spmem:s2] =	stream.indirect.scatter.add.f32 [tilespmem:s12], [sflag:$0x1], $0x1, s20, s13, $0xb8;
	[tilespmem:$0xD80] =	vst v63  }
0x89: {  	_ =	swait.ge [sflag:s11], $0x80  }
0x8a: {  	[sflag:s11] =	ssyncset.done $0x0  }
0x8b: {  	[sflag:s11] =	ssyncadd.s32 $0xFFFFFF80  }
0x8c: {  	[spmem:s2] =	stream.indirect.scatter.add.f32 [tilespmem:s12], [sflag:$0x1], $0x1, s21, s13, $0xb8;
	[tilespmem:$0xD80] =	vst v63  }
0x8d: {  	_ =	swait.ge [sflag:s11], $0x80  }
0x8e: {  	[sflag:s11] =	ssyncset.done $0x0  }
0x8f: {  	[sflag:s11] =	ssyncadd.s32 $0xFFFFFF80  }
0x90: {  	[spmem:s2] =	stream.indirect.scatter.add.f32 [tilespmem:s12], [sflag:$0x1], $0x1, s22, s13, $0xb8;
	[tilespmem:$0xD80] =	vst v63  }
0x91: {  	_ =	swait.ge [sflag:s11], $0x80  }
0x92: {  	[sflag:s11] =	ssyncset.done $0x0  }
0x93: {  	[sflag:s11] =	ssyncadd.s32 $0xFFFFFF80  }
0x94: {  	[spmem:s2] =	stream.indirect.scatter.add.f32 [tilespmem:s12], [sflag:$0x1], $0x1, s23, s13, $0xb8;
	[tilespmem:$0xD80] =	vst v63  }
0x95: {  	_ =	swait.ge [sflag:s11], $0x80  }
0x96: {  	[sflag:s11] =	ssyncset.done $0x0  }
0x97: {  	[sflag:s11] =	ssyncadd.s32 $0xFFFFFF80  }
0x98: {  	[spmem:s2] =	stream.indirect.scatter.add.f32 [tilespmem:s12], [sflag:$0x1], $0x1, s24, s13, $0xb8;
	[tilespmem:$0xD80] =	vst v63  }
0x99: {  	_ =	swait.ge [sflag:s11], $0x80  }
0x9a: {  	[sflag:s11] =	ssyncset.done $0x0  }
0x9b: {  	[sflag:s11] =	ssyncadd.s32 $0xFFFFFF80  }
0x9c: {  	[spmem:s2] =	stream.indirect.scatter.add.f32 [tilespmem:s12], [sflag:$0x1], $0x1, s25, s13, $0xb8;
	[tilespmem:$0xD80] =	vst v63  }
0x9d: {  	_ =	swait.ge [sflag:s11], $0x80  }
0x9e: {  	[sflag:s11] =	ssyncset.done $0x0  }
0x9f: {  	[sflag:s11] =	ssyncadd.s32 $0xFFFFFF80  }
0xa0: {  	[spmem:s2] =	stream.indirect.scatter.add.f32 [tilespmem:s12], [sflag:$0x1], $0x1, s26, s13, $0xb8;
	[tilespmem:$0xD80] =	vst v63  }
0xa1: {  	_ =	swait.ge [sflag:s11], $0x80  }
.Ltmp0:
0xa2: {  	[sflag:s11] =	ssyncset.done $0x0;
	(pc) =	sbr.rel @p0 .LBB2_2-.Ltmp0, $4  }
0xa3: {  	[sflag:s11] =	ssyncadd.s32 $0xFFFFFF80  }
0xa4: {  	[spmem:s2] =	stream.indirect.scatter.add.f32 [tilespmem:s12], [sflag:$0x1], $0x1, s28, s13, $0xb8;
	[tilespmem:$0xD80] =	vst v63  }
0xa5: {  	_ =	swait.ge [sflag:s11], $0x80  }
0xa6: {  	s31 =	smov.u32 s0;
	[sflag:s11] =	ssyncset.done $0x0  }
0xa7: {  	s0 =	sadd.s32 s30, s9;
	[sflag:s11] =	ssyncadd.s32 $0xFFFFFF80  }
0xa8: {  	[tilespmem:s3], [sflag:$0x1] =	stream.linear.gather [hbm4b:s0+s3], $0x800, $0x38;
	[tilespmem:$0xD80] =	vst v63  }
0xa9: {  	_ =	swait.ge [sflag:s11], $0x800  }
0xaa: {  	[sflag:s11] =	ssyncset.done $0x0  }
0xab: {  	[sflag:s11] =	ssyncadd.s32 $0xFFFFF800  }
0xac: {  	[spmem:s2] =	stream.indirect.scatter.add.f32 [tilespmem:s12], [sflag:$0x1], $0x1, s3, s13, $0xb8;
	[tilespmem:$0xD80] =	vst v63  }
0xad: {  	_ =	swait.ge [sflag:s11], $0x80  }
0xae: {  	[sflag:s11] =	ssyncset.done $0x0  }
0xaf: {  	[sflag:s11] =	ssyncadd.s32 $0xFFFFFF80  }
0xb0: {  	[spmem:s2] =	stream.indirect.scatter.add.f32 [tilespmem:s12], [sflag:$0x1], $0x1, s13, s13, $0xb8;
	[tilespmem:$0xD80] =	vst v63  }
0xb1: {  	_ =	swait.ge [sflag:s11], $0x80  }
0xb2: {  	[sflag:s11] =	ssyncset.done $0x0  }
0xb3: {  	[sflag:s11] =	ssyncadd.s32 $0xFFFFFF80  }
0xb4: {  	[spmem:s2] =	stream.indirect.scatter.add.f32 [tilespmem:s12], [sflag:$0x1], $0x1, s14, s13, $0xb8;
	[tilespmem:$0xD80] =	vst v63  }
0xb5: {  	_ =	swait.ge [sflag:s11], $0x80  }
0xb6: {  	[sflag:s11] =	ssyncset.done $0x0  }
0xb7: {  	[sflag:s11] =	ssyncadd.s32 $0xFFFFFF80  }
0xb8: {  	[spmem:s2] =	stream.indirect.scatter.add.f32 [tilespmem:s12], [sflag:$0x1], $0x1, s15, s13, $0xb8;
	[tilespmem:$0xD80] =	vst v63  }
0xb9: {  	_ =	swait.ge [sflag:s11], $0x80  }
0xba: {  	[sflag:s11] =	ssyncset.done $0x0  }
0xbb: {  	[sflag:s11] =	ssyncadd.s32 $0xFFFFFF80  }
0xbc: {  	[spmem:s2] =	stream.indirect.scatter.add.f32 [tilespmem:s12], [sflag:$0x1], $0x1, s16, s13, $0xb8;
	[tilespmem:$0xD80] =	vst v63  }
0xbd: {  	_ =	swait.ge [sflag:s11], $0x80  }
0xbe: {  	[sflag:s11] =	ssyncset.done $0x0  }
0xbf: {  	[sflag:s11] =	ssyncadd.s32 $0xFFFFFF80  }
0xc0: {  	[spmem:s2] =	stream.indirect.scatter.add.f32 [tilespmem:s12], [sflag:$0x1], $0x1, s17, s13, $0xb8;
	[tilespmem:$0xD80] =	vst v63  }
0xc1: {  	_ =	swait.ge [sflag:s11], $0x80  }
0xc2: {  	[sflag:s11] =	ssyncset.done $0x0  }
0xc3: {  	[sflag:s11] =	ssyncadd.s32 $0xFFFFFF80  }
0xc4: {  	[spmem:s2] =	stream.indirect.scatter.add.f32 [tilespmem:s12], [sflag:$0x1], $0x1, s18, s13, $0xb8;
	[tilespmem:$0xD80] =	vst v63  }
0xc5: {  	_ =	swait.ge [sflag:s11], $0x80  }
0xc6: {  	[sflag:s11] =	ssyncset.done $0x0  }
0xc7: {  	[sflag:s11] =	ssyncadd.s32 $0xFFFFFF80  }
0xc8: {  	[spmem:s2] =	stream.indirect.scatter.add.f32 [tilespmem:s12], [sflag:$0x1], $0x1, s19, s13, $0xb8;
	[tilespmem:$0xD80] =	vst v63  }
0xc9: {  	_ =	swait.ge [sflag:s11], $0x80  }
0xca: {  	[sflag:s11] =	ssyncset.done $0x0  }
0xcb: {  	[sflag:s11] =	ssyncadd.s32 $0xFFFFFF80  }
0xcc: {  	[spmem:s2] =	stream.indirect.scatter.add.f32 [tilespmem:s12], [sflag:$0x1], $0x1, s20, s13, $0xb8;
	[tilespmem:$0xD80] =	vst v63  }
0xcd: {  	_ =	swait.ge [sflag:s11], $0x80  }
0xce: {  	[sflag:s11] =	ssyncset.done $0x0  }
0xcf: {  	[sflag:s11] =	ssyncadd.s32 $0xFFFFFF80  }
0xd0: {  	[spmem:s2] =	stream.indirect.scatter.add.f32 [tilespmem:s12], [sflag:$0x1], $0x1, s21, s13, $0xb8;
	[tilespmem:$0xD80] =	vst v63  }
0xd1: {  	_ =	swait.ge [sflag:s11], $0x80  }
0xd2: {  	[sflag:s11] =	ssyncset.done $0x0  }
0xd3: {  	[sflag:s11] =	ssyncadd.s32 $0xFFFFFF80  }
0xd4: {  	[spmem:s2] =	stream.indirect.scatter.add.f32 [tilespmem:s12], [sflag:$0x1], $0x1, s22, s13, $0xb8;
	[tilespmem:$0xD80] =	vst v63  }
0xd5: {  	_ =	swait.ge [sflag:s11], $0x80  }
0xd6: {  	[sflag:s11] =	ssyncset.done $0x0  }
0xd7: {  	[sflag:s11] =	ssyncadd.s32 $0xFFFFFF80  }
0xd8: {  	[spmem:s2] =	stream.indirect.scatter.add.f32 [tilespmem:s12], [sflag:$0x1], $0x1, s23, s13, $0xb8;
	[tilespmem:$0xD80] =	vst v63  }
0xd9: {  	_ =	swait.ge [sflag:s11], $0x80  }
0xda: {  	[sflag:s11] =	ssyncset.done $0x0  }
0xdb: {  	[sflag:s11] =	ssyncadd.s32 $0xFFFFFF80  }
0xdc: {  	[spmem:s2] =	stream.indirect.scatter.add.f32 [tilespmem:s12], [sflag:$0x1], $0x1, s24, s13, $0xb8;
	[tilespmem:$0xD80] =	vst v63  }
0xdd: {  	_ =	swait.ge [sflag:s11], $0x80  }
0xde: {  	[sflag:s11] =	ssyncset.done $0x0  }
0xdf: {  	[sflag:s11] =	ssyncadd.s32 $0xFFFFFF80  }
0xe0: {  	[spmem:s2] =	stream.indirect.scatter.add.f32 [tilespmem:s12], [sflag:$0x1], $0x1, s25, s13, $0xb8;
	[tilespmem:$0xD80] =	vst v63  }
0xe1: {  	_ =	swait.ge [sflag:s11], $0x80  }
0xe2: {  	[sflag:s11] =	ssyncset.done $0x0  }
0xe3: {  	[sflag:s11] =	ssyncadd.s32 $0xFFFFFF80  }
0xe4: {  	[spmem:s2] =	stream.indirect.scatter.add.f32 [tilespmem:s12], [sflag:$0x1], $0x1, s26, s13, $0xb8;
	[tilespmem:$0xD80] =	vst v63  }
0xe5: {  	_ =	swait.ge [sflag:s11], $0x80  }
0xe6: {  	[sflag:s11] =	ssyncset.done $0x0  }
0xe7: {  	[sflag:s11] =	ssyncadd.s32 $0xFFFFFF80  }
0xe8: {  	[spmem:s2] =	stream.indirect.scatter.add.f32 [tilespmem:s12], [sflag:$0x1], $0x1, s28, s13, $0xb8;
	[tilespmem:$0xD80] =	vst v63  }
0xe9: {  	_ =	swait.ge [sflag:s11], $0x80  }
0xea: {  	[sflag:s11] =	ssyncset.done $0x0  }
0xeb: {  	[sflag:s11] =	ssyncadd.s32 $0xFFFFFF80  }
0xec: {  	[bflag:$0x0] =	sbarrier.arrive $0xFFFF  }
0xed: {  	[tilespmem:s10], [sflag:$0x1] =	stream.linear.gather [spmem:s6], $0x280, $0x38;
	[tilespmem:$0xD80] =	vst v63  }
0xee: {  	s29 =	sadd.s32 $0x1, s29;
	_ =	swait.ge [sflag:s11], $0x280  }
0xef: {  	p0 =	sne.s32 s29, s8;
	[sflag:s11] =	ssyncset.done $0x0  }
.Ltmp1:
0xf0: {  	[sflag:s11] =	ssyncadd.s32 $0xFFFFFD80;
	(pc) =	sbr.rel @p0 .LBB2_1-.Ltmp1, $4  }
0xf1: {  	[hbm4b:s7+s3] =	stream.linear.scatter [tilespmem:s10], [sflag:$0x1], $0x280, $0x38;
	[tilespmem:$0xD80] =	vst v63  }
0xf2: {  	_ =	swait.ge [sflag:s11], $0x280  }
0xf3: {  	[sflag:s11] =	ssyncset.done $0x0  }
0xf4: {  	[sflag:s11] =	ssyncadd.s32 $0xFFFFFD80  }
0xf5: {  	_ =	sfence.sel $0x180000  }
0xf6: {  	[bflag:$0x0] =	sbarrier.arrive $0xFFFF  }
0xf7: {  	_ =	strace $0x90000047  }
0xf8: {  	s0 =	stileid.u32;
	[bflag:$0x2] =	sbarrier.arrive $0xFFFF  }
0xf9: {  	p0 =	sne.s32 s0, $0x0;
	s0 =	rddreg [dreg:$0x3]  }
0xfa: {  	s0 =	sadd.s32 @!p0 $0x100000, s0  }
0xfb: {  	[sflag:s0] =	ssyncadd.tile.s32 @!p0 $0x1;
	_ =	shalt  }
.Lfunc_end2:
_tile_overlayer_lowered:
.L_overlay_start_2:
0xfc: {  	(tag) =	ssettag $0x2  }
0xfd: {  	s0 =	rddreg [dreg:$0x0];
	s2 =	stileid.u32  }
0xfe: {  	s1 =	rddreg [dreg:$0x1];
	p0 =	sne.s32 s2, $0x0  }
0xff: {  	s3 =	rddreg [dreg:$0x2];
	[bflag:$0x3] =	sbarrier.arrive $0xFFFF;
	s2 =	simm.s32 @!p0 $0x1C01  }
0x100: {  	[timem:s3], [sflag:s2] =	dma.local @!p0 [hbm:s0], s1  }
0x101: {  	s0 =	simm.s32 @!p0 $0x1  }
0x102: {  	_ =	swait.ge @!p0 [sflag:s0], s1  }
0x103: {  	s1 =	ssub.s32 @!p0 $0x0, s1;
	[sflag:s0] =	ssyncset.done @!p0 $0x0  }
0x104: {  	[sflag:s0] =	ssyncadd.s32 @!p0 s1  }
0x105: {  	[bflag:$0x3] =	sbarrier.arrive $0xFFFF  }
0x106: {  	_ =	shalt  }

</sc_bundles>
